<compile_context>
chip_gen: v7x
topology: tpu7x:2x2x1
jax: 0.10.2.dev20260603
libtpu: 0.0.44.dev20260713+nightly
codegen_flags: <defaults>
</compile_context>

<pallas_src>
import functools

import jax
import jax.numpy as jnp
from jax import lax
from jax.experimental import pallas as pl
from jax.experimental.pallas import tpu as pltpu
from jax.experimental.pallas import tpu_sc as plsc

_NC = 2
_NS = 16
_CHUNK = 128


def _row_block(n, candidates):
    for r in candidates:
        if n % r == 0:
            return r
    return n


def _lin_full_body(x_ref, w_ref, b_ref, full_ref, halves_ref):
    t = jnp.dot(x_ref[...], w_ref[...], preferred_element_type=jnp.float32)
    t = t + b_ref[...]
    full_ref[...] = t
    h = t.shape[1] // 2
    halves_ref[0] = t[:, :h]
    halves_ref[1] = t[:, h:]


def _lin_packed_body(x_ref, w_ref, b_ref, out_ref):
    t0 = jnp.dot(x_ref[...], w_ref[0], preferred_element_type=jnp.float32)
    out_ref[0] = t0 + b_ref[0]
    t1 = jnp.dot(x_ref[...], w_ref[1], preferred_element_type=jnp.float32)
    out_ref[1] = t1 + b_ref[1]


def _mlp_body(h_ref, agg_ref, w1_ref, b1_ref, a1_ref, w2_ref, b2_ref, a2_ref,
              w3_ref, b3_ref, z_ref):
    a = h_ref[...] + jnp.concatenate([agg_ref[0], agg_ref[1]], axis=1)
    t = jnp.dot(a, w1_ref[...], preferred_element_type=jnp.float32) + b1_ref[...]
    t = jnp.where(t >= 0, t, a1_ref[0, 0] * t)
    t = jnp.dot(t, w2_ref[...], preferred_element_type=jnp.float32) + b2_ref[...]
    t = jnp.where(t >= 0, t, a2_ref[0, 0] * t)
    t = jnp.dot(t, w3_ref[...], preferred_element_type=jnp.float32) + b3_ref[...]
    z_ref[...] = t


def _build_sc_edge1(N, E, H2):
    PT = -(-E // (_NS * _CHUNK)) * _CHUNK
    nh = H2 // 16
    mesh = plsc.VectorSubcoreMesh(core_axis_name="c", subcore_axis_name="s",
                                  num_cores=_NC, num_subcores=_NS)

    @functools.partial(
        pl.kernel,
        out_type=(jax.ShapeDtypeStruct((_NC * E, H2), jnp.float32),
                  jax.ShapeDtypeStruct((_NC * N, H2), jnp.float32)),
        mesh=mesh,
        scratch_types=[
            pltpu.VMEM((4, _CHUNK), jnp.int32),
            pltpu.VMEM((4, _CHUNK), jnp.int32),
            pltpu.VMEM((2, _CHUNK, H2), jnp.float32),
            pltpu.VMEM((2, _CHUNK, H2), jnp.float32),
            pltpu.VMEM((2, _CHUNK, H2), jnp.float32),
            pltpu.VMEM((_CHUNK, H2), jnp.float32),
            pltpu.VMEM_SHARED((N, H2), jnp.float32),
            pltpu.SemaphoreType.DMA,
            pltpu.SemaphoreType.DMA,
            pltpu.SemaphoreType.DMA,
            pltpu.SemaphoreType.DMA,
        ],
        compiler_params=pltpu.CompilerParams(use_tc_tiling_on_sc=False),
    )
    def edge1(ha, hb, el, srcr, dstr, es_out, agg_out,
              sidx, didx, hs, hd, elb, zbuf, accum, semi, semg, semst, semsc):
        c = lax.axis_index("c")
        s = lax.axis_index("s")

        rb0 = (s * N // _NS) // 8 * 8
        rb1 = ((s + 1) * N // _NS) // 8 * 8
        rows = rb1 - rb0
        nfull = rows // _CHUNK
        ntail = (rows % _CHUNK) // 8

        def zrow(r, _):
            for k in range(nh):
                zbuf[r, pl.ds(k * 16, 16)] = jnp.zeros((16,), jnp.float32)
            return 0
        lax.fori_loop(0, _CHUNK, zrow, 0)

        def zfull(t, _):
            pltpu.sync_copy(zbuf, accum.at[pl.ds(rb0 + t * _CHUNK, _CHUNK)])
            return 0
        lax.fori_loop(0, nfull, zfull, 0)

        def ztail(t, _):
            pltpu.sync_copy(zbuf.at[pl.ds(0, 8)],
                            accum.at[pl.ds(rb0 + nfull * _CHUNK + t * 8, 8)])
            return 0
        lax.fori_loop(0, ntail, ztail, 0)
        plsc.subcore_barrier()

        base = s * PT
        nch = jnp.minimum(PT, E - base) // _CHUNK

        def idx_cps(t):
            b = t % 4
            eb = base + t * _CHUNK
            return (pltpu.make_async_copy(srcr.at[pl.ds(eb, _CHUNK)],
                                          sidx.at[b], semi),
                    pltpu.make_async_copy(dstr.at[pl.ds(eb, _CHUNK)],
                                          didx.at[b], semi))

        def g_start(t):
            b = t % 2
            bi = t % 4

            @pl.when(c == 0)
            def _():
                pltpu.make_async_copy(ha.at[sidx.at[bi]], hs.at[b], semg).start()
                pltpu.make_async_copy(ha.at[didx.at[bi]], hd.at[b], semg).start()

            @pl.when(c == 1)
            def _():
                pltpu.make_async_copy(hb.at[sidx.at[bi]], hs.at[b], semg).start()
                pltpu.make_async_copy(hb.at[didx.at[bi]], hd.at[b], semg).start()
            pltpu.make_async_copy(el.at[pl.ds(c * E + base + t * _CHUNK, _CHUNK)],
                                  elb.at[b], semg).start()

        def g_wait(t):
            b = t % 2
            bi = t % 4
            pltpu.make_async_copy(ha.at[sidx.at[bi]], hs.at[b], semg).wait()
            pltpu.make_async_copy(ha.at[didx.at[bi]], hd.at[b], semg).wait()
            pltpu.make_async_copy(el.at[pl.ds(c * E + base + t * _CHUNK, _CHUNK)],
                                  elb.at[b], semg).wait()

        def es_cp(t):
            b = t % 2
            return pltpu.make_async_copy(
                elb.at[b], es_out.at[pl.ds(c * E + base + t * _CHUNK, _CHUNK)],
                semst)

        def sc_cp(t):
            return pltpu.make_async_copy(
                hd.at[t % 2], accum.at[didx.at[t % 4]], semsc)

        @pl.when(nch > 0)
        def _():
            a0, a1 = idx_cps(0)
            a0.start()
            a1.start()
            a0.wait()
            a1.wait()
            g_start(0)

        @pl.when(nch > 1)
        def _():
            a0, a1 = idx_cps(1)
            a0.start()
            a1.start()

        def chunk(j, _):
            bd = j % 2
            bi = j % 4
            g_wait(j)

            @pl.when(j >= 1)
            def _():
                es_cp(j - 1).wait()
                sc_cp(j - 1).wait()

            @pl.when(j + 1 < nch)
            def _():
                a0, a1 = idx_cps(j + 1)
                a0.wait()
                a1.wait()
                g_start(j + 1)

            @pl.when(j + 2 < nch)
            def _():
                a0, a1 = idx_cps(j + 2)
                a0.start()
                a1.start()

            def row(r, _):
                for k in range(nh):
                    sl = pl.ds(k * 16, 16)
                    av = hs[bd, r, sl]
                    ev = (av + hd[bd, r, sl] + elb[bd, r, sl]) * jnp.float32(1.0 / 3.0)
                    elb[bd, r, sl] = ev
                    hd[bd, r, sl] = jnp.maximum(av + ev, 0.0)
                return 0
            lax.fori_loop(0, _CHUNK, row, 0)

            es_cp(j).start()
            sc_cp(j).start(add=True)
            return 0
        lax.fori_loop(0, nch, chunk, 0)

        @pl.when(nch > 0)
        def _():
            es_cp(nch - 1).wait()
            sc_cp(nch - 1).wait()
        plsc.subcore_barrier()

        def cfull(t, _):
            sl = pl.ds(rb0 + t * _CHUNK, _CHUNK)
            pltpu.sync_copy(accum.at[sl],
                            agg_out.at[pl.ds(c * N + rb0 + t * _CHUNK, _CHUNK)])
            return 0
        lax.fori_loop(0, nfull, cfull, 0)

        def ctail(t, _):
            o = rb0 + nfull * _CHUNK + t * 8
            pltpu.sync_copy(accum.at[pl.ds(o, 8)], agg_out.at[pl.ds(c * N + o, 8)])
            return 0
        lax.fori_loop(0, ntail, ctail, 0)

    return edge1


def _build_sc_edge2(N, E, HID):
    NW = _NC * _NS
    PT = -(-E // (NW * _CHUNK)) * _CHUNK
    nh = HID // 16
    H2 = HID // 2
    mesh = plsc.VectorSubcoreMesh(core_axis_name="c", subcore_axis_name="s",
                                  num_cores=_NC, num_subcores=_NS)

    @functools.partial(
        pl.kernel,
        out_type=jax.ShapeDtypeStruct((E // 2, 2 * HID), jnp.float32),
        mesh=mesh,
        scratch_types=[
            pltpu.VMEM((4, _CHUNK), jnp.int32),
            pltpu.VMEM((4, _CHUNK), jnp.int32),
            pltpu.VMEM((3, _CHUNK, HID), jnp.float32),
            pltpu.VMEM((3, _CHUNK, HID), jnp.float32),
            pltpu.VMEM((3, _CHUNK, H2), jnp.float32),
            pltpu.VMEM((3, _CHUNK, H2), jnp.float32),
            pltpu.VMEM((3, _CHUNK // 2, 2 * HID), jnp.float32),
            pltpu.SemaphoreType.DMA,
            pltpu.SemaphoreType.DMA,
            pltpu.SemaphoreType.DMA,
            pltpu.SemaphoreType.DMA,
        ],
        compiler_params=pltpu.CompilerParams(use_tc_tiling_on_sc=False),
    )
    def edge2(zz, es, srcr, dstr, e2_out,
              sidx, didx, zs, zd, esa, esb, obuf, semi, semg0, semg1, semst):
        c = lax.axis_index("c")
        s = lax.axis_index("s")
        w = s * _NC + c
        base = w * PT
        nch = jnp.maximum(jnp.minimum(PT, E - base), 0) // _CHUNK

        def idx_cps(t):
            b = t % 4
            eb = base + t * _CHUNK
            return (pltpu.make_async_copy(srcr.at[pl.ds(eb, _CHUNK)],
                                          sidx.at[b], semi),
                    pltpu.make_async_copy(dstr.at[pl.ds(eb, _CHUNK)],
                                          didx.at[b], semi))

        def g_start(t, sem):
            b = t % 3
            bi = t % 4
            eb = base + t * _CHUNK
            pltpu.make_async_copy(zz.at[sidx.at[bi]], zs.at[b], sem).start()
            pltpu.make_async_copy(zz.at[didx.at[bi]], zd.at[b], sem).start()
            pltpu.make_async_copy(es.at[pl.ds(eb, _CHUNK)], esa.at[b], sem).start()
            pltpu.make_async_copy(es.at[pl.ds(E + eb, _CHUNK)], esb.at[b], sem).start()

        def g_wait(t, sem):
            b = t % 3
            bi = t % 4
            eb = base + t * _CHUNK
            pltpu.make_async_copy(zz.at[sidx.at[bi]], zs.at[b], sem).wait()
            pltpu.make_async_copy(zz.at[didx.at[bi]], zd.at[b], sem).wait()
            pltpu.make_async_copy(es.at[pl.ds(eb, _CHUNK)], esa.at[b], sem).wait()
            pltpu.make_async_copy(es.at[pl.ds(E + eb, _CHUNK)], esb.at[b], sem).wait()

        def o_cp(t):
            b = t % 3
            return pltpu.make_async_copy(
                obuf.at[b],
                e2_out.at[pl.ds((base + t * _CHUNK) // 2, _CHUNK // 2)], semst)

        @pl.when(nch > 0)
        def _():
            a0, a1 = idx_cps(0)
            a0.start()
            a1.start()
            a0.wait()
            a1.wait()
            g_start(0, semg0)

        @pl.when(nch > 1)
        def _():
            a0, a1 = idx_cps(1)
            a0.start()
            a1.start()
            a0.wait()
            a1.wait()
            g_start(1, semg1)

        @pl.when(nch > 2)
        def _():
            a0, a1 = idx_cps(2)
            a0.start()
            a1.start()

        def chunk(j, _):
            bd = j % 3
            @pl.when(j % 2 == 0)
            def _():
                g_wait(j, semg0)

            @pl.when(j % 2 == 1)
            def _():
                g_wait(j, semg1)

            def row(r, _):
                ro = r // 2
                co = (r % 2) * HID
                for k in range(nh):
                    sl = pl.ds(k * 16, 16)
                    if k < nh // 2:
                        ev = esa[bd, r, pl.ds(k * 16, 16)]
                    else:
                        ev = esb[bd, r, pl.ds((k - nh // 2) * 16, 16)]
                    v = (zs[bd, r, sl] + zd[bd, r, sl] + ev) * jnp.float32(1.0 / 3.0)
                    obuf[bd, ro, pl.ds(co + k * 16, 16)] = v
                return 0
            lax.fori_loop(0, _CHUNK, row, 0)

            @pl.when(j >= 1)
            def _():
                o_cp(j - 1).wait()
            o_cp(j).start()

            @pl.when(j + 2 < nch)
            def _():
                a0, a1 = idx_cps(j + 2)
                a0.wait()
                a1.wait()

                @pl.when(j % 2 == 0)
                def _():
                    g_start(j + 2, semg0)

                @pl.when(j % 2 == 1)
                def _():
                    g_start(j + 2, semg1)

            @pl.when(j + 3 < nch)
            def _():
                a0, a1 = idx_cps(j + 3)
                a0.start()
                a1.start()
            return 0
        lax.fori_loop(0, nch, chunk, 0)

        @pl.when(nch > 0)
        def _():
            o_cp(nch - 1).wait()

    return edge2


def kernel(x, edge_index, edge_attr, Wx, bx, We, be, W1, b1, a1, W2, b2, a2, W3, b3):
    N, IN = x.shape
    E = edge_attr.shape[0]
    HID = Wx.shape[1]
    H2 = HID // 2
    src = edge_index[0].astype(jnp.int32)
    dst = edge_index[1].astype(jnp.int32)
    bx2 = bx.reshape(1, HID)
    be2 = be.reshape(1, HID)
    b12 = b1.reshape(1, HID)
    b22 = b2.reshape(1, HID)
    b32 = b3.reshape(1, HID)
    a12 = a1.reshape(1, 1)
    a22 = a2.reshape(1, 1)

    RA = _row_block(N, (512, 400, 256, 200, 128, 80, 64, 40, 16, 8))
    RE = _row_block(E, (3200, 2560, 2048, 1600, 1280, 1024, 800, 640, 512, 256, 128))

    hf, h2 = pl.pallas_call(
        _lin_full_body,
        grid=(N // RA,),
        in_specs=[pl.BlockSpec((RA, IN), lambda i: (i, 0)),
                  pl.BlockSpec((IN, HID), lambda i: (0, 0)),
                  pl.BlockSpec((1, HID), lambda i: (0, 0))],
        out_specs=[pl.BlockSpec((RA, HID), lambda i: (i, 0)),
                   pl.BlockSpec((2, RA, H2), lambda i: (0, i, 0))],
        out_shape=[jax.ShapeDtypeStruct((N, HID), jnp.float32),
                   jax.ShapeDtypeStruct((2, N, H2), jnp.float32)],
    )(x, Wx, bx2)

    EDIM = edge_attr.shape[1]
    ea4 = edge_attr.reshape(E // 4, 4 * EDIM)
    eye4 = jnp.eye(4, dtype=jnp.float32)
    wbd = jnp.stack([jnp.kron(eye4, We[:, :H2]), jnp.kron(eye4, We[:, H2:])])
    bep = jnp.stack([jnp.tile(be[:H2], 4), jnp.tile(be[H2:], 4)]).reshape(2, 1, 4 * H2)
    RE4 = _row_block(E // 4, (1024, 800, 640, 512, 400, 256, 128, 64, 32, 16, 8))
    el2 = pl.pallas_call(
        _lin_packed_body,
        grid=(E // 4 // RE4,),
        in_specs=[pl.BlockSpec((RE4, 4 * EDIM), lambda i: (i, 0)),
                  pl.BlockSpec((2, 4 * EDIM, 4 * H2), lambda i: (0, 0, 0)),
                  pl.BlockSpec((2, 1, 4 * H2), lambda i: (0, 0, 0))],
        out_specs=pl.BlockSpec((2, RE4, 4 * H2), lambda i: (0, i, 0)),
        out_shape=jax.ShapeDtypeStruct((2, E // 4, 4 * H2), jnp.float32),
    )(ea4, wbd, bep)

    es2, agg2 = _build_sc_edge1(N, E, H2)(
        h2[0], h2[1], el2.reshape(2 * E, H2), src, dst)

    z = pl.pallas_call(
        _mlp_body,
        grid=(N // RA,),
        in_specs=[pl.BlockSpec((RA, HID), lambda i: (i, 0)),
                  pl.BlockSpec((2, RA, H2), lambda i: (0, i, 0)),
                  pl.BlockSpec((HID, HID), lambda i: (0, 0)),
                  pl.BlockSpec((1, HID), lambda i: (0, 0)),
                  pl.BlockSpec(memory_space=pltpu.SMEM),
                  pl.BlockSpec((HID, HID), lambda i: (0, 0)),
                  pl.BlockSpec((1, HID), lambda i: (0, 0)),
                  pl.BlockSpec(memory_space=pltpu.SMEM),
                  pl.BlockSpec((HID, HID), lambda i: (0, 0)),
                  pl.BlockSpec((1, HID), lambda i: (0, 0))],
        out_specs=pl.BlockSpec((RA, HID), lambda i: (i, 0)),
        out_shape=jax.ShapeDtypeStruct((N, HID), jnp.float32),
    )(hf, agg2.reshape(2, N, H2), W1, b12, a12, W2, b22, a22, W3, b32)

    e2p = _build_sc_edge2(N, E, HID)(z, es2, src, dst)
    return z, e2p.reshape(E, HID)

# --- scband reference (transcript-rebuilt; emitter-appended) ---
"""Pipeline reference for scband-drug-encoder-20658792694515 (READ-ONLY COPY).

The authoritative reference and input builder live on the scoring server;
editing this copy changes nothing except your own understanding.
"""

import jax, jax.numpy as jnp
import numpy as np

N = 50000
E = 800000
IN_DIM = 128
EDGE_IN_DIM = 16
HID = 64


def prelu(x, a):
    return jnp.where(x >= 0, x, a * x)


def setup_inputs(seed: int = 0) -> dict:
    key = jax.random.key(seed)
    ks = jax.random.split(key, 16)
    x = jax.random.normal(ks[0], (N, IN_DIM), dtype=jnp.float32)
    edge_index = jax.random.randint(ks[1], (2, E), 0, N, dtype=jnp.int64)
    edge_attr = jax.random.normal(ks[2], (E, EDGE_IN_DIM), dtype=jnp.float32)
    s = 0.05
    Wx = jax.random.normal(ks[3], (IN_DIM, HID), dtype=jnp.float32) * s
    bx = jnp.zeros((HID,), dtype=jnp.float32)
    We = jax.random.normal(ks[4], (EDGE_IN_DIM, HID), dtype=jnp.float32) * s
    be = jnp.zeros((HID,), dtype=jnp.float32)
    W1 = jax.random.normal(ks[5], (HID, HID), dtype=jnp.float32) * s
    b1 = jnp.zeros((HID,), dtype=jnp.float32)
    a1 = jnp.array(0.25, dtype=jnp.float32)
    W2 = jax.random.normal(ks[6], (HID, HID), dtype=jnp.float32) * s
    b2 = jnp.zeros((HID,), dtype=jnp.float32)
    a2 = jnp.array(0.25, dtype=jnp.float32)
    W3 = jax.random.normal(ks[7], (HID, HID), dtype=jnp.float32) * s
    b3 = jnp.zeros((HID,), dtype=jnp.float32)
    return {"x": x, "edge_index": edge_index, "edge_attr": edge_attr,
            "Wx": Wx, "bx": bx, "We": We, "be": be,
            "W1": W1, "b1": b1, "a1": a1,
            "W2": W2, "b2": b2, "a2": a2,
            "W3": W3, "b3": b3}


def reference(x, edge_index, edge_attr, Wx, bx, We, be, W1, b1, a1, W2, b2, a2, W3, b3):
    # line_x / line_edge
    h = x @ Wx + bx
    e = edge_attr @ We + be
    src = edge_index[0]
    dst = edge_index[1]
    # edge_attr = (x[src] + x[dst] + edge_attr) / 3
    e = (jnp.take(h, src, axis=0) + jnp.take(h, dst, axis=0) + e) / 3.0
    # GINEConv: out = mlp((1+eps)*x + sum_{j->i} relu(x_j + e_ji)), eps=0
    msg = jax.nn.relu(jnp.take(h, src, axis=0) + e)
    agg = jax.ops.segment_sum(msg, dst, num_segments=h.shape[0])
    z = (1.0 + 0.0) * h + agg
    z = prelu(z @ W1 + b1, a1)
    z = prelu(z @ W2 + b2, a2)
    z = z @ W3 + b3
    # second edge mixing with updated node features
    e2 = (jnp.take(z, src, axis=0) + jnp.take(z, dst, axis=0) + e) / 3.0
    return (z, e2)

if __name__ == "__main__":
    import jax
    _d = setup_inputs()
    print(jax.jit(kernel)(*tuple(_d.values())))

</pallas_src>

<mosaic_0001>
#map = affine_map<(d0, d1) -> (0, 0)>
#map1 = affine_map<(d0, d1) -> (0)>
module attributes {stable_mosaic.version = 14 : i64} {
  func.func @edge2(%arg0: i32, %arg1: i32, %arg2: memref<50000x64xf32, #tpu.memory_space<hbm>>, %arg3: memref<1600000x32xf32, #tpu.memory_space<hbm>>, %arg4: memref<800000xi32, #tpu.memory_space<hbm>>, %arg5: memref<800000xi32, #tpu.memory_space<hbm>>, %arg6: memref<400000x128xf32, #tpu.memory_space<hbm>>, %arg7: memref<4x128xi32, #tpu.memory_space<vmem>>, %arg8: memref<4x128xi32, #tpu.memory_space<vmem>>, %arg9: memref<3x128x64xf32, #tpu.memory_space<vmem>>, %arg10: memref<3x128x64xf32, #tpu.memory_space<vmem>>, %arg11: memref<3x128x32xf32, #tpu.memory_space<vmem>>, %arg12: memref<3x128x32xf32, #tpu.memory_space<vmem>>, %arg13: memref<3x64x128xf32, #tpu.memory_space<vmem>>, %arg14: memref<!tpu.dma_semaphore, #tpu.memory_space<semaphore_mem>>, %arg15: memref<!tpu.dma_semaphore, #tpu.memory_space<semaphore_mem>>, %arg16: memref<!tpu.dma_semaphore, #tpu.memory_space<semaphore_mem>>, %arg17: memref<!tpu.dma_semaphore, #tpu.memory_space<semaphore_mem>>) attributes {dimension_semantics = [#tpu.dimension_semantics<core_parallel>, #tpu.dimension_semantics<subcore_parallel>], iteration_bounds = array<i64: 2, 16>, scalar_prefetch = 0 : i64, scratch_operands = 11 : i64, tpu.core_type = #tpu.core_type<sc_vector_subcore>, window_params = [{transform_indices = #map}, {transform_indices = #map}, {transform_indices = #map1}, {transform_indices = #map1}, {transform_indices = #map}]} {
    %mul3A = arith.constant 2 : i32
    %mul3A_0 = arith.muli %arg1, %mul3A : i32
    %add3A = arith.addi %mul3A_0, %arg0 : i32
    %mul3A_1 = arith.constant 25088 : i32
    %mul3A_2 = arith.muli %add3A, %mul3A_1 : i32
    %sub3A = arith.constant 800000 : i32
    %sub3A_3 = arith.subi %sub3A, %mul3A_2 : i32
    %min3A = arith.constant 25088 : i32
    %min3A_4 = arith.minsi %min3A, %sub3A_3 : i32
    %max3A = arith.constant 0 : i32
    %max3A_5 = arith.maxsi %min3A_4, %max3A : i32
    %jit3A = arith.constant 128 : i32
    %div3A = arith.divsi %max3A_5, %jit3A : i32
    %sign3A = arith.constant 0 : i32
    %sign3A_6 = arith.cmpi sgt, %max3A_5, %sign3A : i32
    %sign3A_7 = arith.extui %sign3A_6 : i1 to i32
    %sign3A_8 = arith.constant 0 : i32
    %sign3A_9 = arith.cmpi slt, %max3A_5, %sign3A_8 : i32
    %sign3A_10 = arith.extui %sign3A_9 : i1 to i32
    %sign3A_11 = arith.subi %sign3A_7, %sign3A_10 : i32
    %sign3A_12 = arith.constant 0 : i32
    %sign3A_13 = arith.cmpi sgt, %jit3A, %sign3A_12 : i32
    %sign3A_14 = arith.extui %sign3A_13 : i1 to i32
    %sign3A_15 = arith.constant 0 : i32
    %sign3A_16 = arith.cmpi slt, %jit3A, %sign3A_15 : i32
    %sign3A_17 = arith.extui %sign3A_16 : i1 to i32
    %sign3A_18 = arith.subi %sign3A_14, %sign3A_17 : i32
    %ne3A = arith.cmpi ne, %sign3A_11, %sign3A_18 : i32
    %rem3A = arith.remsi %max3A_5, %jit3A : i32
    %ne3A_19 = arith.constant 0 : i32
    %ne3A_20 = arith.cmpi ne, %rem3A, %ne3A_19 : i32
    %and3A = arith.andi %ne3A, %ne3A_20 : i1
    %sub3A_21 = arith.constant 1 : i32
    %sub3A_22 = arith.subi %div3A, %sub3A_21 : i32
    %select_n3A = arith.select %and3A, %sub3A_22, %div3A : i32
    %gt3A = arith.constant 0 : i32
    %gt3A_23 = arith.cmpi sgt, %select_n3A, %gt3A : i32
    %convert_element_type3A = arith.extui %gt3A_23 : i1 to i32
    %cond3A = arith.constant 0 : i32
    %cond3A_24 = arith.cmpi ne, %convert_element_type3A, %cond3A : i32
    scf.if %cond3A_24 {
      %add3A_51 = arith.constant 0 : i32
      %add3A_52 = arith.addi %mul3A_2, %add3A_51 : i32
      %dma_start3A = arith.constant 0 : i32
      %dma_start3A_53 = arith.constant 0 : i32
      %dma_start3A_54 = tpu.memref_slice %arg7[%dma_start3A, %dma_start3A_53] : memref<4x128xi32, #tpu.memory_space<vmem>> -> memref<1x128xi32, #tpu.memory_space<vmem>>
      %dma_start3A_55 = tpu.memref_squeeze %dma_start3A_54 : memref<1x128xi32, #tpu.memory_space<vmem>> -> memref<128xi32, #tpu.memory_space<vmem>>
      %dma_start3A_56 = tpu.memref_slice %arg4[%add3A_52] : memref<800000xi32, #tpu.memory_space<hbm>> -> memref<128xi32, #tpu.memory_space<hbm>>
      %dma_start3A_57 = arith.constant 0 : i32
      %dma_start3A_58 = tpu.memref_slice %arg7[%dma_start3A, %dma_start3A_57] : memref<4x128xi32, #tpu.memory_space<vmem>> -> memref<1x128xi32, #tpu.memory_space<vmem>>
      %dma_start3A_59 = tpu.memref_squeeze %dma_start3A_58 : memref<1x128xi32, #tpu.memory_space<vmem>> -> memref<128xi32, #tpu.memory_space<vmem>>
      %dma_start3A_60 = tpu.memref_slice %arg4[%add3A_52] : memref<800000xi32, #tpu.memory_space<hbm>> -> memref<128xi32, #tpu.memory_space<hbm>>
      tpu.enqueue_dma source(%dma_start3A_60 : memref<128xi32, #tpu.memory_space<hbm>>) target(%dma_start3A_59 : memref<128xi32, #tpu.memory_space<vmem>>) target_semaphore(%arg14 : memref<!tpu.dma_semaphore, #tpu.memory_space<semaphore_mem>>)
      %dma_start3A_61 = arith.constant 0 : i32
      %dma_start3A_62 = arith.constant 0 : i32
      %dma_start3A_63 = tpu.memref_slice %arg8[%dma_start3A_61, %dma_start3A_62] : memref<4x128xi32, #tpu.memory_space<vmem>> -> memref<1x128xi32, #tpu.memory_space<vmem>>
      %dma_start3A_64 = tpu.memref_squeeze %dma_start3A_63 : memref<1x128xi32, #tpu.memory_space<vmem>> -> memref<128xi32, #tpu.memory_space<vmem>>
      %dma_start3A_65 = tpu.memref_slice %arg5[%add3A_52] : memref<800000xi32, #tpu.memory_space<hbm>> -> memref<128xi32, #tpu.memory_space<hbm>>
      %dma_start3A_66 = arith.constant 0 : i32
      %dma_start3A_67 = tpu.memref_slice %arg8[%dma_start3A_61, %dma_start3A_66] : memref<4x128xi32, #tpu.memory_space<vmem>> -> memref<1x128xi32, #tpu.memory_space<vmem>>
      %dma_start3A_68 = tpu.memref_squeeze %dma_start3A_67 : memref<1x128xi32, #tpu.memory_space<vmem>> -> memref<128xi32, #tpu.memory_space<vmem>>
      %dma_start3A_69 = tpu.memref_slice %arg5[%add3A_52] : memref<800000xi32, #tpu.memory_space<hbm>> -> memref<128xi32, #tpu.memory_space<hbm>>
      tpu.enqueue_dma source(%dma_start3A_69 : memref<128xi32, #tpu.memory_space<hbm>>) target(%dma_start3A_68 : memref<128xi32, #tpu.memory_space<vmem>>) target_semaphore(%arg14 : memref<!tpu.dma_semaphore, #tpu.memory_space<semaphore_mem>>)
      %dma_wait3A = arith.constant 0 : i32
      %dma_wait3A_70 = arith.constant 0 : i32
      %dma_wait3A_71 = tpu.memref_slice %arg7[%dma_wait3A, %dma_wait3A_70] : memref<4x128xi32, #tpu.memory_space<vmem>> -> memref<1x128xi32, #tpu.memory_space<vmem>>
      %dma_wait3A_72 = tpu.memref_squeeze %dma_wait3A_71 : memref<1x128xi32, #tpu.memory_space<vmem>> -> memref<128xi32, #tpu.memory_space<vmem>>
      %dma_wait3A_73 = tpu.memref_slice %arg4[%add3A_52] : memref<800000xi32, #tpu.memory_space<hbm>> -> memref<128xi32, #tpu.memory_space<hbm>>
      %dma_wait3A_74 = arith.constant 0 : i32
      %dma_wait3A_75 = tpu.memref_slice %arg7[%dma_wait3A, %dma_wait3A_74] : memref<4x128xi32, #tpu.memory_space<vmem>> -> memref<1x128xi32, #tpu.memory_space<vmem>>
      %dma_wait3A_76 = tpu.memref_squeeze %dma_wait3A_75 : memref<1x128xi32, #tpu.memory_space<vmem>> -> memref<128xi32, #tpu.memory_space<vmem>>
      %dma_wait3A_77 = tpu.memref_slice %arg4[%add3A_52] : memref<800000xi32, #tpu.memory_space<hbm>> -> memref<128xi32, #tpu.memory_space<hbm>>
      tpu.wait_dma2 semaphore(%arg14 : memref<!tpu.dma_semaphore, #tpu.memory_space<semaphore_mem>>) src(%dma_wait3A_77 : memref<128xi32, #tpu.memory_space<hbm>>) dst(%dma_wait3A_76 : memref<128xi32, #tpu.memory_space<vmem>>)
      %dma_wait3A_78 = arith.constant 0 : i32
      %dma_wait3A_79 = arith.constant 0 : i32
      %dma_wait3A_80 = tpu.memref_slice %arg8[%dma_wait3A_78, %dma_wait3A_79] : memref<4x128xi32, #tpu.memory_space<vmem>> -> memref<1x128xi32, #tpu.memory_space<vmem>>
      %dma_wait3A_81 = tpu.memref_squeeze %dma_wait3A_80 : memref<1x128xi32, #tpu.memory_space<vmem>> -> memref<128xi32, #tpu.memory_space<vmem>>
      %dma_wait3A_82 = tpu.memref_slice %arg5[%add3A_52] : memref<800000xi32, #tpu.memory_space<hbm>> -> memref<128xi32, #tpu.memory_space<hbm>>
      %dma_wait3A_83 = arith.constant 0 : i32
      %dma_wait3A_84 = tpu.memref_slice %arg8[%dma_wait3A_78, %dma_wait3A_83] : memref<4x128xi32, #tpu.memory_space<vmem>> -> memref<1x128xi32, #tpu.memory_space<vmem>>
      %dma_wait3A_85 = tpu.memref_squeeze %dma_wait3A_84 : memref<1x128xi32, #tpu.memory_space<vmem>> -> memref<128xi32, #tpu.memory_space<vmem>>
      %dma_wait3A_86 = tpu.memref_slice %arg5[%add3A_52] : memref<800000xi32, #tpu.memory_space<hbm>> -> memref<128xi32, #tpu.memory_space<hbm>>
      tpu.wait_dma2 semaphore(%arg14 : memref<!tpu.dma_semaphore, #tpu.memory_space<semaphore_mem>>) src(%dma_wait3A_86 : memref<128xi32, #tpu.memory_space<hbm>>) dst(%dma_wait3A_85 : memref<128xi32, #tpu.memory_space<vmem>>)
      %add3A_87 = arith.constant 0 : i32
      %add3A_88 = arith.addi %mul3A_2, %add3A_87 : i32
      %dma_start3A_89 = arith.constant 0 : i32
      %dma_start3A_90 = arith.constant 0 : i32
      %dma_start3A_91 = arith.constant 0 : i32
      %dma_start3A_92 = arith.constant 0 : i32
      %dma_start3A_93 = tpu.memref_slice %arg9[%dma_start3A_90, %dma_start3A_91, %dma_start3A_92] : memref<3x128x64xf32, #tpu.memory_space<vmem>> -> memref<1x128x64xf32, #tpu.memory_space<vmem>>
      %dma_start3A_94 = tpu.memref_squeeze %dma_start3A_93 : memref<1x128x64xf32, #tpu.memory_space<vmem>> -> memref<128x64xf32, #tpu.memory_space<vmem>>
      %dma_start3A_95 = arith.constant 0 : i32
      %dma_start3A_96 = tpu.memref_slice %arg7[%dma_start3A_89, %dma_start3A_95] : memref<4x128xi32, #tpu.memory_space<vmem>> -> memref<1x128xi32, #tpu.memory_space<vmem>>
      %dma_start3A_97 = tpu.memref_squeeze %dma_start3A_96 : memref<1x128xi32, #tpu.memory_space<vmem>> -> memref<128xi32, #tpu.memory_space<vmem>>
      %dma_start3A_98 = arith.constant 0 : i32
      %dma_start3A_99 = arith.constant 0 : i32
      %dma_start3A_100 = tpu.memref_slice %arg2[%dma_start3A_98, %dma_start3A_99] : memref<50000x64xf32, #tpu.memory_space<hbm>> -> memref<50000x64xf32, #tpu.memory_space<hbm>>
      tpu.enqueue_indirect_dma source(%dma_start3A_100 : memref<50000x64xf32, #tpu.memory_space<hbm>>) target(%dma_start3A_94 : memref<128x64xf32, #tpu.memory_space<vmem>>) offsets(%dma_start3A_97 : memref<128xi32, #tpu.memory_space<vmem>>) semaphore(%arg15 : memref<!tpu.dma_semaphore, #tpu.memory_space<semaphore_mem>>)
      %dma_start3A_101 = arith.constant 0 : i32
      %dma_start3A_102 = arith.constant 0 : i32
      %dma_start3A_103 = arith.constant 0 : i32
      %dma_start3A_104 = arith.constant 0 : i32
      %dma_start3A_105 = tpu.memref_slice %arg10[%dma_start3A_102, %dma_start3A_103, %dma_start3A_104] : memref<3x128x64xf32, #tpu.memory_space<vmem>> -> memref<1x128x64xf32, #tpu.memory_space<vmem>>
      %dma_start3A_106 = tpu.memref_squeeze %dma_start3A_105 : memref<1x128x64xf32, #tpu.memory_space<vmem>> -> memref<128x64xf32, #tpu.memory_space<vmem>>
      %dma_start3A_107 = arith.constant 0 : i32
      %dma_start3A_108 = tpu.memref_slice %arg8[%dma_start3A_101, %dma_start3A_107] : memref<4x128xi32, #tpu.memory_space<vmem>> -> memref<1x128xi32, #tpu.memory_space<vmem>>
      %dma_start3A_109 = tpu.memref_squeeze %dma_start3A_108 : memref<1x128xi32, #tpu.memory_space<vmem>> -> memref<128xi32, #tpu.memory_space<vmem>>
      %dma_start3A_110 = arith.constant 0 : i32
      %dma_start3A_111 = arith.constant 0 : i32
      %dma_start3A_112 = tpu.memref_slice %arg2[%dma_start3A_110, %dma_start3A_111] : memref<50000x64xf32, #tpu.memory_space<hbm>> -> memref<50000x64xf32, #tpu.memory_space<hbm>>
      tpu.enqueue_indirect_dma source(%dma_start3A_112 : memref<50000x64xf32, #tpu.memory_space<hbm>>) target(%dma_start3A_106 : memref<128x64xf32, #tpu.memory_space<vmem>>) offsets(%dma_start3A_109 : memref<128xi32, #tpu.memory_space<vmem>>) semaphore(%arg15 : memref<!tpu.dma_semaphore, #tpu.memory_space<semaphore_mem>>)
      %dma_start3A_113 = arith.constant 0 : i32
      %dma_start3A_114 = arith.constant 0 : i32
      %dma_start3A_115 = arith.constant 0 : i32
      %dma_start3A_116 = tpu.memref_slice %arg11[%dma_start3A_113, %dma_start3A_114, %dma_start3A_115] : memref<3x128x32xf32, #tpu.memory_space<vmem>> -> memref<1x128x32xf32, #tpu.memory_space<vmem>>
      %dma_start3A_117 = tpu.memref_squeeze %dma_start3A_116 : memref<1x128x32xf32, #tpu.memory_space<vmem>> -> memref<128x32xf32, #tpu.memory_space<vmem>>
      %dma_start3A_118 = arith.constant 0 : i32
      %dma_start3A_119 = tpu.memref_slice %arg3[%add3A_88, %dma_start3A_118] : memref<1600000x32xf32, #tpu.memory_space<hbm>> -> memref<128x32xf32, #tpu.memory_space<hbm>>
      %dma_start3A_120 = arith.constant 0 : i32
      %dma_start3A_121 = arith.constant 0 : i32
      %dma_start3A_122 = tpu.memref_slice %arg11[%dma_start3A_113, %dma_start3A_120, %dma_start3A_121] : memref<3x128x32xf32, #tpu.memory_space<vmem>> -> memref<1x128x32xf32, #tpu.memory_space<vmem>>
      %dma_start3A_123 = tpu.memref_squeeze %dma_start3A_122 : memref<1x128x32xf32, #tpu.memory_space<vmem>> -> memref<128x32xf32, #tpu.memory_space<vmem>>
      %dma_start3A_124 = arith.constant 0 : i32
      %dma_start3A_125 = tpu.memref_slice %arg3[%add3A_88, %dma_start3A_124] : memref<1600000x32xf32, #tpu.memory_space<hbm>> -> memref<128x32xf32, #tpu.memory_space<hbm>>
      tpu.enqueue_dma source(%dma_start3A_125 : memref<128x32xf32, #tpu.memory_space<hbm>>) target(%dma_start3A_123 : memref<128x32xf32, #tpu.memory_space<vmem>>) target_semaphore(%arg15 : memref<!tpu.dma_semaphore, #tpu.memory_space<semaphore_mem>>)
      %add3A_126 = arith.constant 800000 : i32
      %add3A_127 = arith.addi %add3A_126, %add3A_88 : i32
      %dma_start3A_128 = arith.constant 0 : i32
      %dma_start3A_129 = arith.constant 0 : i32
      %dma_start3A_130 = arith.constant 0 : i32
      %dma_start3A_131 = tpu.memref_slice %arg12[%dma_start3A_128, %dma_start3A_129, %dma_start3A_130] : memref<3x128x32xf32, #tpu.memory_space<vmem>> -> memref<1x128x32xf32, #tpu.memory_space<vmem>>
      %dma_start3A_132 = tpu.memref_squeeze %dma_start3A_131 : memref<1x128x32xf32, #tpu.memory_space<vmem>> -> memref<128x32xf32, #tpu.memory_space<vmem>>
      %dma_start3A_133 = arith.constant 0 : i32
      %dma_start3A_134 = tpu.memref_slice %arg3[%add3A_127, %dma_start3A_133] : memref<1600000x32xf32, #tpu.memory_space<hbm>> -> memref<128x32xf32, #tpu.memory_space<hbm>>
      %dma_start3A_135 = arith.constant 0 : i32
      %dma_start3A_136 = arith.constant 0 : i32
      %dma_start3A_137 = tpu.memref_slice %arg12[%dma_start3A_128, %dma_start3A_135, %dma_start3A_136] : memref<3x128x32xf32, #tpu.memory_space<vmem>> -> memref<1x128x32xf32, #tpu.memory_space<vmem>>
      %dma_start3A_138 = tpu.memref_squeeze %dma_start3A_137 : memref<1x128x32xf32, #tpu.memory_space<vmem>> -> memref<128x32xf32, #tpu.memory_space<vmem>>
      %dma_start3A_139 = arith.constant 0 : i32
      %dma_start3A_140 = tpu.memref_slice %arg3[%add3A_127, %dma_start3A_139] : memref<1600000x32xf32, #tpu.memory_space<hbm>> -> memref<128x32xf32, #tpu.memory_space<hbm>>
      tpu.enqueue_dma source(%dma_start3A_140 : memref<128x32xf32, #tpu.memory_space<hbm>>) target(%dma_start3A_138 : memref<128x32xf32, #tpu.memory_space<vmem>>) target_semaphore(%arg15 : memref<!tpu.dma_semaphore, #tpu.memory_space<semaphore_mem>>)
    } else {
    }
    %gt3A_25 = arith.constant 1 : i32
    %gt3A_26 = arith.cmpi sgt, %select_n3A, %gt3A_25 : i32
    %convert_element_type3A_27 = arith.extui %gt3A_26 : i1 to i32
    %cond3A_28 = arith.constant 0 : i32
    %cond3A_29 = arith.cmpi ne, %convert_element_type3A_27, %cond3A_28 : i32
    scf.if %cond3A_29 {
      %add3A_51 = arith.constant 128 : i32
      %add3A_52 = arith.addi %mul3A_2, %add3A_51 : i32
      %dma_start3A = arith.constant 1 : i32
      %dma_start3A_53 = arith.constant 0 : i32
      %dma_start3A_54 = tpu.memref_slice %arg7[%dma_start3A, %dma_start3A_53] : memref<4x128xi32, #tpu.memory_space<vmem>> -> memref<1x128xi32, #tpu.memory_space<vmem>>
      %dma_start3A_55 = tpu.memref_squeeze %dma_start3A_54 : memref<1x128xi32, #tpu.memory_space<vmem>> -> memref<128xi32, #tpu.memory_space<vmem>>
      %dma_start3A_56 = tpu.memref_slice %arg4[%add3A_52] : memref<800000xi32, #tpu.memory_space<hbm>> -> memref<128xi32, #tpu.memory_space<hbm>>
      %dma_start3A_57 = arith.constant 0 : i32
      %dma_start3A_58 = tpu.memref_slice %arg7[%dma_start3A, %dma_start3A_57] : memref<4x128xi32, #tpu.memory_space<vmem>> -> memref<1x128xi32, #tpu.memory_space<vmem>>
      %dma_start3A_59 = tpu.memref_squeeze %dma_start3A_58 : memref<1x128xi32, #tpu.memory_space<vmem>> -> memref<128xi32, #tpu.memory_space<vmem>>
      %dma_start3A_60 = tpu.memref_slice %arg4[%add3A_52] : memref<800000xi32, #tpu.memory_space<hbm>> -> memref<128xi32, #tpu.memory_space<hbm>>
      tpu.enqueue_dma source(%dma_start3A_60 : memref<128xi32, #tpu.memory_space<hbm>>) target(%dma_start3A_59 : memref<128xi32, #tpu.memory_space<vmem>>) target_semaphore(%arg14 : memref<!tpu.dma_semaphore, #tpu.memory_space<semaphore_mem>>)
      %dma_start3A_61 = arith.constant 1 : i32
      %dma_start3A_62 = arith.constant 0 : i32
      %dma_start3A_63 = tpu.memref_slice %arg8[%dma_start3A_61, %dma_start3A_62] : memref<4x128xi32, #tpu.memory_space<vmem>> -> memref<1x128xi32, #tpu.memory_space<vmem>>
      %dma_start3A_64 = tpu.memref_squeeze %dma_start3A_63 : memref<1x128xi32, #tpu.memory_space<vmem>> -> memref<128xi32, #tpu.memory_space<vmem>>
      %dma_start3A_65 = tpu.memref_slice %arg5[%add3A_52] : memref<800000xi32, #tpu.memory_space<hbm>> -> memref<128xi32, #tpu.memory_space<hbm>>
      %dma_start3A_66 = arith.constant 0 : i32
      %dma_start3A_67 = tpu.memref_slice %arg8[%dma_start3A_61, %dma_start3A_66] : memref<4x128xi32, #tpu.memory_space<vmem>> -> memref<1x128xi32, #tpu.memory_space<vmem>>
      %dma_start3A_68 = tpu.memref_squeeze %dma_start3A_67 : memref<1x128xi32, #tpu.memory_space<vmem>> -> memref<128xi32, #tpu.memory_space<vmem>>
      %dma_start3A_69 = tpu.memref_slice %arg5[%add3A_52] : memref<800000xi32, #tpu.memory_space<hbm>> -> memref<128xi32, #tpu.memory_space<hbm>>
      tpu.enqueue_dma source(%dma_start3A_69 : memref<128xi32, #tpu.memory_space<hbm>>) target(%dma_start3A_68 : memref<128xi32, #tpu.memory_space<vmem>>) target_semaphore(%arg14 : memref<!tpu.dma_semaphore, #tpu.memory_space<semaphore_mem>>)
      %dma_wait3A = arith.constant 1 : i32
      %dma_wait3A_70 = arith.constant 0 : i32
      %dma_wait3A_71 = tpu.memref_slice %arg7[%dma_wait3A, %dma_wait3A_70] : memref<4x128xi32, #tpu.memory_space<vmem>> -> memref<1x128xi32, #tpu.memory_space<vmem>>
      %dma_wait3A_72 = tpu.memref_squeeze %dma_wait3A_71 : memref<1x128xi32, #tpu.memory_space<vmem>> -> memref<128xi32, #tpu.memory_space<vmem>>
      %dma_wait3A_73 = tpu.memref_slice %arg4[%add3A_52] : memref<800000xi32, #tpu.memory_space<hbm>> -> memref<128xi32, #tpu.memory_space<hbm>>
      %dma_wait3A_74 = arith.constant 0 : i32
      %dma_wait3A_75 = tpu.memref_slice %arg7[%dma_wait3A, %dma_wait3A_74] : memref<4x128xi32, #tpu.memory_space<vmem>> -> memref<1x128xi32, #tpu.memory_space<vmem>>
      %dma_wait3A_76 = tpu.memref_squeeze %dma_wait3A_75 : memref<1x128xi32, #tpu.memory_space<vmem>> -> memref<128xi32, #tpu.memory_space<vmem>>
      %dma_wait3A_77 = tpu.memref_slice %arg4[%add3A_52] : memref<800000xi32, #tpu.memory_space<hbm>> -> memref<128xi32, #tpu.memory_space<hbm>>
      tpu.wait_dma2 semaphore(%arg14 : memref<!tpu.dma_semaphore, #tpu.memory_space<semaphore_mem>>) src(%dma_wait3A_77 : memref<128xi32, #tpu.memory_space<hbm>>) dst(%dma_wait3A_76 : memref<128xi32, #tpu.memory_space<vmem>>)
      %dma_wait3A_78 = arith.constant 1 : i32
      %dma_wait3A_79 = arith.constant 0 : i32
      %dma_wait3A_80 = tpu.memref_slice %arg8[%dma_wait3A_78, %dma_wait3A_79] : memref<4x128xi32, #tpu.memory_space<vmem>> -> memref<1x128xi32, #tpu.memory_space<vmem>>
      %dma_wait3A_81 = tpu.memref_squeeze %dma_wait3A_80 : memref<1x128xi32, #tpu.memory_space<vmem>> -> memref<128xi32, #tpu.memory_space<vmem>>
      %dma_wait3A_82 = tpu.memref_slice %arg5[%add3A_52] : memref<800000xi32, #tpu.memory_space<hbm>> -> memref<128xi32, #tpu.memory_space<hbm>>
      %dma_wait3A_83 = arith.constant 0 : i32
      %dma_wait3A_84 = tpu.memref_slice %arg8[%dma_wait3A_78, %dma_wait3A_83] : memref<4x128xi32, #tpu.memory_space<vmem>> -> memref<1x128xi32, #tpu.memory_space<vmem>>
      %dma_wait3A_85 = tpu.memref_squeeze %dma_wait3A_84 : memref<1x128xi32, #tpu.memory_space<vmem>> -> memref<128xi32, #tpu.memory_space<vmem>>
      %dma_wait3A_86 = tpu.memref_slice %arg5[%add3A_52] : memref<800000xi32, #tpu.memory_space<hbm>> -> memref<128xi32, #tpu.memory_space<hbm>>
      tpu.wait_dma2 semaphore(%arg14 : memref<!tpu.dma_semaphore, #tpu.memory_space<semaphore_mem>>) src(%dma_wait3A_86 : memref<128xi32, #tpu.memory_space<hbm>>) dst(%dma_wait3A_85 : memref<128xi32, #tpu.memory_space<vmem>>)
      %add3A_87 = arith.constant 128 : i32
      %add3A_88 = arith.addi %mul3A_2, %add3A_87 : i32
      %dma_start3A_89 = arith.constant 1 : i32
      %dma_start3A_90 = arith.constant 1 : i32
      %dma_start3A_91 = arith.constant 0 : i32
      %dma_start3A_92 = arith.constant 0 : i32
      %dma_start3A_93 = tpu.memref_slice %arg9[%dma_start3A_90, %dma_start3A_91, %dma_start3A_92] : memref<3x128x64xf32, #tpu.memory_space<vmem>> -> memref<1x128x64xf32, #tpu.memory_space<vmem>>
      %dma_start3A_94 = tpu.memref_squeeze %dma_start3A_93 : memref<1x128x64xf32, #tpu.memory_space<vmem>> -> memref<128x64xf32, #tpu.memory_space<vmem>>
      %dma_start3A_95 = arith.constant 0 : i32
      %dma_start3A_96 = tpu.memref_slice %arg7[%dma_start3A_89, %dma_start3A_95] : memref<4x128xi32, #tpu.memory_space<vmem>> -> memref<1x128xi32, #tpu.memory_space<vmem>>
      %dma_start3A_97 = tpu.memref_squeeze %dma_start3A_96 : memref<1x128xi32, #tpu.memory_space<vmem>> -> memref<128xi32, #tpu.memory_space<vmem>>
      %dma_start3A_98 = arith.constant 0 : i32
      %dma_start3A_99 = arith.constant 0 : i32
      %dma_start3A_100 = tpu.memref_slice %arg2[%dma_start3A_98, %dma_start3A_99] : memref<50000x64xf32, #tpu.memory_space<hbm>> -> memref<50000x64xf32, #tpu.memory_space<hbm>>
      tpu.enqueue_indirect_dma source(%dma_start3A_100 : memref<50000x64xf32, #tpu.memory_space<hbm>>) target(%dma_start3A_94 : memref<128x64xf32, #tpu.memory_space<vmem>>) offsets(%dma_start3A_97 : memref<128xi32, #tpu.memory_space<vmem>>) semaphore(%arg16 : memref<!tpu.dma_semaphore, #tpu.memory_space<semaphore_mem>>)
      %dma_start3A_101 = arith.constant 1 : i32
      %dma_start3A_102 = arith.constant 1 : i32
      %dma_start3A_103 = arith.constant 0 : i32
      %dma_start3A_104 = arith.constant 0 : i32
      %dma_start3A_105 = tpu.memref_slice %arg10[%dma_start3A_102, %dma_start3A_103, %dma_start3A_104] : memref<3x128x64xf32, #tpu.memory_space<vmem>> -> memref<1x128x64xf32, #tpu.memory_space<vmem>>
      %dma_start3A_106 = tpu.memref_squeeze %dma_start3A_105 : memref<1x128x64xf32, #tpu.memory_space<vmem>> -> memref<128x64xf32, #tpu.memory_space<vmem>>
      %dma_start3A_107 = arith.constant 0 : i32
      %dma_start3A_108 = tpu.memref_slice %arg8[%dma_start3A_101, %dma_start3A_107] : memref<4x128xi32, #tpu.memory_space<vmem>> -> memref<1x128xi32, #tpu.memory_space<vmem>>
      %dma_start3A_109 = tpu.memref_squeeze %dma_start3A_108 : memref<1x128xi32, #tpu.memory_space<vmem>> -> memref<128xi32, #tpu.memory_space<vmem>>
      %dma_start3A_110 = arith.constant 0 : i32
      %dma_start3A_111 = arith.constant 0 : i32
      %dma_start3A_112 = tpu.memref_slice %arg2[%dma_start3A_110, %dma_start3A_111] : memref<50000x64xf32, #tpu.memory_space<hbm>> -> memref<50000x64xf32, #tpu.memory_space<hbm>>
      tpu.enqueue_indirect_dma source(%dma_start3A_112 : memref<50000x64xf32, #tpu.memory_space<hbm>>) target(%dma_start3A_106 : memref<128x64xf32, #tpu.memory_space<vmem>>) offsets(%dma_start3A_109 : memref<128xi32, #tpu.memory_space<vmem>>) semaphore(%arg16 : memref<!tpu.dma_semaphore, #tpu.memory_space<semaphore_mem>>)
      %dma_start3A_113 = arith.constant 1 : i32
      %dma_start3A_114 = arith.constant 0 : i32
      %dma_start3A_115 = arith.constant 0 : i32
      %dma_start3A_116 = tpu.memref_slice %arg11[%dma_start3A_113, %dma_start3A_114, %dma_start3A_115] : memref<3x128x32xf32, #tpu.memory_space<vmem>> -> memref<1x128x32xf32, #tpu.memory_space<vmem>>
      %dma_start3A_117 = tpu.memref_squeeze %dma_start3A_116 : memref<1x128x32xf32, #tpu.memory_space<vmem>> -> memref<128x32xf32, #tpu.memory_space<vmem>>
      %dma_start3A_118 = arith.constant 0 : i32
      %dma_start3A_119 = tpu.memref_slice %arg3[%add3A_88, %dma_start3A_118] : memref<1600000x32xf32, #tpu.memory_space<hbm>> -> memref<128x32xf32, #tpu.memory_space<hbm>>
      %dma_start3A_120 = arith.constant 0 : i32
      %dma_start3A_121 = arith.constant 0 : i32
      %dma_start3A_122 = tpu.memref_slice %arg11[%dma_start3A_113, %dma_start3A_120, %dma_start3A_121] : memref<3x128x32xf32, #tpu.memory_space<vmem>> -> memref<1x128x32xf32, #tpu.memory_space<vmem>>
      %dma_start3A_123 = tpu.memref_squeeze %dma_start3A_122 : memref<1x128x32xf32, #tpu.memory_space<vmem>> -> memref<128x32xf32, #tpu.memory_space<vmem>>
      %dma_start3A_124 = arith.constant 0 : i32
      %dma_start3A_125 = tpu.memref_slice %arg3[%add3A_88, %dma_start3A_124] : memref<1600000x32xf32, #tpu.memory_space<hbm>> -> memref<128x32xf32, #tpu.memory_space<hbm>>
      tpu.enqueue_dma source(%dma_start3A_125 : memref<128x32xf32, #tpu.memory_space<hbm>>) target(%dma_start3A_123 : memref<128x32xf32, #tpu.memory_space<vmem>>) target_semaphore(%arg16 : memref<!tpu.dma_semaphore, #tpu.memory_space<semaphore_mem>>)
      %add3A_126 = arith.constant 800000 : i32
      %add3A_127 = arith.addi %add3A_126, %add3A_88 : i32
      %dma_start3A_128 = arith.constant 1 : i32
      %dma_start3A_129 = arith.constant 0 : i32
      %dma_start3A_130 = arith.constant 0 : i32
      %dma_start3A_131 = tpu.memref_slice %arg12[%dma_start3A_128, %dma_start3A_129, %dma_start3A_130] : memref<3x128x32xf32, #tpu.memory_space<vmem>> -> memref<1x128x32xf32, #tpu.memory_space<vmem>>
      %dma_start3A_132 = tpu.memref_squeeze %dma_start3A_131 : memref<1x128x32xf32, #tpu.memory_space<vmem>> -> memref<128x32xf32, #tpu.memory_space<vmem>>
      %dma_start3A_133 = arith.constant 0 : i32
      %dma_start3A_134 = tpu.memref_slice %arg3[%add3A_127, %dma_start3A_133] : memref<1600000x32xf32, #tpu.memory_space<hbm>> -> memref<128x32xf32, #tpu.memory_space<hbm>>
      %dma_start3A_135 = arith.constant 0 : i32
      %dma_start3A_136 = arith.constant 0 : i32
      %dma_start3A_137 = tpu.memref_slice %arg12[%dma_start3A_128, %dma_start3A_135, %dma_start3A_136] : memref<3x128x32xf32, #tpu.memory_space<vmem>> -> memref<1x128x32xf32, #tpu.memory_space<vmem>>
      %dma_start3A_138 = tpu.memref_squeeze %dma_start3A_137 : memref<1x128x32xf32, #tpu.memory_space<vmem>> -> memref<128x32xf32, #tpu.memory_space<vmem>>
      %dma_start3A_139 = arith.constant 0 : i32
      %dma_start3A_140 = tpu.memref_slice %arg3[%add3A_127, %dma_start3A_139] : memref<1600000x32xf32, #tpu.memory_space<hbm>> -> memref<128x32xf32, #tpu.memory_space<hbm>>
      tpu.enqueue_dma source(%dma_start3A_140 : memref<128x32xf32, #tpu.memory_space<hbm>>) target(%dma_start3A_138 : memref<128x32xf32, #tpu.memory_space<vmem>>) target_semaphore(%arg16 : memref<!tpu.dma_semaphore, #tpu.memory_space<semaphore_mem>>)
    } else {
    }
    %gt3A_30 = arith.constant 2 : i32
    %gt3A_31 = arith.cmpi sgt, %select_n3A, %gt3A_30 : i32
    %convert_element_type3A_32 = arith.extui %gt3A_31 : i1 to i32
    %cond3A_33 = arith.constant 0 : i32
    %cond3A_34 = arith.cmpi ne, %convert_element_type3A_32, %cond3A_33 : i32
    scf.if %cond3A_34 {
      %add3A_51 = arith.constant 256 : i32
      %add3A_52 = arith.addi %mul3A_2, %add3A_51 : i32
      %dma_start3A = arith.constant 2 : i32
      %dma_start3A_53 = arith.constant 0 : i32
      %dma_start3A_54 = tpu.memref_slice %arg7[%dma_start3A, %dma_start3A_53] : memref<4x128xi32, #tpu.memory_space<vmem>> -> memref<1x128xi32, #tpu.memory_space<vmem>>
      %dma_start3A_55 = tpu.memref_squeeze %dma_start3A_54 : memref<1x128xi32, #tpu.memory_space<vmem>> -> memref<128xi32, #tpu.memory_space<vmem>>
      %dma_start3A_56 = tpu.memref_slice %arg4[%add3A_52] : memref<800000xi32, #tpu.memory_space<hbm>> -> memref<128xi32, #tpu.memory_space<hbm>>
      %dma_start3A_57 = arith.constant 0 : i32
      %dma_start3A_58 = tpu.memref_slice %arg7[%dma_start3A, %dma_start3A_57] : memref<4x128xi32, #tpu.memory_space<vmem>> -> memref<1x128xi32, #tpu.memory_space<vmem>>
      %dma_start3A_59 = tpu.memref_squeeze %dma_start3A_58 : memref<1x128xi32, #tpu.memory_space<vmem>> -> memref<128xi32, #tpu.memory_space<vmem>>
      %dma_start3A_60 = tpu.memref_slice %arg4[%add3A_52] : memref<800000xi32, #tpu.memory_space<hbm>> -> memref<128xi32, #tpu.memory_space<hbm>>
      tpu.enqueue_dma source(%dma_start3A_60 : memref<128xi32, #tpu.memory_space<hbm>>) target(%dma_start3A_59 : memref<128xi32, #tpu.memory_space<vmem>>) target_semaphore(%arg14 : memref<!tpu.dma_semaphore, #tpu.memory_space<semaphore_mem>>)
      %dma_start3A_61 = arith.constant 2 : i32
      %dma_start3A_62 = arith.constant 0 : i32
      %dma_start3A_63 = tpu.memref_slice %arg8[%dma_start3A_61, %dma_start3A_62] : memref<4x128xi32, #tpu.memory_space<vmem>> -> memref<1x128xi32, #tpu.memory_space<vmem>>
      %dma_start3A_64 = tpu.memref_squeeze %dma_start3A_63 : memref<1x128xi32, #tpu.memory_space<vmem>> -> memref<128xi32, #tpu.memory_space<vmem>>
      %dma_start3A_65 = tpu.memref_slice %arg5[%add3A_52] : memref<800000xi32, #tpu.memory_space<hbm>> -> memref<128xi32, #tpu.memory_space<hbm>>
      %dma_start3A_66 = arith.constant 0 : i32
      %dma_start3A_67 = tpu.memref_slice %arg8[%dma_start3A_61, %dma_start3A_66] : memref<4x128xi32, #tpu.memory_space<vmem>> -> memref<1x128xi32, #tpu.memory_space<vmem>>
      %dma_start3A_68 = tpu.memref_squeeze %dma_start3A_67 : memref<1x128xi32, #tpu.memory_space<vmem>> -> memref<128xi32, #tpu.memory_space<vmem>>
      %dma_start3A_69 = tpu.memref_slice %arg5[%add3A_52] : memref<800000xi32, #tpu.memory_space<hbm>> -> memref<128xi32, #tpu.memory_space<hbm>>
      tpu.enqueue_dma source(%dma_start3A_69 : memref<128xi32, #tpu.memory_space<hbm>>) target(%dma_start3A_68 : memref<128xi32, #tpu.memory_space<vmem>>) target_semaphore(%arg14 : memref<!tpu.dma_semaphore, #tpu.memory_space<semaphore_mem>>)
    } else {
    }
    %while3A = arith.constant 0 : i32
    %while3A_35 = arith.constant 0 : i32
    %while3A_36 = arith.subi %select_n3A, %while3A : i32
    %while3A_37 = arith.addi %while3A, %while3A_36 : i32
    %while3A_38 = arith.constant 1 : i32
    %while3A_39 = arith.divsi %while3A_36, %while3A_38 : i32
    %while3A_40 = arith.muli %while3A_39, %while3A_38 : i32
    %while3A_41 = arith.addi %while3A, %while3A_40 : i32
    %while3A_42 = arith.constant 1 : i32
    %while3A_43 = scf.for %while3A_51 = %while3A to %while3A_41 step %while3A_42 iter_args(%while3A_52 = %while3A_35) -> (i32)  : i32 {
      %jit3A_53 = arith.constant 3 : i32
      %eq3A = arith.constant 0 : i32
      %eq3A_54 = arith.cmpi eq, %jit3A_53, %eq3A : i32
      %jit3A_55 = arith.constant 1 : i32
      %select_n3A_56 = arith.select %eq3A_54, %jit3A_55, %jit3A_53 : i32
      %rem3A_57 = arith.remsi %while3A_51, %select_n3A_56 : i32
      %ne3A_58 = arith.constant 0 : i32
      %ne3A_59 = arith.cmpi ne, %rem3A_57, %ne3A_58 : i32
      %lt3A = arith.constant 0 : i32
      %lt3A_60 = arith.cmpi slt, %rem3A_57, %lt3A : i32
      %lt3A_61 = arith.constant 0 : i32
      %lt3A_62 = arith.cmpi slt, %select_n3A_56, %lt3A_61 : i32
      %ne3A_63 = arith.xori %lt3A_60, %lt3A_62 : i1
      %and3A_64 = arith.andi %ne3A_63, %ne3A_59 : i1
      %add3A_65 = arith.addi %rem3A_57, %select_n3A_56 : i32
      %select_n3A_66 = arith.select %and3A_64, %add3A_65, %rem3A_57 : i32
      %jit3A_67 = arith.constant 2 : i32
      %eq3A_68 = arith.constant 0 : i32
      %eq3A_69 = arith.cmpi eq, %jit3A_67, %eq3A_68 : i32
      %jit3A_70 = arith.constant 1 : i32
      %select_n3A_71 = arith.select %eq3A_69, %jit3A_70, %jit3A_67 : i32
      %rem3A_72 = arith.remsi %while3A_51, %select_n3A_71 : i32
      %ne3A_73 = arith.constant 0 : i32
      %ne3A_74 = arith.cmpi ne, %rem3A_72, %ne3A_73 : i32
      %lt3A_75 = arith.constant 0 : i32
      %lt3A_76 = arith.cmpi slt, %rem3A_72, %lt3A_75 : i32
      %lt3A_77 = arith.constant 0 : i32
      %lt3A_78 = arith.cmpi slt, %select_n3A_71, %lt3A_77 : i32
      %ne3A_79 = arith.xori %lt3A_76, %lt3A_78 : i1
      %and3A_80 = arith.andi %ne3A_79, %ne3A_74 : i1
      %add3A_81 = arith.addi %rem3A_72, %select_n3A_71 : i32
      %select_n3A_82 = arith.select %and3A_80, %add3A_81, %rem3A_72 : i32
      %eq3A_83 = arith.constant 0 : i32
      %eq3A_84 = arith.cmpi eq, %select_n3A_82, %eq3A_83 : i32
      %convert_element_type3A_85 = arith.extui %eq3A_84 : i1 to i32
      %cond3A_86 = arith.constant 0 : i32
      %cond3A_87 = arith.cmpi ne, %convert_element_type3A_85, %cond3A_86 : i32
      scf.if %cond3A_87 {
        %jit3A_186 = arith.constant 3 : i32
        %eq3A_187 = arith.constant 0 : i32
        %eq3A_188 = arith.cmpi eq, %jit3A_186, %eq3A_187 : i32
        %jit3A_189 = arith.constant 1 : i32
        %select_n3A_190 = arith.select %eq3A_188, %jit3A_189, %jit3A_186 : i32
        %rem3A_191 = arith.remsi %while3A_51, %select_n3A_190 : i32
        %ne3A_192 = arith.constant 0 : i32
        %ne3A_193 = arith.cmpi ne, %rem3A_191, %ne3A_192 : i32
        %lt3A_194 = arith.constant 0 : i32
        %lt3A_195 = arith.cmpi slt, %rem3A_191, %lt3A_194 : i32
        %lt3A_196 = arith.constant 0 : i32
        %lt3A_197 = arith.cmpi slt, %select_n3A_190, %lt3A_196 : i32
        %ne3A_198 = arith.xori %lt3A_195, %lt3A_197 : i1
        %and3A_199 = arith.andi %ne3A_198, %ne3A_193 : i1
        %add3A_200 = arith.addi %rem3A_191, %select_n3A_190 : i32
        %select_n3A_201 = arith.select %and3A_199, %add3A_200, %rem3A_191 : i32
        %jit3A_202 = arith.constant 4 : i32
        %eq3A_203 = arith.constant 0 : i32
        %eq3A_204 = arith.cmpi eq, %jit3A_202, %eq3A_203 : i32
        %jit3A_205 = arith.constant 1 : i32
        %select_n3A_206 = arith.select %eq3A_204, %jit3A_205, %jit3A_202 : i32
        %rem3A_207 = arith.remsi %while3A_51, %select_n3A_206 : i32
        %ne3A_208 = arith.constant 0 : i32
        %ne3A_209 = arith.cmpi ne, %rem3A_207, %ne3A_208 : i32
        %lt3A_210 = arith.constant 0 : i32
        %lt3A_211 = arith.cmpi slt, %rem3A_207, %lt3A_210 : i32
        %lt3A_212 = arith.constant 0 : i32
        %lt3A_213 = arith.cmpi slt, %select_n3A_206, %lt3A_212 : i32
        %ne3A_214 = arith.xori %lt3A_211, %lt3A_213 : i1
        %and3A_215 = arith.andi %ne3A_214, %ne3A_209 : i1
        %add3A_216 = arith.addi %rem3A_207, %select_n3A_206 : i32
        %select_n3A_217 = arith.select %and3A_215, %add3A_216, %rem3A_207 : i32
        %mul3A_218 = arith.constant 128 : i32
        %mul3A_219 = arith.muli %while3A_51, %mul3A_218 : i32
        %add3A_220 = arith.addi %mul3A_2, %mul3A_219 : i32
        %dma_wait3A = arith.constant 0 : i32
        %dma_wait3A_221 = arith.constant 0 : i32
        %dma_wait3A_222 = tpu.memref_slice %arg9[%select_n3A_201, %dma_wait3A, %dma_wait3A_221] : memref<3x128x64xf32, #tpu.memory_space<vmem>> -> memref<1x128x64xf32, #tpu.memory_space<vmem>>
        %dma_wait3A_223 = tpu.memref_squeeze %dma_wait3A_222 : memref<1x128x64xf32, #tpu.memory_space<vmem>> -> memref<128x64xf32, #tpu.memory_space<vmem>>
        %dma_wait3A_224 = arith.constant 0 : i32
        %dma_wait3A_225 = tpu.memref_slice %arg7[%select_n3A_217, %dma_wait3A_224] : memref<4x128xi32, #tpu.memory_space<vmem>> -> memref<1x128xi32, #tpu.memory_space<vmem>>
        %dma_wait3A_226 = tpu.memref_squeeze %dma_wait3A_225 : memref<1x128xi32, #tpu.memory_space<vmem>> -> memref<128xi32, #tpu.memory_space<vmem>>
        %dma_wait3A_227 = arith.constant 0 : i32
        %dma_wait3A_228 = arith.constant 0 : i32
        %dma_wait3A_229 = tpu.memref_slice %arg2[%dma_wait3A_227, %dma_wait3A_228] : memref<50000x64xf32, #tpu.memory_space<hbm>> -> memref<50000x64xf32, #tpu.memory_space<hbm>>
        tpu.wait_indirect_dma semaphore(%arg15 : memref<!tpu.dma_semaphore, #tpu.memory_space<semaphore_mem>>) src(%dma_wait3A_229 : memref<50000x64xf32, #tpu.memory_space<hbm>>) dst(%dma_wait3A_223 : memref<128x64xf32, #tpu.memory_space<vmem>>)
        %dma_wait3A_230 = arith.constant 0 : i32
        %dma_wait3A_231 = arith.constant 0 : i32
        %dma_wait3A_232 = tpu.memref_slice %arg10[%select_n3A_201, %dma_wait3A_230, %dma_wait3A_231] : memref<3x128x64xf32, #tpu.memory_space<vmem>> -> memref<1x128x64xf32, #tpu.memory_space<vmem>>
        %dma_wait3A_233 = tpu.memref_squeeze %dma_wait3A_232 : memref<1x128x64xf32, #tpu.memory_space<vmem>> -> memref<128x64xf32, #tpu.memory_space<vmem>>
        %dma_wait3A_234 = arith.constant 0 : i32
        %dma_wait3A_235 = tpu.memref_slice %arg8[%select_n3A_217, %dma_wait3A_234] : memref<4x128xi32, #tpu.memory_space<vmem>> -> memref<1x128xi32, #tpu.memory_space<vmem>>
        %dma_wait3A_236 = tpu.memref_squeeze %dma_wait3A_235 : memref<1x128xi32, #tpu.memory_space<vmem>> -> memref<128xi32, #tpu.memory_space<vmem>>
        %dma_wait3A_237 = arith.constant 0 : i32
        %dma_wait3A_238 = arith.constant 0 : i32
        %dma_wait3A_239 = tpu.memref_slice %arg2[%dma_wait3A_237, %dma_wait3A_238] : memref<50000x64xf32, #tpu.memory_space<hbm>> -> memref<50000x64xf32, #tpu.memory_space<hbm>>
        tpu.wait_indirect_dma semaphore(%arg15 : memref<!tpu.dma_semaphore, #tpu.memory_space<semaphore_mem>>) src(%dma_wait3A_239 : memref<50000x64xf32, #tpu.memory_space<hbm>>) dst(%dma_wait3A_233 : memref<128x64xf32, #tpu.memory_space<vmem>>)
        %dma_wait3A_240 = arith.constant 0 : i32
        %dma_wait3A_241 = arith.constant 0 : i32
        %dma_wait3A_242 = tpu.memref_slice %arg11[%select_n3A_201, %dma_wait3A_240, %dma_wait3A_241] : memref<3x128x32xf32, #tpu.memory_space<vmem>> -> memref<1x128x32xf32, #tpu.memory_space<vmem>>
        %dma_wait3A_243 = tpu.memref_squeeze %dma_wait3A_242 : memref<1x128x32xf32, #tpu.memory_space<vmem>> -> memref<128x32xf32, #tpu.memory_space<vmem>>
        %dma_wait3A_244 = arith.constant 0 : i32
        %dma_wait3A_245 = tpu.memref_slice %arg3[%add3A_220, %dma_wait3A_244] : memref<1600000x32xf32, #tpu.memory_space<hbm>> -> memref<128x32xf32, #tpu.memory_space<hbm>>
        %dma_wait3A_246 = arith.constant 0 : i32
        %dma_wait3A_247 = arith.constant 0 : i32
        %dma_wait3A_248 = tpu.memref_slice %arg11[%select_n3A_201, %dma_wait3A_246, %dma_wait3A_247] : memref<3x128x32xf32, #tpu.memory_space<vmem>> -> memref<1x128x32xf32, #tpu.memory_space<vmem>>
        %dma_wait3A_249 = tpu.memref_squeeze %dma_wait3A_248 : memref<1x128x32xf32, #tpu.memory_space<vmem>> -> memref<128x32xf32, #tpu.memory_space<vmem>>
        %dma_wait3A_250 = arith.constant 0 : i32
        %dma_wait3A_251 = tpu.memref_slice %arg3[%add3A_220, %dma_wait3A_250] : memref<1600000x32xf32, #tpu.memory_space<hbm>> -> memref<128x32xf32, #tpu.memory_space<hbm>>
        tpu.wait_dma2 semaphore(%arg15 : memref<!tpu.dma_semaphore, #tpu.memory_space<semaphore_mem>>) src(%dma_wait3A_251 : memref<128x32xf32, #tpu.memory_space<hbm>>) dst(%dma_wait3A_249 : memref<128x32xf32, #tpu.memory_space<vmem>>)
        %add3A_252 = arith.constant 800000 : i32
        %add3A_253 = arith.addi %add3A_252, %add3A_220 : i32
        %dma_wait3A_254 = arith.constant 0 : i32
        %dma_wait3A_255 = arith.constant 0 : i32
        %dma_wait3A_256 = tpu.memref_slice %arg12[%select_n3A_201, %dma_wait3A_254, %dma_wait3A_255] : memref<3x128x32xf32, #tpu.memory_space<vmem>> -> memref<1x128x32xf32, #tpu.memory_space<vmem>>
        %dma_wait3A_257 = tpu.memref_squeeze %dma_wait3A_256 : memref<1x128x32xf32, #tpu.memory_space<vmem>> -> memref<128x32xf32, #tpu.memory_space<vmem>>
        %dma_wait3A_258 = arith.constant 0 : i32
        %dma_wait3A_259 = tpu.memref_slice %arg3[%add3A_253, %dma_wait3A_258] : memref<1600000x32xf32, #tpu.memory_space<hbm>> -> memref<128x32xf32, #tpu.memory_space<hbm>>
        %dma_wait3A_260 = arith.constant 0 : i32
        %dma_wait3A_261 = arith.constant 0 : i32
        %dma_wait3A_262 = tpu.memref_slice %arg12[%select_n3A_201, %dma_wait3A_260, %dma_wait3A_261] : memref<3x128x32xf32, #tpu.memory_space<vmem>> -> memref<1x128x32xf32, #tpu.memory_space<vmem>>
        %dma_wait3A_263 = tpu.memref_squeeze %dma_wait3A_262 : memref<1x128x32xf32, #tpu.memory_space<vmem>> -> memref<128x32xf32, #tpu.memory_space<vmem>>
        %dma_wait3A_264 = arith.constant 0 : i32
        %dma_wait3A_265 = tpu.memref_slice %arg3[%add3A_253, %dma_wait3A_264] : memref<1600000x32xf32, #tpu.memory_space<hbm>> -> memref<128x32xf32, #tpu.memory_space<hbm>>
        tpu.wait_dma2 semaphore(%arg15 : memref<!tpu.dma_semaphore, #tpu.memory_space<semaphore_mem>>) src(%dma_wait3A_265 : memref<128x32xf32, #tpu.memory_space<hbm>>) dst(%dma_wait3A_263 : memref<128x32xf32, #tpu.memory_space<vmem>>)
      } else {
      }
      %jit3A_88 = arith.constant 2 : i32
      %eq3A_89 = arith.constant 0 : i32
      %eq3A_90 = arith.cmpi eq, %jit3A_88, %eq3A_89 : i32
      %jit3A_91 = arith.constant 1 : i32
      %select_n3A_92 = arith.select %eq3A_90, %jit3A_91, %jit3A_88 : i32
      %rem3A_93 = arith.remsi %while3A_51, %select_n3A_92 : i32
      %ne3A_94 = arith.constant 0 : i32
      %ne3A_95 = arith.cmpi ne, %rem3A_93, %ne3A_94 : i32
      %lt3A_96 = arith.constant 0 : i32
      %lt3A_97 = arith.cmpi slt, %rem3A_93, %lt3A_96 : i32
      %lt3A_98 = arith.constant 0 : i32
      %lt3A_99 = arith.cmpi slt, %select_n3A_92, %lt3A_98 : i32
      %ne3A_100 = arith.xori %lt3A_97, %lt3A_99 : i1
      %and3A_101 = arith.andi %ne3A_100, %ne3A_95 : i1
      %add3A_102 = arith.addi %rem3A_93, %select_n3A_92 : i32
      %select_n3A_103 = arith.select %and3A_101, %add3A_102, %rem3A_93 : i32
      %eq3A_104 = arith.constant 1 : i32
      %eq3A_105 = arith.cmpi eq, %select_n3A_103, %eq3A_104 : i32
      %convert_element_type3A_106 = arith.extui %eq3A_105 : i1 to i32
      %cond3A_107 = arith.constant 0 : i32
      %cond3A_108 = arith.cmpi ne, %convert_element_type3A_106, %cond3A_107 : i32
      scf.if %cond3A_108 {
        %jit3A_186 = arith.constant 3 : i32
        %eq3A_187 = arith.constant 0 : i32
        %eq3A_188 = arith.cmpi eq, %jit3A_186, %eq3A_187 : i32
        %jit3A_189 = arith.constant 1 : i32
        %select_n3A_190 = arith.select %eq3A_188, %jit3A_189, %jit3A_186 : i32
        %rem3A_191 = arith.remsi %while3A_51, %select_n3A_190 : i32
        %ne3A_192 = arith.constant 0 : i32
        %ne3A_193 = arith.cmpi ne, %rem3A_191, %ne3A_192 : i32
        %lt3A_194 = arith.constant 0 : i32
        %lt3A_195 = arith.cmpi slt, %rem3A_191, %lt3A_194 : i32
        %lt3A_196 = arith.constant 0 : i32
        %lt3A_197 = arith.cmpi slt, %select_n3A_190, %lt3A_196 : i32
        %ne3A_198 = arith.xori %lt3A_195, %lt3A_197 : i1
        %and3A_199 = arith.andi %ne3A_198, %ne3A_193 : i1
        %add3A_200 = arith.addi %rem3A_191, %select_n3A_190 : i32
        %select_n3A_201 = arith.select %and3A_199, %add3A_200, %rem3A_191 : i32
        %jit3A_202 = arith.constant 4 : i32
        %eq3A_203 = arith.constant 0 : i32
        %eq3A_204 = arith.cmpi eq, %jit3A_202, %eq3A_203 : i32
        %jit3A_205 = arith.constant 1 : i32
        %select_n3A_206 = arith.select %eq3A_204, %jit3A_205, %jit3A_202 : i32
        %rem3A_207 = arith.remsi %while3A_51, %select_n3A_206 : i32
        %ne3A_208 = arith.constant 0 : i32
        %ne3A_209 = arith.cmpi ne, %rem3A_207, %ne3A_208 : i32
        %lt3A_210 = arith.constant 0 : i32
        %lt3A_211 = arith.cmpi slt, %rem3A_207, %lt3A_210 : i32
        %lt3A_212 = arith.constant 0 : i32
        %lt3A_213 = arith.cmpi slt, %select_n3A_206, %lt3A_212 : i32
        %ne3A_214 = arith.xori %lt3A_211, %lt3A_213 : i1
        %and3A_215 = arith.andi %ne3A_214, %ne3A_209 : i1
        %add3A_216 = arith.addi %rem3A_207, %select_n3A_206 : i32
        %select_n3A_217 = arith.select %and3A_215, %add3A_216, %rem3A_207 : i32
        %mul3A_218 = arith.constant 128 : i32
        %mul3A_219 = arith.muli %while3A_51, %mul3A_218 : i32
        %add3A_220 = arith.addi %mul3A_2, %mul3A_219 : i32
        %dma_wait3A = arith.constant 0 : i32
        %dma_wait3A_221 = arith.constant 0 : i32
        %dma_wait3A_222 = tpu.memref_slice %arg9[%select_n3A_201, %dma_wait3A, %dma_wait3A_221] : memref<3x128x64xf32, #tpu.memory_space<vmem>> -> memref<1x128x64xf32, #tpu.memory_space<vmem>>
        %dma_wait3A_223 = tpu.memref_squeeze %dma_wait3A_222 : memref<1x128x64xf32, #tpu.memory_space<vmem>> -> memref<128x64xf32, #tpu.memory_space<vmem>>
        %dma_wait3A_224 = arith.constant 0 : i32
        %dma_wait3A_225 = tpu.memref_slice %arg7[%select_n3A_217, %dma_wait3A_224] : memref<4x128xi32, #tpu.memory_space<vmem>> -> memref<1x128xi32, #tpu.memory_space<vmem>>
        %dma_wait3A_226 = tpu.memref_squeeze %dma_wait3A_225 : memref<1x128xi32, #tpu.memory_space<vmem>> -> memref<128xi32, #tpu.memory_space<vmem>>
        %dma_wait3A_227 = arith.constant 0 : i32
        %dma_wait3A_228 = arith.constant 0 : i32
        %dma_wait3A_229 = tpu.memref_slice %arg2[%dma_wait3A_227, %dma_wait3A_228] : memref<50000x64xf32, #tpu.memory_space<hbm>> -> memref<50000x64xf32, #tpu.memory_space<hbm>>
        tpu.wait_indirect_dma semaphore(%arg16 : memref<!tpu.dma_semaphore, #tpu.memory_space<semaphore_mem>>) src(%dma_wait3A_229 : memref<50000x64xf32, #tpu.memory_space<hbm>>) dst(%dma_wait3A_223 : memref<128x64xf32, #tpu.memory_space<vmem>>)
        %dma_wait3A_230 = arith.constant 0 : i32
        %dma_wait3A_231 = arith.constant 0 : i32
        %dma_wait3A_232 = tpu.memref_slice %arg10[%select_n3A_201, %dma_wait3A_230, %dma_wait3A_231] : memref<3x128x64xf32, #tpu.memory_space<vmem>> -> memref<1x128x64xf32, #tpu.memory_space<vmem>>
        %dma_wait3A_233 = tpu.memref_squeeze %dma_wait3A_232 : memref<1x128x64xf32, #tpu.memory_space<vmem>> -> memref<128x64xf32, #tpu.memory_space<vmem>>
        %dma_wait3A_234 = arith.constant 0 : i32
        %dma_wait3A_235 = tpu.memref_slice %arg8[%select_n3A_217, %dma_wait3A_234] : memref<4x128xi32, #tpu.memory_space<vmem>> -> memref<1x128xi32, #tpu.memory_space<vmem>>
        %dma_wait3A_236 = tpu.memref_squeeze %dma_wait3A_235 : memref<1x128xi32, #tpu.memory_space<vmem>> -> memref<128xi32, #tpu.memory_space<vmem>>
        %dma_wait3A_237 = arith.constant 0 : i32
        %dma_wait3A_238 = arith.constant 0 : i32
        %dma_wait3A_239 = tpu.memref_slice %arg2[%dma_wait3A_237, %dma_wait3A_238] : memref<50000x64xf32, #tpu.memory_space<hbm>> -> memref<50000x64xf32, #tpu.memory_space<hbm>>
        tpu.wait_indirect_dma semaphore(%arg16 : memref<!tpu.dma_semaphore, #tpu.memory_space<semaphore_mem>>) src(%dma_wait3A_239 : memref<50000x64xf32, #tpu.memory_space<hbm>>) dst(%dma_wait3A_233 : memref<128x64xf32, #tpu.memory_space<vmem>>)
        %dma_wait3A_240 = arith.constant 0 : i32
        %dma_wait3A_241 = arith.constant 0 : i32
        %dma_wait3A_242 = tpu.memref_slice %arg11[%select_n3A_201, %dma_wait3A_240, %dma_wait3A_241] : memref<3x128x32xf32, #tpu.memory_space<vmem>> -> memref<1x128x32xf32, #tpu.memory_space<vmem>>
        %dma_wait3A_243 = tpu.memref_squeeze %dma_wait3A_242 : memref<1x128x32xf32, #tpu.memory_space<vmem>> -> memref<128x32xf32, #tpu.memory_space<vmem>>
        %dma_wait3A_244 = arith.constant 0 : i32
        %dma_wait3A_245 = tpu.memref_slice %arg3[%add3A_220, %dma_wait3A_244] : memref<1600000x32xf32, #tpu.memory_space<hbm>> -> memref<128x32xf32, #tpu.memory_space<hbm>>
        %dma_wait3A_246 = arith.constant 0 : i32
        %dma_wait3A_247 = arith.constant 0 : i32
        %dma_wait3A_248 = tpu.memref_slice %arg11[%select_n3A_201, %dma_wait3A_246, %dma_wait3A_247] : memref<3x128x32xf32, #tpu.memory_space<vmem>> -> memref<1x128x32xf32, #tpu.memory_space<vmem>>
        %dma_wait3A_249 = tpu.memref_squeeze %dma_wait3A_248 : memref<1x128x32xf32, #tpu.memory_space<vmem>> -> memref<128x32xf32, #tpu.memory_space<vmem>>
        %dma_wait3A_250 = arith.constant 0 : i32
        %dma_wait3A_251 = tpu.memref_slice %arg3[%add3A_220, %dma_wait3A_250] : memref<1600000x32xf32, #tpu.memory_space<hbm>> -> memref<128x32xf32, #tpu.memory_space<hbm>>
        tpu.wait_dma2 semaphore(%arg16 : memref<!tpu.dma_semaphore, #tpu.memory_space<semaphore_mem>>) src(%dma_wait3A_251 : memref<128x32xf32, #tpu.memory_space<hbm>>) dst(%dma_wait3A_249 : memref<128x32xf32, #tpu.memory_space<vmem>>)
        %add3A_252 = arith.constant 800000 : i32
        %add3A_253 = arith.addi %add3A_252, %add3A_220 : i32
        %dma_wait3A_254 = arith.constant 0 : i32
        %dma_wait3A_255 = arith.constant 0 : i32
        %dma_wait3A_256 = tpu.memref_slice %arg12[%select_n3A_201, %dma_wait3A_254, %dma_wait3A_255] : memref<3x128x32xf32, #tpu.memory_space<vmem>> -> memref<1x128x32xf32, #tpu.memory_space<vmem>>
        %dma_wait3A_257 = tpu.memref_squeeze %dma_wait3A_256 : memref<1x128x32xf32, #tpu.memory_space<vmem>> -> memref<128x32xf32, #tpu.memory_space<vmem>>
        %dma_wait3A_258 = arith.constant 0 : i32
        %dma_wait3A_259 = tpu.memref_slice %arg3[%add3A_253, %dma_wait3A_258] : memref<1600000x32xf32, #tpu.memory_space<hbm>> -> memref<128x32xf32, #tpu.memory_space<hbm>>
        %dma_wait3A_260 = arith.constant 0 : i32
        %dma_wait3A_261 = arith.constant 0 : i32
        %dma_wait3A_262 = tpu.memref_slice %arg12[%select_n3A_201, %dma_wait3A_260, %dma_wait3A_261] : memref<3x128x32xf32, #tpu.memory_space<vmem>> -> memref<1x128x32xf32, #tpu.memory_space<vmem>>
        %dma_wait3A_263 = tpu.memref_squeeze %dma_wait3A_262 : memref<1x128x32xf32, #tpu.memory_space<vmem>> -> memref<128x32xf32, #tpu.memory_space<vmem>>
        %dma_wait3A_264 = arith.constant 0 : i32
        %dma_wait3A_265 = tpu.memref_slice %arg3[%add3A_253, %dma_wait3A_264] : memref<1600000x32xf32, #tpu.memory_space<hbm>> -> memref<128x32xf32, #tpu.memory_space<hbm>>
        tpu.wait_dma2 semaphore(%arg16 : memref<!tpu.dma_semaphore, #tpu.memory_space<semaphore_mem>>) src(%dma_wait3A_265 : memref<128x32xf32, #tpu.memory_space<hbm>>) dst(%dma_wait3A_263 : memref<128x32xf32, #tpu.memory_space<vmem>>)
      } else {
      }
      %scan3A = arith.constant 0 : i32
      %scan3A_109 = arith.constant 0 : i32
      %scan3A_110 = arith.constant 128 : i32
      %scan3A_111 = arith.addi %scan3A_109, %scan3A_110 : i32
      %scan3A_112 = arith.constant 1 : i32
      %scan3A_113 = scf.for %scan3A_186 = %scan3A_109 to %scan3A_111 step %scan3A_112 iter_args(%scan3A_187 = %scan3A) -> (i32)  : i32 {
        %jit3A_188 = arith.constant 2 : i32
        %div3A_189 = arith.divsi %scan3A_186, %jit3A_188 : i32
        %sign3A_190 = arith.constant 0 : i32
        %sign3A_191 = arith.cmpi sgt, %scan3A_186, %sign3A_190 : i32
        %sign3A_192 = arith.extui %sign3A_191 : i1 to i32
        %sign3A_193 = arith.constant 0 : i32
        %sign3A_194 = arith.cmpi slt, %scan3A_186, %sign3A_193 : i32
        %sign3A_195 = arith.extui %sign3A_194 : i1 to i32
        %sign3A_196 = arith.subi %sign3A_192, %sign3A_195 : i32
        %sign3A_197 = arith.constant 0 : i32
        %sign3A_198 = arith.cmpi sgt, %jit3A_188, %sign3A_197 : i32
        %sign3A_199 = arith.extui %sign3A_198 : i1 to i32
        %sign3A_200 = arith.constant 0 : i32
        %sign3A_201 = arith.cmpi slt, %jit3A_188, %sign3A_200 : i32
        %sign3A_202 = arith.extui %sign3A_201 : i1 to i32
        %sign3A_203 = arith.subi %sign3A_199, %sign3A_202 : i32
        %ne3A_204 = arith.cmpi ne, %sign3A_196, %sign3A_203 : i32
        %rem3A_205 = arith.remsi %scan3A_186, %jit3A_188 : i32
        %ne3A_206 = arith.constant 0 : i32
        %ne3A_207 = arith.cmpi ne, %rem3A_205, %ne3A_206 : i32
        %and3A_208 = arith.andi %ne3A_204, %ne3A_207 : i1
        %sub3A_209 = arith.constant 1 : i32
        %sub3A_210 = arith.subi %div3A_189, %sub3A_209 : i32
        %select_n3A_211 = arith.select %and3A_208, %sub3A_210, %div3A_189 : i32
        %jit3A_212 = arith.constant 2 : i32
        %eq3A_213 = arith.constant 0 : i32
        %eq3A_214 = arith.cmpi eq, %jit3A_212, %eq3A_213 : i32
        %jit3A_215 = arith.constant 1 : i32
        %select_n3A_216 = arith.select %eq3A_214, %jit3A_215, %jit3A_212 : i32
        %rem3A_217 = arith.remsi %scan3A_186, %select_n3A_216 : i32
        %ne3A_218 = arith.constant 0 : i32
        %ne3A_219 = arith.cmpi ne, %rem3A_217, %ne3A_218 : i32
        %lt3A_220 = arith.constant 0 : i32
        %lt3A_221 = arith.cmpi slt, %rem3A_217, %lt3A_220 : i32
        %lt3A_222 = arith.constant 0 : i32
        %lt3A_223 = arith.cmpi slt, %select_n3A_216, %lt3A_222 : i32
        %ne3A_224 = arith.xori %lt3A_221, %lt3A_223 : i1
        %and3A_225 = arith.andi %ne3A_224, %ne3A_219 : i1
        %add3A_226 = arith.addi %rem3A_217, %select_n3A_216 : i32
        %select_n3A_227 = arith.select %and3A_225, %add3A_226, %rem3A_217 : i32
        %mul3A_228 = arith.constant 64 : i32
        %mul3A_229 = arith.muli %select_n3A_227, %mul3A_228 : i32
        %get3A = arith.index_cast %select_n3A_66 : i32 to index
        %get3A_230 = arith.index_cast %scan3A_186 : i32 to index
        %get3A_231 = arith.constant 0 : index
        %get3A_232 = tpu.vector_load %arg11[%get3A, %get3A_230, %get3A_231] {strides = array<i32>} : memref<3x128x32xf32, #tpu.memory_space<vmem>>, vector<1x1x16xf32>,
        %get3A_233 = vector.shape_cast %get3A_232 : vector<1x1x16xf32> to vector<16xf32>
        %get3A_234 = arith.index_cast %select_n3A_66 : i32 to index
        %get3A_235 = arith.index_cast %scan3A_186 : i32 to index
        %get3A_236 = arith.constant 0 : index
        %get3A_237 = tpu.vector_load %arg9[%get3A_234, %get3A_235, %get3A_236] {strides = array<i32>} : memref<3x128x64xf32, #tpu.memory_space<vmem>>, vector<1x1x16xf32>,
        %get3A_238 = vector.shape_cast %get3A_237 : vector<1x1x16xf32> to vector<16xf32>
        %get3A_239 = arith.index_cast %select_n3A_66 : i32 to index
        %get3A_240 = arith.index_cast %scan3A_186 : i32 to index
        %get3A_241 = arith.constant 0 : index
        %get3A_242 = tpu.vector_load %arg10[%get3A_239, %get3A_240, %get3A_241] {strides = array<i32>} : memref<3x128x64xf32, #tpu.memory_space<vmem>>, vector<1x1x16xf32>,
        %get3A_243 = vector.shape_cast %get3A_242 : vector<1x1x16xf32> to vector<16xf32>
        %add3A_244 = arith.addf %get3A_238, %get3A_243 : vector<16xf32>
        %add3A_245 = arith.addf %add3A_244, %get3A_233 : vector<16xf32>
        %mul3A_246 = arith.constant 0.333333343 : f32
        %mul3A_247 = vector.broadcast %mul3A_246 : f32 to vector<16xf32>
        %mul3A_248 = arith.mulf %add3A_245, %mul3A_247 : vector<16xf32>
        %add3A_249 = arith.constant 0 : i32
        %add3A_250 = arith.addi %mul3A_229, %add3A_249 : i32
        %swap3A = arith.index_cast %select_n3A_66 : i32 to index
        %swap3A_251 = arith.index_cast %select_n3A_211 : i32 to index
        %swap3A_252 = arith.index_cast %add3A_250 : i32 to index
        %swap3A_253 = tpu.vector_load %arg13[%swap3A, %swap3A_251, %swap3A_252] {strides = array<i32>} : memref<3x64x128xf32, #tpu.memory_space<vmem>>, vector<1x1x16xf32>,
        %swap3A_254 = vector.shape_cast %swap3A_253 : vector<1x1x16xf32> to vector<16xf32>
        %swap3A_255 = vector.shape_cast %mul3A_248 : vector<16xf32> to vector<1x1x16xf32>
        tpu.vector_store %arg13[%swap3A, %swap3A_251, %swap3A_252], %swap3A_255 {strides = array<i32>} : memref<3x64x128xf32, #tpu.memory_space<vmem>>, vector<1x1x16xf32>,
        %get3A_256 = arith.index_cast %select_n3A_66 : i32 to index
        %get3A_257 = arith.index_cast %scan3A_186 : i32 to index
        %get3A_258 = arith.constant 16 : index
        %get3A_259 = tpu.vector_load %arg11[%get3A_256, %get3A_257, %get3A_258] {strides = array<i32>} : memref<3x128x32xf32, #tpu.memory_space<vmem>>, vector<1x1x16xf32>,
        %get3A_260 = vector.shape_cast %get3A_259 : vector<1x1x16xf32> to vector<16xf32>
        %get3A_261 = arith.index_cast %select_n3A_66 : i32 to index
        %get3A_262 = arith.index_cast %scan3A_186 : i32 to index
        %get3A_263 = arith.constant 16 : index
        %get3A_264 = tpu.vector_load %arg9[%get3A_261, %get3A_262, %get3A_263] {strides = array<i32>} : memref<3x128x64xf32, #tpu.memory_space<vmem>>, vector<1x1x16xf32>,
        %get3A_265 = vector.shape_cast %get3A_264 : vector<1x1x16xf32> to vector<16xf32>
        %get3A_266 = arith.index_cast %select_n3A_66 : i32 to index
        %get3A_267 = arith.index_cast %scan3A_186 : i32 to index
        %get3A_268 = arith.constant 16 : index
        %get3A_269 = tpu.vector_load %arg10[%get3A_266, %get3A_267, %get3A_268] {strides = array<i32>} : memref<3x128x64xf32, #tpu.memory_space<vmem>>, vector<1x1x16xf32>,
        %get3A_270 = vector.shape_cast %get3A_269 : vector<1x1x16xf32> to vector<16xf32>
        %add3A_271 = arith.addf %get3A_265, %get3A_270 : vector<16xf32>
        %add3A_272 = arith.addf %add3A_271, %get3A_260 : vector<16xf32>
        %mul3A_273 = arith.constant 0.333333343 : f32
        %mul3A_274 = vector.broadcast %mul3A_273 : f32 to vector<16xf32>
        %mul3A_275 = arith.mulf %add3A_272, %mul3A_274 : vector<16xf32>
        %add3A_276 = arith.constant 16 : i32
        %add3A_277 = arith.addi %mul3A_229, %add3A_276 : i32
        %swap3A_278 = arith.index_cast %select_n3A_66 : i32 to index
        %swap3A_279 = arith.index_cast %select_n3A_211 : i32 to index
        %swap3A_280 = arith.index_cast %add3A_277 : i32 to index
        %swap3A_281 = tpu.vector_load %arg13[%swap3A_278, %swap3A_279, %swap3A_280] {strides = array<i32>} : memref<3x64x128xf32, #tpu.memory_space<vmem>>, vector<1x1x16xf32>,
        %swap3A_282 = vector.shape_cast %swap3A_281 : vector<1x1x16xf32> to vector<16xf32>
        %swap3A_283 = vector.shape_cast %mul3A_275 : vector<16xf32> to vector<1x1x16xf32>
        tpu.vector_store %arg13[%swap3A_278, %swap3A_279, %swap3A_280], %swap3A_283 {strides = array<i32>} : memref<3x64x128xf32, #tpu.memory_space<vmem>>, vector<1x1x16xf32>,
        %get3A_284 = arith.index_cast %select_n3A_66 : i32 to index
        %get3A_285 = arith.index_cast %scan3A_186 : i32 to index
        %get3A_286 = arith.constant 0 : index
        %get3A_287 = tpu.vector_load %arg12[%get3A_284, %get3A_285, %get3A_286] {strides = array<i32>} : memref<3x128x32xf32, #tpu.memory_space<vmem>>, vector<1x1x16xf32>,
        %get3A_288 = vector.shape_cast %get3A_287 : vector<1x1x16xf32> to vector<16xf32>
        %get3A_289 = arith.index_cast %select_n3A_66 : i32 to index
        %get3A_290 = arith.index_cast %scan3A_186 : i32 to index
        %get3A_291 = arith.constant 32 : index
        %get3A_292 = tpu.vector_load %arg9[%get3A_289, %get3A_290, %get3A_291] {strides = array<i32>} : memref<3x128x64xf32, #tpu.memory_space<vmem>>, vector<1x1x16xf32>,
        %get3A_293 = vector.shape_cast %get3A_292 : vector<1x1x16xf32> to vector<16xf32>
        %get3A_294 = arith.index_cast %select_n3A_66 : i32 to index
        %get3A_295 = arith.index_cast %scan3A_186 : i32 to index
        %get3A_296 = arith.constant 32 : index
        %get3A_297 = tpu.vector_load %arg10[%get3A_294, %get3A_295, %get3A_296] {strides = array<i32>} : memref<3x128x64xf32, #tpu.memory_space<vmem>>, vector<1x1x16xf32>,
        %get3A_298 = vector.shape_cast %get3A_297 : vector<1x1x16xf32> to vector<16xf32>
        %add3A_299 = arith.addf %get3A_293, %get3A_298 : vector<16xf32>
        %add3A_300 = arith.addf %add3A_299, %get3A_288 : vector<16xf32>
        %mul3A_301 = arith.constant 0.333333343 : f32
        %mul3A_302 = vector.broadcast %mul3A_301 : f32 to vector<16xf32>
        %mul3A_303 = arith.mulf %add3A_300, %mul3A_302 : vector<16xf32>
        %add3A_304 = arith.constant 32 : i32
        %add3A_305 = arith.addi %mul3A_229, %add3A_304 : i32
        %swap3A_306 = arith.index_cast %select_n3A_66 : i32 to index
        %swap3A_307 = arith.index_cast %select_n3A_211 : i32 to index
        %swap3A_308 = arith.index_cast %add3A_305 : i32 to index
        %swap3A_309 = tpu.vector_load %arg13[%swap3A_306, %swap3A_307, %swap3A_308] {strides = array<i32>} : memref<3x64x128xf32, #tpu.memory_space<vmem>>, vector<1x1x16xf32>,
        %swap3A_310 = vector.shape_cast %swap3A_309 : vector<1x1x16xf32> to vector<16xf32>
        %swap3A_311 = vector.shape_cast %mul3A_303 : vector<16xf32> to vector<1x1x16xf32>
        tpu.vector_store %arg13[%swap3A_306, %swap3A_307, %swap3A_308], %swap3A_311 {strides = array<i32>} : memref<3x64x128xf32, #tpu.memory_space<vmem>>, vector<1x1x16xf32>,
        %get3A_312 = arith.index_cast %select_n3A_66 : i32 to index
        %get3A_313 = arith.index_cast %scan3A_186 : i32 to index
        %get3A_314 = arith.constant 16 : index
        %get3A_315 = tpu.vector_load %arg12[%get3A_312, %get3A_313, %get3A_314] {strides = array<i32>} : memref<3x128x32xf32, #tpu.memory_space<vmem>>, vector<1x1x16xf32>,
        %get3A_316 = vector.shape_cast %get3A_315 : vector<1x1x16xf32> to vector<16xf32>
        %get3A_317 = arith.index_cast %select_n3A_66 : i32 to index
        %get3A_318 = arith.index_cast %scan3A_186 : i32 to index
        %get3A_319 = arith.constant 48 : index
        %get3A_320 = tpu.vector_load %arg9[%get3A_317, %get3A_318, %get3A_319] {strides = array<i32>} : memref<3x128x64xf32, #tpu.memory_space<vmem>>, vector<1x1x16xf32>,
        %get3A_321 = vector.shape_cast %get3A_320 : vector<1x1x16xf32> to vector<16xf32>
        %get3A_322 = arith.index_cast %select_n3A_66 : i32 to index
        %get3A_323 = arith.index_cast %scan3A_186 : i32 to index
        %get3A_324 = arith.constant 48 : index
        %get3A_325 = tpu.vector_load %arg10[%get3A_322, %get3A_323, %get3A_324] {strides = array<i32>} : memref<3x128x64xf32, #tpu.memory_space<vmem>>, vector<1x1x16xf32>,
        %get3A_326 = vector.shape_cast %get3A_325 : vector<1x1x16xf32> to vector<16xf32>
        %add3A_327 = arith.addf %get3A_321, %get3A_326 : vector<16xf32>
        %add3A_328 = arith.addf %add3A_327, %get3A_316 : vector<16xf32>
        %mul3A_329 = arith.constant 0.333333343 : f32
        %mul3A_330 = vector.broadcast %mul3A_329 : f32 to vector<16xf32>
        %mul3A_331 = arith.mulf %add3A_328, %mul3A_330 : vector<16xf32>
        %add3A_332 = arith.constant 48 : i32
        %add3A_333 = arith.addi %mul3A_229, %add3A_332 : i32
        %swap3A_334 = arith.index_cast %select_n3A_66 : i32 to index
        %swap3A_335 = arith.index_cast %select_n3A_211 : i32 to index
        %swap3A_336 = arith.index_cast %add3A_333 : i32 to index
        %swap3A_337 = tpu.vector_load %arg13[%swap3A_334, %swap3A_335, %swap3A_336] {strides = array<i32>} : memref<3x64x128xf32, #tpu.memory_space<vmem>>, vector<1x1x16xf32>,
        %swap3A_338 = vector.shape_cast %swap3A_337 : vector<1x1x16xf32> to vector<16xf32>
        %swap3A_339 = vector.shape_cast %mul3A_331 : vector<16xf32> to vector<1x1x16xf32>
        tpu.vector_store %arg13[%swap3A_334, %swap3A_335, %swap3A_336], %swap3A_339 {strides = array<i32>} : memref<3x64x128xf32, #tpu.memory_space<vmem>>, vector<1x1x16xf32>,
        %scan3A_340 = arith.constant 0 : i32
        scf.yield %scan3A_340 : i32
      }
      %scan3A_114 = arith.constant 128 : i32
      %ge3A = arith.constant 1 : i32
      %ge3A_115 = arith.cmpi sge, %while3A_51, %ge3A : i32
      %convert_element_type3A_116 = arith.extui %ge3A_115 : i1 to i32
      %cond3A_117 = arith.constant 0 : i32
      %cond3A_118 = arith.cmpi ne, %convert_element_type3A_116, %cond3A_117 : i32
      scf.if %cond3A_118 {
        %sub3A_186 = arith.constant 1 : i32
        %sub3A_187 = arith.subi %while3A_51, %sub3A_186 : i32
        %jit3A_188 = arith.constant 3 : i32
        %eq3A_189 = arith.constant 0 : i32
        %eq3A_190 = arith.cmpi eq, %jit3A_188, %eq3A_189 : i32
        %jit3A_191 = arith.constant 1 : i32
        %select_n3A_192 = arith.select %eq3A_190, %jit3A_191, %jit3A_188 : i32
        %rem3A_193 = arith.remsi %sub3A_187, %select_n3A_192 : i32
        %ne3A_194 = arith.constant 0 : i32
        %ne3A_195 = arith.cmpi ne, %rem3A_193, %ne3A_194 : i32
        %lt3A_196 = arith.constant 0 : i32
        %lt3A_197 = arith.cmpi slt, %rem3A_193, %lt3A_196 : i32
        %lt3A_198 = arith.constant 0 : i32
        %lt3A_199 = arith.cmpi slt, %select_n3A_192, %lt3A_198 : i32
        %ne3A_200 = arith.xori %lt3A_197, %lt3A_199 : i1
        %and3A_201 = arith.andi %ne3A_200, %ne3A_195 : i1
        %add3A_202 = arith.addi %rem3A_193, %select_n3A_192 : i32
        %select_n3A_203 = arith.select %and3A_201, %add3A_202, %rem3A_193 : i32
        %mul3A_204 = arith.constant 128 : i32
        %mul3A_205 = arith.muli %sub3A_187, %mul3A_204 : i32
        %add3A_206 = arith.addi %mul3A_2, %mul3A_205 : i32
        %jit3A_207 = arith.constant 2 : i32
        %div3A_208 = arith.divsi %add3A_206, %jit3A_207 : i32
        %sign3A_209 = arith.constant 0 : i32
        %sign3A_210 = arith.cmpi sgt, %add3A_206, %sign3A_209 : i32
        %sign3A_211 = arith.extui %sign3A_210 : i1 to i32
        %sign3A_212 = arith.constant 0 : i32
        %sign3A_213 = arith.cmpi slt, %add3A_206, %sign3A_212 : i32
        %sign3A_214 = arith.extui %sign3A_213 : i1 to i32
        %sign3A_215 = arith.subi %sign3A_211, %sign3A_214 : i32
        %sign3A_216 = arith.constant 0 : i32
        %sign3A_217 = arith.cmpi sgt, %jit3A_207, %sign3A_216 : i32
        %sign3A_218 = arith.extui %sign3A_217 : i1 to i32
        %sign3A_219 = arith.constant 0 : i32
        %sign3A_220 = arith.cmpi slt, %jit3A_207, %sign3A_219 : i32
        %sign3A_221 = arith.extui %sign3A_220 : i1 to i32
        %sign3A_222 = arith.subi %sign3A_218, %sign3A_221 : i32
        %ne3A_223 = arith.cmpi ne, %sign3A_215, %sign3A_222 : i32
        %rem3A_224 = arith.remsi %add3A_206, %jit3A_207 : i32
        %ne3A_225 = arith.constant 0 : i32
        %ne3A_226 = arith.cmpi ne, %rem3A_224, %ne3A_225 : i32
        %and3A_227 = arith.andi %ne3A_223, %ne3A_226 : i1
        %sub3A_228 = arith.constant 1 : i32
        %sub3A_229 = arith.subi %div3A_208, %sub3A_228 : i32
        %select_n3A_230 = arith.select %and3A_227, %sub3A_229, %div3A_208 : i32
        %dma_wait3A = arith.constant 0 : i32
        %dma_wait3A_231 = arith.constant 0 : i32
        %dma_wait3A_232 = tpu.memref_slice %arg13[%select_n3A_203, %dma_wait3A, %dma_wait3A_231] : memref<3x64x128xf32, #tpu.memory_space<vmem>> -> memref<1x64x128xf32, #tpu.memory_space<vmem>>
        %dma_wait3A_233 = tpu.memref_squeeze %dma_wait3A_232 : memref<1x64x128xf32, #tpu.memory_space<vmem>> -> memref<64x128xf32, #tpu.memory_space<vmem>>
        %dma_wait3A_234 = arith.constant 0 : i32
        %dma_wait3A_235 = tpu.memref_slice %arg6[%select_n3A_230, %dma_wait3A_234] : memref<400000x128xf32, #tpu.memory_space<hbm>> -> memref<64x128xf32, #tpu.memory_space<hbm>>
        %dma_wait3A_236 = arith.constant 0 : i32
        %dma_wait3A_237 = tpu.memref_slice %arg6[%select_n3A_230, %dma_wait3A_236] : memref<400000x128xf32, #tpu.memory_space<hbm>> -> memref<64x128xf32, #tpu.memory_space<hbm>>
        %dma_wait3A_238 = arith.constant 0 : i32
        %dma_wait3A_239 = arith.constant 0 : i32
        %dma_wait3A_240 = tpu.memref_slice %arg13[%select_n3A_203, %dma_wait3A_238, %dma_wait3A_239] : memref<3x64x128xf32, #tpu.memory_space<vmem>> -> memref<1x64x128xf32, #tpu.memory_space<vmem>>
        %dma_wait3A_241 = tpu.memref_squeeze %dma_wait3A_240 : memref<1x64x128xf32, #tpu.memory_space<vmem>> -> memref<64x128xf32, #tpu.memory_space<vmem>>
        tpu.wait_dma2 semaphore(%arg17 : memref<!tpu.dma_semaphore, #tpu.memory_space<semaphore_mem>>) src(%dma_wait3A_241 : memref<64x128xf32, #tpu.memory_space<vmem>>) dst(%dma_wait3A_237 : memref<64x128xf32, #tpu.memory_space<hbm>>)
      } else {
      }
      %jit3A_119 = arith.constant 3 : i32
      %eq3A_120 = arith.constant 0 : i32
      %eq3A_121 = arith.cmpi eq, %jit3A_119, %eq3A_120 : i32
      %jit3A_122 = arith.constant 1 : i32
      %select_n3A_123 = arith.select %eq3A_121, %jit3A_122, %jit3A_119 : i32
      %rem3A_124 = arith.remsi %while3A_51, %select_n3A_123 : i32
      %ne3A_125 = arith.constant 0 : i32
      %ne3A_126 = arith.cmpi ne, %rem3A_124, %ne3A_125 : i32
      %lt3A_127 = arith.constant 0 : i32
      %lt3A_128 = arith.cmpi slt, %rem3A_124, %lt3A_127 : i32
      %lt3A_129 = arith.constant 0 : i32
      %lt3A_130 = arith.cmpi slt, %select_n3A_123, %lt3A_129 : i32
      %ne3A_131 = arith.xori %lt3A_128, %lt3A_130 : i1
      %and3A_132 = arith.andi %ne3A_131, %ne3A_126 : i1
      %add3A_133 = arith.addi %rem3A_124, %select_n3A_123 : i32
      %select_n3A_134 = arith.select %and3A_132, %add3A_133, %rem3A_124 : i32
      %mul3A_135 = arith.constant 128 : i32
      %mul3A_136 = arith.muli %while3A_51, %mul3A_135 : i32
      %add3A_137 = arith.addi %mul3A_2, %mul3A_136 : i32
      %jit3A_138 = arith.constant 2 : i32
      %div3A_139 = arith.divsi %add3A_137, %jit3A_138 : i32
      %sign3A_140 = arith.constant 0 : i32
      %sign3A_141 = arith.cmpi sgt, %add3A_137, %sign3A_140 : i32
      %sign3A_142 = arith.extui %sign3A_141 : i1 to i32
      %sign3A_143 = arith.constant 0 : i32
      %sign3A_144 = arith.cmpi slt, %add3A_137, %sign3A_143 : i32
      %sign3A_145 = arith.extui %sign3A_144 : i1 to i32
      %sign3A_146 = arith.subi %sign3A_142, %sign3A_145 : i32
      %sign3A_147 = arith.constant 0 : i32
      %sign3A_148 = arith.cmpi sgt, %jit3A_138, %sign3A_147 : i32
      %sign3A_149 = arith.extui %sign3A_148 : i1 to i32
      %sign3A_150 = arith.constant 0 : i32
      %sign3A_151 = arith.cmpi slt, %jit3A_138, %sign3A_150 : i32
      %sign3A_152 = arith.extui %sign3A_151 : i1 to i32
      %sign3A_153 = arith.subi %sign3A_149, %sign3A_152 : i32
      %ne3A_154 = arith.cmpi ne, %sign3A_146, %sign3A_153 : i32
      %rem3A_155 = arith.remsi %add3A_137, %jit3A_138 : i32
      %ne3A_156 = arith.constant 0 : i32
      %ne3A_157 = arith.cmpi ne, %rem3A_155, %ne3A_156 : i32
      %and3A_158 = arith.andi %ne3A_154, %ne3A_157 : i1
      %sub3A_159 = arith.constant 1 : i32
      %sub3A_160 = arith.subi %div3A_139, %sub3A_159 : i32
      %select_n3A_161 = arith.select %and3A_158, %sub3A_160, %div3A_139 : i32
      %dma_start3A = arith.constant 0 : i32
      %dma_start3A_162 = arith.constant 0 : i32
      %dma_start3A_163 = tpu.memref_slice %arg13[%select_n3A_134, %dma_start3A, %dma_start3A_162] : memref<3x64x128xf32, #tpu.memory_space<vmem>> -> memref<1x64x128xf32, #tpu.memory_space<vmem>>
      %dma_start3A_164 = tpu.memref_squeeze %dma_start3A_163 : memref<1x64x128xf32, #tpu.memory_space<vmem>> -> memref<64x128xf32, #tpu.memory_space<vmem>>
      %dma_start3A_165 = arith.constant 0 : i32
      %dma_start3A_166 = tpu.memref_slice %arg6[%select_n3A_161, %dma_start3A_165] : memref<400000x128xf32, #tpu.memory_space<hbm>> -> memref<64x128xf32, #tpu.memory_space<hbm>>
      %dma_start3A_167 = arith.constant 0 : i32
      %dma_start3A_168 = tpu.memref_slice %arg6[%select_n3A_161, %dma_start3A_167] : memref<400000x128xf32, #tpu.memory_space<hbm>> -> memref<64x128xf32, #tpu.memory_space<hbm>>
      %dma_start3A_169 = arith.constant 0 : i32
      %dma_start3A_170 = arith.constant 0 : i32
      %dma_start3A_171 = tpu.memref_slice %arg13[%select_n3A_134, %dma_start3A_169, %dma_start3A_170] : memref<3x64x128xf32, #tpu.memory_space<vmem>> -> memref<1x64x128xf32, #tpu.memory_space<vmem>>
      %dma_start3A_172 = tpu.memref_squeeze %dma_start3A_171 : memref<1x64x128xf32, #tpu.memory_space<vmem>> -> memref<64x128xf32, #tpu.memory_space<vmem>>
      tpu.enqueue_dma source(%dma_start3A_172 : memref<64x128xf32, #tpu.memory_space<vmem>>) target(%dma_start3A_168 : memref<64x128xf32, #tpu.memory_space<hbm>>) target_semaphore(%arg17 : memref<!tpu.dma_semaphore, #tpu.memory_space<semaphore_mem>>)
      %add3A_173 = arith.constant 2 : i32
      %add3A_174 = arith.addi %while3A_51, %add3A_173 : i32
      %lt3A_175 = arith.cmpi slt, %add3A_174, %select_n3A : i32
      %convert_element_type3A_176 = arith.extui %lt3A_175 : i1 to i32
      %cond3A_177 = arith.constant 0 : i32
      %cond3A_178 = arith.cmpi ne, %convert_element_type3A_176, %cond3A_177 : i32
      scf.if %cond3A_178 {
        %add3A_186 = arith.constant 2 : i32
        %add3A_187 = arith.addi %while3A_51, %add3A_186 : i32
        %jit3A_188 = arith.constant 4 : i32
        %eq3A_189 = arith.constant 0 : i32
        %eq3A_190 = arith.cmpi eq, %jit3A_188, %eq3A_189 : i32
        %jit3A_191 = arith.constant 1 : i32
        %select_n3A_192 = arith.select %eq3A_190, %jit3A_191, %jit3A_188 : i32
        %rem3A_193 = arith.remsi %add3A_187, %select_n3A_192 : i32
        %ne3A_194 = arith.constant 0 : i32
        %ne3A_195 = arith.cmpi ne, %rem3A_193, %ne3A_194 : i32
        %lt3A_196 = arith.constant 0 : i32
        %lt3A_197 = arith.cmpi slt, %rem3A_193, %lt3A_196 : i32
        %lt3A_198 = arith.constant 0 : i32
        %lt3A_199 = arith.cmpi slt, %select_n3A_192, %lt3A_198 : i32
        %ne3A_200 = arith.xori %lt3A_197, %lt3A_199 : i1
        %and3A_201 = arith.andi %ne3A_200, %ne3A_195 : i1
        %add3A_202 = arith.addi %rem3A_193, %select_n3A_192 : i32
        %select_n3A_203 = arith.select %and3A_201, %add3A_202, %rem3A_193 : i32
        %mul3A_204 = arith.constant 128 : i32
        %mul3A_205 = arith.muli %add3A_187, %mul3A_204 : i32
        %add3A_206 = arith.addi %mul3A_2, %mul3A_205 : i32
        %dma_wait3A = arith.constant 0 : i32
        %dma_wait3A_207 = tpu.memref_slice %arg7[%select_n3A_203, %dma_wait3A] : memref<4x128xi32, #tpu.memory_space<vmem>> -> memref<1x128xi32, #tpu.memory_space<vmem>>
        %dma_wait3A_208 = tpu.memref_squeeze %dma_wait3A_207 : memref<1x128xi32, #tpu.memory_space<vmem>> -> memref<128xi32, #tpu.memory_space<vmem>>
        %dma_wait3A_209 = tpu.memref_slice %arg4[%add3A_206] : memref<800000xi32, #tpu.memory_space<hbm>> -> memref<128xi32, #tpu.memory_space<hbm>>
        %dma_wait3A_210 = arith.constant 0 : i32
        %dma_wait3A_211 = tpu.memref_slice %arg7[%select_n3A_203, %dma_wait3A_210] : memref<4x128xi32, #tpu.memory_space<vmem>> -> memref<1x128xi32, #tpu.memory_space<vmem>>
        %dma_wait3A_212 = tpu.memref_squeeze %dma_wait3A_211 : memref<1x128xi32, #tpu.memory_space<vmem>> -> memref<128xi32, #tpu.memory_space<vmem>>
        %dma_wait3A_213 = tpu.memref_slice %arg4[%add3A_206] : memref<800000xi32, #tpu.memory_space<hbm>> -> memref<128xi32, #tpu.memory_space<hbm>>
        tpu.wait_dma2 semaphore(%arg14 : memref<!tpu.dma_semaphore, #tpu.memory_space<semaphore_mem>>) src(%dma_wait3A_213 : memref<128xi32, #tpu.memory_space<hbm>>) dst(%dma_wait3A_212 : memref<128xi32, #tpu.memory_space<vmem>>)
        %dma_wait3A_214 = arith.constant 0 : i32
        %dma_wait3A_215 = tpu.memref_slice %arg8[%select_n3A_203, %dma_wait3A_214] : memref<4x128xi32, #tpu.memory_space<vmem>> -> memref<1x128xi32, #tpu.memory_space<vmem>>
        %dma_wait3A_216 = tpu.memref_squeeze %dma_wait3A_215 : memref<1x128xi32, #tpu.memory_space<vmem>> -> memref<128xi32, #tpu.memory_space<vmem>>
        %dma_wait3A_217 = tpu.memref_slice %arg5[%add3A_206] : memref<800000xi32, #tpu.memory_space<hbm>> -> memref<128xi32, #tpu.memory_space<hbm>>
        %dma_wait3A_218 = arith.constant 0 : i32
        %dma_wait3A_219 = tpu.memref_slice %arg8[%select_n3A_203, %dma_wait3A_218] : memref<4x128xi32, #tpu.memory_space<vmem>> -> memref<1x128xi32, #tpu.memory_space<vmem>>
        %dma_wait3A_220 = tpu.memref_squeeze %dma_wait3A_219 : memref<1x128xi32, #tpu.memory_space<vmem>> -> memref<128xi32, #tpu.memory_space<vmem>>
        %dma_wait3A_221 = tpu.memref_slice %arg5[%add3A_206] : memref<800000xi32, #tpu.memory_space<hbm>> -> memref<128xi32, #tpu.memory_space<hbm>>
        tpu.wait_dma2 semaphore(%arg14 : memref<!tpu.dma_semaphore, #tpu.memory_space<semaphore_mem>>) src(%dma_wait3A_221 : memref<128xi32, #tpu.memory_space<hbm>>) dst(%dma_wait3A_220 : memref<128xi32, #tpu.memory_space<vmem>>)
        %jit3A_222 = arith.constant 2 : i32
        %eq3A_223 = arith.constant 0 : i32
        %eq3A_224 = arith.cmpi eq, %jit3A_222, %eq3A_223 : i32
        %jit3A_225 = arith.constant 1 : i32
        %select_n3A_226 = arith.select %eq3A_224, %jit3A_225, %jit3A_222 : i32
        %rem3A_227 = arith.remsi %while3A_51, %select_n3A_226 : i32
        %ne3A_228 = arith.constant 0 : i32
        %ne3A_229 = arith.cmpi ne, %rem3A_227, %ne3A_228 : i32
        %lt3A_230 = arith.constant 0 : i32
        %lt3A_231 = arith.cmpi slt, %rem3A_227, %lt3A_230 : i32
        %lt3A_232 = arith.constant 0 : i32
        %lt3A_233 = arith.cmpi slt, %select_n3A_226, %lt3A_232 : i32
        %ne3A_234 = arith.xori %lt3A_231, %lt3A_233 : i1
        %and3A_235 = arith.andi %ne3A_234, %ne3A_229 : i1
        %add3A_236 = arith.addi %rem3A_227, %select_n3A_226 : i32
        %select_n3A_237 = arith.select %and3A_235, %add3A_236, %rem3A_227 : i32
        %eq3A_238 = arith.constant 0 : i32
        %eq3A_239 = arith.cmpi eq, %select_n3A_237, %eq3A_238 : i32
        %convert_element_type3A_240 = arith.extui %eq3A_239 : i1 to i32
        %cond3A_241 = arith.constant 0 : i32
        %cond3A_242 = arith.cmpi ne, %convert_element_type3A_240, %cond3A_241 : i32
        scf.if %cond3A_242 {
          %add3A_264 = arith.constant 2 : i32
          %add3A_265 = arith.addi %while3A_51, %add3A_264 : i32
          %jit3A_266 = arith.constant 3 : i32
          %eq3A_267 = arith.constant 0 : i32
          %eq3A_268 = arith.cmpi eq, %jit3A_266, %eq3A_267 : i32
          %jit3A_269 = arith.constant 1 : i32
          %select_n3A_270 = arith.select %eq3A_268, %jit3A_269, %jit3A_266 : i32
          %rem3A_271 = arith.remsi %add3A_265, %select_n3A_270 : i32
          %ne3A_272 = arith.constant 0 : i32
          %ne3A_273 = arith.cmpi ne, %rem3A_271, %ne3A_272 : i32
          %lt3A_274 = arith.constant 0 : i32
          %lt3A_275 = arith.cmpi slt, %rem3A_271, %lt3A_274 : i32
          %lt3A_276 = arith.constant 0 : i32
          %lt3A_277 = arith.cmpi slt, %select_n3A_270, %lt3A_276 : i32
          %ne3A_278 = arith.xori %lt3A_275, %lt3A_277 : i1
          %and3A_279 = arith.andi %ne3A_278, %ne3A_273 : i1
          %add3A_280 = arith.addi %rem3A_271, %select_n3A_270 : i32
          %select_n3A_281 = arith.select %and3A_279, %add3A_280, %rem3A_271 : i32
          %jit3A_282 = arith.constant 4 : i32
          %eq3A_283 = arith.constant 0 : i32
          %eq3A_284 = arith.cmpi eq, %jit3A_282, %eq3A_283 : i32
          %jit3A_285 = arith.constant 1 : i32
          %select_n3A_286 = arith.select %eq3A_284, %jit3A_285, %jit3A_282 : i32
          %rem3A_287 = arith.remsi %add3A_265, %select_n3A_286 : i32
          %ne3A_288 = arith.constant 0 : i32
          %ne3A_289 = arith.cmpi ne, %rem3A_287, %ne3A_288 : i32
          %lt3A_290 = arith.constant 0 : i32
          %lt3A_291 = arith.cmpi slt, %rem3A_287, %lt3A_290 : i32
          %lt3A_292 = arith.constant 0 : i32
          %lt3A_293 = arith.cmpi slt, %select_n3A_286, %lt3A_292 : i32
          %ne3A_294 = arith.xori %lt3A_291, %lt3A_293 : i1
          %and3A_295 = arith.andi %ne3A_294, %ne3A_289 : i1
          %add3A_296 = arith.addi %rem3A_287, %select_n3A_286 : i32
          %select_n3A_297 = arith.select %and3A_295, %add3A_296, %rem3A_287 : i32
          %mul3A_298 = arith.constant 128 : i32
          %mul3A_299 = arith.muli %add3A_265, %mul3A_298 : i32
          %add3A_300 = arith.addi %mul3A_2, %mul3A_299 : i32
          %dma_start3A_301 = arith.constant 0 : i32
          %dma_start3A_302 = arith.constant 0 : i32
          %dma_start3A_303 = tpu.memref_slice %arg9[%select_n3A_281, %dma_start3A_301, %dma_start3A_302] : memref<3x128x64xf32, #tpu.memory_space<vmem>> -> memref<1x128x64xf32, #tpu.memory_space<vmem>>
          %dma_start3A_304 = tpu.memref_squeeze %dma_start3A_303 : memref<1x128x64xf32, #tpu.memory_space<vmem>> -> memref<128x64xf32, #tpu.memory_space<vmem>>
          %dma_start3A_305 = arith.constant 0 : i32
          %dma_start3A_306 = tpu.memref_slice %arg7[%select_n3A_297, %dma_start3A_305] : memref<4x128xi32, #tpu.memory_space<vmem>> -> memref<1x128xi32, #tpu.memory_space<vmem>>
          %dma_start3A_307 = tpu.memref_squeeze %dma_start3A_306 : memref<1x128xi32, #tpu.memory_space<vmem>> -> memref<128xi32, #tpu.memory_space<vmem>>
          %dma_start3A_308 = arith.constant 0 : i32
          %dma_start3A_309 = arith.constant 0 : i32
          %dma_start3A_310 = tpu.memref_slice %arg2[%dma_start3A_308, %dma_start3A_309] : memref<50000x64xf32, #tpu.memory_space<hbm>> -> memref<50000x64xf32, #tpu.memory_space<hbm>>
          tpu.enqueue_indirect_dma source(%dma_start3A_310 : memref<50000x64xf32, #tpu.memory_space<hbm>>) target(%dma_start3A_304 : memref<128x64xf32, #tpu.memory_space<vmem>>) offsets(%dma_start3A_307 : memref<128xi32, #tpu.memory_space<vmem>>) semaphore(%arg15 : memref<!tpu.dma_semaphore, #tpu.memory_space<semaphore_mem>>)
          %dma_start3A_311 = arith.constant 0 : i32
          %dma_start3A_312 = arith.constant 0 : i32
          %dma_start3A_313 = tpu.memref_slice %arg10[%select_n3A_281, %dma_start3A_311, %dma_start3A_312] : memref<3x128x64xf32, #tpu.memory_space<vmem>> -> memref<1x128x64xf32, #tpu.memory_space<vmem>>
          %dma_start3A_314 = tpu.memref_squeeze %dma_start3A_313 : memref<1x128x64xf32, #tpu.memory_space<vmem>> -> memref<128x64xf32, #tpu.memory_space<vmem>>
          %dma_start3A_315 = arith.constant 0 : i32
          %dma_start3A_316 = tpu.memref_slice %arg8[%select_n3A_297, %dma_start3A_315] : memref<4x128xi32, #tpu.memory_space<vmem>> -> memref<1x128xi32, #tpu.memory_space<vmem>>
          %dma_start3A_317 = tpu.memref_squeeze %dma_start3A_316 : memref<1x128xi32, #tpu.memory_space<vmem>> -> memref<128xi32, #tpu.memory_space<vmem>>
          %dma_start3A_318 = arith.constant 0 : i32
          %dma_start3A_319 = arith.constant 0 : i32
          %dma_start3A_320 = tpu.memref_slice %arg2[%dma_start3A_318, %dma_start3A_319] : memref<50000x64xf32, #tpu.memory_space<hbm>> -> memref<50000x64xf32, #tpu.memory_space<hbm>>
          tpu.enqueue_indirect_dma source(%dma_start3A_320 : memref<50000x64xf32, #tpu.memory_space<hbm>>) target(%dma_start3A_314 : memref<128x64xf32, #tpu.memory_space<vmem>>) offsets(%dma_start3A_317 : memref<128xi32, #tpu.memory_space<vmem>>) semaphore(%arg15 : memref<!tpu.dma_semaphore, #tpu.memory_space<semaphore_mem>>)
          %dma_start3A_321 = arith.constant 0 : i32
          %dma_start3A_322 = arith.constant 0 : i32
          %dma_start3A_323 = tpu.memref_slice %arg11[%select_n3A_281, %dma_start3A_321, %dma_start3A_322] : memref<3x128x32xf32, #tpu.memory_space<vmem>> -> memref<1x128x32xf32, #tpu.memory_space<vmem>>
          %dma_start3A_324 = tpu.memref_squeeze %dma_start3A_323 : memref<1x128x32xf32, #tpu.memory_space<vmem>> -> memref<128x32xf32, #tpu.memory_space<vmem>>
          %dma_start3A_325 = arith.constant 0 : i32
          %dma_start3A_326 = tpu.memref_slice %arg3[%add3A_300, %dma_start3A_325] : memref<1600000x32xf32, #tpu.memory_space<hbm>> -> memref<128x32xf32, #tpu.memory_space<hbm>>
          %dma_start3A_327 = arith.constant 0 : i32
          %dma_start3A_328 = arith.constant 0 : i32
          %dma_start3A_329 = tpu.memref_slice %arg11[%select_n3A_281, %dma_start3A_327, %dma_start3A_328] : memref<3x128x32xf32, #tpu.memory_space<vmem>> -> memref<1x128x32xf32, #tpu.memory_space<vmem>>
          %dma_start3A_330 = tpu.memref_squeeze %dma_start3A_329 : memref<1x128x32xf32, #tpu.memory_space<vmem>> -> memref<128x32xf32, #tpu.memory_space<vmem>>
          %dma_start3A_331 = arith.constant 0 : i32
          %dma_start3A_332 = tpu.memref_slice %arg3[%add3A_300, %dma_start3A_331] : memref<1600000x32xf32, #tpu.memory_space<hbm>> -> memref<128x32xf32, #tpu.memory_space<hbm>>
          tpu.enqueue_dma source(%dma_start3A_332 : memref<128x32xf32, #tpu.memory_space<hbm>>) target(%dma_start3A_330 : memref<128x32xf32, #tpu.memory_space<vmem>>) target_semaphore(%arg15 : memref<!tpu.dma_semaphore, #tpu.memory_space<semaphore_mem>>)
          %add3A_333 = arith.constant 800000 : i32
          %add3A_334 = arith.addi %add3A_333, %add3A_300 : i32
          %dma_start3A_335 = arith.constant 0 : i32
          %dma_start3A_336 = arith.constant 0 : i32
          %dma_start3A_337 = tpu.memref_slice %arg12[%select_n3A_281, %dma_start3A_335, %dma_start3A_336] : memref<3x128x32xf32, #tpu.memory_space<vmem>> -> memref<1x128x32xf32, #tpu.memory_space<vmem>>
          %dma_start3A_338 = tpu.memref_squeeze %dma_start3A_337 : memref<1x128x32xf32, #tpu.memory_space<vmem>> -> memref<128x32xf32, #tpu.memory_space<vmem>>
          %dma_start3A_339 = arith.constant 0 : i32
          %dma_start3A_340 = tpu.memref_slice %arg3[%add3A_334, %dma_start3A_339] : memref<1600000x32xf32, #tpu.memory_space<hbm>> -> memref<128x32xf32, #tpu.memory_space<hbm>>
          %dma_start3A_341 = arith.constant 0 : i32
          %dma_start3A_342 = arith.constant 0 : i32
          %dma_start3A_343 = tpu.memref_slice %arg12[%select_n3A_281, %dma_start3A_341, %dma_start3A_342] : memref<3x128x32xf32, #tpu.memory_space<vmem>> -> memref<1x128x32xf32, #tpu.memory_space<vmem>>
          %dma_start3A_344 = tpu.memref_squeeze %dma_start3A_343 : memref<1x128x32xf32, #tpu.memory_space<vmem>> -> memref<128x32xf32, #tpu.memory_space<vmem>>
          %dma_start3A_345 = arith.constant 0 : i32
          %dma_start3A_346 = tpu.memref_slice %arg3[%add3A_334, %dma_start3A_345] : memref<1600000x32xf32, #tpu.memory_space<hbm>> -> memref<128x32xf32, #tpu.memory_space<hbm>>
          tpu.enqueue_dma source(%dma_start3A_346 : memref<128x32xf32, #tpu.memory_space<hbm>>) target(%dma_start3A_344 : memref<128x32xf32, #tpu.memory_space<vmem>>) target_semaphore(%arg15 : memref<!tpu.dma_semaphore, #tpu.memory_space<semaphore_mem>>)
        } else {
        }
        %jit3A_243 = arith.constant 2 : i32
        %eq3A_244 = arith.constant 0 : i32
        %eq3A_245 = arith.cmpi eq, %jit3A_243, %eq3A_244 : i32
        %jit3A_246 = arith.constant 1 : i32
        %select_n3A_247 = arith.select %eq3A_245, %jit3A_246, %jit3A_243 : i32
        %rem3A_248 = arith.remsi %while3A_51, %select_n3A_247 : i32
        %ne3A_249 = arith.constant 0 : i32
        %ne3A_250 = arith.cmpi ne, %rem3A_248, %ne3A_249 : i32
        %lt3A_251 = arith.constant 0 : i32
        %lt3A_252 = arith.cmpi slt, %rem3A_248, %lt3A_251 : i32
        %lt3A_253 = arith.constant 0 : i32
        %lt3A_254 = arith.cmpi slt, %select_n3A_247, %lt3A_253 : i32
        %ne3A_255 = arith.xori %lt3A_252, %lt3A_254 : i1
        %and3A_256 = arith.andi %ne3A_255, %ne3A_250 : i1
        %add3A_257 = arith.addi %rem3A_248, %select_n3A_247 : i32
        %select_n3A_258 = arith.select %and3A_256, %add3A_257, %rem3A_248 : i32
        %eq3A_259 = arith.constant 1 : i32
        %eq3A_260 = arith.cmpi eq, %select_n3A_258, %eq3A_259 : i32
        %convert_element_type3A_261 = arith.extui %eq3A_260 : i1 to i32
        %cond3A_262 = arith.constant 0 : i32
        %cond3A_263 = arith.cmpi ne, %convert_element_type3A_261, %cond3A_262 : i32
        scf.if %cond3A_263 {
          %add3A_264 = arith.constant 2 : i32
          %add3A_265 = arith.addi %while3A_51, %add3A_264 : i32
          %jit3A_266 = arith.constant 3 : i32
          %eq3A_267 = arith.constant 0 : i32
          %eq3A_268 = arith.cmpi eq, %jit3A_266, %eq3A_267 : i32
          %jit3A_269 = arith.constant 1 : i32
          %select_n3A_270 = arith.select %eq3A_268, %jit3A_269, %jit3A_266 : i32
          %rem3A_271 = arith.remsi %add3A_265, %select_n3A_270 : i32
          %ne3A_272 = arith.constant 0 : i32
          %ne3A_273 = arith.cmpi ne, %rem3A_271, %ne3A_272 : i32
          %lt3A_274 = arith.constant 0 : i32
          %lt3A_275 = arith.cmpi slt, %rem3A_271, %lt3A_274 : i32
          %lt3A_276 = arith.constant 0 : i32
          %lt3A_277 = arith.cmpi slt, %select_n3A_270, %lt3A_276 : i32
          %ne3A_278 = arith.xori %lt3A_275, %lt3A_277 : i1
          %and3A_279 = arith.andi %ne3A_278, %ne3A_273 : i1
          %add3A_280 = arith.addi %rem3A_271, %select_n3A_270 : i32
          %select_n3A_281 = arith.select %and3A_279, %add3A_280, %rem3A_271 : i32
          %jit3A_282 = arith.constant 4 : i32
          %eq3A_283 = arith.constant 0 : i32
          %eq3A_284 = arith.cmpi eq, %jit3A_282, %eq3A_283 : i32
          %jit3A_285 = arith.constant 1 : i32
          %select_n3A_286 = arith.select %eq3A_284, %jit3A_285, %jit3A_282 : i32
          %rem3A_287 = arith.remsi %add3A_265, %select_n3A_286 : i32
          %ne3A_288 = arith.constant 0 : i32
          %ne3A_289 = arith.cmpi ne, %rem3A_287, %ne3A_288 : i32
          %lt3A_290 = arith.constant 0 : i32
          %lt3A_291 = arith.cmpi slt, %rem3A_287, %lt3A_290 : i32
          %lt3A_292 = arith.constant 0 : i32
          %lt3A_293 = arith.cmpi slt, %select_n3A_286, %lt3A_292 : i32
          %ne3A_294 = arith.xori %lt3A_291, %lt3A_293 : i1
          %and3A_295 = arith.andi %ne3A_294, %ne3A_289 : i1
          %add3A_296 = arith.addi %rem3A_287, %select_n3A_286 : i32
          %select_n3A_297 = arith.select %and3A_295, %add3A_296, %rem3A_287 : i32
          %mul3A_298 = arith.constant 128 : i32
          %mul3A_299 = arith.muli %add3A_265, %mul3A_298 : i32
          %add3A_300 = arith.addi %mul3A_2, %mul3A_299 : i32
          %dma_start3A_301 = arith.constant 0 : i32
          %dma_start3A_302 = arith.constant 0 : i32
          %dma_start3A_303 = tpu.memref_slice %arg9[%select_n3A_281, %dma_start3A_301, %dma_start3A_302] : memref<3x128x64xf32, #tpu.memory_space<vmem>> -> memref<1x128x64xf32, #tpu.memory_space<vmem>>
          %dma_start3A_304 = tpu.memref_squeeze %dma_start3A_303 : memref<1x128x64xf32, #tpu.memory_space<vmem>> -> memref<128x64xf32, #tpu.memory_space<vmem>>
          %dma_start3A_305 = arith.constant 0 : i32
          %dma_start3A_306 = tpu.memref_slice %arg7[%select_n3A_297, %dma_start3A_305] : memref<4x128xi32, #tpu.memory_space<vmem>> -> memref<1x128xi32, #tpu.memory_space<vmem>>
          %dma_start3A_307 = tpu.memref_squeeze %dma_start3A_306 : memref<1x128xi32, #tpu.memory_space<vmem>> -> memref<128xi32, #tpu.memory_space<vmem>>
          %dma_start3A_308 = arith.constant 0 : i32
          %dma_start3A_309 = arith.constant 0 : i32
          %dma_start3A_310 = tpu.memref_slice %arg2[%dma_start3A_308, %dma_start3A_309] : memref<50000x64xf32, #tpu.memory_space<hbm>> -> memref<50000x64xf32, #tpu.memory_space<hbm>>
          tpu.enqueue_indirect_dma source(%dma_start3A_310 : memref<50000x64xf32, #tpu.memory_space<hbm>>) target(%dma_start3A_304 : memref<128x64xf32, #tpu.memory_space<vmem>>) offsets(%dma_start3A_307 : memref<128xi32, #tpu.memory_space<vmem>>) semaphore(%arg16 : memref<!tpu.dma_semaphore, #tpu.memory_space<semaphore_mem>>)
          %dma_start3A_311 = arith.constant 0 : i32
          %dma_start3A_312 = arith.constant 0 : i32
          %dma_start3A_313 = tpu.memref_slice %arg10[%select_n3A_281, %dma_start3A_311, %dma_start3A_312] : memref<3x128x64xf32, #tpu.memory_space<vmem>> -> memref<1x128x64xf32, #tpu.memory_space<vmem>>
          %dma_start3A_314 = tpu.memref_squeeze %dma_start3A_313 : memref<1x128x64xf32, #tpu.memory_space<vmem>> -> memref<128x64xf32, #tpu.memory_space<vmem>>
          %dma_start3A_315 = arith.constant 0 : i32
          %dma_start3A_316 = tpu.memref_slice %arg8[%select_n3A_297, %dma_start3A_315] : memref<4x128xi32, #tpu.memory_space<vmem>> -> memref<1x128xi32, #tpu.memory_space<vmem>>
          %dma_start3A_317 = tpu.memref_squeeze %dma_start3A_316 : memref<1x128xi32, #tpu.memory_space<vmem>> -> memref<128xi32, #tpu.memory_space<vmem>>
          %dma_start3A_318 = arith.constant 0 : i32
          %dma_start3A_319 = arith.constant 0 : i32
          %dma_start3A_320 = tpu.memref_slice %arg2[%dma_start3A_318, %dma_start3A_319] : memref<50000x64xf32, #tpu.memory_space<hbm>> -> memref<50000x64xf32, #tpu.memory_space<hbm>>
          tpu.enqueue_indirect_dma source(%dma_start3A_320 : memref<50000x64xf32, #tpu.memory_space<hbm>>) target(%dma_start3A_314 : memref<128x64xf32, #tpu.memory_space<vmem>>) offsets(%dma_start3A_317 : memref<128xi32, #tpu.memory_space<vmem>>) semaphore(%arg16 : memref<!tpu.dma_semaphore, #tpu.memory_space<semaphore_mem>>)
          %dma_start3A_321 = arith.constant 0 : i32
          %dma_start3A_322 = arith.constant 0 : i32
          %dma_start3A_323 = tpu.memref_slice %arg11[%select_n3A_281, %dma_start3A_321, %dma_start3A_322] : memref<3x128x32xf32, #tpu.memory_space<vmem>> -> memref<1x128x32xf32, #tpu.memory_space<vmem>>
          %dma_start3A_324 = tpu.memref_squeeze %dma_start3A_323 : memref<1x128x32xf32, #tpu.memory_space<vmem>> -> memref<128x32xf32, #tpu.memory_space<vmem>>
          %dma_start3A_325 = arith.constant 0 : i32
          %dma_start3A_326 = tpu.memref_slice %arg3[%add3A_300, %dma_start3A_325] : memref<1600000x32xf32, #tpu.memory_space<hbm>> -> memref<128x32xf32, #tpu.memory_space<hbm>>
          %dma_start3A_327 = arith.constant 0 : i32
          %dma_start3A_328 = arith.constant 0 : i32
          %dma_start3A_329 = tpu.memref_slice %arg11[%select_n3A_281, %dma_start3A_327, %dma_start3A_328] : memref<3x128x32xf32, #tpu.memory_space<vmem>> -> memref<1x128x32xf32, #tpu.memory_space<vmem>>
          %dma_start3A_330 = tpu.memref_squeeze %dma_start3A_329 : memref<1x128x32xf32, #tpu.memory_space<vmem>> -> memref<128x32xf32, #tpu.memory_space<vmem>>
          %dma_start3A_331 = arith.constant 0 : i32
          %dma_start3A_332 = tpu.memref_slice %arg3[%add3A_300, %dma_start3A_331] : memref<1600000x32xf32, #tpu.memory_space<hbm>> -> memref<128x32xf32, #tpu.memory_space<hbm>>
          tpu.enqueue_dma source(%dma_start3A_332 : memref<128x32xf32, #tpu.memory_space<hbm>>) target(%dma_start3A_330 : memref<128x32xf32, #tpu.memory_space<vmem>>) target_semaphore(%arg16 : memref<!tpu.dma_semaphore, #tpu.memory_space<semaphore_mem>>)
          %add3A_333 = arith.constant 800000 : i32
          %add3A_334 = arith.addi %add3A_333, %add3A_300 : i32
          %dma_start3A_335 = arith.constant 0 : i32
          %dma_start3A_336 = arith.constant 0 : i32
          %dma_start3A_337 = tpu.memref_slice %arg12[%select_n3A_281, %dma_start3A_335, %dma_start3A_336] : memref<3x128x32xf32, #tpu.memory_space<vmem>> -> memref<1x128x32xf32, #tpu.memory_space<vmem>>
          %dma_start3A_338 = tpu.memref_squeeze %dma_start3A_337 : memref<1x128x32xf32, #tpu.memory_space<vmem>> -> memref<128x32xf32, #tpu.memory_space<vmem>>
          %dma_start3A_339 = arith.constant 0 : i32
          %dma_start3A_340 = tpu.memref_slice %arg3[%add3A_334, %dma_start3A_339] : memref<1600000x32xf32, #tpu.memory_space<hbm>> -> memref<128x32xf32, #tpu.memory_space<hbm>>
          %dma_start3A_341 = arith.constant 0 : i32
          %dma_start3A_342 = arith.constant 0 : i32
          %dma_start3A_343 = tpu.memref_slice %arg12[%select_n3A_281, %dma_start3A_341, %dma_start3A_342] : memref<3x128x32xf32, #tpu.memory_space<vmem>> -> memref<1x128x32xf32, #tpu.memory_space<vmem>>
          %dma_start3A_344 = tpu.memref_squeeze %dma_start3A_343 : memref<1x128x32xf32, #tpu.memory_space<vmem>> -> memref<128x32xf32, #tpu.memory_space<vmem>>
          %dma_start3A_345 = arith.constant 0 : i32
          %dma_start3A_346 = tpu.memref_slice %arg3[%add3A_334, %dma_start3A_345] : memref<1600000x32xf32, #tpu.memory_space<hbm>> -> memref<128x32xf32, #tpu.memory_space<hbm>>
          tpu.enqueue_dma source(%dma_start3A_346 : memref<128x32xf32, #tpu.memory_space<hbm>>) target(%dma_start3A_344 : memref<128x32xf32, #tpu.memory_space<vmem>>) target_semaphore(%arg16 : memref<!tpu.dma_semaphore, #tpu.memory_space<semaphore_mem>>)
        } else {
        }
      } else {
      }
      %add3A_179 = arith.constant 3 : i32
      %add3A_180 = arith.addi %while3A_51, %add3A_179 : i32
      %lt3A_181 = arith.cmpi slt, %add3A_180, %select_n3A : i32
      %convert_element_type3A_182 = arith.extui %lt3A_181 : i1 to i32
      %cond3A_183 = arith.constant 0 : i32
      %cond3A_184 = arith.cmpi ne, %convert_element_type3A_182, %cond3A_183 : i32
      scf.if %cond3A_184 {
        %add3A_186 = arith.constant 3 : i32
        %add3A_187 = arith.addi %while3A_51, %add3A_186 : i32
        %jit3A_188 = arith.constant 4 : i32
        %eq3A_189 = arith.constant 0 : i32
        %eq3A_190 = arith.cmpi eq, %jit3A_188, %eq3A_189 : i32
        %jit3A_191 = arith.constant 1 : i32
        %select_n3A_192 = arith.select %eq3A_190, %jit3A_191, %jit3A_188 : i32
        %rem3A_193 = arith.remsi %add3A_187, %select_n3A_192 : i32
        %ne3A_194 = arith.constant 0 : i32
        %ne3A_195 = arith.cmpi ne, %rem3A_193, %ne3A_194 : i32
        %lt3A_196 = arith.constant 0 : i32
        %lt3A_197 = arith.cmpi slt, %rem3A_193, %lt3A_196 : i32
        %lt3A_198 = arith.constant 0 : i32
        %lt3A_199 = arith.cmpi slt, %select_n3A_192, %lt3A_198 : i32
        %ne3A_200 = arith.xori %lt3A_197, %lt3A_199 : i1
        %and3A_201 = arith.andi %ne3A_200, %ne3A_195 : i1
        %add3A_202 = arith.addi %rem3A_193, %select_n3A_192 : i32
        %select_n3A_203 = arith.select %and3A_201, %add3A_202, %rem3A_193 : i32
        %mul3A_204 = arith.constant 128 : i32
        %mul3A_205 = arith.muli %add3A_187, %mul3A_204 : i32
        %add3A_206 = arith.addi %mul3A_2, %mul3A_205 : i32
        %dma_start3A_207 = arith.constant 0 : i32
        %dma_start3A_208 = tpu.memref_slice %arg7[%select_n3A_203, %dma_start3A_207] : memref<4x128xi32, #tpu.memory_space<vmem>> -> memref<1x128xi32, #tpu.memory_space<vmem>>
        %dma_start3A_209 = tpu.memref_squeeze %dma_start3A_208 : memref<1x128xi32, #tpu.memory_space<vmem>> -> memref<128xi32, #tpu.memory_space<vmem>>
        %dma_start3A_210 = tpu.memref_slice %arg4[%add3A_206] : memref<800000xi32, #tpu.memory_space<hbm>> -> memref<128xi32, #tpu.memory_space<hbm>>
        %dma_start3A_211 = arith.constant 0 : i32
        %dma_start3A_212 = tpu.memref_slice %arg7[%select_n3A_203, %dma_start3A_211] : memref<4x128xi32, #tpu.memory_space<vmem>> -> memref<1x128xi32, #tpu.memory_space<vmem>>
        %dma_start3A_213 = tpu.memref_squeeze %dma_start3A_212 : memref<1x128xi32, #tpu.memory_space<vmem>> -> memref<128xi32, #tpu.memory_space<vmem>>
        %dma_start3A_214 = tpu.memref_slice %arg4[%add3A_206] : memref<800000xi32, #tpu.memory_space<hbm>> -> memref<128xi32, #tpu.memory_space<hbm>>
        tpu.enqueue_dma source(%dma_start3A_214 : memref<128xi32, #tpu.memory_space<hbm>>) target(%dma_start3A_213 : memref<128xi32, #tpu.memory_space<vmem>>) target_semaphore(%arg14 : memref<!tpu.dma_semaphore, #tpu.memory_space<semaphore_mem>>)
        %dma_start3A_215 = arith.constant 0 : i32
        %dma_start3A_216 = tpu.memref_slice %arg8[%select_n3A_203, %dma_start3A_215] : memref<4x128xi32, #tpu.memory_space<vmem>> -> memref<1x128xi32, #tpu.memory_space<vmem>>
        %dma_start3A_217 = tpu.memref_squeeze %dma_start3A_216 : memref<1x128xi32, #tpu.memory_space<vmem>> -> memref<128xi32, #tpu.memory_space<vmem>>
        %dma_start3A_218 = tpu.memref_slice %arg5[%add3A_206] : memref<800000xi32, #tpu.memory_space<hbm>> -> memref<128xi32, #tpu.memory_space<hbm>>
        %dma_start3A_219 = arith.constant 0 : i32
        %dma_start3A_220 = tpu.memref_slice %arg8[%select_n3A_203, %dma_start3A_219] : memref<4x128xi32, #tpu.memory_space<vmem>> -> memref<1x128xi32, #tpu.memory_space<vmem>>
        %dma_start3A_221 = tpu.memref_squeeze %dma_start3A_220 : memref<1x128xi32, #tpu.memory_space<vmem>> -> memref<128xi32, #tpu.memory_space<vmem>>
        %dma_start3A_222 = tpu.memref_slice %arg5[%add3A_206] : memref<800000xi32, #tpu.memory_space<hbm>> -> memref<128xi32, #tpu.memory_space<hbm>>
        tpu.enqueue_dma source(%dma_start3A_222 : memref<128xi32, #tpu.memory_space<hbm>>) target(%dma_start3A_221 : memref<128xi32, #tpu.memory_space<vmem>>) target_semaphore(%arg14 : memref<!tpu.dma_semaphore, #tpu.memory_space<semaphore_mem>>)
      } else {
      }
      %while3A_185 = arith.constant 0 : i32
      scf.yield %while3A_185 : i32
    }
    %while3A_44 = arith.constant 1 : i32
    %while3A_45 = scf.for %while3A_51 = %while3A_41 to %while3A_37 step %while3A_44 iter_args(%while3A_52 = %while3A_43) -> (i32)  : i32 {
      %jit3A_53 = arith.constant 3 : i32
      %eq3A = arith.constant 0 : i32
      %eq3A_54 = arith.cmpi eq, %jit3A_53, %eq3A : i32
      %jit3A_55 = arith.constant 1 : i32
      %select_n3A_56 = arith.select %eq3A_54, %jit3A_55, %jit3A_53 : i32
      %rem3A_57 = arith.remsi %while3A_51, %select_n3A_56 : i32
      %ne3A_58 = arith.constant 0 : i32
      %ne3A_59 = arith.cmpi ne, %rem3A_57, %ne3A_58 : i32
      %lt3A = arith.constant 0 : i32
      %lt3A_60 = arith.cmpi slt, %rem3A_57, %lt3A : i32
      %lt3A_61 = arith.constant 0 : i32
      %lt3A_62 = arith.cmpi slt, %select_n3A_56, %lt3A_61 : i32
      %ne3A_63 = arith.xori %lt3A_60, %lt3A_62 : i1
      %and3A_64 = arith.andi %ne3A_63, %ne3A_59 : i1
      %add3A_65 = arith.addi %rem3A_57, %select_n3A_56 : i32
      %select_n3A_66 = arith.select %and3A_64, %add3A_65, %rem3A_57 : i32
      %jit3A_67 = arith.constant 2 : i32
      %eq3A_68 = arith.constant 0 : i32
      %eq3A_69 = arith.cmpi eq, %jit3A_67, %eq3A_68 : i32
      %jit3A_70 = arith.constant 1 : i32
      %select_n3A_71 = arith.select %eq3A_69, %jit3A_70, %jit3A_67 : i32
      %rem3A_72 = arith.remsi %while3A_51, %select_n3A_71 : i32
      %ne3A_73 = arith.constant 0 : i32
      %ne3A_74 = arith.cmpi ne, %rem3A_72, %ne3A_73 : i32
      %lt3A_75 = arith.constant 0 : i32
      %lt3A_76 = arith.cmpi slt, %rem3A_72, %lt3A_75 : i32
      %lt3A_77 = arith.constant 0 : i32
      %lt3A_78 = arith.cmpi slt, %select_n3A_71, %lt3A_77 : i32
      %ne3A_79 = arith.xori %lt3A_76, %lt3A_78 : i1
      %and3A_80 = arith.andi %ne3A_79, %ne3A_74 : i1
      %add3A_81 = arith.addi %rem3A_72, %select_n3A_71 : i32
      %select_n3A_82 = arith.select %and3A_80, %add3A_81, %rem3A_72 : i32
      %eq3A_83 = arith.constant 0 : i32
      %eq3A_84 = arith.cmpi eq, %select_n3A_82, %eq3A_83 : i32
      %convert_element_type3A_85 = arith.extui %eq3A_84 : i1 to i32
      %cond3A_86 = arith.constant 0 : i32
      %cond3A_87 = arith.cmpi ne, %convert_element_type3A_85, %cond3A_86 : i32
      scf.if %cond3A_87 {
        %jit3A_186 = arith.constant 3 : i32
        %eq3A_187 = arith.constant 0 : i32
        %eq3A_188 = arith.cmpi eq, %jit3A_186, %eq3A_187 : i32
        %jit3A_189 = arith.constant 1 : i32
        %select_n3A_190 = arith.select %eq3A_188, %jit3A_189, %jit3A_186 : i32
        %rem3A_191 = arith.remsi %while3A_51, %select_n3A_190 : i32
        %ne3A_192 = arith.constant 0 : i32
        %ne3A_193 = arith.cmpi ne, %rem3A_191, %ne3A_192 : i32
        %lt3A_194 = arith.constant 0 : i32
        %lt3A_195 = arith.cmpi slt, %rem3A_191, %lt3A_194 : i32
        %lt3A_196 = arith.constant 0 : i32
        %lt3A_197 = arith.cmpi slt, %select_n3A_190, %lt3A_196 : i32
        %ne3A_198 = arith.xori %lt3A_195, %lt3A_197 : i1
        %and3A_199 = arith.andi %ne3A_198, %ne3A_193 : i1
        %add3A_200 = arith.addi %rem3A_191, %select_n3A_190 : i32
        %select_n3A_201 = arith.select %and3A_199, %add3A_200, %rem3A_191 : i32
        %jit3A_202 = arith.constant 4 : i32
        %eq3A_203 = arith.constant 0 : i32
        %eq3A_204 = arith.cmpi eq, %jit3A_202, %eq3A_203 : i32
        %jit3A_205 = arith.constant 1 : i32
        %select_n3A_206 = arith.select %eq3A_204, %jit3A_205, %jit3A_202 : i32
        %rem3A_207 = arith.remsi %while3A_51, %select_n3A_206 : i32
        %ne3A_208 = arith.constant 0 : i32
        %ne3A_209 = arith.cmpi ne, %rem3A_207, %ne3A_208 : i32
        %lt3A_210 = arith.constant 0 : i32
        %lt3A_211 = arith.cmpi slt, %rem3A_207, %lt3A_210 : i32
        %lt3A_212 = arith.constant 0 : i32
        %lt3A_213 = arith.cmpi slt, %select_n3A_206, %lt3A_212 : i32
        %ne3A_214 = arith.xori %lt3A_211, %lt3A_213 : i1
        %and3A_215 = arith.andi %ne3A_214, %ne3A_209 : i1
        %add3A_216 = arith.addi %rem3A_207, %select_n3A_206 : i32
        %select_n3A_217 = arith.select %and3A_215, %add3A_216, %rem3A_207 : i32
        %mul3A_218 = arith.constant 128 : i32
        %mul3A_219 = arith.muli %while3A_51, %mul3A_218 : i32
        %add3A_220 = arith.addi %mul3A_2, %mul3A_219 : i32
        %dma_wait3A = arith.constant 0 : i32
        %dma_wait3A_221 = arith.constant 0 : i32
        %dma_wait3A_222 = tpu.memref_slice %arg9[%select_n3A_201, %dma_wait3A, %dma_wait3A_221] : memref<3x128x64xf32, #tpu.memory_space<vmem>> -> memref<1x128x64xf32, #tpu.memory_space<vmem>>
        %dma_wait3A_223 = tpu.memref_squeeze %dma_wait3A_222 : memref<1x128x64xf32, #tpu.memory_space<vmem>> -> memref<128x64xf32, #tpu.memory_space<vmem>>
        %dma_wait3A_224 = arith.constant 0 : i32
        %dma_wait3A_225 = tpu.memref_slice %arg7[%select_n3A_217, %dma_wait3A_224] : memref<4x128xi32, #tpu.memory_space<vmem>> -> memref<1x128xi32, #tpu.memory_space<vmem>>
        %dma_wait3A_226 = tpu.memref_squeeze %dma_wait3A_225 : memref<1x128xi32, #tpu.memory_space<vmem>> -> memref<128xi32, #tpu.memory_space<vmem>>
        %dma_wait3A_227 = arith.constant 0 : i32
        %dma_wait3A_228 = arith.constant 0 : i32
        %dma_wait3A_229 = tpu.memref_slice %arg2[%dma_wait3A_227, %dma_wait3A_228] : memref<50000x64xf32, #tpu.memory_space<hbm>> -> memref<50000x64xf32, #tpu.memory_space<hbm>>
        tpu.wait_indirect_dma semaphore(%arg15 : memref<!tpu.dma_semaphore, #tpu.memory_space<semaphore_mem>>) src(%dma_wait3A_229 : memref<50000x64xf32, #tpu.memory_space<hbm>>) dst(%dma_wait3A_223 : memref<128x64xf32, #tpu.memory_space<vmem>>)
        %dma_wait3A_230 = arith.constant 0 : i32
        %dma_wait3A_231 = arith.constant 0 : i32
        %dma_wait3A_232 = tpu.memref_slice %arg10[%select_n3A_201, %dma_wait3A_230, %dma_wait3A_231] : memref<3x128x64xf32, #tpu.memory_space<vmem>> -> memref<1x128x64xf32, #tpu.memory_space<vmem>>
        %dma_wait3A_233 = tpu.memref_squeeze %dma_wait3A_232 : memref<1x128x64xf32, #tpu.memory_space<vmem>> -> memref<128x64xf32, #tpu.memory_space<vmem>>
        %dma_wait3A_234 = arith.constant 0 : i32
        %dma_wait3A_235 = tpu.memref_slice %arg8[%select_n3A_217, %dma_wait3A_234] : memref<4x128xi32, #tpu.memory_space<vmem>> -> memref<1x128xi32, #tpu.memory_space<vmem>>
        %dma_wait3A_236 = tpu.memref_squeeze %dma_wait3A_235 : memref<1x128xi32, #tpu.memory_space<vmem>> -> memref<128xi32, #tpu.memory_space<vmem>>
        %dma_wait3A_237 = arith.constant 0 : i32
        %dma_wait3A_238 = arith.constant 0 : i32
        %dma_wait3A_239 = tpu.memref_slice %arg2[%dma_wait3A_237, %dma_wait3A_238] : memref<50000x64xf32, #tpu.memory_space<hbm>> -> memref<50000x64xf32, #tpu.memory_space<hbm>>
        tpu.wait_indirect_dma semaphore(%arg15 : memref<!tpu.dma_semaphore, #tpu.memory_space<semaphore_mem>>) src(%dma_wait3A_239 : memref<50000x64xf32, #tpu.memory_space<hbm>>) dst(%dma_wait3A_233 : memref<128x64xf32, #tpu.memory_space<vmem>>)
        %dma_wait3A_240 = arith.constant 0 : i32
        %dma_wait3A_241 = arith.constant 0 : i32
        %dma_wait3A_242 = tpu.memref_slice %arg11[%select_n3A_201, %dma_wait3A_240, %dma_wait3A_241] : memref<3x128x32xf32, #tpu.memory_space<vmem>> -> memref<1x128x32xf32, #tpu.memory_space<vmem>>
        %dma_wait3A_243 = tpu.memref_squeeze %dma_wait3A_242 : memref<1x128x32xf32, #tpu.memory_space<vmem>> -> memref<128x32xf32, #tpu.memory_space<vmem>>
        %dma_wait3A_244 = arith.constant 0 : i32
        %dma_wait3A_245 = tpu.memref_slice %arg3[%add3A_220, %dma_wait3A_244] : memref<1600000x32xf32, #tpu.memory_space<hbm>> -> memref<128x32xf32, #tpu.memory_space<hbm>>
        %dma_wait3A_246 = arith.constant 0 : i32
        %dma_wait3A_247 = arith.constant 0 : i32
        %dma_wait3A_248 = tpu.memref_slice %arg11[%select_n3A_201, %dma_wait3A_246, %dma_wait3A_247] : memref<3x128x32xf32, #tpu.memory_space<vmem>> -> memref<1x128x32xf32, #tpu.memory_space<vmem>>
        %dma_wait3A_249 = tpu.memref_squeeze %dma_wait3A_248 : memref<1x128x32xf32, #tpu.memory_space<vmem>> -> memref<128x32xf32, #tpu.memory_space<vmem>>
        %dma_wait3A_250 = arith.constant 0 : i32
        %dma_wait3A_251 = tpu.memref_slice %arg3[%add3A_220, %dma_wait3A_250] : memref<1600000x32xf32, #tpu.memory_space<hbm>> -> memref<128x32xf32, #tpu.memory_space<hbm>>
        tpu.wait_dma2 semaphore(%arg15 : memref<!tpu.dma_semaphore, #tpu.memory_space<semaphore_mem>>) src(%dma_wait3A_251 : memref<128x32xf32, #tpu.memory_space<hbm>>) dst(%dma_wait3A_249 : memref<128x32xf32, #tpu.memory_space<vmem>>)
        %add3A_252 = arith.constant 800000 : i32
        %add3A_253 = arith.addi %add3A_252, %add3A_220 : i32
        %dma_wait3A_254 = arith.constant 0 : i32
        %dma_wait3A_255 = arith.constant 0 : i32
        %dma_wait3A_256 = tpu.memref_slice %arg12[%select_n3A_201, %dma_wait3A_254, %dma_wait3A_255] : memref<3x128x32xf32, #tpu.memory_space<vmem>> -> memref<1x128x32xf32, #tpu.memory_space<vmem>>
        %dma_wait3A_257 = tpu.memref_squeeze %dma_wait3A_256 : memref<1x128x32xf32, #tpu.memory_space<vmem>> -> memref<128x32xf32, #tpu.memory_space<vmem>>
        %dma_wait3A_258 = arith.constant 0 : i32
        %dma_wait3A_259 = tpu.memref_slice %arg3[%add3A_253, %dma_wait3A_258] : memref<1600000x32xf32, #tpu.memory_space<hbm>> -> memref<128x32xf32, #tpu.memory_space<hbm>>
        %dma_wait3A_260 = arith.constant 0 : i32
        %dma_wait3A_261 = arith.constant 0 : i32
        %dma_wait3A_262 = tpu.memref_slice %arg12[%select_n3A_201, %dma_wait3A_260, %dma_wait3A_261] : memref<3x128x32xf32, #tpu.memory_space<vmem>> -> memref<1x128x32xf32, #tpu.memory_space<vmem>>
        %dma_wait3A_263 = tpu.memref_squeeze %dma_wait3A_262 : memref<1x128x32xf32, #tpu.memory_space<vmem>> -> memref<128x32xf32, #tpu.memory_space<vmem>>
        %dma_wait3A_264 = arith.constant 0 : i32
        %dma_wait3A_265 = tpu.memref_slice %arg3[%add3A_253, %dma_wait3A_264] : memref<1600000x32xf32, #tpu.memory_space<hbm>> -> memref<128x32xf32, #tpu.memory_space<hbm>>
        tpu.wait_dma2 semaphore(%arg15 : memref<!tpu.dma_semaphore, #tpu.memory_space<semaphore_mem>>) src(%dma_wait3A_265 : memref<128x32xf32, #tpu.memory_space<hbm>>) dst(%dma_wait3A_263 : memref<128x32xf32, #tpu.memory_space<vmem>>)
      } else {
      }
      %jit3A_88 = arith.constant 2 : i32
      %eq3A_89 = arith.constant 0 : i32
      %eq3A_90 = arith.cmpi eq, %jit3A_88, %eq3A_89 : i32
      %jit3A_91 = arith.constant 1 : i32
      %select_n3A_92 = arith.select %eq3A_90, %jit3A_91, %jit3A_88 : i32
      %rem3A_93 = arith.remsi %while3A_51, %select_n3A_92 : i32
      %ne3A_94 = arith.constant 0 : i32
      %ne3A_95 = arith.cmpi ne, %rem3A_93, %ne3A_94 : i32
      %lt3A_96 = arith.constant 0 : i32
      %lt3A_97 = arith.cmpi slt, %rem3A_93, %lt3A_96 : i32
      %lt3A_98 = arith.constant 0 : i32
      %lt3A_99 = arith.cmpi slt, %select_n3A_92, %lt3A_98 : i32
      %ne3A_100 = arith.xori %lt3A_97, %lt3A_99 : i1
      %and3A_101 = arith.andi %ne3A_100, %ne3A_95 : i1
      %add3A_102 = arith.addi %rem3A_93, %select_n3A_92 : i32
      %select_n3A_103 = arith.select %and3A_101, %add3A_102, %rem3A_93 : i32
      %eq3A_104 = arith.constant 1 : i32
      %eq3A_105 = arith.cmpi eq, %select_n3A_103, %eq3A_104 : i32
      %convert_element_type3A_106 = arith.extui %eq3A_105 : i1 to i32
      %cond3A_107 = arith.constant 0 : i32
      %cond3A_108 = arith.cmpi ne, %convert_element_type3A_106, %cond3A_107 : i32
      scf.if %cond3A_108 {
        %jit3A_186 = arith.constant 3 : i32
        %eq3A_187 = arith.constant 0 : i32
        %eq3A_188 = arith.cmpi eq, %jit3A_186, %eq3A_187 : i32
        %jit3A_189 = arith.constant 1 : i32
        %select_n3A_190 = arith.select %eq3A_188, %jit3A_189, %jit3A_186 : i32
        %rem3A_191 = arith.remsi %while3A_51, %select_n3A_190 : i32
        %ne3A_192 = arith.constant 0 : i32
        %ne3A_193 = arith.cmpi ne, %rem3A_191, %ne3A_192 : i32
        %lt3A_194 = arith.constant 0 : i32
        %lt3A_195 = arith.cmpi slt, %rem3A_191, %lt3A_194 : i32
        %lt3A_196 = arith.constant 0 : i32
        %lt3A_197 = arith.cmpi slt, %select_n3A_190, %lt3A_196 : i32
        %ne3A_198 = arith.xori %lt3A_195, %lt3A_197 : i1
        %and3A_199 = arith.andi %ne3A_198, %ne3A_193 : i1
        %add3A_200 = arith.addi %rem3A_191, %select_n3A_190 : i32
        %select_n3A_201 = arith.select %and3A_199, %add3A_200, %rem3A_191 : i32
        %jit3A_202 = arith.constant 4 : i32
        %eq3A_203 = arith.constant 0 : i32
        %eq3A_204 = arith.cmpi eq, %jit3A_202, %eq3A_203 : i32
        %jit3A_205 = arith.constant 1 : i32
        %select_n3A_206 = arith.select %eq3A_204, %jit3A_205, %jit3A_202 : i32
        %rem3A_207 = arith.remsi %while3A_51, %select_n3A_206 : i32
        %ne3A_208 = arith.constant 0 : i32
        %ne3A_209 = arith.cmpi ne, %rem3A_207, %ne3A_208 : i32
        %lt3A_210 = arith.constant 0 : i32
        %lt3A_211 = arith.cmpi slt, %rem3A_207, %lt3A_210 : i32
        %lt3A_212 = arith.constant 0 : i32
        %lt3A_213 = arith.cmpi slt, %select_n3A_206, %lt3A_212 : i32
        %ne3A_214 = arith.xori %lt3A_211, %lt3A_213 : i1
        %and3A_215 = arith.andi %ne3A_214, %ne3A_209 : i1
        %add3A_216 = arith.addi %rem3A_207, %select_n3A_206 : i32
        %select_n3A_217 = arith.select %and3A_215, %add3A_216, %rem3A_207 : i32
        %mul3A_218 = arith.constant 128 : i32
        %mul3A_219 = arith.muli %while3A_51, %mul3A_218 : i32
        %add3A_220 = arith.addi %mul3A_2, %mul3A_219 : i32
        %dma_wait3A = arith.constant 0 : i32
        %dma_wait3A_221 = arith.constant 0 : i32
        %dma_wait3A_222 = tpu.memref_slice %arg9[%select_n3A_201, %dma_wait3A, %dma_wait3A_221] : memref<3x128x64xf32, #tpu.memory_space<vmem>> -> memref<1x128x64xf32, #tpu.memory_space<vmem>>
        %dma_wait3A_223 = tpu.memref_squeeze %dma_wait3A_222 : memref<1x128x64xf32, #tpu.memory_space<vmem>> -> memref<128x64xf32, #tpu.memory_space<vmem>>
        %dma_wait3A_224 = arith.constant 0 : i32
        %dma_wait3A_225 = tpu.memref_slice %arg7[%select_n3A_217, %dma_wait3A_224] : memref<4x128xi32, #tpu.memory_space<vmem>> -> memref<1x128xi32, #tpu.memory_space<vmem>>
        %dma_wait3A_226 = tpu.memref_squeeze %dma_wait3A_225 : memref<1x128xi32, #tpu.memory_space<vmem>> -> memref<128xi32, #tpu.memory_space<vmem>>
        %dma_wait3A_227 = arith.constant 0 : i32
        %dma_wait3A_228 = arith.constant 0 : i32
        %dma_wait3A_229 = tpu.memref_slice %arg2[%dma_wait3A_227, %dma_wait3A_228] : memref<50000x64xf32, #tpu.memory_space<hbm>> -> memref<50000x64xf32, #tpu.memory_space<hbm>>
        tpu.wait_indirect_dma semaphore(%arg16 : memref<!tpu.dma_semaphore, #tpu.memory_space<semaphore_mem>>) src(%dma_wait3A_229 : memref<50000x64xf32, #tpu.memory_space<hbm>>) dst(%dma_wait3A_223 : memref<128x64xf32, #tpu.memory_space<vmem>>)
        %dma_wait3A_230 = arith.constant 0 : i32
        %dma_wait3A_231 = arith.constant 0 : i32
        %dma_wait3A_232 = tpu.memref_slice %arg10[%select_n3A_201, %dma_wait3A_230, %dma_wait3A_231] : memref<3x128x64xf32, #tpu.memory_space<vmem>> -> memref<1x128x64xf32, #tpu.memory_space<vmem>>
        %dma_wait3A_233 = tpu.memref_squeeze %dma_wait3A_232 : memref<1x128x64xf32, #tpu.memory_space<vmem>> -> memref<128x64xf32, #tpu.memory_space<vmem>>
        %dma_wait3A_234 = arith.constant 0 : i32
        %dma_wait3A_235 = tpu.memref_slice %arg8[%select_n3A_217, %dma_wait3A_234] : memref<4x128xi32, #tpu.memory_space<vmem>> -> memref<1x128xi32, #tpu.memory_space<vmem>>
        %dma_wait3A_236 = tpu.memref_squeeze %dma_wait3A_235 : memref<1x128xi32, #tpu.memory_space<vmem>> -> memref<128xi32, #tpu.memory_space<vmem>>
        %dma_wait3A_237 = arith.constant 0 : i32
        %dma_wait3A_238 = arith.constant 0 : i32
        %dma_wait3A_239 = tpu.memref_slice %arg2[%dma_wait3A_237, %dma_wait3A_238] : memref<50000x64xf32, #tpu.memory_space<hbm>> -> memref<50000x64xf32, #tpu.memory_space<hbm>>
        tpu.wait_indirect_dma semaphore(%arg16 : memref<!tpu.dma_semaphore, #tpu.memory_space<semaphore_mem>>) src(%dma_wait3A_239 : memref<50000x64xf32, #tpu.memory_space<hbm>>) dst(%dma_wait3A_233 : memref<128x64xf32, #tpu.memory_space<vmem>>)
        %dma_wait3A_240 = arith.constant 0 : i32
        %dma_wait3A_241 = arith.constant 0 : i32
        %dma_wait3A_242 = tpu.memref_slice %arg11[%select_n3A_201, %dma_wait3A_240, %dma_wait3A_241] : memref<3x128x32xf32, #tpu.memory_space<vmem>> -> memref<1x128x32xf32, #tpu.memory_space<vmem>>
        %dma_wait3A_243 = tpu.memref_squeeze %dma_wait3A_242 : memref<1x128x32xf32, #tpu.memory_space<vmem>> -> memref<128x32xf32, #tpu.memory_space<vmem>>
        %dma_wait3A_244 = arith.constant 0 : i32
        %dma_wait3A_245 = tpu.memref_slice %arg3[%add3A_220, %dma_wait3A_244] : memref<1600000x32xf32, #tpu.memory_space<hbm>> -> memref<128x32xf32, #tpu.memory_space<hbm>>
        %dma_wait3A_246 = arith.constant 0 : i32
        %dma_wait3A_247 = arith.constant 0 : i32
        %dma_wait3A_248 = tpu.memref_slice %arg11[%select_n3A_201, %dma_wait3A_246, %dma_wait3A_247] : memref<3x128x32xf32, #tpu.memory_space<vmem>> -> memref<1x128x32xf32, #tpu.memory_space<vmem>>
        %dma_wait3A_249 = tpu.memref_squeeze %dma_wait3A_248 : memref<1x128x32xf32, #tpu.memory_space<vmem>> -> memref<128x32xf32, #tpu.memory_space<vmem>>
        %dma_wait3A_250 = arith.constant 0 : i32
        %dma_wait3A_251 = tpu.memref_slice %arg3[%add3A_220, %dma_wait3A_250] : memref<1600000x32xf32, #tpu.memory_space<hbm>> -> memref<128x32xf32, #tpu.memory_space<hbm>>
        tpu.wait_dma2 semaphore(%arg16 : memref<!tpu.dma_semaphore, #tpu.memory_space<semaphore_mem>>) src(%dma_wait3A_251 : memref<128x32xf32, #tpu.memory_space<hbm>>) dst(%dma_wait3A_249 : memref<128x32xf32, #tpu.memory_space<vmem>>)
        %add3A_252 = arith.constant 800000 : i32
        %add3A_253 = arith.addi %add3A_252, %add3A_220 : i32
        %dma_wait3A_254 = arith.constant 0 : i32
        %dma_wait3A_255 = arith.constant 0 : i32
        %dma_wait3A_256 = tpu.memref_slice %arg12[%select_n3A_201, %dma_wait3A_254, %dma_wait3A_255] : memref<3x128x32xf32, #tpu.memory_space<vmem>> -> memref<1x128x32xf32, #tpu.memory_space<vmem>>
        %dma_wait3A_257 = tpu.memref_squeeze %dma_wait3A_256 : memref<1x128x32xf32, #tpu.memory_space<vmem>> -> memref<128x32xf32, #tpu.memory_space<vmem>>
        %dma_wait3A_258 = arith.constant 0 : i32
        %dma_wait3A_259 = tpu.memref_slice %arg3[%add3A_253, %dma_wait3A_258] : memref<1600000x32xf32, #tpu.memory_space<hbm>> -> memref<128x32xf32, #tpu.memory_space<hbm>>
        %dma_wait3A_260 = arith.constant 0 : i32
        %dma_wait3A_261 = arith.constant 0 : i32
        %dma_wait3A_262 = tpu.memref_slice %arg12[%select_n3A_201, %dma_wait3A_260, %dma_wait3A_261] : memref<3x128x32xf32, #tpu.memory_space<vmem>> -> memref<1x128x32xf32, #tpu.memory_space<vmem>>
        %dma_wait3A_263 = tpu.memref_squeeze %dma_wait3A_262 : memref<1x128x32xf32, #tpu.memory_space<vmem>> -> memref<128x32xf32, #tpu.memory_space<vmem>>
        %dma_wait3A_264 = arith.constant 0 : i32
        %dma_wait3A_265 = tpu.memref_slice %arg3[%add3A_253, %dma_wait3A_264] : memref<1600000x32xf32, #tpu.memory_space<hbm>> -> memref<128x32xf32, #tpu.memory_space<hbm>>
        tpu.wait_dma2 semaphore(%arg16 : memref<!tpu.dma_semaphore, #tpu.memory_space<semaphore_mem>>) src(%dma_wait3A_265 : memref<128x32xf32, #tpu.memory_space<hbm>>) dst(%dma_wait3A_263 : memref<128x32xf32, #tpu.memory_space<vmem>>)
      } else {
      }
      %scan3A = arith.constant 0 : i32
      %scan3A_109 = arith.constant 0 : i32
      %scan3A_110 = arith.constant 128 : i32
      %scan3A_111 = arith.addi %scan3A_109, %scan3A_110 : i32
      %scan3A_112 = arith.constant 1 : i32
      %scan3A_113 = scf.for %scan3A_186 = %scan3A_109 to %scan3A_111 step %scan3A_112 iter_args(%scan3A_187 = %scan3A) -> (i32)  : i32 {
        %jit3A_188 = arith.constant 2 : i32
        %div3A_189 = arith.divsi %scan3A_186, %jit3A_188 : i32
        %sign3A_190 = arith.constant 0 : i32
        %sign3A_191 = arith.cmpi sgt, %scan3A_186, %sign3A_190 : i32
        %sign3A_192 = arith.extui %sign3A_191 : i1 to i32
        %sign3A_193 = arith.constant 0 : i32
        %sign3A_194 = arith.cmpi slt, %scan3A_186, %sign3A_193 : i32
        %sign3A_195 = arith.extui %sign3A_194 : i1 to i32
        %sign3A_196 = arith.subi %sign3A_192, %sign3A_195 : i32
        %sign3A_197 = arith.constant 0 : i32
        %sign3A_198 = arith.cmpi sgt, %jit3A_188, %sign3A_197 : i32
        %sign3A_199 = arith.extui %sign3A_198 : i1 to i32
        %sign3A_200 = arith.constant 0 : i32
        %sign3A_201 = arith.cmpi slt, %jit3A_188, %sign3A_200 : i32
        %sign3A_202 = arith.extui %sign3A_201 : i1 to i32
        %sign3A_203 = arith.subi %sign3A_199, %sign3A_202 : i32
        %ne3A_204 = arith.cmpi ne, %sign3A_196, %sign3A_203 : i32
        %rem3A_205 = arith.remsi %scan3A_186, %jit3A_188 : i32
        %ne3A_206 = arith.constant 0 : i32
        %ne3A_207 = arith.cmpi ne, %rem3A_205, %ne3A_206 : i32
        %and3A_208 = arith.andi %ne3A_204, %ne3A_207 : i1
        %sub3A_209 = arith.constant 1 : i32
        %sub3A_210 = arith.subi %div3A_189, %sub3A_209 : i32
        %select_n3A_211 = arith.select %and3A_208, %sub3A_210, %div3A_189 : i32
        %jit3A_212 = arith.constant 2 : i32
        %eq3A_213 = arith.constant 0 : i32
        %eq3A_214 = arith.cmpi eq, %jit3A_212, %eq3A_213 : i32
        %jit3A_215 = arith.constant 1 : i32
        %select_n3A_216 = arith.select %eq3A_214, %jit3A_215, %jit3A_212 : i32
        %rem3A_217 = arith.remsi %scan3A_186, %select_n3A_216 : i32
        %ne3A_218 = arith.constant 0 : i32
        %ne3A_219 = arith.cmpi ne, %rem3A_217, %ne3A_218 : i32
        %lt3A_220 = arith.constant 0 : i32
        %lt3A_221 = arith.cmpi slt, %rem3A_217, %lt3A_220 : i32
        %lt3A_222 = arith.constant 0 : i32
        %lt3A_223 = arith.cmpi slt, %select_n3A_216, %lt3A_222 : i32
        %ne3A_224 = arith.xori %lt3A_221, %lt3A_223 : i1
        %and3A_225 = arith.andi %ne3A_224, %ne3A_219 : i1
        %add3A_226 = arith.addi %rem3A_217, %select_n3A_216 : i32
        %select_n3A_227 = arith.select %and3A_225, %add3A_226, %rem3A_217 : i32
        %mul3A_228 = arith.constant 64 : i32
        %mul3A_229 = arith.muli %select_n3A_227, %mul3A_228 : i32
        %get3A = arith.index_cast %select_n3A_66 : i32 to index
        %get3A_230 = arith.index_cast %scan3A_186 : i32 to index
        %get3A_231 = arith.constant 0 : index
        %get3A_232 = tpu.vector_load %arg11[%get3A, %get3A_230, %get3A_231] {strides = array<i32>} : memref<3x128x32xf32, #tpu.memory_space<vmem>>, vector<1x1x16xf32>,
        %get3A_233 = vector.shape_cast %get3A_232 : vector<1x1x16xf32> to vector<16xf32>
        %get3A_234 = arith.index_cast %select_n3A_66 : i32 to index
        %get3A_235 = arith.index_cast %scan3A_186 : i32 to index
        %get3A_236 = arith.constant 0 : index
        %get3A_237 = tpu.vector_load %arg9[%get3A_234, %get3A_235, %get3A_236] {strides = array<i32>} : memref<3x128x64xf32, #tpu.memory_space<vmem>>, vector<1x1x16xf32>,
        %get3A_238 = vector.shape_cast %get3A_237 : vector<1x1x16xf32> to vector<16xf32>
        %get3A_239 = arith.index_cast %select_n3A_66 : i32 to index
        %get3A_240 = arith.index_cast %scan3A_186 : i32 to index
        %get3A_241 = arith.constant 0 : index
        %get3A_242 = tpu.vector_load %arg10[%get3A_239, %get3A_240, %get3A_241] {strides = array<i32>} : memref<3x128x64xf32, #tpu.memory_space<vmem>>, vector<1x1x16xf32>,
        %get3A_243 = vector.shape_cast %get3A_242 : vector<1x1x16xf32> to vector<16xf32>
        %add3A_244 = arith.addf %get3A_238, %get3A_243 : vector<16xf32>
        %add3A_245 = arith.addf %add3A_244, %get3A_233 : vector<16xf32>
        %mul3A_246 = arith.constant 0.333333343 : f32
        %mul3A_247 = vector.broadcast %mul3A_246 : f32 to vector<16xf32>
        %mul3A_248 = arith.mulf %add3A_245, %mul3A_247 : vector<16xf32>
        %add3A_249 = arith.constant 0 : i32
        %add3A_250 = arith.addi %mul3A_229, %add3A_249 : i32
        %swap3A = arith.index_cast %select_n3A_66 : i32 to index
        %swap3A_251 = arith.index_cast %select_n3A_211 : i32 to index
        %swap3A_252 = arith.index_cast %add3A_250 : i32 to index
        %swap3A_253 = tpu.vector_load %arg13[%swap3A, %swap3A_251, %swap3A_252] {strides = array<i32>} : memref<3x64x128xf32, #tpu.memory_space<vmem>>, vector<1x1x16xf32>,
        %swap3A_254 = vector.shape_cast %swap3A_253 : vector<1x1x16xf32> to vector<16xf32>
        %swap3A_255 = vector.shape_cast %mul3A_248 : vector<16xf32> to vector<1x1x16xf32>
        tpu.vector_store %arg13[%swap3A, %swap3A_251, %swap3A_252], %swap3A_255 {strides = array<i32>} : memref<3x64x128xf32, #tpu.memory_space<vmem>>, vector<1x1x16xf32>,
        %get3A_256 = arith.index_cast %select_n3A_66 : i32 to index
        %get3A_257 = arith.index_cast %scan3A_186 : i32 to index
        %get3A_258 = arith.constant 16 : index
        %get3A_259 = tpu.vector_load %arg11[%get3A_256, %get3A_257, %get3A_258] {strides = array<i32>} : memref<3x128x32xf32, #tpu.memory_space<vmem>>, vector<1x1x16xf32>,
        %get3A_260 = vector.shape_cast %get3A_259 : vector<1x1x16xf32> to vector<16xf32>
        %get3A_261 = arith.index_cast %select_n3A_66 : i32 to index
        %get3A_262 = arith.index_cast %scan3A_186 : i32 to index
        %get3A_263 = arith.constant 16 : index
        %get3A_264 = tpu.vector_load %arg9[%get3A_261, %get3A_262, %get3A_263] {strides = array<i32>} : memref<3x128x64xf32, #tpu.memory_space<vmem>>, vector<1x1x16xf32>,
        %get3A_265 = vector.shape_cast %get3A_264 : vector<1x1x16xf32> to vector<16xf32>
        %get3A_266 = arith.index_cast %select_n3A_66 : i32 to index
        %get3A_267 = arith.index_cast %scan3A_186 : i32 to index
        %get3A_268 = arith.constant 16 : index
        %get3A_269 = tpu.vector_load %arg10[%get3A_266, %get3A_267, %get3A_268] {strides = array<i32>} : memref<3x128x64xf32, #tpu.memory_space<vmem>>, vector<1x1x16xf32>,
        %get3A_270 = vector.shape_cast %get3A_269 : vector<1x1x16xf32> to vector<16xf32>
        %add3A_271 = arith.addf %get3A_265, %get3A_270 : vector<16xf32>
        %add3A_272 = arith.addf %add3A_271, %get3A_260 : vector<16xf32>
        %mul3A_273 = arith.constant 0.333333343 : f32
        %mul3A_274 = vector.broadcast %mul3A_273 : f32 to vector<16xf32>
        %mul3A_275 = arith.mulf %add3A_272, %mul3A_274 : vector<16xf32>
        %add3A_276 = arith.constant 16 : i32
        %add3A_277 = arith.addi %mul3A_229, %add3A_276 : i32
        %swap3A_278 = arith.index_cast %select_n3A_66 : i32 to index
        %swap3A_279 = arith.index_cast %select_n3A_211 : i32 to index
        %swap3A_280 = arith.index_cast %add3A_277 : i32 to index
        %swap3A_281 = tpu.vector_load %arg13[%swap3A_278, %swap3A_279, %swap3A_280] {strides = array<i32>} : memref<3x64x128xf32, #tpu.memory_space<vmem>>, vector<1x1x16xf32>,
        %swap3A_282 = vector.shape_cast %swap3A_281 : vector<1x1x16xf32> to vector<16xf32>
        %swap3A_283 = vector.shape_cast %mul3A_275 : vector<16xf32> to vector<1x1x16xf32>
        tpu.vector_store %arg13[%swap3A_278, %swap3A_279, %swap3A_280], %swap3A_283 {strides = array<i32>} : memref<3x64x128xf32, #tpu.memory_space<vmem>>, vector<1x1x16xf32>,
        %get3A_284 = arith.index_cast %select_n3A_66 : i32 to index
        %get3A_285 = arith.index_cast %scan3A_186 : i32 to index
        %get3A_286 = arith.constant 0 : index
        %get3A_287 = tpu.vector_load %arg12[%get3A_284, %get3A_285, %get3A_286] {strides = array<i32>} : memref<3x128x32xf32, #tpu.memory_space<vmem>>, vector<1x1x16xf32>,
        %get3A_288 = vector.shape_cast %get3A_287 : vector<1x1x16xf32> to vector<16xf32>
        %get3A_289 = arith.index_cast %select_n3A_66 : i32 to index
        %get3A_290 = arith.index_cast %scan3A_186 : i32 to index
        %get3A_291 = arith.constant 32 : index
        %get3A_292 = tpu.vector_load %arg9[%get3A_289, %get3A_290, %get3A_291] {strides = array<i32>} : memref<3x128x64xf32, #tpu.memory_space<vmem>>, vector<1x1x16xf32>,
        %get3A_293 = vector.shape_cast %get3A_292 : vector<1x1x16xf32> to vector<16xf32>
        %get3A_294 = arith.index_cast %select_n3A_66 : i32 to index
        %get3A_295 = arith.index_cast %scan3A_186 : i32 to index
        %get3A_296 = arith.constant 32 : index
        %get3A_297 = tpu.vector_load %arg10[%get3A_294, %get3A_295, %get3A_296] {strides = array<i32>} : memref<3x128x64xf32, #tpu.memory_space<vmem>>, vector<1x1x16xf32>,
        %get3A_298 = vector.shape_cast %get3A_297 : vector<1x1x16xf32> to vector<16xf32>
        %add3A_299 = arith.addf %get3A_293, %get3A_298 : vector<16xf32>
        %add3A_300 = arith.addf %add3A_299, %get3A_288 : vector<16xf32>
        %mul3A_301 = arith.constant 0.333333343 : f32
        %mul3A_302 = vector.broadcast %mul3A_301 : f32 to vector<16xf32>
        %mul3A_303 = arith.mulf %add3A_300, %mul3A_302 : vector<16xf32>
        %add3A_304 = arith.constant 32 : i32
        %add3A_305 = arith.addi %mul3A_229, %add3A_304 : i32
        %swap3A_306 = arith.index_cast %select_n3A_66 : i32 to index
        %swap3A_307 = arith.index_cast %select_n3A_211 : i32 to index
        %swap3A_308 = arith.index_cast %add3A_305 : i32 to index
        %swap3A_309 = tpu.vector_load %arg13[%swap3A_306, %swap3A_307, %swap3A_308] {strides = array<i32>} : memref<3x64x128xf32, #tpu.memory_space<vmem>>, vector<1x1x16xf32>,
        %swap3A_310 = vector.shape_cast %swap3A_309 : vector<1x1x16xf32> to vector<16xf32>
        %swap3A_311 = vector.shape_cast %mul3A_303 : vector<16xf32> to vector<1x1x16xf32>
        tpu.vector_store %arg13[%swap3A_306, %swap3A_307, %swap3A_308], %swap3A_311 {strides = array<i32>} : memref<3x64x128xf32, #tpu.memory_space<vmem>>, vector<1x1x16xf32>,
        %get3A_312 = arith.index_cast %select_n3A_66 : i32 to index
        %get3A_313 = arith.index_cast %scan3A_186 : i32 to index
        %get3A_314 = arith.constant 16 : index
        %get3A_315 = tpu.vector_load %arg12[%get3A_312, %get3A_313, %get3A_314] {strides = array<i32>} : memref<3x128x32xf32, #tpu.memory_space<vmem>>, vector<1x1x16xf32>,
        %get3A_316 = vector.shape_cast %get3A_315 : vector<1x1x16xf32> to vector<16xf32>
        %get3A_317 = arith.index_cast %select_n3A_66 : i32 to index
        %get3A_318 = arith.index_cast %scan3A_186 : i32 to index
        %get3A_319 = arith.constant 48 : index
        %get3A_320 = tpu.vector_load %arg9[%get3A_317, %get3A_318, %get3A_319] {strides = array<i32>} : memref<3x128x64xf32, #tpu.memory_space<vmem>>, vector<1x1x16xf32>,
        %get3A_321 = vector.shape_cast %get3A_320 : vector<1x1x16xf32> to vector<16xf32>
        %get3A_322 = arith.index_cast %select_n3A_66 : i32 to index
        %get3A_323 = arith.index_cast %scan3A_186 : i32 to index
        %get3A_324 = arith.constant 48 : index
        %get3A_325 = tpu.vector_load %arg10[%get3A_322, %get3A_323, %get3A_324] {strides = array<i32>} : memref<3x128x64xf32, #tpu.memory_space<vmem>>, vector<1x1x16xf32>,
        %get3A_326 = vector.shape_cast %get3A_325 : vector<1x1x16xf32> to vector<16xf32>
        %add3A_327 = arith.addf %get3A_321, %get3A_326 : vector<16xf32>
        %add3A_328 = arith.addf %add3A_327, %get3A_316 : vector<16xf32>
        %mul3A_329 = arith.constant 0.333333343 : f32
        %mul3A_330 = vector.broadcast %mul3A_329 : f32 to vector<16xf32>
        %mul3A_331 = arith.mulf %add3A_328, %mul3A_330 : vector<16xf32>
        %add3A_332 = arith.constant 48 : i32
        %add3A_333 = arith.addi %mul3A_229, %add3A_332 : i32
        %swap3A_334 = arith.index_cast %select_n3A_66 : i32 to index
        %swap3A_335 = arith.index_cast %select_n3A_211 : i32 to index
        %swap3A_336 = arith.index_cast %add3A_333 : i32 to index
        %swap3A_337 = tpu.vector_load %arg13[%swap3A_334, %swap3A_335, %swap3A_336] {strides = array<i32>} : memref<3x64x128xf32, #tpu.memory_space<vmem>>, vector<1x1x16xf32>,
        %swap3A_338 = vector.shape_cast %swap3A_337 : vector<1x1x16xf32> to vector<16xf32>
        %swap3A_339 = vector.shape_cast %mul3A_331 : vector<16xf32> to vector<1x1x16xf32>
        tpu.vector_store %arg13[%swap3A_334, %swap3A_335, %swap3A_336], %swap3A_339 {strides = array<i32>} : memref<3x64x128xf32, #tpu.memory_space<vmem>>, vector<1x1x16xf32>,
        %scan3A_340 = arith.constant 0 : i32
        scf.yield %scan3A_340 : i32
      }
      %scan3A_114 = arith.constant 128 : i32
      %ge3A = arith.constant 1 : i32
      %ge3A_115 = arith.cmpi sge, %while3A_51, %ge3A : i32
      %convert_element_type3A_116 = arith.extui %ge3A_115 : i1 to i32
      %cond3A_117 = arith.constant 0 : i32
      %cond3A_118 = arith.cmpi ne, %convert_element_type3A_116, %cond3A_117 : i32
      scf.if %cond3A_118 {
        %sub3A_186 = arith.constant 1 : i32
        %sub3A_187 = arith.subi %while3A_51, %sub3A_186 : i32
        %jit3A_188 = arith.constant 3 : i32
        %eq3A_189 = arith.constant 0 : i32
        %eq3A_190 = arith.cmpi eq, %jit3A_188, %eq3A_189 : i32
        %jit3A_191 = arith.constant 1 : i32
        %select_n3A_192 = arith.select %eq3A_190, %jit3A_191, %jit3A_188 : i32
        %rem3A_193 = arith.remsi %sub3A_187, %select_n3A_192 : i32
        %ne3A_194 = arith.constant 0 : i32
        %ne3A_195 = arith.cmpi ne, %rem3A_193, %ne3A_194 : i32
        %lt3A_196 = arith.constant 0 : i32
        %lt3A_197 = arith.cmpi slt, %rem3A_193, %lt3A_196 : i32
        %lt3A_198 = arith.constant 0 : i32
        %lt3A_199 = arith.cmpi slt, %select_n3A_192, %lt3A_198 : i32
        %ne3A_200 = arith.xori %lt3A_197, %lt3A_199 : i1
        %and3A_201 = arith.andi %ne3A_200, %ne3A_195 : i1
        %add3A_202 = arith.addi %rem3A_193, %select_n3A_192 : i32
        %select_n3A_203 = arith.select %and3A_201, %add3A_202, %rem3A_193 : i32
        %mul3A_204 = arith.constant 128 : i32
        %mul3A_205 = arith.muli %sub3A_187, %mul3A_204 : i32
        %add3A_206 = arith.addi %mul3A_2, %mul3A_205 : i32
        %jit3A_207 = arith.constant 2 : i32
        %div3A_208 = arith.divsi %add3A_206, %jit3A_207 : i32
        %sign3A_209 = arith.constant 0 : i32
        %sign3A_210 = arith.cmpi sgt, %add3A_206, %sign3A_209 : i32
        %sign3A_211 = arith.extui %sign3A_210 : i1 to i32
        %sign3A_212 = arith.constant 0 : i32
        %sign3A_213 = arith.cmpi slt, %add3A_206, %sign3A_212 : i32
        %sign3A_214 = arith.extui %sign3A_213 : i1 to i32
        %sign3A_215 = arith.subi %sign3A_211, %sign3A_214 : i32
        %sign3A_216 = arith.constant 0 : i32
        %sign3A_217 = arith.cmpi sgt, %jit3A_207, %sign3A_216 : i32
        %sign3A_218 = arith.extui %sign3A_217 : i1 to i32
        %sign3A_219 = arith.constant 0 : i32
        %sign3A_220 = arith.cmpi slt, %jit3A_207, %sign3A_219 : i32
        %sign3A_221 = arith.extui %sign3A_220 : i1 to i32
        %sign3A_222 = arith.subi %sign3A_218, %sign3A_221 : i32
        %ne3A_223 = arith.cmpi ne, %sign3A_215, %sign3A_222 : i32
        %rem3A_224 = arith.remsi %add3A_206, %jit3A_207 : i32
        %ne3A_225 = arith.constant 0 : i32
        %ne3A_226 = arith.cmpi ne, %rem3A_224, %ne3A_225 : i32
        %and3A_227 = arith.andi %ne3A_223, %ne3A_226 : i1
        %sub3A_228 = arith.constant 1 : i32
        %sub3A_229 = arith.subi %div3A_208, %sub3A_228 : i32
        %select_n3A_230 = arith.select %and3A_227, %sub3A_229, %div3A_208 : i32
        %dma_wait3A = arith.constant 0 : i32
        %dma_wait3A_231 = arith.constant 0 : i32
        %dma_wait3A_232 = tpu.memref_slice %arg13[%select_n3A_203, %dma_wait3A, %dma_wait3A_231] : memref<3x64x128xf32, #tpu.memory_space<vmem>> -> memref<1x64x128xf32, #tpu.memory_space<vmem>>
        %dma_wait3A_233 = tpu.memref_squeeze %dma_wait3A_232 : memref<1x64x128xf32, #tpu.memory_space<vmem>> -> memref<64x128xf32, #tpu.memory_space<vmem>>
        %dma_wait3A_234 = arith.constant 0 : i32
        %dma_wait3A_235 = tpu.memref_slice %arg6[%select_n3A_230, %dma_wait3A_234] : memref<400000x128xf32, #tpu.memory_space<hbm>> -> memref<64x128xf32, #tpu.memory_space<hbm>>
        %dma_wait3A_236 = arith.constant 0 : i32
        %dma_wait3A_237 = tpu.memref_slice %arg6[%select_n3A_230, %dma_wait3A_236] : memref<400000x128xf32, #tpu.memory_space<hbm>> -> memref<64x128xf32, #tpu.memory_space<hbm>>
        %dma_wait3A_238 = arith.constant 0 : i32
        %dma_wait3A_239 = arith.constant 0 : i32
        %dma_wait3A_240 = tpu.memref_slice %arg13[%select_n3A_203, %dma_wait3A_238, %dma_wait3A_239] : memref<3x64x128xf32, #tpu.memory_space<vmem>> -> memref<1x64x128xf32, #tpu.memory_space<vmem>>
        %dma_wait3A_241 = tpu.memref_squeeze %dma_wait3A_240 : memref<1x64x128xf32, #tpu.memory_space<vmem>> -> memref<64x128xf32, #tpu.memory_space<vmem>>
        tpu.wait_dma2 semaphore(%arg17 : memref<!tpu.dma_semaphore, #tpu.memory_space<semaphore_mem>>) src(%dma_wait3A_241 : memref<64x128xf32, #tpu.memory_space<vmem>>) dst(%dma_wait3A_237 : memref<64x128xf32, #tpu.memory_space<hbm>>)
      } else {
      }
      %jit3A_119 = arith.constant 3 : i32
      %eq3A_120 = arith.constant 0 : i32
      %eq3A_121 = arith.cmpi eq, %jit3A_119, %eq3A_120 : i32
      %jit3A_122 = arith.constant 1 : i32
      %select_n3A_123 = arith.select %eq3A_121, %jit3A_122, %jit3A_119 : i32
      %rem3A_124 = arith.remsi %while3A_51, %select_n3A_123 : i32
      %ne3A_125 = arith.constant 0 : i32
      %ne3A_126 = arith.cmpi ne, %rem3A_124, %ne3A_125 : i32
      %lt3A_127 = arith.constant 0 : i32
      %lt3A_128 = arith.cmpi slt, %rem3A_124, %lt3A_127 : i32
      %lt3A_129 = arith.constant 0 : i32
      %lt3A_130 = arith.cmpi slt, %select_n3A_123, %lt3A_129 : i32
      %ne3A_131 = arith.xori %lt3A_128, %lt3A_130 : i1
      %and3A_132 = arith.andi %ne3A_131, %ne3A_126 : i1
      %add3A_133 = arith.addi %rem3A_124, %select_n3A_123 : i32
      %select_n3A_134 = arith.select %and3A_132, %add3A_133, %rem3A_124 : i32
      %mul3A_135 = arith.constant 128 : i32
      %mul3A_136 = arith.muli %while3A_51, %mul3A_135 : i32
      %add3A_137 = arith.addi %mul3A_2, %mul3A_136 : i32
      %jit3A_138 = arith.constant 2 : i32
      %div3A_139 = arith.divsi %add3A_137, %jit3A_138 : i32
      %sign3A_140 = arith.constant 0 : i32
      %sign3A_141 = arith.cmpi sgt, %add3A_137, %sign3A_140 : i32
      %sign3A_142 = arith.extui %sign3A_141 : i1 to i32
      %sign3A_143 = arith.constant 0 : i32
      %sign3A_144 = arith.cmpi slt, %add3A_137, %sign3A_143 : i32
      %sign3A_145 = arith.extui %sign3A_144 : i1 to i32
      %sign3A_146 = arith.subi %sign3A_142, %sign3A_145 : i32
      %sign3A_147 = arith.constant 0 : i32
      %sign3A_148 = arith.cmpi sgt, %jit3A_138, %sign3A_147 : i32
      %sign3A_149 = arith.extui %sign3A_148 : i1 to i32
      %sign3A_150 = arith.constant 0 : i32
      %sign3A_151 = arith.cmpi slt, %jit3A_138, %sign3A_150 : i32
      %sign3A_152 = arith.extui %sign3A_151 : i1 to i32
      %sign3A_153 = arith.subi %sign3A_149, %sign3A_152 : i32
      %ne3A_154 = arith.cmpi ne, %sign3A_146, %sign3A_153 : i32
      %rem3A_155 = arith.remsi %add3A_137, %jit3A_138 : i32
      %ne3A_156 = arith.constant 0 : i32
      %ne3A_157 = arith.cmpi ne, %rem3A_155, %ne3A_156 : i32
      %and3A_158 = arith.andi %ne3A_154, %ne3A_157 : i1
      %sub3A_159 = arith.constant 1 : i32
      %sub3A_160 = arith.subi %div3A_139, %sub3A_159 : i32
      %select_n3A_161 = arith.select %and3A_158, %sub3A_160, %div3A_139 : i32
      %dma_start3A = arith.constant 0 : i32
      %dma_start3A_162 = arith.constant 0 : i32
      %dma_start3A_163 = tpu.memref_slice %arg13[%select_n3A_134, %dma_start3A, %dma_start3A_162] : memref<3x64x128xf32, #tpu.memory_space<vmem>> -> memref<1x64x128xf32, #tpu.memory_space<vmem>>
      %dma_start3A_164 = tpu.memref_squeeze %dma_start3A_163 : memref<1x64x128xf32, #tpu.memory_space<vmem>> -> memref<64x128xf32, #tpu.memory_space<vmem>>
      %dma_start3A_165 = arith.constant 0 : i32
      %dma_start3A_166 = tpu.memref_slice %arg6[%select_n3A_161, %dma_start3A_165] : memref<400000x128xf32, #tpu.memory_space<hbm>> -> memref<64x128xf32, #tpu.memory_space<hbm>>
      %dma_start3A_167 = arith.constant 0 : i32
      %dma_start3A_168 = tpu.memref_slice %arg6[%select_n3A_161, %dma_start3A_167] : memref<400000x128xf32, #tpu.memory_space<hbm>> -> memref<64x128xf32, #tpu.memory_space<hbm>>
      %dma_start3A_169 = arith.constant 0 : i32
      %dma_start3A_170 = arith.constant 0 : i32
      %dma_start3A_171 = tpu.memref_slice %arg13[%select_n3A_134, %dma_start3A_169, %dma_start3A_170] : memref<3x64x128xf32, #tpu.memory_space<vmem>> -> memref<1x64x128xf32, #tpu.memory_space<vmem>>
      %dma_start3A_172 = tpu.memref_squeeze %dma_start3A_171 : memref<1x64x128xf32, #tpu.memory_space<vmem>> -> memref<64x128xf32, #tpu.memory_space<vmem>>
      tpu.enqueue_dma source(%dma_start3A_172 : memref<64x128xf32, #tpu.memory_space<vmem>>) target(%dma_start3A_168 : memref<64x128xf32, #tpu.memory_space<hbm>>) target_semaphore(%arg17 : memref<!tpu.dma_semaphore, #tpu.memory_space<semaphore_mem>>)
      %add3A_173 = arith.constant 2 : i32
      %add3A_174 = arith.addi %while3A_51, %add3A_173 : i32
      %lt3A_175 = arith.cmpi slt, %add3A_174, %select_n3A : i32
      %convert_element_type3A_176 = arith.extui %lt3A_175 : i1 to i32
      %cond3A_177 = arith.constant 0 : i32
      %cond3A_178 = arith.cmpi ne, %convert_element_type3A_176, %cond3A_177 : i32
      scf.if %cond3A_178 {
        %add3A_186 = arith.constant 2 : i32
        %add3A_187 = arith.addi %while3A_51, %add3A_186 : i32
        %jit3A_188 = arith.constant 4 : i32
        %eq3A_189 = arith.constant 0 : i32
        %eq3A_190 = arith.cmpi eq, %jit3A_188, %eq3A_189 : i32
        %jit3A_191 = arith.constant 1 : i32
        %select_n3A_192 = arith.select %eq3A_190, %jit3A_191, %jit3A_188 : i32
        %rem3A_193 = arith.remsi %add3A_187, %select_n3A_192 : i32
        %ne3A_194 = arith.constant 0 : i32
        %ne3A_195 = arith.cmpi ne, %rem3A_193, %ne3A_194 : i32
        %lt3A_196 = arith.constant 0 : i32
        %lt3A_197 = arith.cmpi slt, %rem3A_193, %lt3A_196 : i32
        %lt3A_198 = arith.constant 0 : i32
        %lt3A_199 = arith.cmpi slt, %select_n3A_192, %lt3A_198 : i32
        %ne3A_200 = arith.xori %lt3A_197, %lt3A_199 : i1
        %and3A_201 = arith.andi %ne3A_200, %ne3A_195 : i1
        %add3A_202 = arith.addi %rem3A_193, %select_n3A_192 : i32
        %select_n3A_203 = arith.select %and3A_201, %add3A_202, %rem3A_193 : i32
        %mul3A_204 = arith.constant 128 : i32
        %mul3A_205 = arith.muli %add3A_187, %mul3A_204 : i32
        %add3A_206 = arith.addi %mul3A_2, %mul3A_205 : i32
        %dma_wait3A = arith.constant 0 : i32
        %dma_wait3A_207 = tpu.memref_slice %arg7[%select_n3A_203, %dma_wait3A] : memref<4x128xi32, #tpu.memory_space<vmem>> -> memref<1x128xi32, #tpu.memory_space<vmem>>
        %dma_wait3A_208 = tpu.memref_squeeze %dma_wait3A_207 : memref<1x128xi32, #tpu.memory_space<vmem>> -> memref<128xi32, #tpu.memory_space<vmem>>
        %dma_wait3A_209 = tpu.memref_slice %arg4[%add3A_206] : memref<800000xi32, #tpu.memory_space<hbm>> -> memref<128xi32, #tpu.memory_space<hbm>>
        %dma_wait3A_210 = arith.constant 0 : i32
        %dma_wait3A_211 = tpu.memref_slice %arg7[%select_n3A_203, %dma_wait3A_210] : memref<4x128xi32, #tpu.memory_space<vmem>> -> memref<1x128xi32, #tpu.memory_space<vmem>>
        %dma_wait3A_212 = tpu.memref_squeeze %dma_wait3A_211 : memref<1x128xi32, #tpu.memory_space<vmem>> -> memref<128xi32, #tpu.memory_space<vmem>>
        %dma_wait3A_213 = tpu.memref_slice %arg4[%add3A_206] : memref<800000xi32, #tpu.memory_space<hbm>> -> memref<128xi32, #tpu.memory_space<hbm>>
        tpu.wait_dma2 semaphore(%arg14 : memref<!tpu.dma_semaphore, #tpu.memory_space<semaphore_mem>>) src(%dma_wait3A_213 : memref<128xi32, #tpu.memory_space<hbm>>) dst(%dma_wait3A_212 : memref<128xi32, #tpu.memory_space<vmem>>)
        %dma_wait3A_214 = arith.constant 0 : i32
        %dma_wait3A_215 = tpu.memref_slice %arg8[%select_n3A_203, %dma_wait3A_214] : memref<4x128xi32, #tpu.memory_space<vmem>> -> memref<1x128xi32, #tpu.memory_space<vmem>>
        %dma_wait3A_216 = tpu.memref_squeeze %dma_wait3A_215 : memref<1x128xi32, #tpu.memory_space<vmem>> -> memref<128xi32, #tpu.memory_space<vmem>>
        %dma_wait3A_217 = tpu.memref_slice %arg5[%add3A_206] : memref<800000xi32, #tpu.memory_space<hbm>> -> memref<128xi32, #tpu.memory_space<hbm>>
        %dma_wait3A_218 = arith.constant 0 : i32
        %dma_wait3A_219 = tpu.memref_slice %arg8[%select_n3A_203, %dma_wait3A_218] : memref<4x128xi32, #tpu.memory_space<vmem>> -> memref<1x128xi32, #tpu.memory_space<vmem>>
        %dma_wait3A_220 = tpu.memref_squeeze %dma_wait3A_219 : memref<1x128xi32, #tpu.memory_space<vmem>> -> memref<128xi32, #tpu.memory_space<vmem>>
        %dma_wait3A_221 = tpu.memref_slice %arg5[%add3A_206] : memref<800000xi32, #tpu.memory_space<hbm>> -> memref<128xi32, #tpu.memory_space<hbm>>
        tpu.wait_dma2 semaphore(%arg14 : memref<!tpu.dma_semaphore, #tpu.memory_space<semaphore_mem>>) src(%dma_wait3A_221 : memref<128xi32, #tpu.memory_space<hbm>>) dst(%dma_wait3A_220 : memref<128xi32, #tpu.memory_space<vmem>>)
        %jit3A_222 = arith.constant 2 : i32
        %eq3A_223 = arith.constant 0 : i32
        %eq3A_224 = arith.cmpi eq, %jit3A_222, %eq3A_223 : i32
        %jit3A_225 = arith.constant 1 : i32
        %select_n3A_226 = arith.select %eq3A_224, %jit3A_225, %jit3A_222 : i32
        %rem3A_227 = arith.remsi %while3A_51, %select_n3A_226 : i32
        %ne3A_228 = arith.constant 0 : i32
        %ne3A_229 = arith.cmpi ne, %rem3A_227, %ne3A_228 : i32
        %lt3A_230 = arith.constant 0 : i32
        %lt3A_231 = arith.cmpi slt, %rem3A_227, %lt3A_230 : i32
        %lt3A_232 = arith.constant 0 : i32
        %lt3A_233 = arith.cmpi slt, %select_n3A_226, %lt3A_232 : i32
        %ne3A_234 = arith.xori %lt3A_231, %lt3A_233 : i1
        %and3A_235 = arith.andi %ne3A_234, %ne3A_229 : i1
        %add3A_236 = arith.addi %rem3A_227, %select_n3A_226 : i32
        %select_n3A_237 = arith.select %and3A_235, %add3A_236, %rem3A_227 : i32
        %eq3A_238 = arith.constant 0 : i32
        %eq3A_239 = arith.cmpi eq, %select_n3A_237, %eq3A_238 : i32
        %convert_element_type3A_240 = arith.extui %eq3A_239 : i1 to i32
        %cond3A_241 = arith.constant 0 : i32
        %cond3A_242 = arith.cmpi ne, %convert_element_type3A_240, %cond3A_241 : i32
        scf.if %cond3A_242 {
          %add3A_264 = arith.constant 2 : i32
          %add3A_265 = arith.addi %while3A_51, %add3A_264 : i32
          %jit3A_266 = arith.constant 3 : i32
          %eq3A_267 = arith.constant 0 : i32
          %eq3A_268 = arith.cmpi eq, %jit3A_266, %eq3A_267 : i32
          %jit3A_269 = arith.constant 1 : i32
          %select_n3A_270 = arith.select %eq3A_268, %jit3A_269, %jit3A_266 : i32
          %rem3A_271 = arith.remsi %add3A_265, %select_n3A_270 : i32
          %ne3A_272 = arith.constant 0 : i32
          %ne3A_273 = arith.cmpi ne, %rem3A_271, %ne3A_272 : i32
          %lt3A_274 = arith.constant 0 : i32
          %lt3A_275 = arith.cmpi slt, %rem3A_271, %lt3A_274 : i32
          %lt3A_276 = arith.constant 0 : i32
          %lt3A_277 = arith.cmpi slt, %select_n3A_270, %lt3A_276 : i32
          %ne3A_278 = arith.xori %lt3A_275, %lt3A_277 : i1
          %and3A_279 = arith.andi %ne3A_278, %ne3A_273 : i1
          %add3A_280 = arith.addi %rem3A_271, %select_n3A_270 : i32
          %select_n3A_281 = arith.select %and3A_279, %add3A_280, %rem3A_271 : i32
          %jit3A_282 = arith.constant 4 : i32
          %eq3A_283 = arith.constant 0 : i32
          %eq3A_284 = arith.cmpi eq, %jit3A_282, %eq3A_283 : i32
          %jit3A_285 = arith.constant 1 : i32
          %select_n3A_286 = arith.select %eq3A_284, %jit3A_285, %jit3A_282 : i32
          %rem3A_287 = arith.remsi %add3A_265, %select_n3A_286 : i32
          %ne3A_288 = arith.constant 0 : i32
          %ne3A_289 = arith.cmpi ne, %rem3A_287, %ne3A_288 : i32
          %lt3A_290 = arith.constant 0 : i32
          %lt3A_291 = arith.cmpi slt, %rem3A_287, %lt3A_290 : i32
          %lt3A_292 = arith.constant 0 : i32
          %lt3A_293 = arith.cmpi slt, %select_n3A_286, %lt3A_292 : i32
          %ne3A_294 = arith.xori %lt3A_291, %lt3A_293 : i1
          %and3A_295 = arith.andi %ne3A_294, %ne3A_289 : i1
          %add3A_296 = arith.addi %rem3A_287, %select_n3A_286 : i32
          %select_n3A_297 = arith.select %and3A_295, %add3A_296, %rem3A_287 : i32
          %mul3A_298 = arith.constant 128 : i32
          %mul3A_299 = arith.muli %add3A_265, %mul3A_298 : i32
          %add3A_300 = arith.addi %mul3A_2, %mul3A_299 : i32
          %dma_start3A_301 = arith.constant 0 : i32
          %dma_start3A_302 = arith.constant 0 : i32
          %dma_start3A_303 = tpu.memref_slice %arg9[%select_n3A_281, %dma_start3A_301, %dma_start3A_302] : memref<3x128x64xf32, #tpu.memory_space<vmem>> -> memref<1x128x64xf32, #tpu.memory_space<vmem>>
          %dma_start3A_304 = tpu.memref_squeeze %dma_start3A_303 : memref<1x128x64xf32, #tpu.memory_space<vmem>> -> memref<128x64xf32, #tpu.memory_space<vmem>>
          %dma_start3A_305 = arith.constant 0 : i32
          %dma_start3A_306 = tpu.memref_slice %arg7[%select_n3A_297, %dma_start3A_305] : memref<4x128xi32, #tpu.memory_space<vmem>> -> memref<1x128xi32, #tpu.memory_space<vmem>>
          %dma_start3A_307 = tpu.memref_squeeze %dma_start3A_306 : memref<1x128xi32, #tpu.memory_space<vmem>> -> memref<128xi32, #tpu.memory_space<vmem>>
          %dma_start3A_308 = arith.constant 0 : i32
          %dma_start3A_309 = arith.constant 0 : i32
          %dma_start3A_310 = tpu.memref_slice %arg2[%dma_start3A_308, %dma_start3A_309] : memref<50000x64xf32, #tpu.memory_space<hbm>> -> memref<50000x64xf32, #tpu.memory_space<hbm>>
          tpu.enqueue_indirect_dma source(%dma_start3A_310 : memref<50000x64xf32, #tpu.memory_space<hbm>>) target(%dma_start3A_304 : memref<128x64xf32, #tpu.memory_space<vmem>>) offsets(%dma_start3A_307 : memref<128xi32, #tpu.memory_space<vmem>>) semaphore(%arg15 : memref<!tpu.dma_semaphore, #tpu.memory_space<semaphore_mem>>)
          %dma_start3A_311 = arith.constant 0 : i32
          %dma_start3A_312 = arith.constant 0 : i32
          %dma_start3A_313 = tpu.memref_slice %arg10[%select_n3A_281, %dma_start3A_311, %dma_start3A_312] : memref<3x128x64xf32, #tpu.memory_space<vmem>> -> memref<1x128x64xf32, #tpu.memory_space<vmem>>
          %dma_start3A_314 = tpu.memref_squeeze %dma_start3A_313 : memref<1x128x64xf32, #tpu.memory_space<vmem>> -> memref<128x64xf32, #tpu.memory_space<vmem>>
          %dma_start3A_315 = arith.constant 0 : i32
          %dma_start3A_316 = tpu.memref_slice %arg8[%select_n3A_297, %dma_start3A_315] : memref<4x128xi32, #tpu.memory_space<vmem>> -> memref<1x128xi32, #tpu.memory_space<vmem>>
          %dma_start3A_317 = tpu.memref_squeeze %dma_start3A_316 : memref<1x128xi32, #tpu.memory_space<vmem>> -> memref<128xi32, #tpu.memory_space<vmem>>
          %dma_start3A_318 = arith.constant 0 : i32
          %dma_start3A_319 = arith.constant 0 : i32
          %dma_start3A_320 = tpu.memref_slice %arg2[%dma_start3A_318, %dma_start3A_319] : memref<50000x64xf32, #tpu.memory_space<hbm>> -> memref<50000x64xf32, #tpu.memory_space<hbm>>
          tpu.enqueue_indirect_dma source(%dma_start3A_320 : memref<50000x64xf32, #tpu.memory_space<hbm>>) target(%dma_start3A_314 : memref<128x64xf32, #tpu.memory_space<vmem>>) offsets(%dma_start3A_317 : memref<128xi32, #tpu.memory_space<vmem>>) semaphore(%arg15 : memref<!tpu.dma_semaphore, #tpu.memory_space<semaphore_mem>>)
          %dma_start3A_321 = arith.constant 0 : i32
          %dma_start3A_322 = arith.constant 0 : i32
          %dma_start3A_323 = tpu.memref_slice %arg11[%select_n3A_281, %dma_start3A_321, %dma_start3A_322] : memref<3x128x32xf32, #tpu.memory_space<vmem>> -> memref<1x128x32xf32, #tpu.memory_space<vmem>>
          %dma_start3A_324 = tpu.memref_squeeze %dma_start3A_323 : memref<1x128x32xf32, #tpu.memory_space<vmem>> -> memref<128x32xf32, #tpu.memory_space<vmem>>
          %dma_start3A_325 = arith.constant 0 : i32
          %dma_start3A_326 = tpu.memref_slice %arg3[%add3A_300, %dma_start3A_325] : memref<1600000x32xf32, #tpu.memory_space<hbm>> -> memref<128x32xf32, #tpu.memory_space<hbm>>
          %dma_start3A_327 = arith.constant 0 : i32
          %dma_start3A_328 = arith.constant 0 : i32
          %dma_start3A_329 = tpu.memref_slice %arg11[%select_n3A_281, %dma_start3A_327, %dma_start3A_328] : memref<3x128x32xf32, #tpu.memory_space<vmem>> -> memref<1x128x32xf32, #tpu.memory_space<vmem>>
          %dma_start3A_330 = tpu.memref_squeeze %dma_start3A_329 : memref<1x128x32xf32, #tpu.memory_space<vmem>> -> memref<128x32xf32, #tpu.memory_space<vmem>>
          %dma_start3A_331 = arith.constant 0 : i32
          %dma_start3A_332 = tpu.memref_slice %arg3[%add3A_300, %dma_start3A_331] : memref<1600000x32xf32, #tpu.memory_space<hbm>> -> memref<128x32xf32, #tpu.memory_space<hbm>>
          tpu.enqueue_dma source(%dma_start3A_332 : memref<128x32xf32, #tpu.memory_space<hbm>>) target(%dma_start3A_330 : memref<128x32xf32, #tpu.memory_space<vmem>>) target_semaphore(%arg15 : memref<!tpu.dma_semaphore, #tpu.memory_space<semaphore_mem>>)
          %add3A_333 = arith.constant 800000 : i32
          %add3A_334 = arith.addi %add3A_333, %add3A_300 : i32
          %dma_start3A_335 = arith.constant 0 : i32
          %dma_start3A_336 = arith.constant 0 : i32
          %dma_start3A_337 = tpu.memref_slice %arg12[%select_n3A_281, %dma_start3A_335, %dma_start3A_336] : memref<3x128x32xf32, #tpu.memory_space<vmem>> -> memref<1x128x32xf32, #tpu.memory_space<vmem>>
          %dma_start3A_338 = tpu.memref_squeeze %dma_start3A_337 : memref<1x128x32xf32, #tpu.memory_space<vmem>> -> memref<128x32xf32, #tpu.memory_space<vmem>>
          %dma_start3A_339 = arith.constant 0 : i32
          %dma_start3A_340 = tpu.memref_slice %arg3[%add3A_334, %dma_start3A_339] : memref<1600000x32xf32, #tpu.memory_space<hbm>> -> memref<128x32xf32, #tpu.memory_space<hbm>>
          %dma_start3A_341 = arith.constant 0 : i32
          %dma_start3A_342 = arith.constant 0 : i32
          %dma_start3A_343 = tpu.memref_slice %arg12[%select_n3A_281, %dma_start3A_341, %dma_start3A_342] : memref<3x128x32xf32, #tpu.memory_space<vmem>> -> memref<1x128x32xf32, #tpu.memory_space<vmem>>
          %dma_start3A_344 = tpu.memref_squeeze %dma_start3A_343 : memref<1x128x32xf32, #tpu.memory_space<vmem>> -> memref<128x32xf32, #tpu.memory_space<vmem>>
          %dma_start3A_345 = arith.constant 0 : i32
          %dma_start3A_346 = tpu.memref_slice %arg3[%add3A_334, %dma_start3A_345] : memref<1600000x32xf32, #tpu.memory_space<hbm>> -> memref<128x32xf32, #tpu.memory_space<hbm>>
          tpu.enqueue_dma source(%dma_start3A_346 : memref<128x32xf32, #tpu.memory_space<hbm>>) target(%dma_start3A_344 : memref<128x32xf32, #tpu.memory_space<vmem>>) target_semaphore(%arg15 : memref<!tpu.dma_semaphore, #tpu.memory_space<semaphore_mem>>)
        } else {
        }
        %jit3A_243 = arith.constant 2 : i32
        %eq3A_244 = arith.constant 0 : i32
        %eq3A_245 = arith.cmpi eq, %jit3A_243, %eq3A_244 : i32
        %jit3A_246 = arith.constant 1 : i32
        %select_n3A_247 = arith.select %eq3A_245, %jit3A_246, %jit3A_243 : i32
        %rem3A_248 = arith.remsi %while3A_51, %select_n3A_247 : i32
        %ne3A_249 = arith.constant 0 : i32
        %ne3A_250 = arith.cmpi ne, %rem3A_248, %ne3A_249 : i32
        %lt3A_251 = arith.constant 0 : i32
        %lt3A_252 = arith.cmpi slt, %rem3A_248, %lt3A_251 : i32
        %lt3A_253 = arith.constant 0 : i32
        %lt3A_254 = arith.cmpi slt, %select_n3A_247, %lt3A_253 : i32
        %ne3A_255 = arith.xori %lt3A_252, %lt3A_254 : i1
        %and3A_256 = arith.andi %ne3A_255, %ne3A_250 : i1
        %add3A_257 = arith.addi %rem3A_248, %select_n3A_247 : i32
        %select_n3A_258 = arith.select %and3A_256, %add3A_257, %rem3A_248 : i32
        %eq3A_259 = arith.constant 1 : i32
        %eq3A_260 = arith.cmpi eq, %select_n3A_258, %eq3A_259 : i32
        %convert_element_type3A_261 = arith.extui %eq3A_260 : i1 to i32
        %cond3A_262 = arith.constant 0 : i32
        %cond3A_263 = arith.cmpi ne, %convert_element_type3A_261, %cond3A_262 : i32
        scf.if %cond3A_263 {
          %add3A_264 = arith.constant 2 : i32
          %add3A_265 = arith.addi %while3A_51, %add3A_264 : i32
          %jit3A_266 = arith.constant 3 : i32
          %eq3A_267 = arith.constant 0 : i32
          %eq3A_268 = arith.cmpi eq, %jit3A_266, %eq3A_267 : i32
          %jit3A_269 = arith.constant 1 : i32
          %select_n3A_270 = arith.select %eq3A_268, %jit3A_269, %jit3A_266 : i32
          %rem3A_271 = arith.remsi %add3A_265, %select_n3A_270 : i32
          %ne3A_272 = arith.constant 0 : i32
          %ne3A_273 = arith.cmpi ne, %rem3A_271, %ne3A_272 : i32
          %lt3A_274 = arith.constant 0 : i32
          %lt3A_275 = arith.cmpi slt, %rem3A_271, %lt3A_274 : i32
          %lt3A_276 = arith.constant 0 : i32
          %lt3A_277 = arith.cmpi slt, %select_n3A_270, %lt3A_276 : i32
          %ne3A_278 = arith.xori %lt3A_275, %lt3A_277 : i1
          %and3A_279 = arith.andi %ne3A_278, %ne3A_273 : i1
          %add3A_280 = arith.addi %rem3A_271, %select_n3A_270 : i32
          %select_n3A_281 = arith.select %and3A_279, %add3A_280, %rem3A_271 : i32
          %jit3A_282 = arith.constant 4 : i32
          %eq3A_283 = arith.constant 0 : i32
          %eq3A_284 = arith.cmpi eq, %jit3A_282, %eq3A_283 : i32
          %jit3A_285 = arith.constant 1 : i32
          %select_n3A_286 = arith.select %eq3A_284, %jit3A_285, %jit3A_282 : i32
          %rem3A_287 = arith.remsi %add3A_265, %select_n3A_286 : i32
          %ne3A_288 = arith.constant 0 : i32
          %ne3A_289 = arith.cmpi ne, %rem3A_287, %ne3A_288 : i32
          %lt3A_290 = arith.constant 0 : i32
          %lt3A_291 = arith.cmpi slt, %rem3A_287, %lt3A_290 : i32
          %lt3A_292 = arith.constant 0 : i32
          %lt3A_293 = arith.cmpi slt, %select_n3A_286, %lt3A_292 : i32
          %ne3A_294 = arith.xori %lt3A_291, %lt3A_293 : i1
          %and3A_295 = arith.andi %ne3A_294, %ne3A_289 : i1
          %add3A_296 = arith.addi %rem3A_287, %select_n3A_286 : i32
          %select_n3A_297 = arith.select %and3A_295, %add3A_296, %rem3A_287 : i32
          %mul3A_298 = arith.constant 128 : i32
          %mul3A_299 = arith.muli %add3A_265, %mul3A_298 : i32
          %add3A_300 = arith.addi %mul3A_2, %mul3A_299 : i32
          %dma_start3A_301 = arith.constant 0 : i32
          %dma_start3A_302 = arith.constant 0 : i32
          %dma_start3A_303 = tpu.memref_slice %arg9[%select_n3A_281, %dma_start3A_301, %dma_start3A_302] : memref<3x128x64xf32, #tpu.memory_space<vmem>> -> memref<1x128x64xf32, #tpu.memory_space<vmem>>
          %dma_start3A_304 = tpu.memref_squeeze %dma_start3A_303 : memref<1x128x64xf32, #tpu.memory_space<vmem>> -> memref<128x64xf32, #tpu.memory_space<vmem>>
          %dma_start3A_305 = arith.constant 0 : i32
          %dma_start3A_306 = tpu.memref_slice %arg7[%select_n3A_297, %dma_start3A_305] : memref<4x128xi32, #tpu.memory_space<vmem>> -> memref<1x128xi32, #tpu.memory_space<vmem>>
          %dma_start3A_307 = tpu.memref_squeeze %dma_start3A_306 : memref<1x128xi32, #tpu.memory_space<vmem>> -> memref<128xi32, #tpu.memory_space<vmem>>
          %dma_start3A_308 = arith.constant 0 : i32
          %dma_start3A_309 = arith.constant 0 : i32
          %dma_start3A_310 = tpu.memref_slice %arg2[%dma_start3A_308, %dma_start3A_309] : memref<50000x64xf32, #tpu.memory_space<hbm>> -> memref<50000x64xf32, #tpu.memory_space<hbm>>
          tpu.enqueue_indirect_dma source(%dma_start3A_310 : memref<50000x64xf32, #tpu.memory_space<hbm>>) target(%dma_start3A_304 : memref<128x64xf32, #tpu.memory_space<vmem>>) offsets(%dma_start3A_307 : memref<128xi32, #tpu.memory_space<vmem>>) semaphore(%arg16 : memref<!tpu.dma_semaphore, #tpu.memory_space<semaphore_mem>>)
          %dma_start3A_311 = arith.constant 0 : i32
          %dma_start3A_312 = arith.constant 0 : i32
          %dma_start3A_313 = tpu.memref_slice %arg10[%select_n3A_281, %dma_start3A_311, %dma_start3A_312] : memref<3x128x64xf32, #tpu.memory_space<vmem>> -> memref<1x128x64xf32, #tpu.memory_space<vmem>>
          %dma_start3A_314 = tpu.memref_squeeze %dma_start3A_313 : memref<1x128x64xf32, #tpu.memory_space<vmem>> -> memref<128x64xf32, #tpu.memory_space<vmem>>
          %dma_start3A_315 = arith.constant 0 : i32
          %dma_start3A_316 = tpu.memref_slice %arg8[%select_n3A_297, %dma_start3A_315] : memref<4x128xi32, #tpu.memory_space<vmem>> -> memref<1x128xi32, #tpu.memory_space<vmem>>
          %dma_start3A_317 = tpu.memref_squeeze %dma_start3A_316 : memref<1x128xi32, #tpu.memory_space<vmem>> -> memref<128xi32, #tpu.memory_space<vmem>>
          %dma_start3A_318 = arith.constant 0 : i32
          %dma_start3A_319 = arith.constant 0 : i32
          %dma_start3A_320 = tpu.memref_slice %arg2[%dma_start3A_318, %dma_start3A_319] : memref<50000x64xf32, #tpu.memory_space<hbm>> -> memref<50000x64xf32, #tpu.memory_space<hbm>>
          tpu.enqueue_indirect_dma source(%dma_start3A_320 : memref<50000x64xf32, #tpu.memory_space<hbm>>) target(%dma_start3A_314 : memref<128x64xf32, #tpu.memory_space<vmem>>) offsets(%dma_start3A_317 : memref<128xi32, #tpu.memory_space<vmem>>) semaphore(%arg16 : memref<!tpu.dma_semaphore, #tpu.memory_space<semaphore_mem>>)
          %dma_start3A_321 = arith.constant 0 : i32
          %dma_start3A_322 = arith.constant 0 : i32
          %dma_start3A_323 = tpu.memref_slice %arg11[%select_n3A_281, %dma_start3A_321, %dma_start3A_322] : memref<3x128x32xf32, #tpu.memory_space<vmem>> -> memref<1x128x32xf32, #tpu.memory_space<vmem>>
          %dma_start3A_324 = tpu.memref_squeeze %dma_start3A_323 : memref<1x128x32xf32, #tpu.memory_space<vmem>> -> memref<128x32xf32, #tpu.memory_space<vmem>>
          %dma_start3A_325 = arith.constant 0 : i32
          %dma_start3A_326 = tpu.memref_slice %arg3[%add3A_300, %dma_start3A_325] : memref<1600000x32xf32, #tpu.memory_space<hbm>> -> memref<128x32xf32, #tpu.memory_space<hbm>>
          %dma_start3A_327 = arith.constant 0 : i32
          %dma_start3A_328 = arith.constant 0 : i32
          %dma_start3A_329 = tpu.memref_slice %arg11[%select_n3A_281, %dma_start3A_327, %dma_start3A_328] : memref<3x128x32xf32, #tpu.memory_space<vmem>> -> memref<1x128x32xf32, #tpu.memory_space<vmem>>
          %dma_start3A_330 = tpu.memref_squeeze %dma_start3A_329 : memref<1x128x32xf32, #tpu.memory_space<vmem>> -> memref<128x32xf32, #tpu.memory_space<vmem>>
          %dma_start3A_331 = arith.constant 0 : i32
          %dma_start3A_332 = tpu.memref_slice %arg3[%add3A_300, %dma_start3A_331] : memref<1600000x32xf32, #tpu.memory_space<hbm>> -> memref<128x32xf32, #tpu.memory_space<hbm>>
          tpu.enqueue_dma source(%dma_start3A_332 : memref<128x32xf32, #tpu.memory_space<hbm>>) target(%dma_start3A_330 : memref<128x32xf32, #tpu.memory_space<vmem>>) target_semaphore(%arg16 : memref<!tpu.dma_semaphore, #tpu.memory_space<semaphore_mem>>)
          %add3A_333 = arith.constant 800000 : i32
          %add3A_334 = arith.addi %add3A_333, %add3A_300 : i32
          %dma_start3A_335 = arith.constant 0 : i32
          %dma_start3A_336 = arith.constant 0 : i32
          %dma_start3A_337 = tpu.memref_slice %arg12[%select_n3A_281, %dma_start3A_335, %dma_start3A_336] : memref<3x128x32xf32, #tpu.memory_space<vmem>> -> memref<1x128x32xf32, #tpu.memory_space<vmem>>
          %dma_start3A_338 = tpu.memref_squeeze %dma_start3A_337 : memref<1x128x32xf32, #tpu.memory_space<vmem>> -> memref<128x32xf32, #tpu.memory_space<vmem>>
          %dma_start3A_339 = arith.constant 0 : i32
          %dma_start3A_340 = tpu.memref_slice %arg3[%add3A_334, %dma_start3A_339] : memref<1600000x32xf32, #tpu.memory_space<hbm>> -> memref<128x32xf32, #tpu.memory_space<hbm>>
          %dma_start3A_341 = arith.constant 0 : i32
          %dma_start3A_342 = arith.constant 0 : i32
          %dma_start3A_343 = tpu.memref_slice %arg12[%select_n3A_281, %dma_start3A_341, %dma_start3A_342] : memref<3x128x32xf32, #tpu.memory_space<vmem>> -> memref<1x128x32xf32, #tpu.memory_space<vmem>>
          %dma_start3A_344 = tpu.memref_squeeze %dma_start3A_343 : memref<1x128x32xf32, #tpu.memory_space<vmem>> -> memref<128x32xf32, #tpu.memory_space<vmem>>
          %dma_start3A_345 = arith.constant 0 : i32
          %dma_start3A_346 = tpu.memref_slice %arg3[%add3A_334, %dma_start3A_345] : memref<1600000x32xf32, #tpu.memory_space<hbm>> -> memref<128x32xf32, #tpu.memory_space<hbm>>
          tpu.enqueue_dma source(%dma_start3A_346 : memref<128x32xf32, #tpu.memory_space<hbm>>) target(%dma_start3A_344 : memref<128x32xf32, #tpu.memory_space<vmem>>) target_semaphore(%arg16 : memref<!tpu.dma_semaphore, #tpu.memory_space<semaphore_mem>>)
        } else {
        }
      } else {
      }
      %add3A_179 = arith.constant 3 : i32
      %add3A_180 = arith.addi %while3A_51, %add3A_179 : i32
      %lt3A_181 = arith.cmpi slt, %add3A_180, %select_n3A : i32
      %convert_element_type3A_182 = arith.extui %lt3A_181 : i1 to i32
      %cond3A_183 = arith.constant 0 : i32
      %cond3A_184 = arith.cmpi ne, %convert_element_type3A_182, %cond3A_183 : i32
      scf.if %cond3A_184 {
        %add3A_186 = arith.constant 3 : i32
        %add3A_187 = arith.addi %while3A_51, %add3A_186 : i32
        %jit3A_188 = arith.constant 4 : i32
        %eq3A_189 = arith.constant 0 : i32
        %eq3A_190 = arith.cmpi eq, %jit3A_188, %eq3A_189 : i32
        %jit3A_191 = arith.constant 1 : i32
        %select_n3A_192 = arith.select %eq3A_190, %jit3A_191, %jit3A_188 : i32
        %rem3A_193 = arith.remsi %add3A_187, %select_n3A_192 : i32
        %ne3A_194 = arith.constant 0 : i32
        %ne3A_195 = arith.cmpi ne, %rem3A_193, %ne3A_194 : i32
        %lt3A_196 = arith.constant 0 : i32
        %lt3A_197 = arith.cmpi slt, %rem3A_193, %lt3A_196 : i32
        %lt3A_198 = arith.constant 0 : i32
        %lt3A_199 = arith.cmpi slt, %select_n3A_192, %lt3A_198 : i32
        %ne3A_200 = arith.xori %lt3A_197, %lt3A_199 : i1
        %and3A_201 = arith.andi %ne3A_200, %ne3A_195 : i1
        %add3A_202 = arith.addi %rem3A_193, %select_n3A_192 : i32
        %select_n3A_203 = arith.select %and3A_201, %add3A_202, %rem3A_193 : i32
        %mul3A_204 = arith.constant 128 : i32
        %mul3A_205 = arith.muli %add3A_187, %mul3A_204 : i32
        %add3A_206 = arith.addi %mul3A_2, %mul3A_205 : i32
        %dma_start3A_207 = arith.constant 0 : i32
        %dma_start3A_208 = tpu.memref_slice %arg7[%select_n3A_203, %dma_start3A_207] : memref<4x128xi32, #tpu.memory_space<vmem>> -> memref<1x128xi32, #tpu.memory_space<vmem>>
        %dma_start3A_209 = tpu.memref_squeeze %dma_start3A_208 : memref<1x128xi32, #tpu.memory_space<vmem>> -> memref<128xi32, #tpu.memory_space<vmem>>
        %dma_start3A_210 = tpu.memref_slice %arg4[%add3A_206] : memref<800000xi32, #tpu.memory_space<hbm>> -> memref<128xi32, #tpu.memory_space<hbm>>
        %dma_start3A_211 = arith.constant 0 : i32
        %dma_start3A_212 = tpu.memref_slice %arg7[%select_n3A_203, %dma_start3A_211] : memref<4x128xi32, #tpu.memory_space<vmem>> -> memref<1x128xi32, #tpu.memory_space<vmem>>
        %dma_start3A_213 = tpu.memref_squeeze %dma_start3A_212 : memref<1x128xi32, #tpu.memory_space<vmem>> -> memref<128xi32, #tpu.memory_space<vmem>>
        %dma_start3A_214 = tpu.memref_slice %arg4[%add3A_206] : memref<800000xi32, #tpu.memory_space<hbm>> -> memref<128xi32, #tpu.memory_space<hbm>>
        tpu.enqueue_dma source(%dma_start3A_214 : memref<128xi32, #tpu.memory_space<hbm>>) target(%dma_start3A_213 : memref<128xi32, #tpu.memory_space<vmem>>) target_semaphore(%arg14 : memref<!tpu.dma_semaphore, #tpu.memory_space<semaphore_mem>>)
        %dma_start3A_215 = arith.constant 0 : i32
        %dma_start3A_216 = tpu.memref_slice %arg8[%select_n3A_203, %dma_start3A_215] : memref<4x128xi32, #tpu.memory_space<vmem>> -> memref<1x128xi32, #tpu.memory_space<vmem>>
        %dma_start3A_217 = tpu.memref_squeeze %dma_start3A_216 : memref<1x128xi32, #tpu.memory_space<vmem>> -> memref<128xi32, #tpu.memory_space<vmem>>
        %dma_start3A_218 = tpu.memref_slice %arg5[%add3A_206] : memref<800000xi32, #tpu.memory_space<hbm>> -> memref<128xi32, #tpu.memory_space<hbm>>
        %dma_start3A_219 = arith.constant 0 : i32
        %dma_start3A_220 = tpu.memref_slice %arg8[%select_n3A_203, %dma_start3A_219] : memref<4x128xi32, #tpu.memory_space<vmem>> -> memref<1x128xi32, #tpu.memory_space<vmem>>
        %dma_start3A_221 = tpu.memref_squeeze %dma_start3A_220 : memref<1x128xi32, #tpu.memory_space<vmem>> -> memref<128xi32, #tpu.memory_space<vmem>>
        %dma_start3A_222 = tpu.memref_slice %arg5[%add3A_206] : memref<800000xi32, #tpu.memory_space<hbm>> -> memref<128xi32, #tpu.memory_space<hbm>>
        tpu.enqueue_dma source(%dma_start3A_222 : memref<128xi32, #tpu.memory_space<hbm>>) target(%dma_start3A_221 : memref<128xi32, #tpu.memory_space<vmem>>) target_semaphore(%arg14 : memref<!tpu.dma_semaphore, #tpu.memory_space<semaphore_mem>>)
      } else {
      }
      %while3A_185 = arith.constant 0 : i32
      scf.yield %while3A_185 : i32
    }
    %gt3A_46 = arith.constant 0 : i32
    %gt3A_47 = arith.cmpi sgt, %select_n3A, %gt3A_46 : i32
    %convert_element_type3A_48 = arith.extui %gt3A_47 : i1 to i32
    %cond3A_49 = arith.constant 0 : i32
    %cond3A_50 = arith.cmpi ne, %convert_element_type3A_48, %cond3A_49 : i32
    scf.if %cond3A_50 {
      %sub3A_51 = arith.constant 1 : i32
      %sub3A_52 = arith.subi %select_n3A, %sub3A_51 : i32
      %jit3A_53 = arith.constant 3 : i32
      %eq3A = arith.constant 0 : i32
      %eq3A_54 = arith.cmpi eq, %jit3A_53, %eq3A : i32
      %jit3A_55 = arith.constant 1 : i32
      %select_n3A_56 = arith.select %eq3A_54, %jit3A_55, %jit3A_53 : i32
      %rem3A_57 = arith.remsi %sub3A_52, %select_n3A_56 : i32
      %ne3A_58 = arith.constant 0 : i32
      %ne3A_59 = arith.cmpi ne, %rem3A_57, %ne3A_58 : i32
      %lt3A = arith.constant 0 : i32
      %lt3A_60 = arith.cmpi slt, %rem3A_57, %lt3A : i32
      %lt3A_61 = arith.constant 0 : i32
      %lt3A_62 = arith.cmpi slt, %select_n3A_56, %lt3A_61 : i32
      %ne3A_63 = arith.xori %lt3A_60, %lt3A_62 : i1
      %and3A_64 = arith.andi %ne3A_63, %ne3A_59 : i1
      %add3A_65 = arith.addi %rem3A_57, %select_n3A_56 : i32
      %select_n3A_66 = arith.select %and3A_64, %add3A_65, %rem3A_57 : i32
      %mul3A_67 = arith.constant 128 : i32
      %mul3A_68 = arith.muli %sub3A_52, %mul3A_67 : i32
      %add3A_69 = arith.addi %mul3A_2, %mul3A_68 : i32
      %jit3A_70 = arith.constant 2 : i32
      %div3A_71 = arith.divsi %add3A_69, %jit3A_70 : i32
      %sign3A_72 = arith.constant 0 : i32
      %sign3A_73 = arith.cmpi sgt, %add3A_69, %sign3A_72 : i32
      %sign3A_74 = arith.extui %sign3A_73 : i1 to i32
      %sign3A_75 = arith.constant 0 : i32
      %sign3A_76 = arith.cmpi slt, %add3A_69, %sign3A_75 : i32
      %sign3A_77 = arith.extui %sign3A_76 : i1 to i32
      %sign3A_78 = arith.subi %sign3A_74, %sign3A_77 : i32
      %sign3A_79 = arith.constant 0 : i32
      %sign3A_80 = arith.cmpi sgt, %jit3A_70, %sign3A_79 : i32
      %sign3A_81 = arith.extui %sign3A_80 : i1 to i32
      %sign3A_82 = arith.constant 0 : i32
      %sign3A_83 = arith.cmpi slt, %jit3A_70, %sign3A_82 : i32
      %sign3A_84 = arith.extui %sign3A_83 : i1 to i32
      %sign3A_85 = arith.subi %sign3A_81, %sign3A_84 : i32
      %ne3A_86 = arith.cmpi ne, %sign3A_78, %sign3A_85 : i32
      %rem3A_87 = arith.remsi %add3A_69, %jit3A_70 : i32
      %ne3A_88 = arith.constant 0 : i32
      %ne3A_89 = arith.cmpi ne, %rem3A_87, %ne3A_88 : i32
      %and3A_90 = arith.andi %ne3A_86, %ne3A_89 : i1
      %sub3A_91 = arith.constant 1 : i32
      %sub3A_92 = arith.subi %div3A_71, %sub3A_91 : i32
      %select_n3A_93 = arith.select %and3A_90, %sub3A_92, %div3A_71 : i32
      %dma_wait3A = arith.constant 0 : i32
      %dma_wait3A_94 = arith.constant 0 : i32
      %dma_wait3A_95 = tpu.memref_slice %arg13[%select_n3A_66, %dma_wait3A, %dma_wait3A_94] : memref<3x64x128xf32, #tpu.memory_space<vmem>> -> memref<1x64x128xf32, #tpu.memory_space<vmem>>
      %dma_wait3A_96 = tpu.memref_squeeze %dma_wait3A_95 : memref<1x64x128xf32, #tpu.memory_space<vmem>> -> memref<64x128xf32, #tpu.memory_space<vmem>>
      %dma_wait3A_97 = arith.constant 0 : i32
      %dma_wait3A_98 = tpu.memref_slice %arg6[%select_n3A_93, %dma_wait3A_97] : memref<400000x128xf32, #tpu.memory_space<hbm>> -> memref<64x128xf32, #tpu.memory_space<hbm>>
      %dma_wait3A_99 = arith.constant 0 : i32
      %dma_wait3A_100 = tpu.memref_slice %arg6[%select_n3A_93, %dma_wait3A_99] : memref<400000x128xf32, #tpu.memory_space<hbm>> -> memref<64x128xf32, #tpu.memory_space<hbm>>
      %dma_wait3A_101 = arith.constant 0 : i32
      %dma_wait3A_102 = arith.constant 0 : i32
      %dma_wait3A_103 = tpu.memref_slice %arg13[%select_n3A_66, %dma_wait3A_101, %dma_wait3A_102] : memref<3x64x128xf32, #tpu.memory_space<vmem>> -> memref<1x64x128xf32, #tpu.memory_space<vmem>>
      %dma_wait3A_104 = tpu.memref_squeeze %dma_wait3A_103 : memref<1x64x128xf32, #tpu.memory_space<vmem>> -> memref<64x128xf32, #tpu.memory_space<vmem>>
      tpu.wait_dma2 semaphore(%arg17 : memref<!tpu.dma_semaphore, #tpu.memory_space<semaphore_mem>>) src(%dma_wait3A_104 : memref<64x128xf32, #tpu.memory_space<vmem>>) dst(%dma_wait3A_100 : memref<64x128xf32, #tpu.memory_space<hbm>>)
    } else {
    }
    return
  }
}

#map = affine_map<(d0, d1) -> (0, 0)>
#map1 = affine_map<(d0, d1) -> (0)>
module attributes {stable_mosaic.version = 14 : i64} {
  func.func @edge1(%arg0: i32, %arg1: i32, %arg2: memref<50000x32xf32, #tpu.memory_space<hbm>>, %arg3: memref<50000x32xf32, #tpu.memory_space<hbm>>, %arg4: memref<1600000x32xf32, #tpu.memory_space<hbm>>, %arg5: memref<800000xi32, #tpu.memory_space<hbm>>, %arg6: memref<800000xi32, #tpu.memory_space<hbm>>, %arg7: memref<1600000x32xf32, #tpu.memory_space<hbm>>, %arg8: memref<100000x32xf32, #tpu.memory_space<hbm>>, %arg9: memref<4x128xi32, #tpu.memory_space<vmem>>, %arg10: memref<4x128xi32, #tpu.memory_space<vmem>>, %arg11: memref<2x128x32xf32, #tpu.memory_space<vmem>>, %arg12: memref<2x128x32xf32, #tpu.memory_space<vmem>>, %arg13: memref<2x128x32xf32, #tpu.memory_space<vmem>>, %arg14: memref<128x32xf32, #tpu.memory_space<vmem>>, %arg15: memref<50000x32xf32, #tpu.memory_space<vmem_shared>>, %arg16: memref<!tpu.dma_semaphore, #tpu.memory_space<semaphore_mem>>, %arg17: memref<!tpu.dma_semaphore, #tpu.memory_space<semaphore_mem>>, %arg18: memref<!tpu.dma_semaphore, #tpu.memory_space<semaphore_mem>>, %arg19: memref<!tpu.dma_semaphore, #tpu.memory_space<semaphore_mem>>) attributes {dimension_semantics = [#tpu.dimension_semantics<core_parallel>, #tpu.dimension_semantics<subcore_parallel>], iteration_bounds = array<i64: 2, 16>, scalar_prefetch = 0 : i64, scratch_operands = 11 : i64, tpu.core_type = #tpu.core_type<sc_vector_subcore>, window_params = [{transform_indices = #map}, {transform_indices = #map}, {transform_indices = #map}, {transform_indices = #map1}, {transform_indices = #map1}, {transform_indices = #map}, {transform_indices = #map}]} {
    %mul3A = arith.constant 50000 : i32
    %mul3A_0 = arith.muli %arg1, %mul3A : i32
    %jit3A = arith.constant 16 : i32
    %div3A = arith.divsi %mul3A_0, %jit3A : i32
    %sign3A = arith.constant 0 : i32
    %sign3A_1 = arith.cmpi sgt, %mul3A_0, %sign3A : i32
    %sign3A_2 = arith.extui %sign3A_1 : i1 to i32
    %sign3A_3 = arith.constant 0 : i32
    %sign3A_4 = arith.cmpi slt, %mul3A_0, %sign3A_3 : i32
    %sign3A_5 = arith.extui %sign3A_4 : i1 to i32
    %sign3A_6 = arith.subi %sign3A_2, %sign3A_5 : i32
    %sign3A_7 = arith.constant 0 : i32
    %sign3A_8 = arith.cmpi sgt, %jit3A, %sign3A_7 : i32
    %sign3A_9 = arith.extui %sign3A_8 : i1 to i32
    %sign3A_10 = arith.constant 0 : i32
    %sign3A_11 = arith.cmpi slt, %jit3A, %sign3A_10 : i32
    %sign3A_12 = arith.extui %sign3A_11 : i1 to i32
    %sign3A_13 = arith.subi %sign3A_9, %sign3A_12 : i32
    %ne3A = arith.cmpi ne, %sign3A_6, %sign3A_13 : i32
    %rem3A = arith.remsi %mul3A_0, %jit3A : i32
    %ne3A_14 = arith.constant 0 : i32
    %ne3A_15 = arith.cmpi ne, %rem3A, %ne3A_14 : i32
    %and3A = arith.andi %ne3A, %ne3A_15 : i1
    %sub3A = arith.constant 1 : i32
    %sub3A_16 = arith.subi %div3A, %sub3A : i32
    %select_n3A = arith.select %and3A, %sub3A_16, %div3A : i32
    %jit3A_17 = arith.constant 8 : i32
    %div3A_18 = arith.divsi %select_n3A, %jit3A_17 : i32
    %sign3A_19 = arith.constant 0 : i32
    %sign3A_20 = arith.cmpi sgt, %select_n3A, %sign3A_19 : i32
    %sign3A_21 = arith.extui %sign3A_20 : i1 to i32
    %sign3A_22 = arith.constant 0 : i32
    %sign3A_23 = arith.cmpi slt, %select_n3A, %sign3A_22 : i32
    %sign3A_24 = arith.extui %sign3A_23 : i1 to i32
    %sign3A_25 = arith.subi %sign3A_21, %sign3A_24 : i32
    %sign3A_26 = arith.constant 0 : i32
    %sign3A_27 = arith.cmpi sgt, %jit3A_17, %sign3A_26 : i32
    %sign3A_28 = arith.extui %sign3A_27 : i1 to i32
    %sign3A_29 = arith.constant 0 : i32
    %sign3A_30 = arith.cmpi slt, %jit3A_17, %sign3A_29 : i32
    %sign3A_31 = arith.extui %sign3A_30 : i1 to i32
    %sign3A_32 = arith.subi %sign3A_28, %sign3A_31 : i32
    %ne3A_33 = arith.cmpi ne, %sign3A_25, %sign3A_32 : i32
    %rem3A_34 = arith.remsi %select_n3A, %jit3A_17 : i32
    %ne3A_35 = arith.constant 0 : i32
    %ne3A_36 = arith.cmpi ne, %rem3A_34, %ne3A_35 : i32
    %and3A_37 = arith.andi %ne3A_33, %ne3A_36 : i1
    %sub3A_38 = arith.constant 1 : i32
    %sub3A_39 = arith.subi %div3A_18, %sub3A_38 : i32
    %select_n3A_40 = arith.select %and3A_37, %sub3A_39, %div3A_18 : i32
    %mul3A_41 = arith.constant 8 : i32
    %mul3A_42 = arith.muli %select_n3A_40, %mul3A_41 : i32
    %add3A = arith.constant 1 : i32
    %add3A_43 = arith.addi %arg1, %add3A : i32
    %mul3A_44 = arith.constant 50000 : i32
    %mul3A_45 = arith.muli %add3A_43, %mul3A_44 : i32
    %jit3A_46 = arith.constant 16 : i32
    %div3A_47 = arith.divsi %mul3A_45, %jit3A_46 : i32
    %sign3A_48 = arith.constant 0 : i32
    %sign3A_49 = arith.cmpi sgt, %mul3A_45, %sign3A_48 : i32
    %sign3A_50 = arith.extui %sign3A_49 : i1 to i32
    %sign3A_51 = arith.constant 0 : i32
    %sign3A_52 = arith.cmpi slt, %mul3A_45, %sign3A_51 : i32
    %sign3A_53 = arith.extui %sign3A_52 : i1 to i32
    %sign3A_54 = arith.subi %sign3A_50, %sign3A_53 : i32
    %sign3A_55 = arith.constant 0 : i32
    %sign3A_56 = arith.cmpi sgt, %jit3A_46, %sign3A_55 : i32
    %sign3A_57 = arith.extui %sign3A_56 : i1 to i32
    %sign3A_58 = arith.constant 0 : i32
    %sign3A_59 = arith.cmpi slt, %jit3A_46, %sign3A_58 : i32
    %sign3A_60 = arith.extui %sign3A_59 : i1 to i32
    %sign3A_61 = arith.subi %sign3A_57, %sign3A_60 : i32
    %ne3A_62 = arith.cmpi ne, %sign3A_54, %sign3A_61 : i32
    %rem3A_63 = arith.remsi %mul3A_45, %jit3A_46 : i32
    %ne3A_64 = arith.constant 0 : i32
    %ne3A_65 = arith.cmpi ne, %rem3A_63, %ne3A_64 : i32
    %and3A_66 = arith.andi %ne3A_62, %ne3A_65 : i1
    %sub3A_67 = arith.constant 1 : i32
    %sub3A_68 = arith.subi %div3A_47, %sub3A_67 : i32
    %select_n3A_69 = arith.select %and3A_66, %sub3A_68, %div3A_47 : i32
    %jit3A_70 = arith.constant 8 : i32
    %div3A_71 = arith.divsi %select_n3A_69, %jit3A_70 : i32
    %sign3A_72 = arith.constant 0 : i32
    %sign3A_73 = arith.cmpi sgt, %select_n3A_69, %sign3A_72 : i32
    %sign3A_74 = arith.extui %sign3A_73 : i1 to i32
    %sign3A_75 = arith.constant 0 : i32
    %sign3A_76 = arith.cmpi slt, %select_n3A_69, %sign3A_75 : i32
    %sign3A_77 = arith.extui %sign3A_76 : i1 to i32
    %sign3A_78 = arith.subi %sign3A_74, %sign3A_77 : i32
    %sign3A_79 = arith.constant 0 : i32
    %sign3A_80 = arith.cmpi sgt, %jit3A_70, %sign3A_79 : i32
    %sign3A_81 = arith.extui %sign3A_80 : i1 to i32
    %sign3A_82 = arith.constant 0 : i32
    %sign3A_83 = arith.cmpi slt, %jit3A_70, %sign3A_82 : i32
    %sign3A_84 = arith.extui %sign3A_83 : i1 to i32
    %sign3A_85 = arith.subi %sign3A_81, %sign3A_84 : i32
    %ne3A_86 = arith.cmpi ne, %sign3A_78, %sign3A_85 : i32
    %rem3A_87 = arith.remsi %select_n3A_69, %jit3A_70 : i32
    %ne3A_88 = arith.constant 0 : i32
    %ne3A_89 = arith.cmpi ne, %rem3A_87, %ne3A_88 : i32
    %and3A_90 = arith.andi %ne3A_86, %ne3A_89 : i1
    %sub3A_91 = arith.constant 1 : i32
    %sub3A_92 = arith.subi %div3A_71, %sub3A_91 : i32
    %select_n3A_93 = arith.select %and3A_90, %sub3A_92, %div3A_71 : i32
    %mul3A_94 = arith.constant 8 : i32
    %mul3A_95 = arith.muli %select_n3A_93, %mul3A_94 : i32
    %sub3A_96 = arith.subi %mul3A_95, %mul3A_42 : i32
    %jit3A_97 = arith.constant 128 : i32
    %div3A_98 = arith.divsi %sub3A_96, %jit3A_97 : i32
    %sign3A_99 = arith.constant 0 : i32
    %sign3A_100 = arith.cmpi sgt, %sub3A_96, %sign3A_99 : i32
    %sign3A_101 = arith.extui %sign3A_100 : i1 to i32
    %sign3A_102 = arith.constant 0 : i32
    %sign3A_103 = arith.cmpi slt, %sub3A_96, %sign3A_102 : i32
    %sign3A_104 = arith.extui %sign3A_103 : i1 to i32
    %sign3A_105 = arith.subi %sign3A_101, %sign3A_104 : i32
    %sign3A_106 = arith.constant 0 : i32
    %sign3A_107 = arith.cmpi sgt, %jit3A_97, %sign3A_106 : i32
    %sign3A_108 = arith.extui %sign3A_107 : i1 to i32
    %sign3A_109 = arith.constant 0 : i32
    %sign3A_110 = arith.cmpi slt, %jit3A_97, %sign3A_109 : i32
    %sign3A_111 = arith.extui %sign3A_110 : i1 to i32
    %sign3A_112 = arith.subi %sign3A_108, %sign3A_111 : i32
    %ne3A_113 = arith.cmpi ne, %sign3A_105, %sign3A_112 : i32
    %rem3A_114 = arith.remsi %sub3A_96, %jit3A_97 : i32
    %ne3A_115 = arith.constant 0 : i32
    %ne3A_116 = arith.cmpi ne, %rem3A_114, %ne3A_115 : i32
    %and3A_117 = arith.andi %ne3A_113, %ne3A_116 : i1
    %sub3A_118 = arith.constant 1 : i32
    %sub3A_119 = arith.subi %div3A_98, %sub3A_118 : i32
    %select_n3A_120 = arith.select %and3A_117, %sub3A_119, %div3A_98 : i32
    %jit3A_121 = arith.constant 128 : i32
    %eq3A = arith.constant 0 : i32
    %eq3A_122 = arith.cmpi eq, %jit3A_121, %eq3A : i32
    %jit3A_123 = arith.constant 1 : i32
    %select_n3A_124 = arith.select %eq3A_122, %jit3A_123, %jit3A_121 : i32
    %rem3A_125 = arith.remsi %sub3A_96, %select_n3A_124 : i32
    %ne3A_126 = arith.constant 0 : i32
    %ne3A_127 = arith.cmpi ne, %rem3A_125, %ne3A_126 : i32
    %lt3A = arith.constant 0 : i32
    %lt3A_128 = arith.cmpi slt, %rem3A_125, %lt3A : i32
    %lt3A_129 = arith.constant 0 : i32
    %lt3A_130 = arith.cmpi slt, %select_n3A_124, %lt3A_129 : i32
    %ne3A_131 = arith.xori %lt3A_128, %lt3A_130 : i1
    %and3A_132 = arith.andi %ne3A_131, %ne3A_127 : i1
    %add3A_133 = arith.addi %rem3A_125, %select_n3A_124 : i32
    %select_n3A_134 = arith.select %and3A_132, %add3A_133, %rem3A_125 : i32
    %jit3A_135 = arith.constant 8 : i32
    %div3A_136 = arith.divsi %select_n3A_134, %jit3A_135 : i32
    %sign3A_137 = arith.constant 0 : i32
    %sign3A_138 = arith.cmpi sgt, %select_n3A_134, %sign3A_137 : i32
    %sign3A_139 = arith.extui %sign3A_138 : i1 to i32
    %sign3A_140 = arith.constant 0 : i32
    %sign3A_141 = arith.cmpi slt, %select_n3A_134, %sign3A_140 : i32
    %sign3A_142 = arith.extui %sign3A_141 : i1 to i32
    %sign3A_143 = arith.subi %sign3A_139, %sign3A_142 : i32
    %sign3A_144 = arith.constant 0 : i32
    %sign3A_145 = arith.cmpi sgt, %jit3A_135, %sign3A_144 : i32
    %sign3A_146 = arith.extui %sign3A_145 : i1 to i32
    %sign3A_147 = arith.constant 0 : i32
    %sign3A_148 = arith.cmpi slt, %jit3A_135, %sign3A_147 : i32
    %sign3A_149 = arith.extui %sign3A_148 : i1 to i32
    %sign3A_150 = arith.subi %sign3A_146, %sign3A_149 : i32
    %ne3A_151 = arith.cmpi ne, %sign3A_143, %sign3A_150 : i32
    %rem3A_152 = arith.remsi %select_n3A_134, %jit3A_135 : i32
    %ne3A_153 = arith.constant 0 : i32
    %ne3A_154 = arith.cmpi ne, %rem3A_152, %ne3A_153 : i32
    %and3A_155 = arith.andi %ne3A_151, %ne3A_154 : i1
    %sub3A_156 = arith.constant 1 : i32
    %sub3A_157 = arith.subi %div3A_136, %sub3A_156 : i32
    %select_n3A_158 = arith.select %and3A_155, %sub3A_157, %div3A_136 : i32
    %scan3A = arith.constant 0 : i32
    %scan3A_159 = arith.constant 0 : i32
    %scan3A_160 = arith.constant 128 : i32
    %scan3A_161 = arith.addi %scan3A_159, %scan3A_160 : i32
    %scan3A_162 = arith.constant 1 : i32
    %scan3A_163 = scf.for %scan3A_266 = %scan3A_159 to %scan3A_161 step %scan3A_162 iter_args(%scan3A_267 = %scan3A) -> (i32)  : i32 {
      %broadcast_in_dim3A = arith.constant 0.000000e+00 : f32
      %broadcast_in_dim3A_268 = vector.broadcast %broadcast_in_dim3A : f32 to vector<16xf32>
      %swap3A = arith.index_cast %scan3A_266 : i32 to index
      %swap3A_269 = arith.constant 0 : index
      %swap3A_270 = tpu.vector_load %arg14[%swap3A, %swap3A_269] {strides = array<i32>} : memref<128x32xf32, #tpu.memory_space<vmem>>, vector<1x16xf32>,
      %swap3A_271 = vector.shape_cast %swap3A_270 : vector<1x16xf32> to vector<16xf32>
      %swap3A_272 = vector.shape_cast %broadcast_in_dim3A_268 : vector<16xf32> to vector<1x16xf32>
      tpu.vector_store %arg14[%swap3A, %swap3A_269], %swap3A_272 {strides = array<i32>} : memref<128x32xf32, #tpu.memory_space<vmem>>, vector<1x16xf32>,
      %broadcast_in_dim3A_273 = arith.constant 0.000000e+00 : f32
      %broadcast_in_dim3A_274 = vector.broadcast %broadcast_in_dim3A_273 : f32 to vector<16xf32>
      %swap3A_275 = arith.index_cast %scan3A_266 : i32 to index
      %swap3A_276 = arith.constant 16 : index
      %swap3A_277 = tpu.vector_load %arg14[%swap3A_275, %swap3A_276] {strides = array<i32>} : memref<128x32xf32, #tpu.memory_space<vmem>>, vector<1x16xf32>,
      %swap3A_278 = vector.shape_cast %swap3A_277 : vector<1x16xf32> to vector<16xf32>
      %swap3A_279 = vector.shape_cast %broadcast_in_dim3A_274 : vector<16xf32> to vector<1x16xf32>
      tpu.vector_store %arg14[%swap3A_275, %swap3A_276], %swap3A_279 {strides = array<i32>} : memref<128x32xf32, #tpu.memory_space<vmem>>, vector<1x16xf32>,
      %scan3A_280 = arith.constant 0 : i32
      scf.yield %scan3A_280 : i32
    }
    %scan3A_164 = arith.constant 128 : i32
    %while3A = arith.constant 0 : i32
    %while3A_165 = arith.constant 0 : i32
    %while3A_166 = arith.subi %select_n3A_120, %while3A : i32
    %while3A_167 = arith.addi %while3A, %while3A_166 : i32
    %while3A_168 = arith.constant 1 : i32
    %while3A_169 = arith.divsi %while3A_166, %while3A_168 : i32
    %while3A_170 = arith.muli %while3A_169, %while3A_168 : i32
    %while3A_171 = arith.addi %while3A, %while3A_170 : i32
    %while3A_172 = arith.constant 1 : i32
    %while3A_173 = scf.for %while3A_266 = %while3A to %while3A_171 step %while3A_172 iter_args(%while3A_267 = %while3A_165) -> (i32)  : i32 {
      %mul3A_268 = arith.constant 128 : i32
      %mul3A_269 = arith.muli %while3A_266, %mul3A_268 : i32
      %add3A_270 = arith.addi %mul3A_42, %mul3A_269 : i32
      "tpu.region"() ({
        %run_scoped3A = tpu.sem_alloc : memref<!tpu.dma_semaphore, #tpu.memory_space<semaphore_mem>>
        %dma_start3A = arith.constant 0 : i32
        %dma_start3A_272 = tpu.memref_slice %arg15[%add3A_270, %dma_start3A] : memref<50000x32xf32, #tpu.memory_space<vmem_shared>> -> memref<128x32xf32, #tpu.memory_space<vmem_shared>>
        %dma_start3A_273 = arith.constant 0 : i32
        %dma_start3A_274 = tpu.memref_slice %arg15[%add3A_270, %dma_start3A_273] : memref<50000x32xf32, #tpu.memory_space<vmem_shared>> -> memref<128x32xf32, #tpu.memory_space<vmem_shared>>
        tpu.enqueue_dma source(%arg14 : memref<128x32xf32, #tpu.memory_space<vmem>>) target(%dma_start3A_274 : memref<128x32xf32, #tpu.memory_space<vmem_shared>>) target_semaphore(%run_scoped3A : memref<!tpu.dma_semaphore, #tpu.memory_space<semaphore_mem>>)
        %dma_wait3A = arith.constant 0 : i32
        %dma_wait3A_275 = tpu.memref_slice %arg15[%add3A_270, %dma_wait3A] : memref<50000x32xf32, #tpu.memory_space<vmem_shared>> -> memref<128x32xf32, #tpu.memory_space<vmem_shared>>
        %dma_wait3A_276 = arith.constant 0 : i32
        %dma_wait3A_277 = tpu.memref_slice %arg15[%add3A_270, %dma_wait3A_276] : memref<50000x32xf32, #tpu.memory_space<vmem_shared>> -> memref<128x32xf32, #tpu.memory_space<vmem_shared>>
        tpu.wait_dma2 semaphore(%run_scoped3A : memref<!tpu.dma_semaphore, #tpu.memory_space<semaphore_mem>>) src(%arg14 : memref<128x32xf32, #tpu.memory_space<vmem>>) dst(%dma_wait3A_277 : memref<128x32xf32, #tpu.memory_space<vmem_shared>>)
        tpu.yield
      }) : () -> ()
      %while3A_271 = arith.constant 0 : i32
      scf.yield %while3A_271 : i32
    }
    %while3A_174 = arith.constant 1 : i32
    %while3A_175 = scf.for %while3A_266 = %while3A_171 to %while3A_167 step %while3A_174 iter_args(%while3A_267 = %while3A_173) -> (i32)  : i32 {
      %mul3A_268 = arith.constant 128 : i32
      %mul3A_269 = arith.muli %while3A_266, %mul3A_268 : i32
      %add3A_270 = arith.addi %mul3A_42, %mul3A_269 : i32
      "tpu.region"() ({
        %run_scoped3A = tpu.sem_alloc : memref<!tpu.dma_semaphore, #tpu.memory_space<semaphore_mem>>
        %dma_start3A = arith.constant 0 : i32
        %dma_start3A_272 = tpu.memref_slice %arg15[%add3A_270, %dma_start3A] : memref<50000x32xf32, #tpu.memory_space<vmem_shared>> -> memref<128x32xf32, #tpu.memory_space<vmem_shared>>
        %dma_start3A_273 = arith.constant 0 : i32
        %dma_start3A_274 = tpu.memref_slice %arg15[%add3A_270, %dma_start3A_273] : memref<50000x32xf32, #tpu.memory_space<vmem_shared>> -> memref<128x32xf32, #tpu.memory_space<vmem_shared>>
        tpu.enqueue_dma source(%arg14 : memref<128x32xf32, #tpu.memory_space<vmem>>) target(%dma_start3A_274 : memref<128x32xf32, #tpu.memory_space<vmem_shared>>) target_semaphore(%run_scoped3A : memref<!tpu.dma_semaphore, #tpu.memory_space<semaphore_mem>>)
        %dma_wait3A = arith.constant 0 : i32
        %dma_wait3A_275 = tpu.memref_slice %arg15[%add3A_270, %dma_wait3A] : memref<50000x32xf32, #tpu.memory_space<vmem_shared>> -> memref<128x32xf32, #tpu.memory_space<vmem_shared>>
        %dma_wait3A_276 = arith.constant 0 : i32
        %dma_wait3A_277 = tpu.memref_slice %arg15[%add3A_270, %dma_wait3A_276] : memref<50000x32xf32, #tpu.memory_space<vmem_shared>> -> memref<128x32xf32, #tpu.memory_space<vmem_shared>>
        tpu.wait_dma2 semaphore(%run_scoped3A : memref<!tpu.dma_semaphore, #tpu.memory_space<semaphore_mem>>) src(%arg14 : memref<128x32xf32, #tpu.memory_space<vmem>>) dst(%dma_wait3A_277 : memref<128x32xf32, #tpu.memory_space<vmem_shared>>)
        tpu.yield
      }) : () -> ()
      %while3A_271 = arith.constant 0 : i32
      scf.yield %while3A_271 : i32
    }
    %while3A_176 = arith.constant 0 : i32
    %while3A_177 = arith.constant 0 : i32
    %while3A_178 = arith.subi %select_n3A_158, %while3A_176 : i32
    %while3A_179 = arith.addi %while3A_176, %while3A_178 : i32
    %while3A_180 = arith.constant 1 : i32
    %while3A_181 = arith.divsi %while3A_178, %while3A_180 : i32
    %while3A_182 = arith.muli %while3A_181, %while3A_180 : i32
    %while3A_183 = arith.addi %while3A_176, %while3A_182 : i32
    %while3A_184 = arith.constant 1 : i32
    %while3A_185 = scf.for %while3A_266 = %while3A_176 to %while3A_183 step %while3A_184 iter_args(%while3A_267 = %while3A_177) -> (i32)  : i32 {
      %mul3A_268 = arith.constant 128 : i32
      %mul3A_269 = arith.muli %select_n3A_120, %mul3A_268 : i32
      %add3A_270 = arith.addi %mul3A_42, %mul3A_269 : i32
      %mul3A_271 = arith.constant 8 : i32
      %mul3A_272 = arith.muli %while3A_266, %mul3A_271 : i32
      %add3A_273 = arith.addi %add3A_270, %mul3A_272 : i32
      "tpu.region"() ({
        %run_scoped3A = tpu.sem_alloc : memref<!tpu.dma_semaphore, #tpu.memory_space<semaphore_mem>>
        %dma_start3A = arith.constant 0 : i32
        %dma_start3A_275 = arith.constant 0 : i32
        %dma_start3A_276 = tpu.memref_slice %arg14[%dma_start3A, %dma_start3A_275] : memref<128x32xf32, #tpu.memory_space<vmem>> -> memref<8x32xf32, #tpu.memory_space<vmem>>
        %dma_start3A_277 = arith.constant 0 : i32
        %dma_start3A_278 = tpu.memref_slice %arg15[%add3A_273, %dma_start3A_277] : memref<50000x32xf32, #tpu.memory_space<vmem_shared>> -> memref<8x32xf32, #tpu.memory_space<vmem_shared>>
        %dma_start3A_279 = arith.constant 0 : i32
        %dma_start3A_280 = tpu.memref_slice %arg15[%add3A_273, %dma_start3A_279] : memref<50000x32xf32, #tpu.memory_space<vmem_shared>> -> memref<8x32xf32, #tpu.memory_space<vmem_shared>>
        %dma_start3A_281 = arith.constant 0 : i32
        %dma_start3A_282 = arith.constant 0 : i32
        %dma_start3A_283 = tpu.memref_slice %arg14[%dma_start3A_281, %dma_start3A_282] : memref<128x32xf32, #tpu.memory_space<vmem>> -> memref<8x32xf32, #tpu.memory_space<vmem>>
        tpu.enqueue_dma source(%dma_start3A_283 : memref<8x32xf32, #tpu.memory_space<vmem>>) target(%dma_start3A_280 : memref<8x32xf32, #tpu.memory_space<vmem_shared>>) target_semaphore(%run_scoped3A : memref<!tpu.dma_semaphore, #tpu.memory_space<semaphore_mem>>)
        %dma_wait3A = arith.constant 0 : i32
        %dma_wait3A_284 = arith.constant 0 : i32
        %dma_wait3A_285 = tpu.memref_slice %arg14[%dma_wait3A, %dma_wait3A_284] : memref<128x32xf32, #tpu.memory_space<vmem>> -> memref<8x32xf32, #tpu.memory_space<vmem>>
        %dma_wait3A_286 = arith.constant 0 : i32
        %dma_wait3A_287 = tpu.memref_slice %arg15[%add3A_273, %dma_wait3A_286] : memref<50000x32xf32, #tpu.memory_space<vmem_shared>> -> memref<8x32xf32, #tpu.memory_space<vmem_shared>>
        %dma_wait3A_288 = arith.constant 0 : i32
        %dma_wait3A_289 = tpu.memref_slice %arg15[%add3A_273, %dma_wait3A_288] : memref<50000x32xf32, #tpu.memory_space<vmem_shared>> -> memref<8x32xf32, #tpu.memory_space<vmem_shared>>
        %dma_wait3A_290 = arith.constant 0 : i32
        %dma_wait3A_291 = arith.constant 0 : i32
        %dma_wait3A_292 = tpu.memref_slice %arg14[%dma_wait3A_290, %dma_wait3A_291] : memref<128x32xf32, #tpu.memory_space<vmem>> -> memref<8x32xf32, #tpu.memory_space<vmem>>
        tpu.wait_dma2 semaphore(%run_scoped3A : memref<!tpu.dma_semaphore, #tpu.memory_space<semaphore_mem>>) src(%dma_wait3A_292 : memref<8x32xf32, #tpu.memory_space<vmem>>) dst(%dma_wait3A_289 : memref<8x32xf32, #tpu.memory_space<vmem_shared>>)
        tpu.yield
      }) : () -> ()
      %while3A_274 = arith.constant 0 : i32
      scf.yield %while3A_274 : i32
    }
    %while3A_186 = arith.constant 1 : i32
    %while3A_187 = scf.for %while3A_266 = %while3A_183 to %while3A_179 step %while3A_186 iter_args(%while3A_267 = %while3A_185) -> (i32)  : i32 {
      %mul3A_268 = arith.constant 128 : i32
      %mul3A_269 = arith.muli %select_n3A_120, %mul3A_268 : i32
      %add3A_270 = arith.addi %mul3A_42, %mul3A_269 : i32
      %mul3A_271 = arith.constant 8 : i32
      %mul3A_272 = arith.muli %while3A_266, %mul3A_271 : i32
      %add3A_273 = arith.addi %add3A_270, %mul3A_272 : i32
      "tpu.region"() ({
        %run_scoped3A = tpu.sem_alloc : memref<!tpu.dma_semaphore, #tpu.memory_space<semaphore_mem>>
        %dma_start3A = arith.constant 0 : i32
        %dma_start3A_275 = arith.constant 0 : i32
        %dma_start3A_276 = tpu.memref_slice %arg14[%dma_start3A, %dma_start3A_275] : memref<128x32xf32, #tpu.memory_space<vmem>> -> memref<8x32xf32, #tpu.memory_space<vmem>>
        %dma_start3A_277 = arith.constant 0 : i32
        %dma_start3A_278 = tpu.memref_slice %arg15[%add3A_273, %dma_start3A_277] : memref<50000x32xf32, #tpu.memory_space<vmem_shared>> -> memref<8x32xf32, #tpu.memory_space<vmem_shared>>
        %dma_start3A_279 = arith.constant 0 : i32
        %dma_start3A_280 = tpu.memref_slice %arg15[%add3A_273, %dma_start3A_279] : memref<50000x32xf32, #tpu.memory_space<vmem_shared>> -> memref<8x32xf32, #tpu.memory_space<vmem_shared>>
        %dma_start3A_281 = arith.constant 0 : i32
        %dma_start3A_282 = arith.constant 0 : i32
        %dma_start3A_283 = tpu.memref_slice %arg14[%dma_start3A_281, %dma_start3A_282] : memref<128x32xf32, #tpu.memory_space<vmem>> -> memref<8x32xf32, #tpu.memory_space<vmem>>
        tpu.enqueue_dma source(%dma_start3A_283 : memref<8x32xf32, #tpu.memory_space<vmem>>) target(%dma_start3A_280 : memref<8x32xf32, #tpu.memory_space<vmem_shared>>) target_semaphore(%run_scoped3A : memref<!tpu.dma_semaphore, #tpu.memory_space<semaphore_mem>>)
        %dma_wait3A = arith.constant 0 : i32
        %dma_wait3A_284 = arith.constant 0 : i32
        %dma_wait3A_285 = tpu.memref_slice %arg14[%dma_wait3A, %dma_wait3A_284] : memref<128x32xf32, #tpu.memory_space<vmem>> -> memref<8x32xf32, #tpu.memory_space<vmem>>
        %dma_wait3A_286 = arith.constant 0 : i32
        %dma_wait3A_287 = tpu.memref_slice %arg15[%add3A_273, %dma_wait3A_286] : memref<50000x32xf32, #tpu.memory_space<vmem_shared>> -> memref<8x32xf32, #tpu.memory_space<vmem_shared>>
        %dma_wait3A_288 = arith.constant 0 : i32
        %dma_wait3A_289 = tpu.memref_slice %arg15[%add3A_273, %dma_wait3A_288] : memref<50000x32xf32, #tpu.memory_space<vmem_shared>> -> memref<8x32xf32, #tpu.memory_space<vmem_shared>>
        %dma_wait3A_290 = arith.constant 0 : i32
        %dma_wait3A_291 = arith.constant 0 : i32
        %dma_wait3A_292 = tpu.memref_slice %arg14[%dma_wait3A_290, %dma_wait3A_291] : memref<128x32xf32, #tpu.memory_space<vmem>> -> memref<8x32xf32, #tpu.memory_space<vmem>>
        tpu.wait_dma2 semaphore(%run_scoped3A : memref<!tpu.dma_semaphore, #tpu.memory_space<semaphore_mem>>) src(%dma_wait3A_292 : memref<8x32xf32, #tpu.memory_space<vmem>>) dst(%dma_wait3A_289 : memref<8x32xf32, #tpu.memory_space<vmem_shared>>)
        tpu.yield
      }) : () -> ()
      %while3A_274 = arith.constant 0 : i32
      scf.yield %while3A_274 : i32
    }
    %barrier3A = arith.constant 0 : index
    tpu.barrier barrier_id(%barrier3A)
    %mul3A_188 = arith.constant 50048 : i32
    %mul3A_189 = arith.muli %arg1, %mul3A_188 : i32
    %sub3A_190 = arith.constant 800000 : i32
    %sub3A_191 = arith.subi %sub3A_190, %mul3A_189 : i32
    %min3A = arith.constant 50048 : i32
    %min3A_192 = arith.minsi %min3A, %sub3A_191 : i32
    %jit3A_193 = arith.constant 128 : i32
    %div3A_194 = arith.divsi %min3A_192, %jit3A_193 : i32
    %sign3A_195 = arith.constant 0 : i32
    %sign3A_196 = arith.cmpi sgt, %min3A_192, %sign3A_195 : i32
    %sign3A_197 = arith.extui %sign3A_196 : i1 to i32
    %sign3A_198 = arith.constant 0 : i32
    %sign3A_199 = arith.cmpi slt, %min3A_192, %sign3A_198 : i32
    %sign3A_200 = arith.extui %sign3A_199 : i1 to i32
    %sign3A_201 = arith.subi %sign3A_197, %sign3A_200 : i32
    %sign3A_202 = arith.constant 0 : i32
    %sign3A_203 = arith.cmpi sgt, %jit3A_193, %sign3A_202 : i32
    %sign3A_204 = arith.extui %sign3A_203 : i1 to i32
    %sign3A_205 = arith.constant 0 : i32
    %sign3A_206 = arith.cmpi slt, %jit3A_193, %sign3A_205 : i32
    %sign3A_207 = arith.extui %sign3A_206 : i1 to i32
    %sign3A_208 = arith.subi %sign3A_204, %sign3A_207 : i32
    %ne3A_209 = arith.cmpi ne, %sign3A_201, %sign3A_208 : i32
    %rem3A_210 = arith.remsi %min3A_192, %jit3A_193 : i32
    %ne3A_211 = arith.constant 0 : i32
    %ne3A_212 = arith.cmpi ne, %rem3A_210, %ne3A_211 : i32
    %and3A_213 = arith.andi %ne3A_209, %ne3A_212 : i1
    %sub3A_214 = arith.constant 1 : i32
    %sub3A_215 = arith.subi %div3A_194, %sub3A_214 : i32
    %select_n3A_216 = arith.select %and3A_213, %sub3A_215, %div3A_194 : i32
    %gt3A = arith.constant 0 : i32
    %gt3A_217 = arith.cmpi sgt, %select_n3A_216, %gt3A : i32
    %convert_element_type3A = arith.extui %gt3A_217 : i1 to i32
    %cond3A = arith.constant 0 : i32
    %cond3A_218 = arith.cmpi ne, %convert_element_type3A, %cond3A : i32
    scf.if %cond3A_218 {
      %add3A_266 = arith.constant 0 : i32
      %add3A_267 = arith.addi %mul3A_189, %add3A_266 : i32
      %dma_start3A = arith.constant 0 : i32
      %dma_start3A_268 = arith.constant 0 : i32
      %dma_start3A_269 = tpu.memref_slice %arg9[%dma_start3A, %dma_start3A_268] : memref<4x128xi32, #tpu.memory_space<vmem>> -> memref<1x128xi32, #tpu.memory_space<vmem>>
      %dma_start3A_270 = tpu.memref_squeeze %dma_start3A_269 : memref<1x128xi32, #tpu.memory_space<vmem>> -> memref<128xi32, #tpu.memory_space<vmem>>
      %dma_start3A_271 = tpu.memref_slice %arg5[%add3A_267] : memref<800000xi32, #tpu.memory_space<hbm>> -> memref<128xi32, #tpu.memory_space<hbm>>
      %dma_start3A_272 = arith.constant 0 : i32
      %dma_start3A_273 = tpu.memref_slice %arg9[%dma_start3A, %dma_start3A_272] : memref<4x128xi32, #tpu.memory_space<vmem>> -> memref<1x128xi32, #tpu.memory_space<vmem>>
      %dma_start3A_274 = tpu.memref_squeeze %dma_start3A_273 : memref<1x128xi32, #tpu.memory_space<vmem>> -> memref<128xi32, #tpu.memory_space<vmem>>
      %dma_start3A_275 = tpu.memref_slice %arg5[%add3A_267] : memref<800000xi32, #tpu.memory_space<hbm>> -> memref<128xi32, #tpu.memory_space<hbm>>
      tpu.enqueue_dma source(%dma_start3A_275 : memref<128xi32, #tpu.memory_space<hbm>>) target(%dma_start3A_274 : memref<128xi32, #tpu.memory_space<vmem>>) target_semaphore(%arg16 : memref<!tpu.dma_semaphore, #tpu.memory_space<semaphore_mem>>)
      %dma_start3A_276 = arith.constant 0 : i32
      %dma_start3A_277 = arith.constant 0 : i32
      %dma_start3A_278 = tpu.memref_slice %arg10[%dma_start3A_276, %dma_start3A_277] : memref<4x128xi32, #tpu.memory_space<vmem>> -> memref<1x128xi32, #tpu.memory_space<vmem>>
      %dma_start3A_279 = tpu.memref_squeeze %dma_start3A_278 : memref<1x128xi32, #tpu.memory_space<vmem>> -> memref<128xi32, #tpu.memory_space<vmem>>
      %dma_start3A_280 = tpu.memref_slice %arg6[%add3A_267] : memref<800000xi32, #tpu.memory_space<hbm>> -> memref<128xi32, #tpu.memory_space<hbm>>
      %dma_start3A_281 = arith.constant 0 : i32
      %dma_start3A_282 = tpu.memref_slice %arg10[%dma_start3A_276, %dma_start3A_281] : memref<4x128xi32, #tpu.memory_space<vmem>> -> memref<1x128xi32, #tpu.memory_space<vmem>>
      %dma_start3A_283 = tpu.memref_squeeze %dma_start3A_282 : memref<1x128xi32, #tpu.memory_space<vmem>> -> memref<128xi32, #tpu.memory_space<vmem>>
      %dma_start3A_284 = tpu.memref_slice %arg6[%add3A_267] : memref<800000xi32, #tpu.memory_space<hbm>> -> memref<128xi32, #tpu.memory_space<hbm>>
      tpu.enqueue_dma source(%dma_start3A_284 : memref<128xi32, #tpu.memory_space<hbm>>) target(%dma_start3A_283 : memref<128xi32, #tpu.memory_space<vmem>>) target_semaphore(%arg16 : memref<!tpu.dma_semaphore, #tpu.memory_space<semaphore_mem>>)
      %dma_wait3A = arith.constant 0 : i32
      %dma_wait3A_285 = arith.constant 0 : i32
      %dma_wait3A_286 = tpu.memref_slice %arg9[%dma_wait3A, %dma_wait3A_285] : memref<4x128xi32, #tpu.memory_space<vmem>> -> memref<1x128xi32, #tpu.memory_space<vmem>>
      %dma_wait3A_287 = tpu.memref_squeeze %dma_wait3A_286 : memref<1x128xi32, #tpu.memory_space<vmem>> -> memref<128xi32, #tpu.memory_space<vmem>>
      %dma_wait3A_288 = tpu.memref_slice %arg5[%add3A_267] : memref<800000xi32, #tpu.memory_space<hbm>> -> memref<128xi32, #tpu.memory_space<hbm>>
      %dma_wait3A_289 = arith.constant 0 : i32
      %dma_wait3A_290 = tpu.memref_slice %arg9[%dma_wait3A, %dma_wait3A_289] : memref<4x128xi32, #tpu.memory_space<vmem>> -> memref<1x128xi32, #tpu.memory_space<vmem>>
      %dma_wait3A_291 = tpu.memref_squeeze %dma_wait3A_290 : memref<1x128xi32, #tpu.memory_space<vmem>> -> memref<128xi32, #tpu.memory_space<vmem>>
      %dma_wait3A_292 = tpu.memref_slice %arg5[%add3A_267] : memref<800000xi32, #tpu.memory_space<hbm>> -> memref<128xi32, #tpu.memory_space<hbm>>
      tpu.wait_dma2 semaphore(%arg16 : memref<!tpu.dma_semaphore, #tpu.memory_space<semaphore_mem>>) src(%dma_wait3A_292 : memref<128xi32, #tpu.memory_space<hbm>>) dst(%dma_wait3A_291 : memref<128xi32, #tpu.memory_space<vmem>>)
      %dma_wait3A_293 = arith.constant 0 : i32
      %dma_wait3A_294 = arith.constant 0 : i32
      %dma_wait3A_295 = tpu.memref_slice %arg10[%dma_wait3A_293, %dma_wait3A_294] : memref<4x128xi32, #tpu.memory_space<vmem>> -> memref<1x128xi32, #tpu.memory_space<vmem>>
      %dma_wait3A_296 = tpu.memref_squeeze %dma_wait3A_295 : memref<1x128xi32, #tpu.memory_space<vmem>> -> memref<128xi32, #tpu.memory_space<vmem>>
      %dma_wait3A_297 = tpu.memref_slice %arg6[%add3A_267] : memref<800000xi32, #tpu.memory_space<hbm>> -> memref<128xi32, #tpu.memory_space<hbm>>
      %dma_wait3A_298 = arith.constant 0 : i32
      %dma_wait3A_299 = tpu.memref_slice %arg10[%dma_wait3A_293, %dma_wait3A_298] : memref<4x128xi32, #tpu.memory_space<vmem>> -> memref<1x128xi32, #tpu.memory_space<vmem>>
      %dma_wait3A_300 = tpu.memref_squeeze %dma_wait3A_299 : memref<1x128xi32, #tpu.memory_space<vmem>> -> memref<128xi32, #tpu.memory_space<vmem>>
      %dma_wait3A_301 = tpu.memref_slice %arg6[%add3A_267] : memref<800000xi32, #tpu.memory_space<hbm>> -> memref<128xi32, #tpu.memory_space<hbm>>
      tpu.wait_dma2 semaphore(%arg16 : memref<!tpu.dma_semaphore, #tpu.memory_space<semaphore_mem>>) src(%dma_wait3A_301 : memref<128xi32, #tpu.memory_space<hbm>>) dst(%dma_wait3A_300 : memref<128xi32, #tpu.memory_space<vmem>>)
      %eq3A_302 = arith.constant 0 : i32
      %eq3A_303 = arith.cmpi eq, %arg0, %eq3A_302 : i32
      %convert_element_type3A_304 = arith.extui %eq3A_303 : i1 to i32
      %cond3A_305 = arith.constant 0 : i32
      %cond3A_306 = arith.cmpi ne, %convert_element_type3A_304, %cond3A_305 : i32
      scf.if %cond3A_306 {
        %dma_start3A_330 = arith.constant 0 : i32
        %dma_start3A_331 = arith.constant 0 : i32
        %dma_start3A_332 = arith.constant 0 : i32
        %dma_start3A_333 = arith.constant 0 : i32
        %dma_start3A_334 = tpu.memref_slice %arg11[%dma_start3A_331, %dma_start3A_332, %dma_start3A_333] : memref<2x128x32xf32, #tpu.memory_space<vmem>> -> memref<1x128x32xf32, #tpu.memory_space<vmem>>
        %dma_start3A_335 = tpu.memref_squeeze %dma_start3A_334 : memref<1x128x32xf32, #tpu.memory_space<vmem>> -> memref<128x32xf32, #tpu.memory_space<vmem>>
        %dma_start3A_336 = arith.constant 0 : i32
        %dma_start3A_337 = tpu.memref_slice %arg9[%dma_start3A_330, %dma_start3A_336] : memref<4x128xi32, #tpu.memory_space<vmem>> -> memref<1x128xi32, #tpu.memory_space<vmem>>
        %dma_start3A_338 = tpu.memref_squeeze %dma_start3A_337 : memref<1x128xi32, #tpu.memory_space<vmem>> -> memref<128xi32, #tpu.memory_space<vmem>>
        %dma_start3A_339 = arith.constant 0 : i32
        %dma_start3A_340 = arith.constant 0 : i32
        %dma_start3A_341 = tpu.memref_slice %arg2[%dma_start3A_339, %dma_start3A_340] : memref<50000x32xf32, #tpu.memory_space<hbm>> -> memref<50000x32xf32, #tpu.memory_space<hbm>>
        tpu.enqueue_indirect_dma source(%dma_start3A_341 : memref<50000x32xf32, #tpu.memory_space<hbm>>) target(%dma_start3A_335 : memref<128x32xf32, #tpu.memory_space<vmem>>) offsets(%dma_start3A_338 : memref<128xi32, #tpu.memory_space<vmem>>) semaphore(%arg17 : memref<!tpu.dma_semaphore, #tpu.memory_space<semaphore_mem>>)
        %dma_start3A_342 = arith.constant 0 : i32
        %dma_start3A_343 = arith.constant 0 : i32
        %dma_start3A_344 = arith.constant 0 : i32
        %dma_start3A_345 = arith.constant 0 : i32
        %dma_start3A_346 = tpu.memref_slice %arg12[%dma_start3A_343, %dma_start3A_344, %dma_start3A_345] : memref<2x128x32xf32, #tpu.memory_space<vmem>> -> memref<1x128x32xf32, #tpu.memory_space<vmem>>
        %dma_start3A_347 = tpu.memref_squeeze %dma_start3A_346 : memref<1x128x32xf32, #tpu.memory_space<vmem>> -> memref<128x32xf32, #tpu.memory_space<vmem>>
        %dma_start3A_348 = arith.constant 0 : i32
        %dma_start3A_349 = tpu.memref_slice %arg10[%dma_start3A_342, %dma_start3A_348] : memref<4x128xi32, #tpu.memory_space<vmem>> -> memref<1x128xi32, #tpu.memory_space<vmem>>
        %dma_start3A_350 = tpu.memref_squeeze %dma_start3A_349 : memref<1x128xi32, #tpu.memory_space<vmem>> -> memref<128xi32, #tpu.memory_space<vmem>>
        %dma_start3A_351 = arith.constant 0 : i32
        %dma_start3A_352 = arith.constant 0 : i32
        %dma_start3A_353 = tpu.memref_slice %arg2[%dma_start3A_351, %dma_start3A_352] : memref<50000x32xf32, #tpu.memory_space<hbm>> -> memref<50000x32xf32, #tpu.memory_space<hbm>>
        tpu.enqueue_indirect_dma source(%dma_start3A_353 : memref<50000x32xf32, #tpu.memory_space<hbm>>) target(%dma_start3A_347 : memref<128x32xf32, #tpu.memory_space<vmem>>) offsets(%dma_start3A_350 : memref<128xi32, #tpu.memory_space<vmem>>) semaphore(%arg17 : memref<!tpu.dma_semaphore, #tpu.memory_space<semaphore_mem>>)
      } else {
      }
      %eq3A_307 = arith.constant 1 : i32
      %eq3A_308 = arith.cmpi eq, %arg0, %eq3A_307 : i32
      %convert_element_type3A_309 = arith.extui %eq3A_308 : i1 to i32
      %cond3A_310 = arith.constant 0 : i32
      %cond3A_311 = arith.cmpi ne, %convert_element_type3A_309, %cond3A_310 : i32
      scf.if %cond3A_311 {
        %dma_start3A_330 = arith.constant 0 : i32
        %dma_start3A_331 = arith.constant 0 : i32
        %dma_start3A_332 = arith.constant 0 : i32
        %dma_start3A_333 = arith.constant 0 : i32
        %dma_start3A_334 = tpu.memref_slice %arg11[%dma_start3A_331, %dma_start3A_332, %dma_start3A_333] : memref<2x128x32xf32, #tpu.memory_space<vmem>> -> memref<1x128x32xf32, #tpu.memory_space<vmem>>
        %dma_start3A_335 = tpu.memref_squeeze %dma_start3A_334 : memref<1x128x32xf32, #tpu.memory_space<vmem>> -> memref<128x32xf32, #tpu.memory_space<vmem>>
        %dma_start3A_336 = arith.constant 0 : i32
        %dma_start3A_337 = tpu.memref_slice %arg9[%dma_start3A_330, %dma_start3A_336] : memref<4x128xi32, #tpu.memory_space<vmem>> -> memref<1x128xi32, #tpu.memory_space<vmem>>
        %dma_start3A_338 = tpu.memref_squeeze %dma_start3A_337 : memref<1x128xi32, #tpu.memory_space<vmem>> -> memref<128xi32, #tpu.memory_space<vmem>>
        %dma_start3A_339 = arith.constant 0 : i32
        %dma_start3A_340 = arith.constant 0 : i32
        %dma_start3A_341 = tpu.memref_slice %arg3[%dma_start3A_339, %dma_start3A_340] : memref<50000x32xf32, #tpu.memory_space<hbm>> -> memref<50000x32xf32, #tpu.memory_space<hbm>>
        tpu.enqueue_indirect_dma source(%dma_start3A_341 : memref<50000x32xf32, #tpu.memory_space<hbm>>) target(%dma_start3A_335 : memref<128x32xf32, #tpu.memory_space<vmem>>) offsets(%dma_start3A_338 : memref<128xi32, #tpu.memory_space<vmem>>) semaphore(%arg17 : memref<!tpu.dma_semaphore, #tpu.memory_space<semaphore_mem>>)
        %dma_start3A_342 = arith.constant 0 : i32
        %dma_start3A_343 = arith.constant 0 : i32
        %dma_start3A_344 = arith.constant 0 : i32
        %dma_start3A_345 = arith.constant 0 : i32
        %dma_start3A_346 = tpu.memref_slice %arg12[%dma_start3A_343, %dma_start3A_344, %dma_start3A_345] : memref<2x128x32xf32, #tpu.memory_space<vmem>> -> memref<1x128x32xf32, #tpu.memory_space<vmem>>
        %dma_start3A_347 = tpu.memref_squeeze %dma_start3A_346 : memref<1x128x32xf32, #tpu.memory_space<vmem>> -> memref<128x32xf32, #tpu.memory_space<vmem>>
        %dma_start3A_348 = arith.constant 0 : i32
        %dma_start3A_349 = tpu.memref_slice %arg10[%dma_start3A_342, %dma_start3A_348] : memref<4x128xi32, #tpu.memory_space<vmem>> -> memref<1x128xi32, #tpu.memory_space<vmem>>
        %dma_start3A_350 = tpu.memref_squeeze %dma_start3A_349 : memref<1x128xi32, #tpu.memory_space<vmem>> -> memref<128xi32, #tpu.memory_space<vmem>>
        %dma_start3A_351 = arith.constant 0 : i32
        %dma_start3A_352 = arith.constant 0 : i32
        %dma_start3A_353 = tpu.memref_slice %arg3[%dma_start3A_351, %dma_start3A_352] : memref<50000x32xf32, #tpu.memory_space<hbm>> -> memref<50000x32xf32, #tpu.memory_space<hbm>>
        tpu.enqueue_indirect_dma source(%dma_start3A_353 : memref<50000x32xf32, #tpu.memory_space<hbm>>) target(%dma_start3A_347 : memref<128x32xf32, #tpu.memory_space<vmem>>) offsets(%dma_start3A_350 : memref<128xi32, #tpu.memory_space<vmem>>) semaphore(%arg17 : memref<!tpu.dma_semaphore, #tpu.memory_space<semaphore_mem>>)
      } else {
      }
      %mul3A_312 = arith.constant 800000 : i32
      %mul3A_313 = arith.muli %arg0, %mul3A_312 : i32
      %add3A_314 = arith.addi %mul3A_313, %mul3A_189 : i32
      %add3A_315 = arith.constant 0 : i32
      %add3A_316 = arith.addi %add3A_314, %add3A_315 : i32
      %dma_start3A_317 = arith.constant 0 : i32
      %dma_start3A_318 = arith.constant 0 : i32
      %dma_start3A_319 = arith.constant 0 : i32
      %dma_start3A_320 = tpu.memref_slice %arg13[%dma_start3A_317, %dma_start3A_318, %dma_start3A_319] : memref<2x128x32xf32, #tpu.memory_space<vmem>> -> memref<1x128x32xf32, #tpu.memory_space<vmem>>
      %dma_start3A_321 = tpu.memref_squeeze %dma_start3A_320 : memref<1x128x32xf32, #tpu.memory_space<vmem>> -> memref<128x32xf32, #tpu.memory_space<vmem>>
      %dma_start3A_322 = arith.constant 0 : i32
      %dma_start3A_323 = tpu.memref_slice %arg4[%add3A_316, %dma_start3A_322] : memref<1600000x32xf32, #tpu.memory_space<hbm>> -> memref<128x32xf32, #tpu.memory_space<hbm>>
      %dma_start3A_324 = arith.constant 0 : i32
      %dma_start3A_325 = arith.constant 0 : i32
      %dma_start3A_326 = tpu.memref_slice %arg13[%dma_start3A_317, %dma_start3A_324, %dma_start3A_325] : memref<2x128x32xf32, #tpu.memory_space<vmem>> -> memref<1x128x32xf32, #tpu.memory_space<vmem>>
      %dma_start3A_327 = tpu.memref_squeeze %dma_start3A_326 : memref<1x128x32xf32, #tpu.memory_space<vmem>> -> memref<128x32xf32, #tpu.memory_space<vmem>>
      %dma_start3A_328 = arith.constant 0 : i32
      %dma_start3A_329 = tpu.memref_slice %arg4[%add3A_316, %dma_start3A_328] : memref<1600000x32xf32, #tpu.memory_space<hbm>> -> memref<128x32xf32, #tpu.memory_space<hbm>>
      tpu.enqueue_dma source(%dma_start3A_329 : memref<128x32xf32, #tpu.memory_space<hbm>>) target(%dma_start3A_327 : memref<128x32xf32, #tpu.memory_space<vmem>>) target_semaphore(%arg17 : memref<!tpu.dma_semaphore, #tpu.memory_space<semaphore_mem>>)
    } else {
    }
    %gt3A_219 = arith.constant 1 : i32
    %gt3A_220 = arith.cmpi sgt, %select_n3A_216, %gt3A_219 : i32
    %convert_element_type3A_221 = arith.extui %gt3A_220 : i1 to i32
    %cond3A_222 = arith.constant 0 : i32
    %cond3A_223 = arith.cmpi ne, %convert_element_type3A_221, %cond3A_222 : i32
    scf.if %cond3A_223 {
      %add3A_266 = arith.constant 128 : i32
      %add3A_267 = arith.addi %mul3A_189, %add3A_266 : i32
      %dma_start3A = arith.constant 1 : i32
      %dma_start3A_268 = arith.constant 0 : i32
      %dma_start3A_269 = tpu.memref_slice %arg9[%dma_start3A, %dma_start3A_268] : memref<4x128xi32, #tpu.memory_space<vmem>> -> memref<1x128xi32, #tpu.memory_space<vmem>>
      %dma_start3A_270 = tpu.memref_squeeze %dma_start3A_269 : memref<1x128xi32, #tpu.memory_space<vmem>> -> memref<128xi32, #tpu.memory_space<vmem>>
      %dma_start3A_271 = tpu.memref_slice %arg5[%add3A_267] : memref<800000xi32, #tpu.memory_space<hbm>> -> memref<128xi32, #tpu.memory_space<hbm>>
      %dma_start3A_272 = arith.constant 0 : i32
      %dma_start3A_273 = tpu.memref_slice %arg9[%dma_start3A, %dma_start3A_272] : memref<4x128xi32, #tpu.memory_space<vmem>> -> memref<1x128xi32, #tpu.memory_space<vmem>>
      %dma_start3A_274 = tpu.memref_squeeze %dma_start3A_273 : memref<1x128xi32, #tpu.memory_space<vmem>> -> memref<128xi32, #tpu.memory_space<vmem>>
      %dma_start3A_275 = tpu.memref_slice %arg5[%add3A_267] : memref<800000xi32, #tpu.memory_space<hbm>> -> memref<128xi32, #tpu.memory_space<hbm>>
      tpu.enqueue_dma source(%dma_start3A_275 : memref<128xi32, #tpu.memory_space<hbm>>) target(%dma_start3A_274 : memref<128xi32, #tpu.memory_space<vmem>>) target_semaphore(%arg16 : memref<!tpu.dma_semaphore, #tpu.memory_space<semaphore_mem>>)
      %dma_start3A_276 = arith.constant 1 : i32
      %dma_start3A_277 = arith.constant 0 : i32
      %dma_start3A_278 = tpu.memref_slice %arg10[%dma_start3A_276, %dma_start3A_277] : memref<4x128xi32, #tpu.memory_space<vmem>> -> memref<1x128xi32, #tpu.memory_space<vmem>>
      %dma_start3A_279 = tpu.memref_squeeze %dma_start3A_278 : memref<1x128xi32, #tpu.memory_space<vmem>> -> memref<128xi32, #tpu.memory_space<vmem>>
      %dma_start3A_280 = tpu.memref_slice %arg6[%add3A_267] : memref<800000xi32, #tpu.memory_space<hbm>> -> memref<128xi32, #tpu.memory_space<hbm>>
      %dma_start3A_281 = arith.constant 0 : i32
      %dma_start3A_282 = tpu.memref_slice %arg10[%dma_start3A_276, %dma_start3A_281] : memref<4x128xi32, #tpu.memory_space<vmem>> -> memref<1x128xi32, #tpu.memory_space<vmem>>
      %dma_start3A_283 = tpu.memref_squeeze %dma_start3A_282 : memref<1x128xi32, #tpu.memory_space<vmem>> -> memref<128xi32, #tpu.memory_space<vmem>>
      %dma_start3A_284 = tpu.memref_slice %arg6[%add3A_267] : memref<800000xi32, #tpu.memory_space<hbm>> -> memref<128xi32, #tpu.memory_space<hbm>>
      tpu.enqueue_dma source(%dma_start3A_284 : memref<128xi32, #tpu.memory_space<hbm>>) target(%dma_start3A_283 : memref<128xi32, #tpu.memory_space<vmem>>) target_semaphore(%arg16 : memref<!tpu.dma_semaphore, #tpu.memory_space<semaphore_mem>>)
    } else {
    }
    %while3A_224 = arith.constant 0 : i32
    %while3A_225 = arith.constant 0 : i32
    %while3A_226 = arith.subi %select_n3A_216, %while3A_224 : i32
    %while3A_227 = arith.addi %while3A_224, %while3A_226 : i32
    %while3A_228 = arith.constant 1 : i32
    %while3A_229 = arith.divsi %while3A_226, %while3A_228 : i32
    %while3A_230 = arith.muli %while3A_229, %while3A_228 : i32
    %while3A_231 = arith.addi %while3A_224, %while3A_230 : i32
    %while3A_232 = arith.constant 1 : i32
    %while3A_233 = scf.for %while3A_266 = %while3A_224 to %while3A_231 step %while3A_232 iter_args(%while3A_267 = %while3A_225) -> (i32)  : i32 {
      %jit3A_268 = arith.constant 2 : i32
      %eq3A_269 = arith.constant 0 : i32
      %eq3A_270 = arith.cmpi eq, %jit3A_268, %eq3A_269 : i32
      %jit3A_271 = arith.constant 1 : i32
      %select_n3A_272 = arith.select %eq3A_270, %jit3A_271, %jit3A_268 : i32
      %rem3A_273 = arith.remsi %while3A_266, %select_n3A_272 : i32
      %ne3A_274 = arith.constant 0 : i32
      %ne3A_275 = arith.cmpi ne, %rem3A_273, %ne3A_274 : i32
      %lt3A_276 = arith.constant 0 : i32
      %lt3A_277 = arith.cmpi slt, %rem3A_273, %lt3A_276 : i32
      %lt3A_278 = arith.constant 0 : i32
      %lt3A_279 = arith.cmpi slt, %select_n3A_272, %lt3A_278 : i32
      %ne3A_280 = arith.xori %lt3A_277, %lt3A_279 : i1
      %and3A_281 = arith.andi %ne3A_280, %ne3A_275 : i1
      %add3A_282 = arith.addi %rem3A_273, %select_n3A_272 : i32
      %select_n3A_283 = arith.select %and3A_281, %add3A_282, %rem3A_273 : i32
      %jit3A_284 = arith.constant 4 : i32
      %eq3A_285 = arith.constant 0 : i32
      %eq3A_286 = arith.cmpi eq, %jit3A_284, %eq3A_285 : i32
      %jit3A_287 = arith.constant 1 : i32
      %select_n3A_288 = arith.select %eq3A_286, %jit3A_287, %jit3A_284 : i32
      %rem3A_289 = arith.remsi %while3A_266, %select_n3A_288 : i32
      %ne3A_290 = arith.constant 0 : i32
      %ne3A_291 = arith.cmpi ne, %rem3A_289, %ne3A_290 : i32
      %lt3A_292 = arith.constant 0 : i32
      %lt3A_293 = arith.cmpi slt, %rem3A_289, %lt3A_292 : i32
      %lt3A_294 = arith.constant 0 : i32
      %lt3A_295 = arith.cmpi slt, %select_n3A_288, %lt3A_294 : i32
      %ne3A_296 = arith.xori %lt3A_293, %lt3A_295 : i1
      %and3A_297 = arith.andi %ne3A_296, %ne3A_291 : i1
      %add3A_298 = arith.addi %rem3A_289, %select_n3A_288 : i32
      %select_n3A_299 = arith.select %and3A_297, %add3A_298, %rem3A_289 : i32
      %jit3A_300 = arith.constant 2 : i32
      %eq3A_301 = arith.constant 0 : i32
      %eq3A_302 = arith.cmpi eq, %jit3A_300, %eq3A_301 : i32
      %jit3A_303 = arith.constant 1 : i32
      %select_n3A_304 = arith.select %eq3A_302, %jit3A_303, %jit3A_300 : i32
      %rem3A_305 = arith.remsi %while3A_266, %select_n3A_304 : i32
      %ne3A_306 = arith.constant 0 : i32
      %ne3A_307 = arith.cmpi ne, %rem3A_305, %ne3A_306 : i32
      %lt3A_308 = arith.constant 0 : i32
      %lt3A_309 = arith.cmpi slt, %rem3A_305, %lt3A_308 : i32
      %lt3A_310 = arith.constant 0 : i32
      %lt3A_311 = arith.cmpi slt, %select_n3A_304, %lt3A_310 : i32
      %ne3A_312 = arith.xori %lt3A_309, %lt3A_311 : i1
      %and3A_313 = arith.andi %ne3A_312, %ne3A_307 : i1
      %add3A_314 = arith.addi %rem3A_305, %select_n3A_304 : i32
      %select_n3A_315 = arith.select %and3A_313, %add3A_314, %rem3A_305 : i32
      %jit3A_316 = arith.constant 4 : i32
      %eq3A_317 = arith.constant 0 : i32
      %eq3A_318 = arith.cmpi eq, %jit3A_316, %eq3A_317 : i32
      %jit3A_319 = arith.constant 1 : i32
      %select_n3A_320 = arith.select %eq3A_318, %jit3A_319, %jit3A_316 : i32
      %rem3A_321 = arith.remsi %while3A_266, %select_n3A_320 : i32
      %ne3A_322 = arith.constant 0 : i32
      %ne3A_323 = arith.cmpi ne, %rem3A_321, %ne3A_322 : i32
      %lt3A_324 = arith.constant 0 : i32
      %lt3A_325 = arith.cmpi slt, %rem3A_321, %lt3A_324 : i32
      %lt3A_326 = arith.constant 0 : i32
      %lt3A_327 = arith.cmpi slt, %select_n3A_320, %lt3A_326 : i32
      %ne3A_328 = arith.xori %lt3A_325, %lt3A_327 : i1
      %and3A_329 = arith.andi %ne3A_328, %ne3A_323 : i1
      %add3A_330 = arith.addi %rem3A_321, %select_n3A_320 : i32
      %select_n3A_331 = arith.select %and3A_329, %add3A_330, %rem3A_321 : i32
      %dma_wait3A = arith.constant 0 : i32
      %dma_wait3A_332 = arith.constant 0 : i32
      %dma_wait3A_333 = tpu.memref_slice %arg11[%select_n3A_315, %dma_wait3A, %dma_wait3A_332] : memref<2x128x32xf32, #tpu.memory_space<vmem>> -> memref<1x128x32xf32, #tpu.memory_space<vmem>>
      %dma_wait3A_334 = tpu.memref_squeeze %dma_wait3A_333 : memref<1x128x32xf32, #tpu.memory_space<vmem>> -> memref<128x32xf32, #tpu.memory_space<vmem>>
      %dma_wait3A_335 = arith.constant 0 : i32
      %dma_wait3A_336 = tpu.memref_slice %arg9[%select_n3A_331, %dma_wait3A_335] : memref<4x128xi32, #tpu.memory_space<vmem>> -> memref<1x128xi32, #tpu.memory_space<vmem>>
      %dma_wait3A_337 = tpu.memref_squeeze %dma_wait3A_336 : memref<1x128xi32, #tpu.memory_space<vmem>> -> memref<128xi32, #tpu.memory_space<vmem>>
      %dma_wait3A_338 = arith.constant 0 : i32
      %dma_wait3A_339 = arith.constant 0 : i32
      %dma_wait3A_340 = tpu.memref_slice %arg2[%dma_wait3A_338, %dma_wait3A_339] : memref<50000x32xf32, #tpu.memory_space<hbm>> -> memref<50000x32xf32, #tpu.memory_space<hbm>>
      tpu.wait_indirect_dma semaphore(%arg17 : memref<!tpu.dma_semaphore, #tpu.memory_space<semaphore_mem>>) src(%dma_wait3A_340 : memref<50000x32xf32, #tpu.memory_space<hbm>>) dst(%dma_wait3A_334 : memref<128x32xf32, #tpu.memory_space<vmem>>)
      %dma_wait3A_341 = arith.constant 0 : i32
      %dma_wait3A_342 = arith.constant 0 : i32
      %dma_wait3A_343 = tpu.memref_slice %arg12[%select_n3A_315, %dma_wait3A_341, %dma_wait3A_342] : memref<2x128x32xf32, #tpu.memory_space<vmem>> -> memref<1x128x32xf32, #tpu.memory_space<vmem>>
      %dma_wait3A_344 = tpu.memref_squeeze %dma_wait3A_343 : memref<1x128x32xf32, #tpu.memory_space<vmem>> -> memref<128x32xf32, #tpu.memory_space<vmem>>
      %dma_wait3A_345 = arith.constant 0 : i32
      %dma_wait3A_346 = tpu.memref_slice %arg10[%select_n3A_331, %dma_wait3A_345] : memref<4x128xi32, #tpu.memory_space<vmem>> -> memref<1x128xi32, #tpu.memory_space<vmem>>
      %dma_wait3A_347 = tpu.memref_squeeze %dma_wait3A_346 : memref<1x128xi32, #tpu.memory_space<vmem>> -> memref<128xi32, #tpu.memory_space<vmem>>
      %dma_wait3A_348 = arith.constant 0 : i32
      %dma_wait3A_349 = arith.constant 0 : i32
      %dma_wait3A_350 = tpu.memref_slice %arg2[%dma_wait3A_348, %dma_wait3A_349] : memref<50000x32xf32, #tpu.memory_space<hbm>> -> memref<50000x32xf32, #tpu.memory_space<hbm>>
      tpu.wait_indirect_dma semaphore(%arg17 : memref<!tpu.dma_semaphore, #tpu.memory_space<semaphore_mem>>) src(%dma_wait3A_350 : memref<50000x32xf32, #tpu.memory_space<hbm>>) dst(%dma_wait3A_344 : memref<128x32xf32, #tpu.memory_space<vmem>>)
      %mul3A_351 = arith.constant 800000 : i32
      %mul3A_352 = arith.muli %arg0, %mul3A_351 : i32
      %add3A_353 = arith.addi %mul3A_352, %mul3A_189 : i32
      %mul3A_354 = arith.constant 128 : i32
      %mul3A_355 = arith.muli %while3A_266, %mul3A_354 : i32
      %add3A_356 = arith.addi %add3A_353, %mul3A_355 : i32
      %dma_wait3A_357 = arith.constant 0 : i32
      %dma_wait3A_358 = arith.constant 0 : i32
      %dma_wait3A_359 = tpu.memref_slice %arg13[%select_n3A_315, %dma_wait3A_357, %dma_wait3A_358] : memref<2x128x32xf32, #tpu.memory_space<vmem>> -> memref<1x128x32xf32, #tpu.memory_space<vmem>>
      %dma_wait3A_360 = tpu.memref_squeeze %dma_wait3A_359 : memref<1x128x32xf32, #tpu.memory_space<vmem>> -> memref<128x32xf32, #tpu.memory_space<vmem>>
      %dma_wait3A_361 = arith.constant 0 : i32
      %dma_wait3A_362 = tpu.memref_slice %arg4[%add3A_356, %dma_wait3A_361] : memref<1600000x32xf32, #tpu.memory_space<hbm>> -> memref<128x32xf32, #tpu.memory_space<hbm>>
      %dma_wait3A_363 = arith.constant 0 : i32
      %dma_wait3A_364 = arith.constant 0 : i32
      %dma_wait3A_365 = tpu.memref_slice %arg13[%select_n3A_315, %dma_wait3A_363, %dma_wait3A_364] : memref<2x128x32xf32, #tpu.memory_space<vmem>> -> memref<1x128x32xf32, #tpu.memory_space<vmem>>
      %dma_wait3A_366 = tpu.memref_squeeze %dma_wait3A_365 : memref<1x128x32xf32, #tpu.memory_space<vmem>> -> memref<128x32xf32, #tpu.memory_space<vmem>>
      %dma_wait3A_367 = arith.constant 0 : i32
      %dma_wait3A_368 = tpu.memref_slice %arg4[%add3A_356, %dma_wait3A_367] : memref<1600000x32xf32, #tpu.memory_space<hbm>> -> memref<128x32xf32, #tpu.memory_space<hbm>>
      tpu.wait_dma2 semaphore(%arg17 : memref<!tpu.dma_semaphore, #tpu.memory_space<semaphore_mem>>) src(%dma_wait3A_368 : memref<128x32xf32, #tpu.memory_space<hbm>>) dst(%dma_wait3A_366 : memref<128x32xf32, #tpu.memory_space<vmem>>)
      %ge3A = arith.constant 1 : i32
      %ge3A_369 = arith.cmpi sge, %while3A_266, %ge3A : i32
      %convert_element_type3A_370 = arith.extui %ge3A_369 : i1 to i32
      %cond3A_371 = arith.constant 0 : i32
      %cond3A_372 = arith.cmpi ne, %convert_element_type3A_370, %cond3A_371 : i32
      scf.if %cond3A_372 {
        %sub3A_468 = arith.constant 1 : i32
        %sub3A_469 = arith.subi %while3A_266, %sub3A_468 : i32
        %jit3A_470 = arith.constant 2 : i32
        %eq3A_471 = arith.constant 0 : i32
        %eq3A_472 = arith.cmpi eq, %jit3A_470, %eq3A_471 : i32
        %jit3A_473 = arith.constant 1 : i32
        %select_n3A_474 = arith.select %eq3A_472, %jit3A_473, %jit3A_470 : i32
        %rem3A_475 = arith.remsi %sub3A_469, %select_n3A_474 : i32
        %ne3A_476 = arith.constant 0 : i32
        %ne3A_477 = arith.cmpi ne, %rem3A_475, %ne3A_476 : i32
        %lt3A_478 = arith.constant 0 : i32
        %lt3A_479 = arith.cmpi slt, %rem3A_475, %lt3A_478 : i32
        %lt3A_480 = arith.constant 0 : i32
        %lt3A_481 = arith.cmpi slt, %select_n3A_474, %lt3A_480 : i32
        %ne3A_482 = arith.xori %lt3A_479, %lt3A_481 : i1
        %and3A_483 = arith.andi %ne3A_482, %ne3A_477 : i1
        %add3A_484 = arith.addi %rem3A_475, %select_n3A_474 : i32
        %select_n3A_485 = arith.select %and3A_483, %add3A_484, %rem3A_475 : i32
        %mul3A_486 = arith.constant 800000 : i32
        %mul3A_487 = arith.muli %arg0, %mul3A_486 : i32
        %add3A_488 = arith.addi %mul3A_487, %mul3A_189 : i32
        %mul3A_489 = arith.constant 128 : i32
        %mul3A_490 = arith.muli %sub3A_469, %mul3A_489 : i32
        %add3A_491 = arith.addi %add3A_488, %mul3A_490 : i32
        %dma_wait3A_492 = arith.constant 0 : i32
        %dma_wait3A_493 = arith.constant 0 : i32
        %dma_wait3A_494 = tpu.memref_slice %arg13[%select_n3A_485, %dma_wait3A_492, %dma_wait3A_493] : memref<2x128x32xf32, #tpu.memory_space<vmem>> -> memref<1x128x32xf32, #tpu.memory_space<vmem>>
        %dma_wait3A_495 = tpu.memref_squeeze %dma_wait3A_494 : memref<1x128x32xf32, #tpu.memory_space<vmem>> -> memref<128x32xf32, #tpu.memory_space<vmem>>
        %dma_wait3A_496 = arith.constant 0 : i32
        %dma_wait3A_497 = tpu.memref_slice %arg7[%add3A_491, %dma_wait3A_496] : memref<1600000x32xf32, #tpu.memory_space<hbm>> -> memref<128x32xf32, #tpu.memory_space<hbm>>
        %dma_wait3A_498 = arith.constant 0 : i32
        %dma_wait3A_499 = tpu.memref_slice %arg7[%add3A_491, %dma_wait3A_498] : memref<1600000x32xf32, #tpu.memory_space<hbm>> -> memref<128x32xf32, #tpu.memory_space<hbm>>
        %dma_wait3A_500 = arith.constant 0 : i32
        %dma_wait3A_501 = arith.constant 0 : i32
        %dma_wait3A_502 = tpu.memref_slice %arg13[%select_n3A_485, %dma_wait3A_500, %dma_wait3A_501] : memref<2x128x32xf32, #tpu.memory_space<vmem>> -> memref<1x128x32xf32, #tpu.memory_space<vmem>>
        %dma_wait3A_503 = tpu.memref_squeeze %dma_wait3A_502 : memref<1x128x32xf32, #tpu.memory_space<vmem>> -> memref<128x32xf32, #tpu.memory_space<vmem>>
        tpu.wait_dma2 semaphore(%arg18 : memref<!tpu.dma_semaphore, #tpu.memory_space<semaphore_mem>>) src(%dma_wait3A_503 : memref<128x32xf32, #tpu.memory_space<vmem>>) dst(%dma_wait3A_499 : memref<128x32xf32, #tpu.memory_space<hbm>>)
        %sub3A_504 = arith.constant 1 : i32
        %sub3A_505 = arith.subi %while3A_266, %sub3A_504 : i32
        %jit3A_506 = arith.constant 2 : i32
        %eq3A_507 = arith.constant 0 : i32
        %eq3A_508 = arith.cmpi eq, %jit3A_506, %eq3A_507 : i32
        %jit3A_509 = arith.constant 1 : i32
        %select_n3A_510 = arith.select %eq3A_508, %jit3A_509, %jit3A_506 : i32
        %rem3A_511 = arith.remsi %sub3A_505, %select_n3A_510 : i32
        %ne3A_512 = arith.constant 0 : i32
        %ne3A_513 = arith.cmpi ne, %rem3A_511, %ne3A_512 : i32
        %lt3A_514 = arith.constant 0 : i32
        %lt3A_515 = arith.cmpi slt, %rem3A_511, %lt3A_514 : i32
        %lt3A_516 = arith.constant 0 : i32
        %lt3A_517 = arith.cmpi slt, %select_n3A_510, %lt3A_516 : i32
        %ne3A_518 = arith.xori %lt3A_515, %lt3A_517 : i1
        %and3A_519 = arith.andi %ne3A_518, %ne3A_513 : i1
        %add3A_520 = arith.addi %rem3A_511, %select_n3A_510 : i32
        %select_n3A_521 = arith.select %and3A_519, %add3A_520, %rem3A_511 : i32
        %jit3A_522 = arith.constant 4 : i32
        %eq3A_523 = arith.constant 0 : i32
        %eq3A_524 = arith.cmpi eq, %jit3A_522, %eq3A_523 : i32
        %jit3A_525 = arith.constant 1 : i32
        %select_n3A_526 = arith.select %eq3A_524, %jit3A_525, %jit3A_522 : i32
        %rem3A_527 = arith.remsi %sub3A_505, %select_n3A_526 : i32
        %ne3A_528 = arith.constant 0 : i32
        %ne3A_529 = arith.cmpi ne, %rem3A_527, %ne3A_528 : i32
        %lt3A_530 = arith.constant 0 : i32
        %lt3A_531 = arith.cmpi slt, %rem3A_527, %lt3A_530 : i32
        %lt3A_532 = arith.constant 0 : i32
        %lt3A_533 = arith.cmpi slt, %select_n3A_526, %lt3A_532 : i32
        %ne3A_534 = arith.xori %lt3A_531, %lt3A_533 : i1
        %and3A_535 = arith.andi %ne3A_534, %ne3A_529 : i1
        %add3A_536 = arith.addi %rem3A_527, %select_n3A_526 : i32
        %select_n3A_537 = arith.select %and3A_535, %add3A_536, %rem3A_527 : i32
        %dma_wait3A_538 = arith.constant 0 : i32
        %dma_wait3A_539 = arith.constant 0 : i32
        %dma_wait3A_540 = tpu.memref_slice %arg12[%select_n3A_521, %dma_wait3A_538, %dma_wait3A_539] : memref<2x128x32xf32, #tpu.memory_space<vmem>> -> memref<1x128x32xf32, #tpu.memory_space<vmem>>
        %dma_wait3A_541 = tpu.memref_squeeze %dma_wait3A_540 : memref<1x128x32xf32, #tpu.memory_space<vmem>> -> memref<128x32xf32, #tpu.memory_space<vmem>>
        %dma_wait3A_542 = arith.constant 0 : i32
        %dma_wait3A_543 = tpu.memref_slice %arg10[%select_n3A_537, %dma_wait3A_542] : memref<4x128xi32, #tpu.memory_space<vmem>> -> memref<1x128xi32, #tpu.memory_space<vmem>>
        %dma_wait3A_544 = tpu.memref_squeeze %dma_wait3A_543 : memref<1x128xi32, #tpu.memory_space<vmem>> -> memref<128xi32, #tpu.memory_space<vmem>>
        %dma_wait3A_545 = arith.constant 0 : i32
        %dma_wait3A_546 = arith.constant 0 : i32
        %dma_wait3A_547 = tpu.memref_slice %arg15[%dma_wait3A_545, %dma_wait3A_546] : memref<50000x32xf32, #tpu.memory_space<vmem_shared>> -> memref<50000x32xf32, #tpu.memory_space<vmem_shared>>
        tpu.wait_indirect_dma semaphore(%arg19 : memref<!tpu.dma_semaphore, #tpu.memory_space<semaphore_mem>>) src(%dma_wait3A_541 : memref<128x32xf32, #tpu.memory_space<vmem>>) dst(%dma_wait3A_547 : memref<50000x32xf32, #tpu.memory_space<vmem_shared>>)
      } else {
      }
      %add3A_373 = arith.constant 1 : i32
      %add3A_374 = arith.addi %while3A_266, %add3A_373 : i32
      %lt3A_375 = arith.cmpi slt, %add3A_374, %select_n3A_216 : i32
      %convert_element_type3A_376 = arith.extui %lt3A_375 : i1 to i32
      %cond3A_377 = arith.constant 0 : i32
      %cond3A_378 = arith.cmpi ne, %convert_element_type3A_376, %cond3A_377 : i32
      scf.if %cond3A_378 {
        %add3A_468 = arith.constant 1 : i32
        %add3A_469 = arith.addi %while3A_266, %add3A_468 : i32
        %jit3A_470 = arith.constant 4 : i32
        %eq3A_471 = arith.constant 0 : i32
        %eq3A_472 = arith.cmpi eq, %jit3A_470, %eq3A_471 : i32
        %jit3A_473 = arith.constant 1 : i32
        %select_n3A_474 = arith.select %eq3A_472, %jit3A_473, %jit3A_470 : i32
        %rem3A_475 = arith.remsi %add3A_469, %select_n3A_474 : i32
        %ne3A_476 = arith.constant 0 : i32
        %ne3A_477 = arith.cmpi ne, %rem3A_475, %ne3A_476 : i32
        %lt3A_478 = arith.constant 0 : i32
        %lt3A_479 = arith.cmpi slt, %rem3A_475, %lt3A_478 : i32
        %lt3A_480 = arith.constant 0 : i32
        %lt3A_481 = arith.cmpi slt, %select_n3A_474, %lt3A_480 : i32
        %ne3A_482 = arith.xori %lt3A_479, %lt3A_481 : i1
        %and3A_483 = arith.andi %ne3A_482, %ne3A_477 : i1
        %add3A_484 = arith.addi %rem3A_475, %select_n3A_474 : i32
        %select_n3A_485 = arith.select %and3A_483, %add3A_484, %rem3A_475 : i32
        %mul3A_486 = arith.constant 128 : i32
        %mul3A_487 = arith.muli %add3A_469, %mul3A_486 : i32
        %add3A_488 = arith.addi %mul3A_189, %mul3A_487 : i32
        %dma_wait3A_489 = arith.constant 0 : i32
        %dma_wait3A_490 = tpu.memref_slice %arg9[%select_n3A_485, %dma_wait3A_489] : memref<4x128xi32, #tpu.memory_space<vmem>> -> memref<1x128xi32, #tpu.memory_space<vmem>>
        %dma_wait3A_491 = tpu.memref_squeeze %dma_wait3A_490 : memref<1x128xi32, #tpu.memory_space<vmem>> -> memref<128xi32, #tpu.memory_space<vmem>>
        %dma_wait3A_492 = tpu.memref_slice %arg5[%add3A_488] : memref<800000xi32, #tpu.memory_space<hbm>> -> memref<128xi32, #tpu.memory_space<hbm>>
        %dma_wait3A_493 = arith.constant 0 : i32
        %dma_wait3A_494 = tpu.memref_slice %arg9[%select_n3A_485, %dma_wait3A_493] : memref<4x128xi32, #tpu.memory_space<vmem>> -> memref<1x128xi32, #tpu.memory_space<vmem>>
        %dma_wait3A_495 = tpu.memref_squeeze %dma_wait3A_494 : memref<1x128xi32, #tpu.memory_space<vmem>> -> memref<128xi32, #tpu.memory_space<vmem>>
        %dma_wait3A_496 = tpu.memref_slice %arg5[%add3A_488] : memref<800000xi32, #tpu.memory_space<hbm>> -> memref<128xi32, #tpu.memory_space<hbm>>
        tpu.wait_dma2 semaphore(%arg16 : memref<!tpu.dma_semaphore, #tpu.memory_space<semaphore_mem>>) src(%dma_wait3A_496 : memref<128xi32, #tpu.memory_space<hbm>>) dst(%dma_wait3A_495 : memref<128xi32, #tpu.memory_space<vmem>>)
        %dma_wait3A_497 = arith.constant 0 : i32
        %dma_wait3A_498 = tpu.memref_slice %arg10[%select_n3A_485, %dma_wait3A_497] : memref<4x128xi32, #tpu.memory_space<vmem>> -> memref<1x128xi32, #tpu.memory_space<vmem>>
        %dma_wait3A_499 = tpu.memref_squeeze %dma_wait3A_498 : memref<1x128xi32, #tpu.memory_space<vmem>> -> memref<128xi32, #tpu.memory_space<vmem>>
        %dma_wait3A_500 = tpu.memref_slice %arg6[%add3A_488] : memref<800000xi32, #tpu.memory_space<hbm>> -> memref<128xi32, #tpu.memory_space<hbm>>
        %dma_wait3A_501 = arith.constant 0 : i32
        %dma_wait3A_502 = tpu.memref_slice %arg10[%select_n3A_485, %dma_wait3A_501] : memref<4x128xi32, #tpu.memory_space<vmem>> -> memref<1x128xi32, #tpu.memory_space<vmem>>
        %dma_wait3A_503 = tpu.memref_squeeze %dma_wait3A_502 : memref<1x128xi32, #tpu.memory_space<vmem>> -> memref<128xi32, #tpu.memory_space<vmem>>
        %dma_wait3A_504 = tpu.memref_slice %arg6[%add3A_488] : memref<800000xi32, #tpu.memory_space<hbm>> -> memref<128xi32, #tpu.memory_space<hbm>>
        tpu.wait_dma2 semaphore(%arg16 : memref<!tpu.dma_semaphore, #tpu.memory_space<semaphore_mem>>) src(%dma_wait3A_504 : memref<128xi32, #tpu.memory_space<hbm>>) dst(%dma_wait3A_503 : memref<128xi32, #tpu.memory_space<vmem>>)
        %add3A_505 = arith.constant 1 : i32
        %add3A_506 = arith.addi %while3A_266, %add3A_505 : i32
        %jit3A_507 = arith.constant 2 : i32
        %eq3A_508 = arith.constant 0 : i32
        %eq3A_509 = arith.cmpi eq, %jit3A_507, %eq3A_508 : i32
        %jit3A_510 = arith.constant 1 : i32
        %select_n3A_511 = arith.select %eq3A_509, %jit3A_510, %jit3A_507 : i32
        %rem3A_512 = arith.remsi %add3A_506, %select_n3A_511 : i32
        %ne3A_513 = arith.constant 0 : i32
        %ne3A_514 = arith.cmpi ne, %rem3A_512, %ne3A_513 : i32
        %lt3A_515 = arith.constant 0 : i32
        %lt3A_516 = arith.cmpi slt, %rem3A_512, %lt3A_515 : i32
        %lt3A_517 = arith.constant 0 : i32
        %lt3A_518 = arith.cmpi slt, %select_n3A_511, %lt3A_517 : i32
        %ne3A_519 = arith.xori %lt3A_516, %lt3A_518 : i1
        %and3A_520 = arith.andi %ne3A_519, %ne3A_514 : i1
        %add3A_521 = arith.addi %rem3A_512, %select_n3A_511 : i32
        %select_n3A_522 = arith.select %and3A_520, %add3A_521, %rem3A_512 : i32
        %jit3A_523 = arith.constant 4 : i32
        %eq3A_524 = arith.constant 0 : i32
        %eq3A_525 = arith.cmpi eq, %jit3A_523, %eq3A_524 : i32
        %jit3A_526 = arith.constant 1 : i32
        %select_n3A_527 = arith.select %eq3A_525, %jit3A_526, %jit3A_523 : i32
        %rem3A_528 = arith.remsi %add3A_506, %select_n3A_527 : i32
        %ne3A_529 = arith.constant 0 : i32
        %ne3A_530 = arith.cmpi ne, %rem3A_528, %ne3A_529 : i32
        %lt3A_531 = arith.constant 0 : i32
        %lt3A_532 = arith.cmpi slt, %rem3A_528, %lt3A_531 : i32
        %lt3A_533 = arith.constant 0 : i32
        %lt3A_534 = arith.cmpi slt, %select_n3A_527, %lt3A_533 : i32
        %ne3A_535 = arith.xori %lt3A_532, %lt3A_534 : i1
        %and3A_536 = arith.andi %ne3A_535, %ne3A_530 : i1
        %add3A_537 = arith.addi %rem3A_528, %select_n3A_527 : i32
        %select_n3A_538 = arith.select %and3A_536, %add3A_537, %rem3A_528 : i32
        %eq3A_539 = arith.constant 0 : i32
        %eq3A_540 = arith.cmpi eq, %arg0, %eq3A_539 : i32
        %convert_element_type3A_541 = arith.extui %eq3A_540 : i1 to i32
        %cond3A_542 = arith.constant 0 : i32
        %cond3A_543 = arith.cmpi ne, %convert_element_type3A_541, %cond3A_542 : i32
        scf.if %cond3A_543 {
          %dma_start3A_567 = arith.constant 0 : i32
          %dma_start3A_568 = arith.constant 0 : i32
          %dma_start3A_569 = tpu.memref_slice %arg11[%select_n3A_522, %dma_start3A_567, %dma_start3A_568] : memref<2x128x32xf32, #tpu.memory_space<vmem>> -> memref<1x128x32xf32, #tpu.memory_space<vmem>>
          %dma_start3A_570 = tpu.memref_squeeze %dma_start3A_569 : memref<1x128x32xf32, #tpu.memory_space<vmem>> -> memref<128x32xf32, #tpu.memory_space<vmem>>
          %dma_start3A_571 = arith.constant 0 : i32
          %dma_start3A_572 = tpu.memref_slice %arg9[%select_n3A_538, %dma_start3A_571] : memref<4x128xi32, #tpu.memory_space<vmem>> -> memref<1x128xi32, #tpu.memory_space<vmem>>
          %dma_start3A_573 = tpu.memref_squeeze %dma_start3A_572 : memref<1x128xi32, #tpu.memory_space<vmem>> -> memref<128xi32, #tpu.memory_space<vmem>>
          %dma_start3A_574 = arith.constant 0 : i32
          %dma_start3A_575 = arith.constant 0 : i32
          %dma_start3A_576 = tpu.memref_slice %arg2[%dma_start3A_574, %dma_start3A_575] : memref<50000x32xf32, #tpu.memory_space<hbm>> -> memref<50000x32xf32, #tpu.memory_space<hbm>>
          tpu.enqueue_indirect_dma source(%dma_start3A_576 : memref<50000x32xf32, #tpu.memory_space<hbm>>) target(%dma_start3A_570 : memref<128x32xf32, #tpu.memory_space<vmem>>) offsets(%dma_start3A_573 : memref<128xi32, #tpu.memory_space<vmem>>) semaphore(%arg17 : memref<!tpu.dma_semaphore, #tpu.memory_space<semaphore_mem>>)
          %dma_start3A_577 = arith.constant 0 : i32
          %dma_start3A_578 = arith.constant 0 : i32
          %dma_start3A_579 = tpu.memref_slice %arg12[%select_n3A_522, %dma_start3A_577, %dma_start3A_578] : memref<2x128x32xf32, #tpu.memory_space<vmem>> -> memref<1x128x32xf32, #tpu.memory_space<vmem>>
          %dma_start3A_580 = tpu.memref_squeeze %dma_start3A_579 : memref<1x128x32xf32, #tpu.memory_space<vmem>> -> memref<128x32xf32, #tpu.memory_space<vmem>>
          %dma_start3A_581 = arith.constant 0 : i32
          %dma_start3A_582 = tpu.memref_slice %arg10[%select_n3A_538, %dma_start3A_581] : memref<4x128xi32, #tpu.memory_space<vmem>> -> memref<1x128xi32, #tpu.memory_space<vmem>>
          %dma_start3A_583 = tpu.memref_squeeze %dma_start3A_582 : memref<1x128xi32, #tpu.memory_space<vmem>> -> memref<128xi32, #tpu.memory_space<vmem>>
          %dma_start3A_584 = arith.constant 0 : i32
          %dma_start3A_585 = arith.constant 0 : i32
          %dma_start3A_586 = tpu.memref_slice %arg2[%dma_start3A_584, %dma_start3A_585] : memref<50000x32xf32, #tpu.memory_space<hbm>> -> memref<50000x32xf32, #tpu.memory_space<hbm>>
          tpu.enqueue_indirect_dma source(%dma_start3A_586 : memref<50000x32xf32, #tpu.memory_space<hbm>>) target(%dma_start3A_580 : memref<128x32xf32, #tpu.memory_space<vmem>>) offsets(%dma_start3A_583 : memref<128xi32, #tpu.memory_space<vmem>>) semaphore(%arg17 : memref<!tpu.dma_semaphore, #tpu.memory_space<semaphore_mem>>)
        } else {
        }
        %eq3A_544 = arith.constant 1 : i32
        %eq3A_545 = arith.cmpi eq, %arg0, %eq3A_544 : i32
        %convert_element_type3A_546 = arith.extui %eq3A_545 : i1 to i32
        %cond3A_547 = arith.constant 0 : i32
        %cond3A_548 = arith.cmpi ne, %convert_element_type3A_546, %cond3A_547 : i32
        scf.if %cond3A_548 {
          %dma_start3A_567 = arith.constant 0 : i32
          %dma_start3A_568 = arith.constant 0 : i32
          %dma_start3A_569 = tpu.memref_slice %arg11[%select_n3A_522, %dma_start3A_567, %dma_start3A_568] : memref<2x128x32xf32, #tpu.memory_space<vmem>> -> memref<1x128x32xf32, #tpu.memory_space<vmem>>
          %dma_start3A_570 = tpu.memref_squeeze %dma_start3A_569 : memref<1x128x32xf32, #tpu.memory_space<vmem>> -> memref<128x32xf32, #tpu.memory_space<vmem>>
          %dma_start3A_571 = arith.constant 0 : i32
          %dma_start3A_572 = tpu.memref_slice %arg9[%select_n3A_538, %dma_start3A_571] : memref<4x128xi32, #tpu.memory_space<vmem>> -> memref<1x128xi32, #tpu.memory_space<vmem>>
          %dma_start3A_573 = tpu.memref_squeeze %dma_start3A_572 : memref<1x128xi32, #tpu.memory_space<vmem>> -> memref<128xi32, #tpu.memory_space<vmem>>
          %dma_start3A_574 = arith.constant 0 : i32
          %dma_start3A_575 = arith.constant 0 : i32
          %dma_start3A_576 = tpu.memref_slice %arg3[%dma_start3A_574, %dma_start3A_575] : memref<50000x32xf32, #tpu.memory_space<hbm>> -> memref<50000x32xf32, #tpu.memory_space<hbm>>
          tpu.enqueue_indirect_dma source(%dma_start3A_576 : memref<50000x32xf32, #tpu.memory_space<hbm>>) target(%dma_start3A_570 : memref<128x32xf32, #tpu.memory_space<vmem>>) offsets(%dma_start3A_573 : memref<128xi32, #tpu.memory_space<vmem>>) semaphore(%arg17 : memref<!tpu.dma_semaphore, #tpu.memory_space<semaphore_mem>>)
          %dma_start3A_577 = arith.constant 0 : i32
          %dma_start3A_578 = arith.constant 0 : i32
          %dma_start3A_579 = tpu.memref_slice %arg12[%select_n3A_522, %dma_start3A_577, %dma_start3A_578] : memref<2x128x32xf32, #tpu.memory_space<vmem>> -> memref<1x128x32xf32, #tpu.memory_space<vmem>>
          %dma_start3A_580 = tpu.memref_squeeze %dma_start3A_579 : memref<1x128x32xf32, #tpu.memory_space<vmem>> -> memref<128x32xf32, #tpu.memory_space<vmem>>
          %dma_start3A_581 = arith.constant 0 : i32
          %dma_start3A_582 = tpu.memref_slice %arg10[%select_n3A_538, %dma_start3A_581] : memref<4x128xi32, #tpu.memory_space<vmem>> -> memref<1x128xi32, #tpu.memory_space<vmem>>
          %dma_start3A_583 = tpu.memref_squeeze %dma_start3A_582 : memref<1x128xi32, #tpu.memory_space<vmem>> -> memref<128xi32, #tpu.memory_space<vmem>>
          %dma_start3A_584 = arith.constant 0 : i32
          %dma_start3A_585 = arith.constant 0 : i32
          %dma_start3A_586 = tpu.memref_slice %arg3[%dma_start3A_584, %dma_start3A_585] : memref<50000x32xf32, #tpu.memory_space<hbm>> -> memref<50000x32xf32, #tpu.memory_space<hbm>>
          tpu.enqueue_indirect_dma source(%dma_start3A_586 : memref<50000x32xf32, #tpu.memory_space<hbm>>) target(%dma_start3A_580 : memref<128x32xf32, #tpu.memory_space<vmem>>) offsets(%dma_start3A_583 : memref<128xi32, #tpu.memory_space<vmem>>) semaphore(%arg17 : memref<!tpu.dma_semaphore, #tpu.memory_space<semaphore_mem>>)
        } else {
        }
        %mul3A_549 = arith.constant 800000 : i32
        %mul3A_550 = arith.muli %arg0, %mul3A_549 : i32
        %add3A_551 = arith.addi %mul3A_550, %mul3A_189 : i32
        %mul3A_552 = arith.constant 128 : i32
        %mul3A_553 = arith.muli %add3A_506, %mul3A_552 : i32
        %add3A_554 = arith.addi %add3A_551, %mul3A_553 : i32
        %dma_start3A_555 = arith.constant 0 : i32
        %dma_start3A_556 = arith.constant 0 : i32
        %dma_start3A_557 = tpu.memref_slice %arg13[%select_n3A_522, %dma_start3A_555, %dma_start3A_556] : memref<2x128x32xf32, #tpu.memory_space<vmem>> -> memref<1x128x32xf32, #tpu.memory_space<vmem>>
        %dma_start3A_558 = tpu.memref_squeeze %dma_start3A_557 : memref<1x128x32xf32, #tpu.memory_space<vmem>> -> memref<128x32xf32, #tpu.memory_space<vmem>>
        %dma_start3A_559 = arith.constant 0 : i32
        %dma_start3A_560 = tpu.memref_slice %arg4[%add3A_554, %dma_start3A_559] : memref<1600000x32xf32, #tpu.memory_space<hbm>> -> memref<128x32xf32, #tpu.memory_space<hbm>>
        %dma_start3A_561 = arith.constant 0 : i32
        %dma_start3A_562 = arith.constant 0 : i32
        %dma_start3A_563 = tpu.memref_slice %arg13[%select_n3A_522, %dma_start3A_561, %dma_start3A_562] : memref<2x128x32xf32, #tpu.memory_space<vmem>> -> memref<1x128x32xf32, #tpu.memory_space<vmem>>
        %dma_start3A_564 = tpu.memref_squeeze %dma_start3A_563 : memref<1x128x32xf32, #tpu.memory_space<vmem>> -> memref<128x32xf32, #tpu.memory_space<vmem>>
        %dma_start3A_565 = arith.constant 0 : i32
        %dma_start3A_566 = tpu.memref_slice %arg4[%add3A_554, %dma_start3A_565] : memref<1600000x32xf32, #tpu.memory_space<hbm>> -> memref<128x32xf32, #tpu.memory_space<hbm>>
        tpu.enqueue_dma source(%dma_start3A_566 : memref<128x32xf32, #tpu.memory_space<hbm>>) target(%dma_start3A_564 : memref<128x32xf32, #tpu.memory_space<vmem>>) target_semaphore(%arg17 : memref<!tpu.dma_semaphore, #tpu.memory_space<semaphore_mem>>)
      } else {
      }
      %add3A_379 = arith.constant 2 : i32
      %add3A_380 = arith.addi %while3A_266, %add3A_379 : i32
      %lt3A_381 = arith.cmpi slt, %add3A_380, %select_n3A_216 : i32
      %convert_element_type3A_382 = arith.extui %lt3A_381 : i1 to i32
      %cond3A_383 = arith.constant 0 : i32
      %cond3A_384 = arith.cmpi ne, %convert_element_type3A_382, %cond3A_383 : i32
      scf.if %cond3A_384 {
        %add3A_468 = arith.constant 2 : i32
        %add3A_469 = arith.addi %while3A_266, %add3A_468 : i32
        %jit3A_470 = arith.constant 4 : i32
        %eq3A_471 = arith.constant 0 : i32
        %eq3A_472 = arith.cmpi eq, %jit3A_470, %eq3A_471 : i32
        %jit3A_473 = arith.constant 1 : i32
        %select_n3A_474 = arith.select %eq3A_472, %jit3A_473, %jit3A_470 : i32
        %rem3A_475 = arith.remsi %add3A_469, %select_n3A_474 : i32
        %ne3A_476 = arith.constant 0 : i32
        %ne3A_477 = arith.cmpi ne, %rem3A_475, %ne3A_476 : i32
        %lt3A_478 = arith.constant 0 : i32
        %lt3A_479 = arith.cmpi slt, %rem3A_475, %lt3A_478 : i32
        %lt3A_480 = arith.constant 0 : i32
        %lt3A_481 = arith.cmpi slt, %select_n3A_474, %lt3A_480 : i32
        %ne3A_482 = arith.xori %lt3A_479, %lt3A_481 : i1
        %and3A_483 = arith.andi %ne3A_482, %ne3A_477 : i1
        %add3A_484 = arith.addi %rem3A_475, %select_n3A_474 : i32
        %select_n3A_485 = arith.select %and3A_483, %add3A_484, %rem3A_475 : i32
        %mul3A_486 = arith.constant 128 : i32
        %mul3A_487 = arith.muli %add3A_469, %mul3A_486 : i32
        %add3A_488 = arith.addi %mul3A_189, %mul3A_487 : i32
        %dma_start3A_489 = arith.constant 0 : i32
        %dma_start3A_490 = tpu.memref_slice %arg9[%select_n3A_485, %dma_start3A_489] : memref<4x128xi32, #tpu.memory_space<vmem>> -> memref<1x128xi32, #tpu.memory_space<vmem>>
        %dma_start3A_491 = tpu.memref_squeeze %dma_start3A_490 : memref<1x128xi32, #tpu.memory_space<vmem>> -> memref<128xi32, #tpu.memory_space<vmem>>
        %dma_start3A_492 = tpu.memref_slice %arg5[%add3A_488] : memref<800000xi32, #tpu.memory_space<hbm>> -> memref<128xi32, #tpu.memory_space<hbm>>
        %dma_start3A_493 = arith.constant 0 : i32
        %dma_start3A_494 = tpu.memref_slice %arg9[%select_n3A_485, %dma_start3A_493] : memref<4x128xi32, #tpu.memory_space<vmem>> -> memref<1x128xi32, #tpu.memory_space<vmem>>
        %dma_start3A_495 = tpu.memref_squeeze %dma_start3A_494 : memref<1x128xi32, #tpu.memory_space<vmem>> -> memref<128xi32, #tpu.memory_space<vmem>>
        %dma_start3A_496 = tpu.memref_slice %arg5[%add3A_488] : memref<800000xi32, #tpu.memory_space<hbm>> -> memref<128xi32, #tpu.memory_space<hbm>>
        tpu.enqueue_dma source(%dma_start3A_496 : memref<128xi32, #tpu.memory_space<hbm>>) target(%dma_start3A_495 : memref<128xi32, #tpu.memory_space<vmem>>) target_semaphore(%arg16 : memref<!tpu.dma_semaphore, #tpu.memory_space<semaphore_mem>>)
        %dma_start3A_497 = arith.constant 0 : i32
        %dma_start3A_498 = tpu.memref_slice %arg10[%select_n3A_485, %dma_start3A_497] : memref<4x128xi32, #tpu.memory_space<vmem>> -> memref<1x128xi32, #tpu.memory_space<vmem>>
        %dma_start3A_499 = tpu.memref_squeeze %dma_start3A_498 : memref<1x128xi32, #tpu.memory_space<vmem>> -> memref<128xi32, #tpu.memory_space<vmem>>
        %dma_start3A_500 = tpu.memref_slice %arg6[%add3A_488] : memref<800000xi32, #tpu.memory_space<hbm>> -> memref<128xi32, #tpu.memory_space<hbm>>
        %dma_start3A_501 = arith.constant 0 : i32
        %dma_start3A_502 = tpu.memref_slice %arg10[%select_n3A_485, %dma_start3A_501] : memref<4x128xi32, #tpu.memory_space<vmem>> -> memref<1x128xi32, #tpu.memory_space<vmem>>
        %dma_start3A_503 = tpu.memref_squeeze %dma_start3A_502 : memref<1x128xi32, #tpu.memory_space<vmem>> -> memref<128xi32, #tpu.memory_space<vmem>>
        %dma_start3A_504 = tpu.memref_slice %arg6[%add3A_488] : memref<800000xi32, #tpu.memory_space<hbm>> -> memref<128xi32, #tpu.memory_space<hbm>>
        tpu.enqueue_dma source(%dma_start3A_504 : memref<128xi32, #tpu.memory_space<hbm>>) target(%dma_start3A_503 : memref<128xi32, #tpu.memory_space<vmem>>) target_semaphore(%arg16 : memref<!tpu.dma_semaphore, #tpu.memory_space<semaphore_mem>>)
      } else {
      }
      %scan3A_385 = arith.constant 0 : i32
      %scan3A_386 = arith.constant 0 : i32
      %scan3A_387 = arith.constant 128 : i32
      %scan3A_388 = arith.addi %scan3A_386, %scan3A_387 : i32
      %scan3A_389 = arith.constant 1 : i32
      %scan3A_390 = scf.for %scan3A_468 = %scan3A_386 to %scan3A_388 step %scan3A_389 iter_args(%scan3A_469 = %scan3A_385) -> (i32)  : i32 {
        %get3A = arith.index_cast %select_n3A_283 : i32 to index
        %get3A_470 = arith.index_cast %scan3A_468 : i32 to index
        %get3A_471 = arith.constant 0 : index
        %get3A_472 = tpu.vector_load %arg11[%get3A, %get3A_470, %get3A_471] {strides = array<i32>} : memref<2x128x32xf32, #tpu.memory_space<vmem>>, vector<1x1x16xf32>,
        %get3A_473 = vector.shape_cast %get3A_472 : vector<1x1x16xf32> to vector<16xf32>
        %get3A_474 = arith.index_cast %select_n3A_283 : i32 to index
        %get3A_475 = arith.index_cast %scan3A_468 : i32 to index
        %get3A_476 = arith.constant 0 : index
        %get3A_477 = tpu.vector_load %arg12[%get3A_474, %get3A_475, %get3A_476] {strides = array<i32>} : memref<2x128x32xf32, #tpu.memory_space<vmem>>, vector<1x1x16xf32>,
        %get3A_478 = vector.shape_cast %get3A_477 : vector<1x1x16xf32> to vector<16xf32>
        %add3A_479 = arith.addf %get3A_473, %get3A_478 : vector<16xf32>
        %get3A_480 = arith.index_cast %select_n3A_283 : i32 to index
        %get3A_481 = arith.index_cast %scan3A_468 : i32 to index
        %get3A_482 = arith.constant 0 : index
        %get3A_483 = tpu.vector_load %arg13[%get3A_480, %get3A_481, %get3A_482] {strides = array<i32>} : memref<2x128x32xf32, #tpu.memory_space<vmem>>, vector<1x1x16xf32>,
        %get3A_484 = vector.shape_cast %get3A_483 : vector<1x1x16xf32> to vector<16xf32>
        %add3A_485 = arith.addf %add3A_479, %get3A_484 : vector<16xf32>
        %mul3A_486 = arith.constant 0.333333343 : f32
        %mul3A_487 = vector.broadcast %mul3A_486 : f32 to vector<16xf32>
        %mul3A_488 = arith.mulf %add3A_485, %mul3A_487 : vector<16xf32>
        %swap3A = arith.index_cast %select_n3A_283 : i32 to index
        %swap3A_489 = arith.index_cast %scan3A_468 : i32 to index
        %swap3A_490 = arith.constant 0 : index
        %swap3A_491 = tpu.vector_load %arg13[%swap3A, %swap3A_489, %swap3A_490] {strides = array<i32>} : memref<2x128x32xf32, #tpu.memory_space<vmem>>, vector<1x1x16xf32>,
        %swap3A_492 = vector.shape_cast %swap3A_491 : vector<1x1x16xf32> to vector<16xf32>
        %swap3A_493 = vector.shape_cast %mul3A_488 : vector<16xf32> to vector<1x1x16xf32>
        tpu.vector_store %arg13[%swap3A, %swap3A_489, %swap3A_490], %swap3A_493 {strides = array<i32>} : memref<2x128x32xf32, #tpu.memory_space<vmem>>, vector<1x1x16xf32>,
        %add3A_494 = arith.addf %get3A_473, %mul3A_488 : vector<16xf32>
        %max3A = arith.constant 0.000000e+00 : f32
        %max3A_495 = vector.broadcast %max3A : f32 to vector<16xf32>
        %max3A_496 = arith.maximumf %add3A_494, %max3A_495 : vector<16xf32>
        %swap3A_497 = arith.index_cast %select_n3A_283 : i32 to index
        %swap3A_498 = arith.index_cast %scan3A_468 : i32 to index
        %swap3A_499 = arith.constant 0 : index
        %swap3A_500 = tpu.vector_load %arg12[%swap3A_497, %swap3A_498, %swap3A_499] {strides = array<i32>} : memref<2x128x32xf32, #tpu.memory_space<vmem>>, vector<1x1x16xf32>,
        %swap3A_501 = vector.shape_cast %swap3A_500 : vector<1x1x16xf32> to vector<16xf32>
        %swap3A_502 = vector.shape_cast %max3A_496 : vector<16xf32> to vector<1x1x16xf32>
        tpu.vector_store %arg12[%swap3A_497, %swap3A_498, %swap3A_499], %swap3A_502 {strides = array<i32>} : memref<2x128x32xf32, #tpu.memory_space<vmem>>, vector<1x1x16xf32>,
        %get3A_503 = arith.index_cast %select_n3A_283 : i32 to index
        %get3A_504 = arith.index_cast %scan3A_468 : i32 to index
        %get3A_505 = arith.constant 16 : index
        %get3A_506 = tpu.vector_load %arg11[%get3A_503, %get3A_504, %get3A_505] {strides = array<i32>} : memref<2x128x32xf32, #tpu.memory_space<vmem>>, vector<1x1x16xf32>,
        %get3A_507 = vector.shape_cast %get3A_506 : vector<1x1x16xf32> to vector<16xf32>
        %get3A_508 = arith.index_cast %select_n3A_283 : i32 to index
        %get3A_509 = arith.index_cast %scan3A_468 : i32 to index
        %get3A_510 = arith.constant 16 : index
        %get3A_511 = tpu.vector_load %arg12[%get3A_508, %get3A_509, %get3A_510] {strides = array<i32>} : memref<2x128x32xf32, #tpu.memory_space<vmem>>, vector<1x1x16xf32>,
        %get3A_512 = vector.shape_cast %get3A_511 : vector<1x1x16xf32> to vector<16xf32>
        %add3A_513 = arith.addf %get3A_507, %get3A_512 : vector<16xf32>
        %get3A_514 = arith.index_cast %select_n3A_283 : i32 to index
        %get3A_515 = arith.index_cast %scan3A_468 : i32 to index
        %get3A_516 = arith.constant 16 : index
        %get3A_517 = tpu.vector_load %arg13[%get3A_514, %get3A_515, %get3A_516] {strides = array<i32>} : memref<2x128x32xf32, #tpu.memory_space<vmem>>, vector<1x1x16xf32>,
        %get3A_518 = vector.shape_cast %get3A_517 : vector<1x1x16xf32> to vector<16xf32>
        %add3A_519 = arith.addf %add3A_513, %get3A_518 : vector<16xf32>
        %mul3A_520 = arith.constant 0.333333343 : f32
        %mul3A_521 = vector.broadcast %mul3A_520 : f32 to vector<16xf32>
        %mul3A_522 = arith.mulf %add3A_519, %mul3A_521 : vector<16xf32>
        %swap3A_523 = arith.index_cast %select_n3A_283 : i32 to index
        %swap3A_524 = arith.index_cast %scan3A_468 : i32 to index
        %swap3A_525 = arith.constant 16 : index
        %swap3A_526 = tpu.vector_load %arg13[%swap3A_523, %swap3A_524, %swap3A_525] {strides = array<i32>} : memref<2x128x32xf32, #tpu.memory_space<vmem>>, vector<1x1x16xf32>,
        %swap3A_527 = vector.shape_cast %swap3A_526 : vector<1x1x16xf32> to vector<16xf32>
        %swap3A_528 = vector.shape_cast %mul3A_522 : vector<16xf32> to vector<1x1x16xf32>
        tpu.vector_store %arg13[%swap3A_523, %swap3A_524, %swap3A_525], %swap3A_528 {strides = array<i32>} : memref<2x128x32xf32, #tpu.memory_space<vmem>>, vector<1x1x16xf32>,
        %add3A_529 = arith.addf %get3A_507, %mul3A_522 : vector<16xf32>
        %max3A_530 = arith.constant 0.000000e+00 : f32
        %max3A_531 = vector.broadcast %max3A_530 : f32 to vector<16xf32>
        %max3A_532 = arith.maximumf %add3A_529, %max3A_531 : vector<16xf32>
        %swap3A_533 = arith.index_cast %select_n3A_283 : i32 to index
        %swap3A_534 = arith.index_cast %scan3A_468 : i32 to index
        %swap3A_535 = arith.constant 16 : index
        %swap3A_536 = tpu.vector_load %arg12[%swap3A_533, %swap3A_534, %swap3A_535] {strides = array<i32>} : memref<2x128x32xf32, #tpu.memory_space<vmem>>, vector<1x1x16xf32>,
        %swap3A_537 = vector.shape_cast %swap3A_536 : vector<1x1x16xf32> to vector<16xf32>
        %swap3A_538 = vector.shape_cast %max3A_532 : vector<16xf32> to vector<1x1x16xf32>
        tpu.vector_store %arg12[%swap3A_533, %swap3A_534, %swap3A_535], %swap3A_538 {strides = array<i32>} : memref<2x128x32xf32, #tpu.memory_space<vmem>>, vector<1x1x16xf32>,
        %scan3A_539 = arith.constant 0 : i32
        scf.yield %scan3A_539 : i32
      }
      %scan3A_391 = arith.constant 128 : i32
      %jit3A_392 = arith.constant 2 : i32
      %eq3A_393 = arith.constant 0 : i32
      %eq3A_394 = arith.cmpi eq, %jit3A_392, %eq3A_393 : i32
      %jit3A_395 = arith.constant 1 : i32
      %select_n3A_396 = arith.select %eq3A_394, %jit3A_395, %jit3A_392 : i32
      %rem3A_397 = arith.remsi %while3A_266, %select_n3A_396 : i32
      %ne3A_398 = arith.constant 0 : i32
      %ne3A_399 = arith.cmpi ne, %rem3A_397, %ne3A_398 : i32
      %lt3A_400 = arith.constant 0 : i32
      %lt3A_401 = arith.cmpi slt, %rem3A_397, %lt3A_400 : i32
      %lt3A_402 = arith.constant 0 : i32
      %lt3A_403 = arith.cmpi slt, %select_n3A_396, %lt3A_402 : i32
      %ne3A_404 = arith.xori %lt3A_401, %lt3A_403 : i1
      %and3A_405 = arith.andi %ne3A_404, %ne3A_399 : i1
      %add3A_406 = arith.addi %rem3A_397, %select_n3A_396 : i32
      %select_n3A_407 = arith.select %and3A_405, %add3A_406, %rem3A_397 : i32
      %mul3A_408 = arith.constant 800000 : i32
      %mul3A_409 = arith.muli %arg0, %mul3A_408 : i32
      %add3A_410 = arith.addi %mul3A_409, %mul3A_189 : i32
      %mul3A_411 = arith.constant 128 : i32
      %mul3A_412 = arith.muli %while3A_266, %mul3A_411 : i32
      %add3A_413 = arith.addi %add3A_410, %mul3A_412 : i32
      %dma_start3A = arith.constant 0 : i32
      %dma_start3A_414 = arith.constant 0 : i32
      %dma_start3A_415 = tpu.memref_slice %arg13[%select_n3A_407, %dma_start3A, %dma_start3A_414] : memref<2x128x32xf32, #tpu.memory_space<vmem>> -> memref<1x128x32xf32, #tpu.memory_space<vmem>>
      %dma_start3A_416 = tpu.memref_squeeze %dma_start3A_415 : memref<1x128x32xf32, #tpu.memory_space<vmem>> -> memref<128x32xf32, #tpu.memory_space<vmem>>
      %dma_start3A_417 = arith.constant 0 : i32
      %dma_start3A_418 = tpu.memref_slice %arg7[%add3A_413, %dma_start3A_417] : memref<1600000x32xf32, #tpu.memory_space<hbm>> -> memref<128x32xf32, #tpu.memory_space<hbm>>
      %dma_start3A_419 = arith.constant 0 : i32
      %dma_start3A_420 = tpu.memref_slice %arg7[%add3A_413, %dma_start3A_419] : memref<1600000x32xf32, #tpu.memory_space<hbm>> -> memref<128x32xf32, #tpu.memory_space<hbm>>
      %dma_start3A_421 = arith.constant 0 : i32
      %dma_start3A_422 = arith.constant 0 : i32
      %dma_start3A_423 = tpu.memref_slice %arg13[%select_n3A_407, %dma_start3A_421, %dma_start3A_422] : memref<2x128x32xf32, #tpu.memory_space<vmem>> -> memref<1x128x32xf32, #tpu.memory_space<vmem>>
      %dma_start3A_424 = tpu.memref_squeeze %dma_start3A_423 : memref<1x128x32xf32, #tpu.memory_space<vmem>> -> memref<128x32xf32, #tpu.memory_space<vmem>>
      tpu.enqueue_dma source(%dma_start3A_424 : memref<128x32xf32, #tpu.memory_space<vmem>>) target(%dma_start3A_420 : memref<128x32xf32, #tpu.memory_space<hbm>>) target_semaphore(%arg18 : memref<!tpu.dma_semaphore, #tpu.memory_space<semaphore_mem>>)
      %jit3A_425 = arith.constant 2 : i32
      %eq3A_426 = arith.constant 0 : i32
      %eq3A_427 = arith.cmpi eq, %jit3A_425, %eq3A_426 : i32
      %jit3A_428 = arith.constant 1 : i32
      %select_n3A_429 = arith.select %eq3A_427, %jit3A_428, %jit3A_425 : i32
      %rem3A_430 = arith.remsi %while3A_266, %select_n3A_429 : i32
      %ne3A_431 = arith.constant 0 : i32
      %ne3A_432 = arith.cmpi ne, %rem3A_430, %ne3A_431 : i32
      %lt3A_433 = arith.constant 0 : i32
      %lt3A_434 = arith.cmpi slt, %rem3A_430, %lt3A_433 : i32
      %lt3A_435 = arith.constant 0 : i32
      %lt3A_436 = arith.cmpi slt, %select_n3A_429, %lt3A_435 : i32
      %ne3A_437 = arith.xori %lt3A_434, %lt3A_436 : i1
      %and3A_438 = arith.andi %ne3A_437, %ne3A_432 : i1
      %add3A_439 = arith.addi %rem3A_430, %select_n3A_429 : i32
      %select_n3A_440 = arith.select %and3A_438, %add3A_439, %rem3A_430 : i32
      %jit3A_441 = arith.constant 4 : i32
      %eq3A_442 = arith.constant 0 : i32
      %eq3A_443 = arith.cmpi eq, %jit3A_441, %eq3A_442 : i32
      %jit3A_444 = arith.constant 1 : i32
      %select_n3A_445 = arith.select %eq3A_443, %jit3A_444, %jit3A_441 : i32
      %rem3A_446 = arith.remsi %while3A_266, %select_n3A_445 : i32
      %ne3A_447 = arith.constant 0 : i32
      %ne3A_448 = arith.cmpi ne, %rem3A_446, %ne3A_447 : i32
      %lt3A_449 = arith.constant 0 : i32
      %lt3A_450 = arith.cmpi slt, %rem3A_446, %lt3A_449 : i32
      %lt3A_451 = arith.constant 0 : i32
      %lt3A_452 = arith.cmpi slt, %select_n3A_445, %lt3A_451 : i32
      %ne3A_453 = arith.xori %lt3A_450, %lt3A_452 : i1
      %and3A_454 = arith.andi %ne3A_453, %ne3A_448 : i1
      %add3A_455 = arith.addi %rem3A_446, %select_n3A_445 : i32
      %select_n3A_456 = arith.select %and3A_454, %add3A_455, %rem3A_446 : i32
      %dma_start3A_457 = arith.constant 0 : i32
      %dma_start3A_458 = arith.constant 0 : i32
      %dma_start3A_459 = tpu.memref_slice %arg12[%select_n3A_440, %dma_start3A_457, %dma_start3A_458] : memref<2x128x32xf32, #tpu.memory_space<vmem>> -> memref<1x128x32xf32, #tpu.memory_space<vmem>>
      %dma_start3A_460 = tpu.memref_squeeze %dma_start3A_459 : memref<1x128x32xf32, #tpu.memory_space<vmem>> -> memref<128x32xf32, #tpu.memory_space<vmem>>
      %dma_start3A_461 = arith.constant 0 : i32
      %dma_start3A_462 = tpu.memref_slice %arg10[%select_n3A_456, %dma_start3A_461] : memref<4x128xi32, #tpu.memory_space<vmem>> -> memref<1x128xi32, #tpu.memory_space<vmem>>
      %dma_start3A_463 = tpu.memref_squeeze %dma_start3A_462 : memref<1x128xi32, #tpu.memory_space<vmem>> -> memref<128xi32, #tpu.memory_space<vmem>>
      %dma_start3A_464 = arith.constant 0 : i32
      %dma_start3A_465 = arith.constant 0 : i32
      %dma_start3A_466 = tpu.memref_slice %arg15[%dma_start3A_464, %dma_start3A_465] : memref<50000x32xf32, #tpu.memory_space<vmem_shared>> -> memref<50000x32xf32, #tpu.memory_space<vmem_shared>>
      tpu.enqueue_indirect_dma source(%dma_start3A_460 : memref<128x32xf32, #tpu.memory_space<vmem>>) target(%dma_start3A_466 : memref<50000x32xf32, #tpu.memory_space<vmem_shared>>) offsets(%dma_start3A_463 : memref<128xi32, #tpu.memory_space<vmem>>) semaphore(%arg19 : memref<!tpu.dma_semaphore, #tpu.memory_space<semaphore_mem>>) {add = true}
      %while3A_467 = arith.constant 0 : i32
      scf.yield %while3A_467 : i32
    }
    %while3A_234 = arith.constant 1 : i32
    %while3A_235 = scf.for %while3A_266 = %while3A_231 to %while3A_227 step %while3A_234 iter_args(%while3A_267 = %while3A_233) -> (i32)  : i32 {
      %jit3A_268 = arith.constant 2 : i32
      %eq3A_269 = arith.constant 0 : i32
      %eq3A_270 = arith.cmpi eq, %jit3A_268, %eq3A_269 : i32
      %jit3A_271 = arith.constant 1 : i32
      %select_n3A_272 = arith.select %eq3A_270, %jit3A_271, %jit3A_268 : i32
      %rem3A_273 = arith.remsi %while3A_266, %select_n3A_272 : i32
      %ne3A_274 = arith.constant 0 : i32
      %ne3A_275 = arith.cmpi ne, %rem3A_273, %ne3A_274 : i32
      %lt3A_276 = arith.constant 0 : i32
      %lt3A_277 = arith.cmpi slt, %rem3A_273, %lt3A_276 : i32
      %lt3A_278 = arith.constant 0 : i32
      %lt3A_279 = arith.cmpi slt, %select_n3A_272, %lt3A_278 : i32
      %ne3A_280 = arith.xori %lt3A_277, %lt3A_279 : i1
      %and3A_281 = arith.andi %ne3A_280, %ne3A_275 : i1
      %add3A_282 = arith.addi %rem3A_273, %select_n3A_272 : i32
      %select_n3A_283 = arith.select %and3A_281, %add3A_282, %rem3A_273 : i32
      %jit3A_284 = arith.constant 4 : i32
      %eq3A_285 = arith.constant 0 : i32
      %eq3A_286 = arith.cmpi eq, %jit3A_284, %eq3A_285 : i32
      %jit3A_287 = arith.constant 1 : i32
      %select_n3A_288 = arith.select %eq3A_286, %jit3A_287, %jit3A_284 : i32
      %rem3A_289 = arith.remsi %while3A_266, %select_n3A_288 : i32
      %ne3A_290 = arith.constant 0 : i32
      %ne3A_291 = arith.cmpi ne, %rem3A_289, %ne3A_290 : i32
      %lt3A_292 = arith.constant 0 : i32
      %lt3A_293 = arith.cmpi slt, %rem3A_289, %lt3A_292 : i32
      %lt3A_294 = arith.constant 0 : i32
      %lt3A_295 = arith.cmpi slt, %select_n3A_288, %lt3A_294 : i32
      %ne3A_296 = arith.xori %lt3A_293, %lt3A_295 : i1
      %and3A_297 = arith.andi %ne3A_296, %ne3A_291 : i1
      %add3A_298 = arith.addi %rem3A_289, %select_n3A_288 : i32
      %select_n3A_299 = arith.select %and3A_297, %add3A_298, %rem3A_289 : i32
      %jit3A_300 = arith.constant 2 : i32
      %eq3A_301 = arith.constant 0 : i32
      %eq3A_302 = arith.cmpi eq, %jit3A_300, %eq3A_301 : i32
      %jit3A_303 = arith.constant 1 : i32
      %select_n3A_304 = arith.select %eq3A_302, %jit3A_303, %jit3A_300 : i32
      %rem3A_305 = arith.remsi %while3A_266, %select_n3A_304 : i32
      %ne3A_306 = arith.constant 0 : i32
      %ne3A_307 = arith.cmpi ne, %rem3A_305, %ne3A_306 : i32
      %lt3A_308 = arith.constant 0 : i32
      %lt3A_309 = arith.cmpi slt, %rem3A_305, %lt3A_308 : i32
      %lt3A_310 = arith.constant 0 : i32
      %lt3A_311 = arith.cmpi slt, %select_n3A_304, %lt3A_310 : i32
      %ne3A_312 = arith.xori %lt3A_309, %lt3A_311 : i1
      %and3A_313 = arith.andi %ne3A_312, %ne3A_307 : i1
      %add3A_314 = arith.addi %rem3A_305, %select_n3A_304 : i32
      %select_n3A_315 = arith.select %and3A_313, %add3A_314, %rem3A_305 : i32
      %jit3A_316 = arith.constant 4 : i32
      %eq3A_317 = arith.constant 0 : i32
      %eq3A_318 = arith.cmpi eq, %jit3A_316, %eq3A_317 : i32
      %jit3A_319 = arith.constant 1 : i32
      %select_n3A_320 = arith.select %eq3A_318, %jit3A_319, %jit3A_316 : i32
      %rem3A_321 = arith.remsi %while3A_266, %select_n3A_320 : i32
      %ne3A_322 = arith.constant 0 : i32
      %ne3A_323 = arith.cmpi ne, %rem3A_321, %ne3A_322 : i32
      %lt3A_324 = arith.constant 0 : i32
      %lt3A_325 = arith.cmpi slt, %rem3A_321, %lt3A_324 : i32
      %lt3A_326 = arith.constant 0 : i32
      %lt3A_327 = arith.cmpi slt, %select_n3A_320, %lt3A_326 : i32
      %ne3A_328 = arith.xori %lt3A_325, %lt3A_327 : i1
      %and3A_329 = arith.andi %ne3A_328, %ne3A_323 : i1
      %add3A_330 = arith.addi %rem3A_321, %select_n3A_320 : i32
      %select_n3A_331 = arith.select %and3A_329, %add3A_330, %rem3A_321 : i32
      %dma_wait3A = arith.constant 0 : i32
      %dma_wait3A_332 = arith.constant 0 : i32
      %dma_wait3A_333 = tpu.memref_slice %arg11[%select_n3A_315, %dma_wait3A, %dma_wait3A_332] : memref<2x128x32xf32, #tpu.memory_space<vmem>> -> memref<1x128x32xf32, #tpu.memory_space<vmem>>
      %dma_wait3A_334 = tpu.memref_squeeze %dma_wait3A_333 : memref<1x128x32xf32, #tpu.memory_space<vmem>> -> memref<128x32xf32, #tpu.memory_space<vmem>>
      %dma_wait3A_335 = arith.constant 0 : i32
      %dma_wait3A_336 = tpu.memref_slice %arg9[%select_n3A_331, %dma_wait3A_335] : memref<4x128xi32, #tpu.memory_space<vmem>> -> memref<1x128xi32, #tpu.memory_space<vmem>>
      %dma_wait3A_337 = tpu.memref_squeeze %dma_wait3A_336 : memref<1x128xi32, #tpu.memory_space<vmem>> -> memref<128xi32, #tpu.memory_space<vmem>>
      %dma_wait3A_338 = arith.constant 0 : i32
      %dma_wait3A_339 = arith.constant 0 : i32
      %dma_wait3A_340 = tpu.memref_slice %arg2[%dma_wait3A_338, %dma_wait3A_339] : memref<50000x32xf32, #tpu.memory_space<hbm>> -> memref<50000x32xf32, #tpu.memory_space<hbm>>
      tpu.wait_indirect_dma semaphore(%arg17 : memref<!tpu.dma_semaphore, #tpu.memory_space<semaphore_mem>>) src(%dma_wait3A_340 : memref<50000x32xf32, #tpu.memory_space<hbm>>) dst(%dma_wait3A_334 : memref<128x32xf32, #tpu.memory_space<vmem>>)
      %dma_wait3A_341 = arith.constant 0 : i32
      %dma_wait3A_342 = arith.constant 0 : i32
      %dma_wait3A_343 = tpu.memref_slice %arg12[%select_n3A_315, %dma_wait3A_341, %dma_wait3A_342] : memref<2x128x32xf32, #tpu.memory_space<vmem>> -> memref<1x128x32xf32, #tpu.memory_space<vmem>>
      %dma_wait3A_344 = tpu.memref_squeeze %dma_wait3A_343 : memref<1x128x32xf32, #tpu.memory_space<vmem>> -> memref<128x32xf32, #tpu.memory_space<vmem>>
      %dma_wait3A_345 = arith.constant 0 : i32
      %dma_wait3A_346 = tpu.memref_slice %arg10[%select_n3A_331, %dma_wait3A_345] : memref<4x128xi32, #tpu.memory_space<vmem>> -> memref<1x128xi32, #tpu.memory_space<vmem>>
      %dma_wait3A_347 = tpu.memref_squeeze %dma_wait3A_346 : memref<1x128xi32, #tpu.memory_space<vmem>> -> memref<128xi32, #tpu.memory_space<vmem>>
      %dma_wait3A_348 = arith.constant 0 : i32
      %dma_wait3A_349 = arith.constant 0 : i32
      %dma_wait3A_350 = tpu.memref_slice %arg2[%dma_wait3A_348, %dma_wait3A_349] : memref<50000x32xf32, #tpu.memory_space<hbm>> -> memref<50000x32xf32, #tpu.memory_space<hbm>>
      tpu.wait_indirect_dma semaphore(%arg17 : memref<!tpu.dma_semaphore, #tpu.memory_space<semaphore_mem>>) src(%dma_wait3A_350 : memref<50000x32xf32, #tpu.memory_space<hbm>>) dst(%dma_wait3A_344 : memref<128x32xf32, #tpu.memory_space<vmem>>)
      %mul3A_351 = arith.constant 800000 : i32
      %mul3A_352 = arith.muli %arg0, %mul3A_351 : i32
      %add3A_353 = arith.addi %mul3A_352, %mul3A_189 : i32
      %mul3A_354 = arith.constant 128 : i32
      %mul3A_355 = arith.muli %while3A_266, %mul3A_354 : i32
      %add3A_356 = arith.addi %add3A_353, %mul3A_355 : i32
      %dma_wait3A_357 = arith.constant 0 : i32
      %dma_wait3A_358 = arith.constant 0 : i32
      %dma_wait3A_359 = tpu.memref_slice %arg13[%select_n3A_315, %dma_wait3A_357, %dma_wait3A_358] : memref<2x128x32xf32, #tpu.memory_space<vmem>> -> memref<1x128x32xf32, #tpu.memory_space<vmem>>
      %dma_wait3A_360 = tpu.memref_squeeze %dma_wait3A_359 : memref<1x128x32xf32, #tpu.memory_space<vmem>> -> memref<128x32xf32, #tpu.memory_space<vmem>>
      %dma_wait3A_361 = arith.constant 0 : i32
      %dma_wait3A_362 = tpu.memref_slice %arg4[%add3A_356, %dma_wait3A_361] : memref<1600000x32xf32, #tpu.memory_space<hbm>> -> memref<128x32xf32, #tpu.memory_space<hbm>>
      %dma_wait3A_363 = arith.constant 0 : i32
      %dma_wait3A_364 = arith.constant 0 : i32
      %dma_wait3A_365 = tpu.memref_slice %arg13[%select_n3A_315, %dma_wait3A_363, %dma_wait3A_364] : memref<2x128x32xf32, #tpu.memory_space<vmem>> -> memref<1x128x32xf32, #tpu.memory_space<vmem>>
      %dma_wait3A_366 = tpu.memref_squeeze %dma_wait3A_365 : memref<1x128x32xf32, #tpu.memory_space<vmem>> -> memref<128x32xf32, #tpu.memory_space<vmem>>
      %dma_wait3A_367 = arith.constant 0 : i32
      %dma_wait3A_368 = tpu.memref_slice %arg4[%add3A_356, %dma_wait3A_367] : memref<1600000x32xf32, #tpu.memory_space<hbm>> -> memref<128x32xf32, #tpu.memory_space<hbm>>
      tpu.wait_dma2 semaphore(%arg17 : memref<!tpu.dma_semaphore, #tpu.memory_space<semaphore_mem>>) src(%dma_wait3A_368 : memref<128x32xf32, #tpu.memory_space<hbm>>) dst(%dma_wait3A_366 : memref<128x32xf32, #tpu.memory_space<vmem>>)
      %ge3A = arith.constant 1 : i32
      %ge3A_369 = arith.cmpi sge, %while3A_266, %ge3A : i32
      %convert_element_type3A_370 = arith.extui %ge3A_369 : i1 to i32
      %cond3A_371 = arith.constant 0 : i32
      %cond3A_372 = arith.cmpi ne, %convert_element_type3A_370, %cond3A_371 : i32
      scf.if %cond3A_372 {
        %sub3A_468 = arith.constant 1 : i32
        %sub3A_469 = arith.subi %while3A_266, %sub3A_468 : i32
        %jit3A_470 = arith.constant 2 : i32
        %eq3A_471 = arith.constant 0 : i32
        %eq3A_472 = arith.cmpi eq, %jit3A_470, %eq3A_471 : i32
        %jit3A_473 = arith.constant 1 : i32
        %select_n3A_474 = arith.select %eq3A_472, %jit3A_473, %jit3A_470 : i32
        %rem3A_475 = arith.remsi %sub3A_469, %select_n3A_474 : i32
        %ne3A_476 = arith.constant 0 : i32
        %ne3A_477 = arith.cmpi ne, %rem3A_475, %ne3A_476 : i32
        %lt3A_478 = arith.constant 0 : i32
        %lt3A_479 = arith.cmpi slt, %rem3A_475, %lt3A_478 : i32
        %lt3A_480 = arith.constant 0 : i32
        %lt3A_481 = arith.cmpi slt, %select_n3A_474, %lt3A_480 : i32
        %ne3A_482 = arith.xori %lt3A_479, %lt3A_481 : i1
        %and3A_483 = arith.andi %ne3A_482, %ne3A_477 : i1
        %add3A_484 = arith.addi %rem3A_475, %select_n3A_474 : i32
        %select_n3A_485 = arith.select %and3A_483, %add3A_484, %rem3A_475 : i32
        %mul3A_486 = arith.constant 800000 : i32
        %mul3A_487 = arith.muli %arg0, %mul3A_486 : i32
        %add3A_488 = arith.addi %mul3A_487, %mul3A_189 : i32
        %mul3A_489 = arith.constant 128 : i32
        %mul3A_490 = arith.muli %sub3A_469, %mul3A_489 : i32
        %add3A_491 = arith.addi %add3A_488, %mul3A_490 : i32
        %dma_wait3A_492 = arith.constant 0 : i32
        %dma_wait3A_493 = arith.constant 0 : i32
        %dma_wait3A_494 = tpu.memref_slice %arg13[%select_n3A_485, %dma_wait3A_492, %dma_wait3A_493] : memref<2x128x32xf32, #tpu.memory_space<vmem>> -> memref<1x128x32xf32, #tpu.memory_space<vmem>>
        %dma_wait3A_495 = tpu.memref_squeeze %dma_wait3A_494 : memref<1x128x32xf32, #tpu.memory_space<vmem>> -> memref<128x32xf32, #tpu.memory_space<vmem>>
        %dma_wait3A_496 = arith.constant 0 : i32
        %dma_wait3A_497 = tpu.memref_slice %arg7[%add3A_491, %dma_wait3A_496] : memref<1600000x32xf32, #tpu.memory_space<hbm>> -> memref<128x32xf32, #tpu.memory_space<hbm>>
        %dma_wait3A_498 = arith.constant 0 : i32
        %dma_wait3A_499 = tpu.memref_slice %arg7[%add3A_491, %dma_wait3A_498] : memref<1600000x32xf32, #tpu.memory_space<hbm>> -> memref<128x32xf32, #tpu.memory_space<hbm>>
        %dma_wait3A_500 = arith.constant 0 : i32
        %dma_wait3A_501 = arith.constant 0 : i32
        %dma_wait3A_502 = tpu.memref_slice %arg13[%select_n3A_485, %dma_wait3A_500, %dma_wait3A_501] : memref<2x128x32xf32, #tpu.memory_space<vmem>> -> memref<1x128x32xf32, #tpu.memory_space<vmem>>
        %dma_wait3A_503 = tpu.memref_squeeze %dma_wait3A_502 : memref<1x128x32xf32, #tpu.memory_space<vmem>> -> memref<128x32xf32, #tpu.memory_space<vmem>>
        tpu.wait_dma2 semaphore(%arg18 : memref<!tpu.dma_semaphore, #tpu.memory_space<semaphore_mem>>) src(%dma_wait3A_503 : memref<128x32xf32, #tpu.memory_space<vmem>>) dst(%dma_wait3A_499 : memref<128x32xf32, #tpu.memory_space<hbm>>)
        %sub3A_504 = arith.constant 1 : i32
        %sub3A_505 = arith.subi %while3A_266, %sub3A_504 : i32
        %jit3A_506 = arith.constant 2 : i32
        %eq3A_507 = arith.constant 0 : i32
        %eq3A_508 = arith.cmpi eq, %jit3A_506, %eq3A_507 : i32
        %jit3A_509 = arith.constant 1 : i32
        %select_n3A_510 = arith.select %eq3A_508, %jit3A_509, %jit3A_506 : i32
        %rem3A_511 = arith.remsi %sub3A_505, %select_n3A_510 : i32
        %ne3A_512 = arith.constant 0 : i32
        %ne3A_513 = arith.cmpi ne, %rem3A_511, %ne3A_512 : i32
        %lt3A_514 = arith.constant 0 : i32
        %lt3A_515 = arith.cmpi slt, %rem3A_511, %lt3A_514 : i32
        %lt3A_516 = arith.constant 0 : i32
        %lt3A_517 = arith.cmpi slt, %select_n3A_510, %lt3A_516 : i32
        %ne3A_518 = arith.xori %lt3A_515, %lt3A_517 : i1
        %and3A_519 = arith.andi %ne3A_518, %ne3A_513 : i1
        %add3A_520 = arith.addi %rem3A_511, %select_n3A_510 : i32
        %select_n3A_521 = arith.select %and3A_519, %add3A_520, %rem3A_511 : i32
        %jit3A_522 = arith.constant 4 : i32
        %eq3A_523 = arith.constant 0 : i32
        %eq3A_524 = arith.cmpi eq, %jit3A_522, %eq3A_523 : i32
        %jit3A_525 = arith.constant 1 : i32
        %select_n3A_526 = arith.select %eq3A_524, %jit3A_525, %jit3A_522 : i32
        %rem3A_527 = arith.remsi %sub3A_505, %select_n3A_526 : i32
        %ne3A_528 = arith.constant 0 : i32
        %ne3A_529 = arith.cmpi ne, %rem3A_527, %ne3A_528 : i32
        %lt3A_530 = arith.constant 0 : i32
        %lt3A_531 = arith.cmpi slt, %rem3A_527, %lt3A_530 : i32
        %lt3A_532 = arith.constant 0 : i32
        %lt3A_533 = arith.cmpi slt, %select_n3A_526, %lt3A_532 : i32
        %ne3A_534 = arith.xori %lt3A_531, %lt3A_533 : i1
        %and3A_535 = arith.andi %ne3A_534, %ne3A_529 : i1
        %add3A_536 = arith.addi %rem3A_527, %select_n3A_526 : i32
        %select_n3A_537 = arith.select %and3A_535, %add3A_536, %rem3A_527 : i32
        %dma_wait3A_538 = arith.constant 0 : i32
        %dma_wait3A_539 = arith.constant 0 : i32
        %dma_wait3A_540 = tpu.memref_slice %arg12[%select_n3A_521, %dma_wait3A_538, %dma_wait3A_539] : memref<2x128x32xf32, #tpu.memory_space<vmem>> -> memref<1x128x32xf32, #tpu.memory_space<vmem>>
        %dma_wait3A_541 = tpu.memref_squeeze %dma_wait3A_540 : memref<1x128x32xf32, #tpu.memory_space<vmem>> -> memref<128x32xf32, #tpu.memory_space<vmem>>
        %dma_wait3A_542 = arith.constant 0 : i32
        %dma_wait3A_543 = tpu.memref_slice %arg10[%select_n3A_537, %dma_wait3A_542] : memref<4x128xi32, #tpu.memory_space<vmem>> -> memref<1x128xi32, #tpu.memory_space<vmem>>
        %dma_wait3A_544 = tpu.memref_squeeze %dma_wait3A_543 : memref<1x128xi32, #tpu.memory_space<vmem>> -> memref<128xi32, #tpu.memory_space<vmem>>
        %dma_wait3A_545 = arith.constant 0 : i32
        %dma_wait3A_546 = arith.constant 0 : i32
        %dma_wait3A_547 = tpu.memref_slice %arg15[%dma_wait3A_545, %dma_wait3A_546] : memref<50000x32xf32, #tpu.memory_space<vmem_shared>> -> memref<50000x32xf32, #tpu.memory_space<vmem_shared>>
        tpu.wait_indirect_dma semaphore(%arg19 : memref<!tpu.dma_semaphore, #tpu.memory_space<semaphore_mem>>) src(%dma_wait3A_541 : memref<128x32xf32, #tpu.memory_space<vmem>>) dst(%dma_wait3A_547 : memref<50000x32xf32, #tpu.memory_space<vmem_shared>>)
      } else {
      }
      %add3A_373 = arith.constant 1 : i32
      %add3A_374 = arith.addi %while3A_266, %add3A_373 : i32
      %lt3A_375 = arith.cmpi slt, %add3A_374, %select_n3A_216 : i32
      %convert_element_type3A_376 = arith.extui %lt3A_375 : i1 to i32
      %cond3A_377 = arith.constant 0 : i32
      %cond3A_378 = arith.cmpi ne, %convert_element_type3A_376, %cond3A_377 : i32
      scf.if %cond3A_378 {
        %add3A_468 = arith.constant 1 : i32
        %add3A_469 = arith.addi %while3A_266, %add3A_468 : i32
        %jit3A_470 = arith.constant 4 : i32
        %eq3A_471 = arith.constant 0 : i32
        %eq3A_472 = arith.cmpi eq, %jit3A_470, %eq3A_471 : i32
        %jit3A_473 = arith.constant 1 : i32
        %select_n3A_474 = arith.select %eq3A_472, %jit3A_473, %jit3A_470 : i32
        %rem3A_475 = arith.remsi %add3A_469, %select_n3A_474 : i32
        %ne3A_476 = arith.constant 0 : i32
        %ne3A_477 = arith.cmpi ne, %rem3A_475, %ne3A_476 : i32
        %lt3A_478 = arith.constant 0 : i32
        %lt3A_479 = arith.cmpi slt, %rem3A_475, %lt3A_478 : i32
        %lt3A_480 = arith.constant 0 : i32
        %lt3A_481 = arith.cmpi slt, %select_n3A_474, %lt3A_480 : i32
        %ne3A_482 = arith.xori %lt3A_479, %lt3A_481 : i1
        %and3A_483 = arith.andi %ne3A_482, %ne3A_477 : i1
        %add3A_484 = arith.addi %rem3A_475, %select_n3A_474 : i32
        %select_n3A_485 = arith.select %and3A_483, %add3A_484, %rem3A_475 : i32
        %mul3A_486 = arith.constant 128 : i32
        %mul3A_487 = arith.muli %add3A_469, %mul3A_486 : i32
        %add3A_488 = arith.addi %mul3A_189, %mul3A_487 : i32
        %dma_wait3A_489 = arith.constant 0 : i32
        %dma_wait3A_490 = tpu.memref_slice %arg9[%select_n3A_485, %dma_wait3A_489] : memref<4x128xi32, #tpu.memory_space<vmem>> -> memref<1x128xi32, #tpu.memory_space<vmem>>
        %dma_wait3A_491 = tpu.memref_squeeze %dma_wait3A_490 : memref<1x128xi32, #tpu.memory_space<vmem>> -> memref<128xi32, #tpu.memory_space<vmem>>
        %dma_wait3A_492 = tpu.memref_slice %arg5[%add3A_488] : memref<800000xi32, #tpu.memory_space<hbm>> -> memref<128xi32, #tpu.memory_space<hbm>>
        %dma_wait3A_493 = arith.constant 0 : i32
        %dma_wait3A_494 = tpu.memref_slice %arg9[%select_n3A_485, %dma_wait3A_493] : memref<4x128xi32, #tpu.memory_space<vmem>> -> memref<1x128xi32, #tpu.memory_space<vmem>>
        %dma_wait3A_495 = tpu.memref_squeeze %dma_wait3A_494 : memref<1x128xi32, #tpu.memory_space<vmem>> -> memref<128xi32, #tpu.memory_space<vmem>>
        %dma_wait3A_496 = tpu.memref_slice %arg5[%add3A_488] : memref<800000xi32, #tpu.memory_space<hbm>> -> memref<128xi32, #tpu.memory_space<hbm>>
        tpu.wait_dma2 semaphore(%arg16 : memref<!tpu.dma_semaphore, #tpu.memory_space<semaphore_mem>>) src(%dma_wait3A_496 : memref<128xi32, #tpu.memory_space<hbm>>) dst(%dma_wait3A_495 : memref<128xi32, #tpu.memory_space<vmem>>)
        %dma_wait3A_497 = arith.constant 0 : i32
        %dma_wait3A_498 = tpu.memref_slice %arg10[%select_n3A_485, %dma_wait3A_497] : memref<4x128xi32, #tpu.memory_space<vmem>> -> memref<1x128xi32, #tpu.memory_space<vmem>>
        %dma_wait3A_499 = tpu.memref_squeeze %dma_wait3A_498 : memref<1x128xi32, #tpu.memory_space<vmem>> -> memref<128xi32, #tpu.memory_space<vmem>>
        %dma_wait3A_500 = tpu.memref_slice %arg6[%add3A_488] : memref<800000xi32, #tpu.memory_space<hbm>> -> memref<128xi32, #tpu.memory_space<hbm>>
        %dma_wait3A_501 = arith.constant 0 : i32
        %dma_wait3A_502 = tpu.memref_slice %arg10[%select_n3A_485, %dma_wait3A_501] : memref<4x128xi32, #tpu.memory_space<vmem>> -> memref<1x128xi32, #tpu.memory_space<vmem>>
        %dma_wait3A_503 = tpu.memref_squeeze %dma_wait3A_502 : memref<1x128xi32, #tpu.memory_space<vmem>> -> memref<128xi32, #tpu.memory_space<vmem>>
        %dma_wait3A_504 = tpu.memref_slice %arg6[%add3A_488] : memref<800000xi32, #tpu.memory_space<hbm>> -> memref<128xi32, #tpu.memory_space<hbm>>
        tpu.wait_dma2 semaphore(%arg16 : memref<!tpu.dma_semaphore, #tpu.memory_space<semaphore_mem>>) src(%dma_wait3A_504 : memref<128xi32, #tpu.memory_space<hbm>>) dst(%dma_wait3A_503 : memref<128xi32, #tpu.memory_space<vmem>>)
        %add3A_505 = arith.constant 1 : i32
        %add3A_506 = arith.addi %while3A_266, %add3A_505 : i32
        %jit3A_507 = arith.constant 2 : i32
        %eq3A_508 = arith.constant 0 : i32
        %eq3A_509 = arith.cmpi eq, %jit3A_507, %eq3A_508 : i32
        %jit3A_510 = arith.constant 1 : i32
        %select_n3A_511 = arith.select %eq3A_509, %jit3A_510, %jit3A_507 : i32
        %rem3A_512 = arith.remsi %add3A_506, %select_n3A_511 : i32
        %ne3A_513 = arith.constant 0 : i32
        %ne3A_514 = arith.cmpi ne, %rem3A_512, %ne3A_513 : i32
        %lt3A_515 = arith.constant 0 : i32
        %lt3A_516 = arith.cmpi slt, %rem3A_512, %lt3A_515 : i32
        %lt3A_517 = arith.constant 0 : i32
        %lt3A_518 = arith.cmpi slt, %select_n3A_511, %lt3A_517 : i32
        %ne3A_519 = arith.xori %lt3A_516, %lt3A_518 : i1
        %and3A_520 = arith.andi %ne3A_519, %ne3A_514 : i1
        %add3A_521 = arith.addi %rem3A_512, %select_n3A_511 : i32
        %select_n3A_522 = arith.select %and3A_520, %add3A_521, %rem3A_512 : i32
        %jit3A_523 = arith.constant 4 : i32
        %eq3A_524 = arith.constant 0 : i32
        %eq3A_525 = arith.cmpi eq, %jit3A_523, %eq3A_524 : i32
        %jit3A_526 = arith.constant 1 : i32
        %select_n3A_527 = arith.select %eq3A_525, %jit3A_526, %jit3A_523 : i32
        %rem3A_528 = arith.remsi %add3A_506, %select_n3A_527 : i32
        %ne3A_529 = arith.constant 0 : i32
        %ne3A_530 = arith.cmpi ne, %rem3A_528, %ne3A_529 : i32
        %lt3A_531 = arith.constant 0 : i32
        %lt3A_532 = arith.cmpi slt, %rem3A_528, %lt3A_531 : i32
        %lt3A_533 = arith.constant 0 : i32
        %lt3A_534 = arith.cmpi slt, %select_n3A_527, %lt3A_533 : i32
        %ne3A_535 = arith.xori %lt3A_532, %lt3A_534 : i1
        %and3A_536 = arith.andi %ne3A_535, %ne3A_530 : i1
        %add3A_537 = arith.addi %rem3A_528, %select_n3A_527 : i32
        %select_n3A_538 = arith.select %and3A_536, %add3A_537, %rem3A_528 : i32
        %eq3A_539 = arith.constant 0 : i32
        %eq3A_540 = arith.cmpi eq, %arg0, %eq3A_539 : i32
        %convert_element_type3A_541 = arith.extui %eq3A_540 : i1 to i32
        %cond3A_542 = arith.constant 0 : i32
        %cond3A_543 = arith.cmpi ne, %convert_element_type3A_541, %cond3A_542 : i32
        scf.if %cond3A_543 {
          %dma_start3A_567 = arith.constant 0 : i32
          %dma_start3A_568 = arith.constant 0 : i32
          %dma_start3A_569 = tpu.memref_slice %arg11[%select_n3A_522, %dma_start3A_567, %dma_start3A_568] : memref<2x128x32xf32, #tpu.memory_space<vmem>> -> memref<1x128x32xf32, #tpu.memory_space<vmem>>
          %dma_start3A_570 = tpu.memref_squeeze %dma_start3A_569 : memref<1x128x32xf32, #tpu.memory_space<vmem>> -> memref<128x32xf32, #tpu.memory_space<vmem>>
          %dma_start3A_571 = arith.constant 0 : i32
          %dma_start3A_572 = tpu.memref_slice %arg9[%select_n3A_538, %dma_start3A_571] : memref<4x128xi32, #tpu.memory_space<vmem>> -> memref<1x128xi32, #tpu.memory_space<vmem>>
          %dma_start3A_573 = tpu.memref_squeeze %dma_start3A_572 : memref<1x128xi32, #tpu.memory_space<vmem>> -> memref<128xi32, #tpu.memory_space<vmem>>
          %dma_start3A_574 = arith.constant 0 : i32
          %dma_start3A_575 = arith.constant 0 : i32
          %dma_start3A_576 = tpu.memref_slice %arg2[%dma_start3A_574, %dma_start3A_575] : memref<50000x32xf32, #tpu.memory_space<hbm>> -> memref<50000x32xf32, #tpu.memory_space<hbm>>
          tpu.enqueue_indirect_dma source(%dma_start3A_576 : memref<50000x32xf32, #tpu.memory_space<hbm>>) target(%dma_start3A_570 : memref<128x32xf32, #tpu.memory_space<vmem>>) offsets(%dma_start3A_573 : memref<128xi32, #tpu.memory_space<vmem>>) semaphore(%arg17 : memref<!tpu.dma_semaphore, #tpu.memory_space<semaphore_mem>>)
          %dma_start3A_577 = arith.constant 0 : i32
          %dma_start3A_578 = arith.constant 0 : i32
          %dma_start3A_579 = tpu.memref_slice %arg12[%select_n3A_522, %dma_start3A_577, %dma_start3A_578] : memref<2x128x32xf32, #tpu.memory_space<vmem>> -> memref<1x128x32xf32, #tpu.memory_space<vmem>>
          %dma_start3A_580 = tpu.memref_squeeze %dma_start3A_579 : memref<1x128x32xf32, #tpu.memory_space<vmem>> -> memref<128x32xf32, #tpu.memory_space<vmem>>
          %dma_start3A_581 = arith.constant 0 : i32
          %dma_start3A_582 = tpu.memref_slice %arg10[%select_n3A_538, %dma_start3A_581] : memref<4x128xi32, #tpu.memory_space<vmem>> -> memref<1x128xi32, #tpu.memory_space<vmem>>
          %dma_start3A_583 = tpu.memref_squeeze %dma_start3A_582 : memref<1x128xi32, #tpu.memory_space<vmem>> -> memref<128xi32, #tpu.memory_space<vmem>>
          %dma_start3A_584 = arith.constant 0 : i32
          %dma_start3A_585 = arith.constant 0 : i32
          %dma_start3A_586 = tpu.memref_slice %arg2[%dma_start3A_584, %dma_start3A_585] : memref<50000x32xf32, #tpu.memory_space<hbm>> -> memref<50000x32xf32, #tpu.memory_space<hbm>>
          tpu.enqueue_indirect_dma source(%dma_start3A_586 : memref<50000x32xf32, #tpu.memory_space<hbm>>) target(%dma_start3A_580 : memref<128x32xf32, #tpu.memory_space<vmem>>) offsets(%dma_start3A_583 : memref<128xi32, #tpu.memory_space<vmem>>) semaphore(%arg17 : memref<!tpu.dma_semaphore, #tpu.memory_space<semaphore_mem>>)
        } else {
        }
        %eq3A_544 = arith.constant 1 : i32
        %eq3A_545 = arith.cmpi eq, %arg0, %eq3A_544 : i32
        %convert_element_type3A_546 = arith.extui %eq3A_545 : i1 to i32
        %cond3A_547 = arith.constant 0 : i32
        %cond3A_548 = arith.cmpi ne, %convert_element_type3A_546, %cond3A_547 : i32
        scf.if %cond3A_548 {
          %dma_start3A_567 = arith.constant 0 : i32
          %dma_start3A_568 = arith.constant 0 : i32
          %dma_start3A_569 = tpu.memref_slice %arg11[%select_n3A_522, %dma_start3A_567, %dma_start3A_568] : memref<2x128x32xf32, #tpu.memory_space<vmem>> -> memref<1x128x32xf32, #tpu.memory_space<vmem>>
          %dma_start3A_570 = tpu.memref_squeeze %dma_start3A_569 : memref<1x128x32xf32, #tpu.memory_space<vmem>> -> memref<128x32xf32, #tpu.memory_space<vmem>>
          %dma_start3A_571 = arith.constant 0 : i32
          %dma_start3A_572 = tpu.memref_slice %arg9[%select_n3A_538, %dma_start3A_571] : memref<4x128xi32, #tpu.memory_space<vmem>> -> memref<1x128xi32, #tpu.memory_space<vmem>>
          %dma_start3A_573 = tpu.memref_squeeze %dma_start3A_572 : memref<1x128xi32, #tpu.memory_space<vmem>> -> memref<128xi32, #tpu.memory_space<vmem>>
          %dma_start3A_574 = arith.constant 0 : i32
          %dma_start3A_575 = arith.constant 0 : i32
          %dma_start3A_576 = tpu.memref_slice %arg3[%dma_start3A_574, %dma_start3A_575] : memref<50000x32xf32, #tpu.memory_space<hbm>> -> memref<50000x32xf32, #tpu.memory_space<hbm>>
          tpu.enqueue_indirect_dma source(%dma_start3A_576 : memref<50000x32xf32, #tpu.memory_space<hbm>>) target(%dma_start3A_570 : memref<128x32xf32, #tpu.memory_space<vmem>>) offsets(%dma_start3A_573 : memref<128xi32, #tpu.memory_space<vmem>>) semaphore(%arg17 : memref<!tpu.dma_semaphore, #tpu.memory_space<semaphore_mem>>)
          %dma_start3A_577 = arith.constant 0 : i32
          %dma_start3A_578 = arith.constant 0 : i32
          %dma_start3A_579 = tpu.memref_slice %arg12[%select_n3A_522, %dma_start3A_577, %dma_start3A_578] : memref<2x128x32xf32, #tpu.memory_space<vmem>> -> memref<1x128x32xf32, #tpu.memory_space<vmem>>
          %dma_start3A_580 = tpu.memref_squeeze %dma_start3A_579 : memref<1x128x32xf32, #tpu.memory_space<vmem>> -> memref<128x32xf32, #tpu.memory_space<vmem>>
          %dma_start3A_581 = arith.constant 0 : i32
          %dma_start3A_582 = tpu.memref_slice %arg10[%select_n3A_538, %dma_start3A_581] : memref<4x128xi32, #tpu.memory_space<vmem>> -> memref<1x128xi32, #tpu.memory_space<vmem>>
          %dma_start3A_583 = tpu.memref_squeeze %dma_start3A_582 : memref<1x128xi32, #tpu.memory_space<vmem>> -> memref<128xi32, #tpu.memory_space<vmem>>
          %dma_start3A_584 = arith.constant 0 : i32
          %dma_start3A_585 = arith.constant 0 : i32
          %dma_start3A_586 = tpu.memref_slice %arg3[%dma_start3A_584, %dma_start3A_585] : memref<50000x32xf32, #tpu.memory_space<hbm>> -> memref<50000x32xf32, #tpu.memory_space<hbm>>
          tpu.enqueue_indirect_dma source(%dma_start3A_586 : memref<50000x32xf32, #tpu.memory_space<hbm>>) target(%dma_start3A_580 : memref<128x32xf32, #tpu.memory_space<vmem>>) offsets(%dma_start3A_583 : memref<128xi32, #tpu.memory_space<vmem>>) semaphore(%arg17 : memref<!tpu.dma_semaphore, #tpu.memory_space<semaphore_mem>>)
        } else {
        }
        %mul3A_549 = arith.constant 800000 : i32
        %mul3A_550 = arith.muli %arg0, %mul3A_549 : i32
        %add3A_551 = arith.addi %mul3A_550, %mul3A_189 : i32
        %mul3A_552 = arith.constant 128 : i32
        %mul3A_553 = arith.muli %add3A_506, %mul3A_552 : i32
        %add3A_554 = arith.addi %add3A_551, %mul3A_553 : i32
        %dma_start3A_555 = arith.constant 0 : i32
        %dma_start3A_556 = arith.constant 0 : i32
        %dma_start3A_557 = tpu.memref_slice %arg13[%select_n3A_522, %dma_start3A_555, %dma_start3A_556] : memref<2x128x32xf32, #tpu.memory_space<vmem>> -> memref<1x128x32xf32, #tpu.memory_space<vmem>>
        %dma_start3A_558 = tpu.memref_squeeze %dma_start3A_557 : memref<1x128x32xf32, #tpu.memory_space<vmem>> -> memref<128x32xf32, #tpu.memory_space<vmem>>
        %dma_start3A_559 = arith.constant 0 : i32
        %dma_start3A_560 = tpu.memref_slice %arg4[%add3A_554, %dma_start3A_559] : memref<1600000x32xf32, #tpu.memory_space<hbm>> -> memref<128x32xf32, #tpu.memory_space<hbm>>
        %dma_start3A_561 = arith.constant 0 : i32
        %dma_start3A_562 = arith.constant 0 : i32
        %dma_start3A_563 = tpu.memref_slice %arg13[%select_n3A_522, %dma_start3A_561, %dma_start3A_562] : memref<2x128x32xf32, #tpu.memory_space<vmem>> -> memref<1x128x32xf32, #tpu.memory_space<vmem>>
        %dma_start3A_564 = tpu.memref_squeeze %dma_start3A_563 : memref<1x128x32xf32, #tpu.memory_space<vmem>> -> memref<128x32xf32, #tpu.memory_space<vmem>>
        %dma_start3A_565 = arith.constant 0 : i32
        %dma_start3A_566 = tpu.memref_slice %arg4[%add3A_554, %dma_start3A_565] : memref<1600000x32xf32, #tpu.memory_space<hbm>> -> memref<128x32xf32, #tpu.memory_space<hbm>>
        tpu.enqueue_dma source(%dma_start3A_566 : memref<128x32xf32, #tpu.memory_space<hbm>>) target(%dma_start3A_564 : memref<128x32xf32, #tpu.memory_space<vmem>>) target_semaphore(%arg17 : memref<!tpu.dma_semaphore, #tpu.memory_space<semaphore_mem>>)
      } else {
      }
      %add3A_379 = arith.constant 2 : i32
      %add3A_380 = arith.addi %while3A_266, %add3A_379 : i32
      %lt3A_381 = arith.cmpi slt, %add3A_380, %select_n3A_216 : i32
      %convert_element_type3A_382 = arith.extui %lt3A_381 : i1 to i32
      %cond3A_383 = arith.constant 0 : i32
      %cond3A_384 = arith.cmpi ne, %convert_element_type3A_382, %cond3A_383 : i32
      scf.if %cond3A_384 {
        %add3A_468 = arith.constant 2 : i32
        %add3A_469 = arith.addi %while3A_266, %add3A_468 : i32
        %jit3A_470 = arith.constant 4 : i32
        %eq3A_471 = arith.constant 0 : i32
        %eq3A_472 = arith.cmpi eq, %jit3A_470, %eq3A_471 : i32
        %jit3A_473 = arith.constant 1 : i32
        %select_n3A_474 = arith.select %eq3A_472, %jit3A_473, %jit3A_470 : i32
        %rem3A_475 = arith.remsi %add3A_469, %select_n3A_474 : i32
        %ne3A_476 = arith.constant 0 : i32
        %ne3A_477 = arith.cmpi ne, %rem3A_475, %ne3A_476 : i32
        %lt3A_478 = arith.constant 0 : i32
        %lt3A_479 = arith.cmpi slt, %rem3A_475, %lt3A_478 : i32
        %lt3A_480 = arith.constant 0 : i32
        %lt3A_481 = arith.cmpi slt, %select_n3A_474, %lt3A_480 : i32
        %ne3A_482 = arith.xori %lt3A_479, %lt3A_481 : i1
        %and3A_483 = arith.andi %ne3A_482, %ne3A_477 : i1
        %add3A_484 = arith.addi %rem3A_475, %select_n3A_474 : i32
        %select_n3A_485 = arith.select %and3A_483, %add3A_484, %rem3A_475 : i32
        %mul3A_486 = arith.constant 128 : i32
        %mul3A_487 = arith.muli %add3A_469, %mul3A_486 : i32
        %add3A_488 = arith.addi %mul3A_189, %mul3A_487 : i32
        %dma_start3A_489 = arith.constant 0 : i32
        %dma_start3A_490 = tpu.memref_slice %arg9[%select_n3A_485, %dma_start3A_489] : memref<4x128xi32, #tpu.memory_space<vmem>> -> memref<1x128xi32, #tpu.memory_space<vmem>>
        %dma_start3A_491 = tpu.memref_squeeze %dma_start3A_490 : memref<1x128xi32, #tpu.memory_space<vmem>> -> memref<128xi32, #tpu.memory_space<vmem>>
        %dma_start3A_492 = tpu.memref_slice %arg5[%add3A_488] : memref<800000xi32, #tpu.memory_space<hbm>> -> memref<128xi32, #tpu.memory_space<hbm>>
        %dma_start3A_493 = arith.constant 0 : i32
        %dma_start3A_494 = tpu.memref_slice %arg9[%select_n3A_485, %dma_start3A_493] : memref<4x128xi32, #tpu.memory_space<vmem>> -> memref<1x128xi32, #tpu.memory_space<vmem>>
        %dma_start3A_495 = tpu.memref_squeeze %dma_start3A_494 : memref<1x128xi32, #tpu.memory_space<vmem>> -> memref<128xi32, #tpu.memory_space<vmem>>
        %dma_start3A_496 = tpu.memref_slice %arg5[%add3A_488] : memref<800000xi32, #tpu.memory_space<hbm>> -> memref<128xi32, #tpu.memory_space<hbm>>
        tpu.enqueue_dma source(%dma_start3A_496 : memref<128xi32, #tpu.memory_space<hbm>>) target(%dma_start3A_495 : memref<128xi32, #tpu.memory_space<vmem>>) target_semaphore(%arg16 : memref<!tpu.dma_semaphore, #tpu.memory_space<semaphore_mem>>)
        %dma_start3A_497 = arith.constant 0 : i32
        %dma_start3A_498 = tpu.memref_slice %arg10[%select_n3A_485, %dma_start3A_497] : memref<4x128xi32, #tpu.memory_space<vmem>> -> memref<1x128xi32, #tpu.memory_space<vmem>>
        %dma_start3A_499 = tpu.memref_squeeze %dma_start3A_498 : memref<1x128xi32, #tpu.memory_space<vmem>> -> memref<128xi32, #tpu.memory_space<vmem>>
        %dma_start3A_500 = tpu.memref_slice %arg6[%add3A_488] : memref<800000xi32, #tpu.memory_space<hbm>> -> memref<128xi32, #tpu.memory_space<hbm>>
        %dma_start3A_501 = arith.constant 0 : i32
        %dma_start3A_502 = tpu.memref_slice %arg10[%select_n3A_485, %dma_start3A_501] : memref<4x128xi32, #tpu.memory_space<vmem>> -> memref<1x128xi32, #tpu.memory_space<vmem>>
        %dma_start3A_503 = tpu.memref_squeeze %dma_start3A_502 : memref<1x128xi32, #tpu.memory_space<vmem>> -> memref<128xi32, #tpu.memory_space<vmem>>
        %dma_start3A_504 = tpu.memref_slice %arg6[%add3A_488] : memref<800000xi32, #tpu.memory_space<hbm>> -> memref<128xi32, #tpu.memory_space<hbm>>
        tpu.enqueue_dma source(%dma_start3A_504 : memref<128xi32, #tpu.memory_space<hbm>>) target(%dma_start3A_503 : memref<128xi32, #tpu.memory_space<vmem>>) target_semaphore(%arg16 : memref<!tpu.dma_semaphore, #tpu.memory_space<semaphore_mem>>)
      } else {
      }
      %scan3A_385 = arith.constant 0 : i32
      %scan3A_386 = arith.constant 0 : i32
      %scan3A_387 = arith.constant 128 : i32
      %scan3A_388 = arith.addi %scan3A_386, %scan3A_387 : i32
      %scan3A_389 = arith.constant 1 : i32
      %scan3A_390 = scf.for %scan3A_468 = %scan3A_386 to %scan3A_388 step %scan3A_389 iter_args(%scan3A_469 = %scan3A_385) -> (i32)  : i32 {
        %get3A = arith.index_cast %select_n3A_283 : i32 to index
        %get3A_470 = arith.index_cast %scan3A_468 : i32 to index
        %get3A_471 = arith.constant 0 : index
        %get3A_472 = tpu.vector_load %arg11[%get3A, %get3A_470, %get3A_471] {strides = array<i32>} : memref<2x128x32xf32, #tpu.memory_space<vmem>>, vector<1x1x16xf32>,
        %get3A_473 = vector.shape_cast %get3A_472 : vector<1x1x16xf32> to vector<16xf32>
        %get3A_474 = arith.index_cast %select_n3A_283 : i32 to index
        %get3A_475 = arith.index_cast %scan3A_468 : i32 to index
        %get3A_476 = arith.constant 0 : index
        %get3A_477 = tpu.vector_load %arg12[%get3A_474, %get3A_475, %get3A_476] {strides = array<i32>} : memref<2x128x32xf32, #tpu.memory_space<vmem>>, vector<1x1x16xf32>,
        %get3A_478 = vector.shape_cast %get3A_477 : vector<1x1x16xf32> to vector<16xf32>
        %add3A_479 = arith.addf %get3A_473, %get3A_478 : vector<16xf32>
        %get3A_480 = arith.index_cast %select_n3A_283 : i32 to index
        %get3A_481 = arith.index_cast %scan3A_468 : i32 to index
        %get3A_482 = arith.constant 0 : index
        %get3A_483 = tpu.vector_load %arg13[%get3A_480, %get3A_481, %get3A_482] {strides = array<i32>} : memref<2x128x32xf32, #tpu.memory_space<vmem>>, vector<1x1x16xf32>,
        %get3A_484 = vector.shape_cast %get3A_483 : vector<1x1x16xf32> to vector<16xf32>
        %add3A_485 = arith.addf %add3A_479, %get3A_484 : vector<16xf32>
        %mul3A_486 = arith.constant 0.333333343 : f32
        %mul3A_487 = vector.broadcast %mul3A_486 : f32 to vector<16xf32>
        %mul3A_488 = arith.mulf %add3A_485, %mul3A_487 : vector<16xf32>
        %swap3A = arith.index_cast %select_n3A_283 : i32 to index
        %swap3A_489 = arith.index_cast %scan3A_468 : i32 to index
        %swap3A_490 = arith.constant 0 : index
        %swap3A_491 = tpu.vector_load %arg13[%swap3A, %swap3A_489, %swap3A_490] {strides = array<i32>} : memref<2x128x32xf32, #tpu.memory_space<vmem>>, vector<1x1x16xf32>,
        %swap3A_492 = vector.shape_cast %swap3A_491 : vector<1x1x16xf32> to vector<16xf32>
        %swap3A_493 = vector.shape_cast %mul3A_488 : vector<16xf32> to vector<1x1x16xf32>
        tpu.vector_store %arg13[%swap3A, %swap3A_489, %swap3A_490], %swap3A_493 {strides = array<i32>} : memref<2x128x32xf32, #tpu.memory_space<vmem>>, vector<1x1x16xf32>,
        %add3A_494 = arith.addf %get3A_473, %mul3A_488 : vector<16xf32>
        %max3A = arith.constant 0.000000e+00 : f32
        %max3A_495 = vector.broadcast %max3A : f32 to vector<16xf32>
        %max3A_496 = arith.maximumf %add3A_494, %max3A_495 : vector<16xf32>
        %swap3A_497 = arith.index_cast %select_n3A_283 : i32 to index
        %swap3A_498 = arith.index_cast %scan3A_468 : i32 to index
        %swap3A_499 = arith.constant 0 : index
        %swap3A_500 = tpu.vector_load %arg12[%swap3A_497, %swap3A_498, %swap3A_499] {strides = array<i32>} : memref<2x128x32xf32, #tpu.memory_space<vmem>>, vector<1x1x16xf32>,
        %swap3A_501 = vector.shape_cast %swap3A_500 : vector<1x1x16xf32> to vector<16xf32>
        %swap3A_502 = vector.shape_cast %max3A_496 : vector<16xf32> to vector<1x1x16xf32>
        tpu.vector_store %arg12[%swap3A_497, %swap3A_498, %swap3A_499], %swap3A_502 {strides = array<i32>} : memref<2x128x32xf32, #tpu.memory_space<vmem>>, vector<1x1x16xf32>,
        %get3A_503 = arith.index_cast %select_n3A_283 : i32 to index
        %get3A_504 = arith.index_cast %scan3A_468 : i32 to index
        %get3A_505 = arith.constant 16 : index
        %get3A_506 = tpu.vector_load %arg11[%get3A_503, %get3A_504, %get3A_505] {strides = array<i32>} : memref<2x128x32xf32, #tpu.memory_space<vmem>>, vector<1x1x16xf32>,
        %get3A_507 = vector.shape_cast %get3A_506 : vector<1x1x16xf32> to vector<16xf32>
        %get3A_508 = arith.index_cast %select_n3A_283 : i32 to index
        %get3A_509 = arith.index_cast %scan3A_468 : i32 to index
        %get3A_510 = arith.constant 16 : index
        %get3A_511 = tpu.vector_load %arg12[%get3A_508, %get3A_509, %get3A_510] {strides = array<i32>} : memref<2x128x32xf32, #tpu.memory_space<vmem>>, vector<1x1x16xf32>,
        %get3A_512 = vector.shape_cast %get3A_511 : vector<1x1x16xf32> to vector<16xf32>
        %add3A_513 = arith.addf %get3A_507, %get3A_512 : vector<16xf32>
        %get3A_514 = arith.index_cast %select_n3A_283 : i32 to index
        %get3A_515 = arith.index_cast %scan3A_468 : i32 to index
        %get3A_516 = arith.constant 16 : index
        %get3A_517 = tpu.vector_load %arg13[%get3A_514, %get3A_515, %get3A_516] {strides = array<i32>} : memref<2x128x32xf32, #tpu.memory_space<vmem>>, vector<1x1x16xf32>,
        %get3A_518 = vector.shape_cast %get3A_517 : vector<1x1x16xf32> to vector<16xf32>
        %add3A_519 = arith.addf %add3A_513, %get3A_518 : vector<16xf32>
        %mul3A_520 = arith.constant 0.333333343 : f32
        %mul3A_521 = vector.broadcast %mul3A_520 : f32 to vector<16xf32>
        %mul3A_522 = arith.mulf %add3A_519, %mul3A_521 : vector<16xf32>
        %swap3A_523 = arith.index_cast %select_n3A_283 : i32 to index
        %swap3A_524 = arith.index_cast %scan3A_468 : i32 to index
        %swap3A_525 = arith.constant 16 : index
        %swap3A_526 = tpu.vector_load %arg13[%swap3A_523, %swap3A_524, %swap3A_525] {strides = array<i32>} : memref<2x128x32xf32, #tpu.memory_space<vmem>>, vector<1x1x16xf32>,
        %swap3A_527 = vector.shape_cast %swap3A_526 : vector<1x1x16xf32> to vector<16xf32>
        %swap3A_528 = vector.shape_cast %mul3A_522 : vector<16xf32> to vector<1x1x16xf32>
        tpu.vector_store %arg13[%swap3A_523, %swap3A_524, %swap3A_525], %swap3A_528 {strides = array<i32>} : memref<2x128x32xf32, #tpu.memory_space<vmem>>, vector<1x1x16xf32>,
        %add3A_529 = arith.addf %get3A_507, %mul3A_522 : vector<16xf32>
        %max3A_530 = arith.constant 0.000000e+00 : f32
        %max3A_531 = vector.broadcast %max3A_530 : f32 to vector<16xf32>
        %max3A_532 = arith.maximumf %add3A_529, %max3A_531 : vector<16xf32>
        %swap3A_533 = arith.index_cast %select_n3A_283 : i32 to index
        %swap3A_534 = arith.index_cast %scan3A_468 : i32 to index
        %swap3A_535 = arith.constant 16 : index
        %swap3A_536 = tpu.vector_load %arg12[%swap3A_533, %swap3A_534, %swap3A_535] {strides = array<i32>} : memref<2x128x32xf32, #tpu.memory_space<vmem>>, vector<1x1x16xf32>,
        %swap3A_537 = vector.shape_cast %swap3A_536 : vector<1x1x16xf32> to vector<16xf32>
        %swap3A_538 = vector.shape_cast %max3A_532 : vector<16xf32> to vector<1x1x16xf32>
        tpu.vector_store %arg12[%swap3A_533, %swap3A_534, %swap3A_535], %swap3A_538 {strides = array<i32>} : memref<2x128x32xf32, #tpu.memory_space<vmem>>, vector<1x1x16xf32>,
        %scan3A_539 = arith.constant 0 : i32
        scf.yield %scan3A_539 : i32
      }
      %scan3A_391 = arith.constant 128 : i32
      %jit3A_392 = arith.constant 2 : i32
      %eq3A_393 = arith.constant 0 : i32
      %eq3A_394 = arith.cmpi eq, %jit3A_392, %eq3A_393 : i32
      %jit3A_395 = arith.constant 1 : i32
      %select_n3A_396 = arith.select %eq3A_394, %jit3A_395, %jit3A_392 : i32
      %rem3A_397 = arith.remsi %while3A_266, %select_n3A_396 : i32
      %ne3A_398 = arith.constant 0 : i32
      %ne3A_399 = arith.cmpi ne, %rem3A_397, %ne3A_398 : i32
      %lt3A_400 = arith.constant 0 : i32
      %lt3A_401 = arith.cmpi slt, %rem3A_397, %lt3A_400 : i32
      %lt3A_402 = arith.constant 0 : i32
      %lt3A_403 = arith.cmpi slt, %select_n3A_396, %lt3A_402 : i32
      %ne3A_404 = arith.xori %lt3A_401, %lt3A_403 : i1
      %and3A_405 = arith.andi %ne3A_404, %ne3A_399 : i1
      %add3A_406 = arith.addi %rem3A_397, %select_n3A_396 : i32
      %select_n3A_407 = arith.select %and3A_405, %add3A_406, %rem3A_397 : i32
      %mul3A_408 = arith.constant 800000 : i32
      %mul3A_409 = arith.muli %arg0, %mul3A_408 : i32
      %add3A_410 = arith.addi %mul3A_409, %mul3A_189 : i32
      %mul3A_411 = arith.constant 128 : i32
      %mul3A_412 = arith.muli %while3A_266, %mul3A_411 : i32
      %add3A_413 = arith.addi %add3A_410, %mul3A_412 : i32
      %dma_start3A = arith.constant 0 : i32
      %dma_start3A_414 = arith.constant 0 : i32
      %dma_start3A_415 = tpu.memref_slice %arg13[%select_n3A_407, %dma_start3A, %dma_start3A_414] : memref<2x128x32xf32, #tpu.memory_space<vmem>> -> memref<1x128x32xf32, #tpu.memory_space<vmem>>
      %dma_start3A_416 = tpu.memref_squeeze %dma_start3A_415 : memref<1x128x32xf32, #tpu.memory_space<vmem>> -> memref<128x32xf32, #tpu.memory_space<vmem>>
      %dma_start3A_417 = arith.constant 0 : i32
      %dma_start3A_418 = tpu.memref_slice %arg7[%add3A_413, %dma_start3A_417] : memref<1600000x32xf32, #tpu.memory_space<hbm>> -> memref<128x32xf32, #tpu.memory_space<hbm>>
      %dma_start3A_419 = arith.constant 0 : i32
      %dma_start3A_420 = tpu.memref_slice %arg7[%add3A_413, %dma_start3A_419] : memref<1600000x32xf32, #tpu.memory_space<hbm>> -> memref<128x32xf32, #tpu.memory_space<hbm>>
      %dma_start3A_421 = arith.constant 0 : i32
      %dma_start3A_422 = arith.constant 0 : i32
      %dma_start3A_423 = tpu.memref_slice %arg13[%select_n3A_407, %dma_start3A_421, %dma_start3A_422] : memref<2x128x32xf32, #tpu.memory_space<vmem>> -> memref<1x128x32xf32, #tpu.memory_space<vmem>>
      %dma_start3A_424 = tpu.memref_squeeze %dma_start3A_423 : memref<1x128x32xf32, #tpu.memory_space<vmem>> -> memref<128x32xf32, #tpu.memory_space<vmem>>
      tpu.enqueue_dma source(%dma_start3A_424 : memref<128x32xf32, #tpu.memory_space<vmem>>) target(%dma_start3A_420 : memref<128x32xf32, #tpu.memory_space<hbm>>) target_semaphore(%arg18 : memref<!tpu.dma_semaphore, #tpu.memory_space<semaphore_mem>>)
      %jit3A_425 = arith.constant 2 : i32
      %eq3A_426 = arith.constant 0 : i32
      %eq3A_427 = arith.cmpi eq, %jit3A_425, %eq3A_426 : i32
      %jit3A_428 = arith.constant 1 : i32
      %select_n3A_429 = arith.select %eq3A_427, %jit3A_428, %jit3A_425 : i32
      %rem3A_430 = arith.remsi %while3A_266, %select_n3A_429 : i32
      %ne3A_431 = arith.constant 0 : i32
      %ne3A_432 = arith.cmpi ne, %rem3A_430, %ne3A_431 : i32
      %lt3A_433 = arith.constant 0 : i32
      %lt3A_434 = arith.cmpi slt, %rem3A_430, %lt3A_433 : i32
      %lt3A_435 = arith.constant 0 : i32
      %lt3A_436 = arith.cmpi slt, %select_n3A_429, %lt3A_435 : i32
      %ne3A_437 = arith.xori %lt3A_434, %lt3A_436 : i1
      %and3A_438 = arith.andi %ne3A_437, %ne3A_432 : i1
      %add3A_439 = arith.addi %rem3A_430, %select_n3A_429 : i32
      %select_n3A_440 = arith.select %and3A_438, %add3A_439, %rem3A_430 : i32
      %jit3A_441 = arith.constant 4 : i32
      %eq3A_442 = arith.constant 0 : i32
      %eq3A_443 = arith.cmpi eq, %jit3A_441, %eq3A_442 : i32
      %jit3A_444 = arith.constant 1 : i32
      %select_n3A_445 = arith.select %eq3A_443, %jit3A_444, %jit3A_441 : i32
      %rem3A_446 = arith.remsi %while3A_266, %select_n3A_445 : i32
      %ne3A_447 = arith.constant 0 : i32
      %ne3A_448 = arith.cmpi ne, %rem3A_446, %ne3A_447 : i32
      %lt3A_449 = arith.constant 0 : i32
      %lt3A_450 = arith.cmpi slt, %rem3A_446, %lt3A_449 : i32
      %lt3A_451 = arith.constant 0 : i32
      %lt3A_452 = arith.cmpi slt, %select_n3A_445, %lt3A_451 : i32
      %ne3A_453 = arith.xori %lt3A_450, %lt3A_452 : i1
      %and3A_454 = arith.andi %ne3A_453, %ne3A_448 : i1
      %add3A_455 = arith.addi %rem3A_446, %select_n3A_445 : i32
      %select_n3A_456 = arith.select %and3A_454, %add3A_455, %rem3A_446 : i32
      %dma_start3A_457 = arith.constant 0 : i32
      %dma_start3A_458 = arith.constant 0 : i32
      %dma_start3A_459 = tpu.memref_slice %arg12[%select_n3A_440, %dma_start3A_457, %dma_start3A_458] : memref<2x128x32xf32, #tpu.memory_space<vmem>> -> memref<1x128x32xf32, #tpu.memory_space<vmem>>
      %dma_start3A_460 = tpu.memref_squeeze %dma_start3A_459 : memref<1x128x32xf32, #tpu.memory_space<vmem>> -> memref<128x32xf32, #tpu.memory_space<vmem>>
      %dma_start3A_461 = arith.constant 0 : i32
      %dma_start3A_462 = tpu.memref_slice %arg10[%select_n3A_456, %dma_start3A_461] : memref<4x128xi32, #tpu.memory_space<vmem>> -> memref<1x128xi32, #tpu.memory_space<vmem>>
      %dma_start3A_463 = tpu.memref_squeeze %dma_start3A_462 : memref<1x128xi32, #tpu.memory_space<vmem>> -> memref<128xi32, #tpu.memory_space<vmem>>
      %dma_start3A_464 = arith.constant 0 : i32
      %dma_start3A_465 = arith.constant 0 : i32
      %dma_start3A_466 = tpu.memref_slice %arg15[%dma_start3A_464, %dma_start3A_465] : memref<50000x32xf32, #tpu.memory_space<vmem_shared>> -> memref<50000x32xf32, #tpu.memory_space<vmem_shared>>
      tpu.enqueue_indirect_dma source(%dma_start3A_460 : memref<128x32xf32, #tpu.memory_space<vmem>>) target(%dma_start3A_466 : memref<50000x32xf32, #tpu.memory_space<vmem_shared>>) offsets(%dma_start3A_463 : memref<128xi32, #tpu.memory_space<vmem>>) semaphore(%arg19 : memref<!tpu.dma_semaphore, #tpu.memory_space<semaphore_mem>>) {add = true}
      %while3A_467 = arith.constant 0 : i32
      scf.yield %while3A_467 : i32
    }
    %gt3A_236 = arith.constant 0 : i32
    %gt3A_237 = arith.cmpi sgt, %select_n3A_216, %gt3A_236 : i32
    %convert_element_type3A_238 = arith.extui %gt3A_237 : i1 to i32
    %cond3A_239 = arith.constant 0 : i32
    %cond3A_240 = arith.cmpi ne, %convert_element_type3A_238, %cond3A_239 : i32
    scf.if %cond3A_240 {
      %sub3A_266 = arith.constant 1 : i32
      %sub3A_267 = arith.subi %select_n3A_216, %sub3A_266 : i32
      %jit3A_268 = arith.constant 2 : i32
      %eq3A_269 = arith.constant 0 : i32
      %eq3A_270 = arith.cmpi eq, %jit3A_268, %eq3A_269 : i32
      %jit3A_271 = arith.constant 1 : i32
      %select_n3A_272 = arith.select %eq3A_270, %jit3A_271, %jit3A_268 : i32
      %rem3A_273 = arith.remsi %sub3A_267, %select_n3A_272 : i32
      %ne3A_274 = arith.constant 0 : i32
      %ne3A_275 = arith.cmpi ne, %rem3A_273, %ne3A_274 : i32
      %lt3A_276 = arith.constant 0 : i32
      %lt3A_277 = arith.cmpi slt, %rem3A_273, %lt3A_276 : i32
      %lt3A_278 = arith.constant 0 : i32
      %lt3A_279 = arith.cmpi slt, %select_n3A_272, %lt3A_278 : i32
      %ne3A_280 = arith.xori %lt3A_277, %lt3A_279 : i1
      %and3A_281 = arith.andi %ne3A_280, %ne3A_275 : i1
      %add3A_282 = arith.addi %rem3A_273, %select_n3A_272 : i32
      %select_n3A_283 = arith.select %and3A_281, %add3A_282, %rem3A_273 : i32
      %mul3A_284 = arith.constant 800000 : i32
      %mul3A_285 = arith.muli %arg0, %mul3A_284 : i32
      %add3A_286 = arith.addi %mul3A_285, %mul3A_189 : i32
      %mul3A_287 = arith.constant 128 : i32
      %mul3A_288 = arith.muli %sub3A_267, %mul3A_287 : i32
      %add3A_289 = arith.addi %add3A_286, %mul3A_288 : i32
      %dma_wait3A = arith.constant 0 : i32
      %dma_wait3A_290 = arith.constant 0 : i32
      %dma_wait3A_291 = tpu.memref_slice %arg13[%select_n3A_283, %dma_wait3A, %dma_wait3A_290] : memref<2x128x32xf32, #tpu.memory_space<vmem>> -> memref<1x128x32xf32, #tpu.memory_space<vmem>>
      %dma_wait3A_292 = tpu.memref_squeeze %dma_wait3A_291 : memref<1x128x32xf32, #tpu.memory_space<vmem>> -> memref<128x32xf32, #tpu.memory_space<vmem>>
      %dma_wait3A_293 = arith.constant 0 : i32
      %dma_wait3A_294 = tpu.memref_slice %arg7[%add3A_289, %dma_wait3A_293] : memref<1600000x32xf32, #tpu.memory_space<hbm>> -> memref<128x32xf32, #tpu.memory_space<hbm>>
      %dma_wait3A_295 = arith.constant 0 : i32
      %dma_wait3A_296 = tpu.memref_slice %arg7[%add3A_289, %dma_wait3A_295] : memref<1600000x32xf32, #tpu.memory_space<hbm>> -> memref<128x32xf32, #tpu.memory_space<hbm>>
      %dma_wait3A_297 = arith.constant 0 : i32
      %dma_wait3A_298 = arith.constant 0 : i32
      %dma_wait3A_299 = tpu.memref_slice %arg13[%select_n3A_283, %dma_wait3A_297, %dma_wait3A_298] : memref<2x128x32xf32, #tpu.memory_space<vmem>> -> memref<1x128x32xf32, #tpu.memory_space<vmem>>
      %dma_wait3A_300 = tpu.memref_squeeze %dma_wait3A_299 : memref<1x128x32xf32, #tpu.memory_space<vmem>> -> memref<128x32xf32, #tpu.memory_space<vmem>>
      tpu.wait_dma2 semaphore(%arg18 : memref<!tpu.dma_semaphore, #tpu.memory_space<semaphore_mem>>) src(%dma_wait3A_300 : memref<128x32xf32, #tpu.memory_space<vmem>>) dst(%dma_wait3A_296 : memref<128x32xf32, #tpu.memory_space<hbm>>)
      %sub3A_301 = arith.constant 1 : i32
      %sub3A_302 = arith.subi %select_n3A_216, %sub3A_301 : i32
      %jit3A_303 = arith.constant 2 : i32
      %eq3A_304 = arith.constant 0 : i32
      %eq3A_305 = arith.cmpi eq, %jit3A_303, %eq3A_304 : i32
      %jit3A_306 = arith.constant 1 : i32
      %select_n3A_307 = arith.select %eq3A_305, %jit3A_306, %jit3A_303 : i32
      %rem3A_308 = arith.remsi %sub3A_302, %select_n3A_307 : i32
      %ne3A_309 = arith.constant 0 : i32
      %ne3A_310 = arith.cmpi ne, %rem3A_308, %ne3A_309 : i32
      %lt3A_311 = arith.constant 0 : i32
      %lt3A_312 = arith.cmpi slt, %rem3A_308, %lt3A_311 : i32
      %lt3A_313 = arith.constant 0 : i32
      %lt3A_314 = arith.cmpi slt, %select_n3A_307, %lt3A_313 : i32
      %ne3A_315 = arith.xori %lt3A_312, %lt3A_314 : i1
      %and3A_316 = arith.andi %ne3A_315, %ne3A_310 : i1
      %add3A_317 = arith.addi %rem3A_308, %select_n3A_307 : i32
      %select_n3A_318 = arith.select %and3A_316, %add3A_317, %rem3A_308 : i32
      %jit3A_319 = arith.constant 4 : i32
      %eq3A_320 = arith.constant 0 : i32
      %eq3A_321 = arith.cmpi eq, %jit3A_319, %eq3A_320 : i32
      %jit3A_322 = arith.constant 1 : i32
      %select_n3A_323 = arith.select %eq3A_321, %jit3A_322, %jit3A_319 : i32
      %rem3A_324 = arith.remsi %sub3A_302, %select_n3A_323 : i32
      %ne3A_325 = arith.constant 0 : i32
      %ne3A_326 = arith.cmpi ne, %rem3A_324, %ne3A_325 : i32
      %lt3A_327 = arith.constant 0 : i32
      %lt3A_328 = arith.cmpi slt, %rem3A_324, %lt3A_327 : i32
      %lt3A_329 = arith.constant 0 : i32
      %lt3A_330 = arith.cmpi slt, %select_n3A_323, %lt3A_329 : i32
      %ne3A_331 = arith.xori %lt3A_328, %lt3A_330 : i1
      %and3A_332 = arith.andi %ne3A_331, %ne3A_326 : i1
      %add3A_333 = arith.addi %rem3A_324, %select_n3A_323 : i32
      %select_n3A_334 = arith.select %and3A_332, %add3A_333, %rem3A_324 : i32
      %dma_wait3A_335 = arith.constant 0 : i32
      %dma_wait3A_336 = arith.constant 0 : i32
      %dma_wait3A_337 = tpu.memref_slice %arg12[%select_n3A_318, %dma_wait3A_335, %dma_wait3A_336] : memref<2x128x32xf32, #tpu.memory_space<vmem>> -> memref<1x128x32xf32, #tpu.memory_space<vmem>>
      %dma_wait3A_338 = tpu.memref_squeeze %dma_wait3A_337 : memref<1x128x32xf32, #tpu.memory_space<vmem>> -> memref<128x32xf32, #tpu.memory_space<vmem>>
      %dma_wait3A_339 = arith.constant 0 : i32
      %dma_wait3A_340 = tpu.memref_slice %arg10[%select_n3A_334, %dma_wait3A_339] : memref<4x128xi32, #tpu.memory_space<vmem>> -> memref<1x128xi32, #tpu.memory_space<vmem>>
      %dma_wait3A_341 = tpu.memref_squeeze %dma_wait3A_340 : memref<1x128xi32, #tpu.memory_space<vmem>> -> memref<128xi32, #tpu.memory_space<vmem>>
      %dma_wait3A_342 = arith.constant 0 : i32
      %dma_wait3A_343 = arith.constant 0 : i32
      %dma_wait3A_344 = tpu.memref_slice %arg15[%dma_wait3A_342, %dma_wait3A_343] : memref<50000x32xf32, #tpu.memory_space<vmem_shared>> -> memref<50000x32xf32, #tpu.memory_space<vmem_shared>>
      tpu.wait_indirect_dma semaphore(%arg19 : memref<!tpu.dma_semaphore, #tpu.memory_space<semaphore_mem>>) src(%dma_wait3A_338 : memref<128x32xf32, #tpu.memory_space<vmem>>) dst(%dma_wait3A_344 : memref<50000x32xf32, #tpu.memory_space<vmem_shared>>)
    } else {
    }
    %barrier3A_241 = arith.constant 0 : index
    tpu.barrier barrier_id(%barrier3A_241)
    %while3A_242 = arith.constant 0 : i32
    %while3A_243 = arith.constant 0 : i32
    %while3A_244 = arith.subi %select_n3A_120, %while3A_242 : i32
    %while3A_245 = arith.addi %while3A_242, %while3A_244 : i32
    %while3A_246 = arith.constant 1 : i32
    %while3A_247 = arith.divsi %while3A_244, %while3A_246 : i32
    %while3A_248 = arith.muli %while3A_247, %while3A_246 : i32
    %while3A_249 = arith.addi %while3A_242, %while3A_248 : i32
    %while3A_250 = arith.constant 1 : i32
    %while3A_251 = scf.for %while3A_266 = %while3A_242 to %while3A_249 step %while3A_250 iter_args(%while3A_267 = %while3A_243) -> (i32)  : i32 {
      %mul3A_268 = arith.constant 128 : i32
      %mul3A_269 = arith.muli %while3A_266, %mul3A_268 : i32
      %add3A_270 = arith.addi %mul3A_42, %mul3A_269 : i32
      %mul3A_271 = arith.constant 50000 : i32
      %mul3A_272 = arith.muli %arg0, %mul3A_271 : i32
      %add3A_273 = arith.addi %mul3A_272, %mul3A_42 : i32
      %mul3A_274 = arith.constant 128 : i32
      %mul3A_275 = arith.muli %while3A_266, %mul3A_274 : i32
      %add3A_276 = arith.addi %add3A_273, %mul3A_275 : i32
      "tpu.region"() ({
        %run_scoped3A = tpu.sem_alloc : memref<!tpu.dma_semaphore, #tpu.memory_space<semaphore_mem>>
        %dma_start3A = arith.constant 0 : i32
        %dma_start3A_278 = tpu.memref_slice %arg8[%add3A_276, %dma_start3A] : memref<100000x32xf32, #tpu.memory_space<hbm>> -> memref<128x32xf32, #tpu.memory_space<hbm>>
        %dma_start3A_279 = arith.constant 0 : i32
        %dma_start3A_280 = tpu.memref_slice %arg15[%add3A_270, %dma_start3A_279] : memref<50000x32xf32, #tpu.memory_space<vmem_shared>> -> memref<128x32xf32, #tpu.memory_space<vmem_shared>>
        tpu.enqueue_dma source(%dma_start3A_280 : memref<128x32xf32, #tpu.memory_space<vmem_shared>>) target(%dma_start3A_278 : memref<128x32xf32, #tpu.memory_space<hbm>>) target_semaphore(%run_scoped3A : memref<!tpu.dma_semaphore, #tpu.memory_space<semaphore_mem>>)
        %dma_wait3A = arith.constant 0 : i32
        %dma_wait3A_281 = tpu.memref_slice %arg8[%add3A_276, %dma_wait3A] : memref<100000x32xf32, #tpu.memory_space<hbm>> -> memref<128x32xf32, #tpu.memory_space<hbm>>
        %dma_wait3A_282 = arith.constant 0 : i32
        %dma_wait3A_283 = tpu.memref_slice %arg15[%add3A_270, %dma_wait3A_282] : memref<50000x32xf32, #tpu.memory_space<vmem_shared>> -> memref<128x32xf32, #tpu.memory_space<vmem_shared>>
        tpu.wait_dma2 semaphore(%run_scoped3A : memref<!tpu.dma_semaphore, #tpu.memory_space<semaphore_mem>>) src(%dma_wait3A_283 : memref<128x32xf32, #tpu.memory_space<vmem_shared>>) dst(%dma_wait3A_281 : memref<128x32xf32, #tpu.memory_space<hbm>>)
        tpu.yield
      }) : () -> ()
      %while3A_277 = arith.constant 0 : i32
      scf.yield %while3A_277 : i32
    }
    %while3A_252 = arith.constant 1 : i32
    %while3A_253 = scf.for %while3A_266 = %while3A_249 to %while3A_245 step %while3A_252 iter_args(%while3A_267 = %while3A_251) -> (i32)  : i32 {
      %mul3A_268 = arith.constant 128 : i32
      %mul3A_269 = arith.muli %while3A_266, %mul3A_268 : i32
      %add3A_270 = arith.addi %mul3A_42, %mul3A_269 : i32
      %mul3A_271 = arith.constant 50000 : i32
      %mul3A_272 = arith.muli %arg0, %mul3A_271 : i32
      %add3A_273 = arith.addi %mul3A_272, %mul3A_42 : i32
      %mul3A_274 = arith.constant 128 : i32
      %mul3A_275 = arith.muli %while3A_266, %mul3A_274 : i32
      %add3A_276 = arith.addi %add3A_273, %mul3A_275 : i32
      "tpu.region"() ({
        %run_scoped3A = tpu.sem_alloc : memref<!tpu.dma_semaphore, #tpu.memory_space<semaphore_mem>>
        %dma_start3A = arith.constant 0 : i32
        %dma_start3A_278 = tpu.memref_slice %arg8[%add3A_276, %dma_start3A] : memref<100000x32xf32, #tpu.memory_space<hbm>> -> memref<128x32xf32, #tpu.memory_space<hbm>>
        %dma_start3A_279 = arith.constant 0 : i32
        %dma_start3A_280 = tpu.memref_slice %arg15[%add3A_270, %dma_start3A_279] : memref<50000x32xf32, #tpu.memory_space<vmem_shared>> -> memref<128x32xf32, #tpu.memory_space<vmem_shared>>
        tpu.enqueue_dma source(%dma_start3A_280 : memref<128x32xf32, #tpu.memory_space<vmem_shared>>) target(%dma_start3A_278 : memref<128x32xf32, #tpu.memory_space<hbm>>) target_semaphore(%run_scoped3A : memref<!tpu.dma_semaphore, #tpu.memory_space<semaphore_mem>>)
        %dma_wait3A = arith.constant 0 : i32
        %dma_wait3A_281 = tpu.memref_slice %arg8[%add3A_276, %dma_wait3A] : memref<100000x32xf32, #tpu.memory_space<hbm>> -> memref<128x32xf32, #tpu.memory_space<hbm>>
        %dma_wait3A_282 = arith.constant 0 : i32
        %dma_wait3A_283 = tpu.memref_slice %arg15[%add3A_270, %dma_wait3A_282] : memref<50000x32xf32, #tpu.memory_space<vmem_shared>> -> memref<128x32xf32, #tpu.memory_space<vmem_shared>>
        tpu.wait_dma2 semaphore(%run_scoped3A : memref<!tpu.dma_semaphore, #tpu.memory_space<semaphore_mem>>) src(%dma_wait3A_283 : memref<128x32xf32, #tpu.memory_space<vmem_shared>>) dst(%dma_wait3A_281 : memref<128x32xf32, #tpu.memory_space<hbm>>)
        tpu.yield
      }) : () -> ()
      %while3A_277 = arith.constant 0 : i32
      scf.yield %while3A_277 : i32
    }
    %while3A_254 = arith.constant 0 : i32
    %while3A_255 = arith.constant 0 : i32
    %while3A_256 = arith.subi %select_n3A_158, %while3A_254 : i32
    %while3A_257 = arith.addi %while3A_254, %while3A_256 : i32
    %while3A_258 = arith.constant 1 : i32
    %while3A_259 = arith.divsi %while3A_256, %while3A_258 : i32
    %while3A_260 = arith.muli %while3A_259, %while3A_258 : i32
    %while3A_261 = arith.addi %while3A_254, %while3A_260 : i32
    %while3A_262 = arith.constant 1 : i32
    %while3A_263 = scf.for %while3A_266 = %while3A_254 to %while3A_261 step %while3A_262 iter_args(%while3A_267 = %while3A_255) -> (i32)  : i32 {
      %mul3A_268 = arith.constant 128 : i32
      %mul3A_269 = arith.muli %select_n3A_120, %mul3A_268 : i32
      %add3A_270 = arith.addi %mul3A_42, %mul3A_269 : i32
      %mul3A_271 = arith.constant 8 : i32
      %mul3A_272 = arith.muli %while3A_266, %mul3A_271 : i32
      %add3A_273 = arith.addi %add3A_270, %mul3A_272 : i32
      %mul3A_274 = arith.constant 50000 : i32
      %mul3A_275 = arith.muli %arg0, %mul3A_274 : i32
      %add3A_276 = arith.addi %mul3A_275, %add3A_273 : i32
      "tpu.region"() ({
        %run_scoped3A = tpu.sem_alloc : memref<!tpu.dma_semaphore, #tpu.memory_space<semaphore_mem>>
        %dma_start3A = arith.constant 0 : i32
        %dma_start3A_278 = tpu.memref_slice %arg8[%add3A_276, %dma_start3A] : memref<100000x32xf32, #tpu.memory_space<hbm>> -> memref<8x32xf32, #tpu.memory_space<hbm>>
        %dma_start3A_279 = arith.constant 0 : i32
        %dma_start3A_280 = tpu.memref_slice %arg15[%add3A_273, %dma_start3A_279] : memref<50000x32xf32, #tpu.memory_space<vmem_shared>> -> memref<8x32xf32, #tpu.memory_space<vmem_shared>>
        tpu.enqueue_dma source(%dma_start3A_280 : memref<8x32xf32, #tpu.memory_space<vmem_shared>>) target(%dma_start3A_278 : memref<8x32xf32, #tpu.memory_space<hbm>>) target_semaphore(%run_scoped3A : memref<!tpu.dma_semaphore, #tpu.memory_space<semaphore_mem>>)
        %dma_wait3A = arith.constant 0 : i32
        %dma_wait3A_281 = tpu.memref_slice %arg8[%add3A_276, %dma_wait3A] : memref<100000x32xf32, #tpu.memory_space<hbm>> -> memref<8x32xf32, #tpu.memory_space<hbm>>
        %dma_wait3A_282 = arith.constant 0 : i32
        %dma_wait3A_283 = tpu.memref_slice %arg15[%add3A_273, %dma_wait3A_282] : memref<50000x32xf32, #tpu.memory_space<vmem_shared>> -> memref<8x32xf32, #tpu.memory_space<vmem_shared>>
        tpu.wait_dma2 semaphore(%run_scoped3A : memref<!tpu.dma_semaphore, #tpu.memory_space<semaphore_mem>>) src(%dma_wait3A_283 : memref<8x32xf32, #tpu.memory_space<vmem_shared>>) dst(%dma_wait3A_281 : memref<8x32xf32, #tpu.memory_space<hbm>>)
        tpu.yield
      }) : () -> ()
      %while3A_277 = arith.constant 0 : i32
      scf.yield %while3A_277 : i32
    }
    %while3A_264 = arith.constant 1 : i32
    %while3A_265 = scf.for %while3A_266 = %while3A_261 to %while3A_257 step %while3A_264 iter_args(%while3A_267 = %while3A_263) -> (i32)  : i32 {
      %mul3A_268 = arith.constant 128 : i32
      %mul3A_269 = arith.muli %select_n3A_120, %mul3A_268 : i32
      %add3A_270 = arith.addi %mul3A_42, %mul3A_269 : i32
      %mul3A_271 = arith.constant 8 : i32
      %mul3A_272 = arith.muli %while3A_266, %mul3A_271 : i32
      %add3A_273 = arith.addi %add3A_270, %mul3A_272 : i32
      %mul3A_274 = arith.constant 50000 : i32
      %mul3A_275 = arith.muli %arg0, %mul3A_274 : i32
      %add3A_276 = arith.addi %mul3A_275, %add3A_273 : i32
      "tpu.region"() ({
        %run_scoped3A = tpu.sem_alloc : memref<!tpu.dma_semaphore, #tpu.memory_space<semaphore_mem>>
        %dma_start3A = arith.constant 0 : i32
        %dma_start3A_278 = tpu.memref_slice %arg8[%add3A_276, %dma_start3A] : memref<100000x32xf32, #tpu.memory_space<hbm>> -> memref<8x32xf32, #tpu.memory_space<hbm>>
        %dma_start3A_279 = arith.constant 0 : i32
        %dma_start3A_280 = tpu.memref_slice %arg15[%add3A_273, %dma_start3A_279] : memref<50000x32xf32, #tpu.memory_space<vmem_shared>> -> memref<8x32xf32, #tpu.memory_space<vmem_shared>>
        tpu.enqueue_dma source(%dma_start3A_280 : memref<8x32xf32, #tpu.memory_space<vmem_shared>>) target(%dma_start3A_278 : memref<8x32xf32, #tpu.memory_space<hbm>>) target_semaphore(%run_scoped3A : memref<!tpu.dma_semaphore, #tpu.memory_space<semaphore_mem>>)
        %dma_wait3A = arith.constant 0 : i32
        %dma_wait3A_281 = tpu.memref_slice %arg8[%add3A_276, %dma_wait3A] : memref<100000x32xf32, #tpu.memory_space<hbm>> -> memref<8x32xf32, #tpu.memory_space<hbm>>
        %dma_wait3A_282 = arith.constant 0 : i32
        %dma_wait3A_283 = tpu.memref_slice %arg15[%add3A_273, %dma_wait3A_282] : memref<50000x32xf32, #tpu.memory_space<vmem_shared>> -> memref<8x32xf32, #tpu.memory_space<vmem_shared>>
        tpu.wait_dma2 semaphore(%run_scoped3A : memref<!tpu.dma_semaphore, #tpu.memory_space<semaphore_mem>>) src(%dma_wait3A_283 : memref<8x32xf32, #tpu.memory_space<vmem_shared>>) dst(%dma_wait3A_281 : memref<8x32xf32, #tpu.memory_space<hbm>>)
        tpu.yield
      }) : () -> ()
      %while3A_277 = arith.constant 0 : i32
      scf.yield %while3A_277 : i32
    }
    return
  }
}

module attributes {stable_mosaic.version = 14 : i64} {
  func.func @_lin_full_body(%arg0: i32, %arg1: memref<400x128xf32, #tpu.memory_space<vmem>>, %arg2: memref<128x64xf32, #tpu.memory_space<vmem>>, %arg3: memref<1x64xf32, #tpu.memory_space<vmem>>, %arg4: memref<400x64xf32, #tpu.memory_space<vmem>>, %arg5: memref<2x400x32xf32, #tpu.memory_space<vmem>>) attributes {dimension_semantics = [#tpu.dimension_semantics<arbitrary>], iteration_bounds = array<i64: 125>, scalar_prefetch = 0 : i64, scratch_operands = 0 : i64, tpu.core_type = #tpu.core_type<tc>, window_params = [{transform_indices = @transform_0, window_bounds = array<i64: 400, 128>}, {pipeline_mode = #tpu.pipeline_mode<synchronous>, transform_indices = @transform_1, window_bounds = array<i64: 128, 64>}, {pipeline_mode = #tpu.pipeline_mode<synchronous>, transform_indices = @transform_2, window_bounds = array<i64: 1, 64>}, {transform_indices = @transform_3, window_bounds = array<i64: 400, 64>}, {transform_indices = @transform_4, window_bounds = array<i64: 2, 400, 32>}]} {
    %get3A = arith.constant 0 : index
    %get3A_0 = arith.constant 0 : index
    %get3A_1 = vector.load %arg1[%get3A, %get3A_0] : memref<400x128xf32, #tpu.memory_space<vmem>>, vector<400x128xf32>
    %get3A_2 = arith.constant 0 : index
    %get3A_3 = arith.constant 0 : index
    %get3A_4 = vector.load %arg2[%get3A_2, %get3A_3] : memref<128x64xf32, #tpu.memory_space<vmem>>, vector<128x64xf32>
    %dot_general3A = arith.constant dense<0.000000e+00> : vector<400x64xf32>
    %dot_general3A_5 = tpu.matmul %get3A_1, %get3A_4, %dot_general3A {dimension_numbers = #tpu.dot_dimension_numbers<[1], [0], [0], [1], [0, 0, 1, 1], [], []>, transpose_lhs_hint = false} : vector<400x128xf32>, vector<128x64xf32>, vector<400x64xf32> -> vector<400x64xf32>
    %get3A_6 = arith.constant 0 : index
    %get3A_7 = arith.constant 0 : index
    %get3A_8 = vector.load %arg3[%get3A_6, %get3A_7] : memref<1x64xf32, #tpu.memory_space<vmem>>, vector<1x64xf32>
    %add3A = vector.broadcast %get3A_8 : vector<1x64xf32> to vector<400x64xf32>
    %add3A_9 = arith.addf %dot_general3A_5, %add3A : vector<400x64xf32>
    %swap3A = arith.constant 0 : index
    %swap3A_10 = arith.constant 0 : index
    %swap3A_11 = vector.load %arg4[%swap3A, %swap3A_10] : memref<400x64xf32, #tpu.memory_space<vmem>>, vector<400x64xf32>
    tpu.vector_store %arg4[%swap3A, %swap3A_10], %add3A_9 {strides = array<i32>} : memref<400x64xf32, #tpu.memory_space<vmem>>, vector<400x64xf32>,
    %slice3A = vector.extract_strided_slice %add3A_9 {offsets = [0, 0], sizes = [400, 32], strides = [1, 1]} : vector<400x64xf32> to vector<400x32xf32>
    %swap3A_12 = arith.constant 0 : index
    %swap3A_13 = arith.constant 0 : index
    %swap3A_14 = arith.constant 0 : index
    %swap3A_15 = vector.load %arg5[%swap3A_12, %swap3A_13, %swap3A_14] : memref<2x400x32xf32, #tpu.memory_space<vmem>>, vector<1x400x32xf32>
    %swap3A_16 = vector.shape_cast %swap3A_15 : vector<1x400x32xf32> to vector<400x32xf32>
    %swap3A_17 = vector.shape_cast %slice3A : vector<400x32xf32> to vector<1x400x32xf32>
    tpu.vector_store %arg5[%swap3A_12, %swap3A_13, %swap3A_14], %swap3A_17 {strides = array<i32>} : memref<2x400x32xf32, #tpu.memory_space<vmem>>, vector<1x400x32xf32>,
    %slice3A_18 = vector.extract_strided_slice %add3A_9 {offsets = [0, 32], sizes = [400, 32], strides = [1, 1]} : vector<400x64xf32> to vector<400x32xf32>
    %swap3A_19 = arith.constant 1 : index
    %swap3A_20 = arith.constant 0 : index
    %swap3A_21 = arith.constant 0 : index
    %swap3A_22 = vector.load %arg5[%swap3A_19, %swap3A_20, %swap3A_21] : memref<2x400x32xf32, #tpu.memory_space<vmem>>, vector<1x400x32xf32>
    %swap3A_23 = vector.shape_cast %swap3A_22 : vector<1x400x32xf32> to vector<400x32xf32>
    %swap3A_24 = vector.shape_cast %slice3A_18 : vector<400x32xf32> to vector<1x400x32xf32>
    tpu.vector_store %arg5[%swap3A_19, %swap3A_20, %swap3A_21], %swap3A_24 {strides = array<i32>} : memref<2x400x32xf32, #tpu.memory_space<vmem>>, vector<1x400x32xf32>,
    return
  }
  func.func @transform_0(%arg0: i32) -> (i32, i32) {
    %c0_i32 = arith.constant 0 : i32
    %c0_i32_0 = arith.constant 0 : i32
    return %arg0, %c0_i32 : i32, i32
  }
  func.func @transform_1(%arg0: i32) -> (i32, i32) {
    %c0_i32 = arith.constant 0 : i32
    %c0_i32_0 = arith.constant 0 : i32
    %c0_i32_1 = arith.constant 0 : i32
    return %c0_i32, %c0_i32_0 : i32, i32
  }
  func.func @transform_2(%arg0: i32) -> (i32, i32) {
    %c0_i32 = arith.constant 0 : i32
    %c0_i32_0 = arith.constant 0 : i32
    %c0_i32_1 = arith.constant 0 : i32
    return %c0_i32, %c0_i32_0 : i32, i32
  }
  func.func @transform_3(%arg0: i32) -> (i32, i32) {
    %c0_i32 = arith.constant 0 : i32
    %c0_i32_0 = arith.constant 0 : i32
    return %arg0, %c0_i32 : i32, i32
  }
  func.func @transform_4(%arg0: i32) -> (i32, i32, i32) {
    %c0_i32 = arith.constant 0 : i32
    %c0_i32_0 = arith.constant 0 : i32
    %c0_i32_1 = arith.constant 0 : i32
    return %c0_i32, %arg0, %c0_i32_0 : i32, i32, i32
  }
}

module attributes {stable_mosaic.version = 14 : i64} {
  func.func @_lin_packed_body(%arg0: i32, %arg1: memref<800x64xf32, #tpu.memory_space<vmem>>, %arg2: memref<2x64x128xf32, #tpu.memory_space<vmem>>, %arg3: memref<2x1x128xf32, #tpu.memory_space<vmem>>, %arg4: memref<2x800x128xf32, #tpu.memory_space<vmem>>) attributes {dimension_semantics = [#tpu.dimension_semantics<arbitrary>], iteration_bounds = array<i64: 250>, scalar_prefetch = 0 : i64, scratch_operands = 0 : i64, tpu.core_type = #tpu.core_type<tc>, window_params = [{transform_indices = @transform_0, window_bounds = array<i64: 800, 64>}, {pipeline_mode = #tpu.pipeline_mode<synchronous>, transform_indices = @transform_1, window_bounds = array<i64: 2, 64, 128>}, {pipeline_mode = #tpu.pipeline_mode<synchronous>, transform_indices = @transform_2, window_bounds = array<i64: 2, 1, 128>}, {transform_indices = @transform_3, window_bounds = array<i64: 2, 800, 128>}]} {
    %get3A = arith.constant 0 : index
    %get3A_0 = arith.constant 0 : index
    %get3A_1 = vector.load %arg1[%get3A, %get3A_0] : memref<800x64xf32, #tpu.memory_space<vmem>>, vector<800x64xf32>
    %get3A_2 = arith.constant 0 : index
    %get3A_3 = arith.constant 0 : index
    %get3A_4 = arith.constant 0 : index
    %get3A_5 = vector.load %arg2[%get3A_2, %get3A_3, %get3A_4] : memref<2x64x128xf32, #tpu.memory_space<vmem>>, vector<1x64x128xf32>
    %get3A_6 = vector.shape_cast %get3A_5 : vector<1x64x128xf32> to vector<64x128xf32>
    %dot_general3A = arith.constant dense<0.000000e+00> : vector<800x128xf32>
    %dot_general3A_7 = tpu.matmul %get3A_1, %get3A_6, %dot_general3A {dimension_numbers = #tpu.dot_dimension_numbers<[1], [0], [0], [1], [0, 0, 1, 1], [], []>, transpose_lhs_hint = false} : vector<800x64xf32>, vector<64x128xf32>, vector<800x128xf32> -> vector<800x128xf32>
    %get3A_8 = arith.constant 0 : index
    %get3A_9 = arith.constant 0 : index
    %get3A_10 = arith.constant 0 : index
    %get3A_11 = vector.load %arg3[%get3A_8, %get3A_9, %get3A_10] : memref<2x1x128xf32, #tpu.memory_space<vmem>>, vector<1x1x128xf32>
    %get3A_12 = vector.shape_cast %get3A_11 : vector<1x1x128xf32> to vector<1x128xf32>
    %add3A = vector.broadcast %get3A_12 : vector<1x128xf32> to vector<800x128xf32>
    %add3A_13 = arith.addf %dot_general3A_7, %add3A : vector<800x128xf32>
    %swap3A = arith.constant 0 : index
    %swap3A_14 = arith.constant 0 : index
    %swap3A_15 = arith.constant 0 : index
    %swap3A_16 = vector.load %arg4[%swap3A, %swap3A_14, %swap3A_15] : memref<2x800x128xf32, #tpu.memory_space<vmem>>, vector<1x800x128xf32>
    %swap3A_17 = vector.shape_cast %swap3A_16 : vector<1x800x128xf32> to vector<800x128xf32>
    %swap3A_18 = vector.shape_cast %add3A_13 : vector<800x128xf32> to vector<1x800x128xf32>
    tpu.vector_store %arg4[%swap3A, %swap3A_14, %swap3A_15], %swap3A_18 {strides = array<i32>} : memref<2x800x128xf32, #tpu.memory_space<vmem>>, vector<1x800x128xf32>,
    %get3A_19 = arith.constant 0 : index
    %get3A_20 = arith.constant 0 : index
    %get3A_21 = vector.load %arg1[%get3A_19, %get3A_20] : memref<800x64xf32, #tpu.memory_space<vmem>>, vector<800x64xf32>
    %get3A_22 = arith.constant 1 : index
    %get3A_23 = arith.constant 0 : index
    %get3A_24 = arith.constant 0 : index
    %get3A_25 = vector.load %arg2[%get3A_22, %get3A_23, %get3A_24] : memref<2x64x128xf32, #tpu.memory_space<vmem>>, vector<1x64x128xf32>
    %get3A_26 = vector.shape_cast %get3A_25 : vector<1x64x128xf32> to vector<64x128xf32>
    %dot_general3A_27 = arith.constant dense<0.000000e+00> : vector<800x128xf32>
    %dot_general3A_28 = tpu.matmul %get3A_21, %get3A_26, %dot_general3A_27 {dimension_numbers = #tpu.dot_dimension_numbers<[1], [0], [0], [1], [0, 0, 1, 1], [], []>, transpose_lhs_hint = false} : vector<800x64xf32>, vector<64x128xf32>, vector<800x128xf32> -> vector<800x128xf32>
    %get3A_29 = arith.constant 1 : index
    %get3A_30 = arith.constant 0 : index
    %get3A_31 = arith.constant 0 : index
    %get3A_32 = vector.load %arg3[%get3A_29, %get3A_30, %get3A_31] : memref<2x1x128xf32, #tpu.memory_space<vmem>>, vector<1x1x128xf32>
    %get3A_33 = vector.shape_cast %get3A_32 : vector<1x1x128xf32> to vector<1x128xf32>
    %add3A_34 = vector.broadcast %get3A_33 : vector<1x128xf32> to vector<800x128xf32>
    %add3A_35 = arith.addf %dot_general3A_28, %add3A_34 : vector<800x128xf32>
    %swap3A_36 = arith.constant 1 : index
    %swap3A_37 = arith.constant 0 : index
    %swap3A_38 = arith.constant 0 : index
    %swap3A_39 = vector.load %arg4[%swap3A_36, %swap3A_37, %swap3A_38] : memref<2x800x128xf32, #tpu.memory_space<vmem>>, vector<1x800x128xf32>
    %swap3A_40 = vector.shape_cast %swap3A_39 : vector<1x800x128xf32> to vector<800x128xf32>
    %swap3A_41 = vector.shape_cast %add3A_35 : vector<800x128xf32> to vector<1x800x128xf32>
    tpu.vector_store %arg4[%swap3A_36, %swap3A_37, %swap3A_38], %swap3A_41 {strides = array<i32>} : memref<2x800x128xf32, #tpu.memory_space<vmem>>, vector<1x800x128xf32>,
    return
  }
  func.func @transform_0(%arg0: i32) -> (i32, i32) {
    %c0_i32 = arith.constant 0 : i32
    %c0_i32_0 = arith.constant 0 : i32
    return %arg0, %c0_i32 : i32, i32
  }
  func.func @transform_1(%arg0: i32) -> (i32, i32, i32) {
    %c0_i32 = arith.constant 0 : i32
    %c0_i32_0 = arith.constant 0 : i32
    %c0_i32_1 = arith.constant 0 : i32
    %c0_i32_2 = arith.constant 0 : i32
    return %c0_i32, %c0_i32_0, %c0_i32_1 : i32, i32, i32
  }
  func.func @transform_2(%arg0: i32) -> (i32, i32, i32) {
    %c0_i32 = arith.constant 0 : i32
    %c0_i32_0 = arith.constant 0 : i32
    %c0_i32_1 = arith.constant 0 : i32
    %c0_i32_2 = arith.constant 0 : i32
    return %c0_i32, %c0_i32_0, %c0_i32_1 : i32, i32, i32
  }
  func.func @transform_3(%arg0: i32) -> (i32, i32, i32) {
    %c0_i32 = arith.constant 0 : i32
    %c0_i32_0 = arith.constant 0 : i32
    %c0_i32_1 = arith.constant 0 : i32
    return %c0_i32, %arg0, %c0_i32_0 : i32, i32, i32
  }
}

module attributes {stable_mosaic.version = 14 : i64} {
  func.func @_mlp_body(%arg0: i32, %arg1: memref<400x64xf32, #tpu.memory_space<vmem>>, %arg2: memref<2x400x32xf32, #tpu.memory_space<vmem>>, %arg3: memref<64x64xf32, #tpu.memory_space<vmem>>, %arg4: memref<1x64xf32, #tpu.memory_space<vmem>>, %arg5: memref<1x1xf32, #tpu.memory_space<smem>>, %arg6: memref<64x64xf32, #tpu.memory_space<vmem>>, %arg7: memref<1x64xf32, #tpu.memory_space<vmem>>, %arg8: memref<1x1xf32, #tpu.memory_space<smem>>, %arg9: memref<64x64xf32, #tpu.memory_space<vmem>>, %arg10: memref<1x64xf32, #tpu.memory_space<vmem>>, %arg11: memref<400x64xf32, #tpu.memory_space<vmem>>) attributes {dimension_semantics = [#tpu.dimension_semantics<arbitrary>], iteration_bounds = array<i64: 125>, scalar_prefetch = 0 : i64, scratch_operands = 0 : i64, tpu.core_type = #tpu.core_type<tc>, window_params = [{transform_indices = @transform_0, window_bounds = array<i64: 400, 64>}, {transform_indices = @transform_1, window_bounds = array<i64: 2, 400, 32>}, {pipeline_mode = #tpu.pipeline_mode<synchronous>, transform_indices = @transform_2, window_bounds = array<i64: 64, 64>}, {pipeline_mode = #tpu.pipeline_mode<synchronous>, transform_indices = @transform_3, window_bounds = array<i64: 1, 64>}, {transform_indices = @transform_4, window_bounds = array<i64: 1, 1>}, {pipeline_mode = #tpu.pipeline_mode<synchronous>, transform_indices = @transform_5, window_bounds = array<i64: 64, 64>}, {pipeline_mode = #tpu.pipeline_mode<synchronous>, transform_indices = @transform_6, window_bounds = array<i64: 1, 64>}, {transform_indices = @transform_7, window_bounds = array<i64: 1, 1>}, {pipeline_mode = #tpu.pipeline_mode<synchronous>, transform_indices = @transform_8, window_bounds = array<i64: 64, 64>}, {pipeline_mode = #tpu.pipeline_mode<synchronous>, transform_indices = @transform_9, window_bounds = array<i64: 1, 64>}, {transform_indices = @transform_10, window_bounds = array<i64: 400, 64>}]} {
    %get3A = arith.constant 0 : index
    %get3A_0 = arith.constant 0 : index
    %get3A_1 = vector.load %arg1[%get3A, %get3A_0] : memref<400x64xf32, #tpu.memory_space<vmem>>, vector<400x64xf32>
    %get3A_2 = arith.constant 0 : index
    %get3A_3 = arith.constant 0 : index
    %get3A_4 = arith.constant 0 : index
    %get3A_5 = vector.load %arg2[%get3A_2, %get3A_3, %get3A_4] : memref<2x400x32xf32, #tpu.memory_space<vmem>>, vector<1x400x32xf32>
    %get3A_6 = vector.shape_cast %get3A_5 : vector<1x400x32xf32> to vector<400x32xf32>
    %get3A_7 = arith.constant 1 : index
    %get3A_8 = arith.constant 0 : index
    %get3A_9 = arith.constant 0 : index
    %get3A_10 = vector.load %arg2[%get3A_7, %get3A_8, %get3A_9] : memref<2x400x32xf32, #tpu.memory_space<vmem>>, vector<1x400x32xf32>
    %get3A_11 = vector.shape_cast %get3A_10 : vector<1x400x32xf32> to vector<400x32xf32>
    %concatenate3A = tpu.concatenate %get3A_6, %get3A_11 in 1 : vector<400x32xf32>, vector<400x32xf32> -> vector<400x64xf32>
    %add3A = arith.addf %get3A_1, %concatenate3A : vector<400x64xf32>
    %get3A_12 = arith.constant 0 : index
    %get3A_13 = arith.constant 0 : index
    %get3A_14 = vector.load %arg3[%get3A_12, %get3A_13] : memref<64x64xf32, #tpu.memory_space<vmem>>, vector<64x64xf32>
    %dot_general3A = arith.constant dense<0.000000e+00> : vector<400x64xf32>
    %dot_general3A_15 = tpu.matmul %add3A, %get3A_14, %dot_general3A {dimension_numbers = #tpu.dot_dimension_numbers<[1], [0], [0], [1], [0, 0, 1, 1], [], []>, transpose_lhs_hint = false} : vector<400x64xf32>, vector<64x64xf32>, vector<400x64xf32> -> vector<400x64xf32>
    %get3A_16 = arith.constant 0 : index
    %get3A_17 = arith.constant 0 : index
    %get3A_18 = vector.load %arg4[%get3A_16, %get3A_17] : memref<1x64xf32, #tpu.memory_space<vmem>>, vector<1x64xf32>
    %add3A_19 = vector.broadcast %get3A_18 : vector<1x64xf32> to vector<400x64xf32>
    %add3A_20 = arith.addf %dot_general3A_15, %add3A_19 : vector<400x64xf32>
    %ge3A = arith.constant 0.000000e+00 : f32
    %ge3A_21 = vector.broadcast %ge3A : f32 to vector<400x64xf32>
    %ge3A_22 = arith.cmpf oge, %add3A_20, %ge3A_21 : vector<400x64xf32>
    %get3A_23 = arith.constant 0 : index
    %get3A_24 = arith.constant 0 : index
    %get3A_25 = memref.load %arg5[%get3A_23, %get3A_24] : memref<1x1xf32, #tpu.memory_space<smem>>
    %mul3A = vector.broadcast %get3A_25 : f32 to vector<400x64xf32>
    %mul3A_26 = arith.mulf %mul3A, %add3A_20 : vector<400x64xf32>
    %select_n3A = arith.select %ge3A_22, %add3A_20, %mul3A_26 : vector<400x64xi1>, vector<400x64xf32>
    %get3A_27 = arith.constant 0 : index
    %get3A_28 = arith.constant 0 : index
    %get3A_29 = vector.load %arg6[%get3A_27, %get3A_28] : memref<64x64xf32, #tpu.memory_space<vmem>>, vector<64x64xf32>
    %dot_general3A_30 = arith.constant dense<0.000000e+00> : vector<400x64xf32>
    %dot_general3A_31 = tpu.matmul %select_n3A, %get3A_29, %dot_general3A_30 {dimension_numbers = #tpu.dot_dimension_numbers<[1], [0], [0], [1], [0, 0, 1, 1], [], []>, transpose_lhs_hint = false} : vector<400x64xf32>, vector<64x64xf32>, vector<400x64xf32> -> vector<400x64xf32>
    %get3A_32 = arith.constant 0 : index
    %get3A_33 = arith.constant 0 : index
    %get3A_34 = vector.load %arg7[%get3A_32, %get3A_33] : memref<1x64xf32, #tpu.memory_space<vmem>>, vector<1x64xf32>
    %add3A_35 = vector.broadcast %get3A_34 : vector<1x64xf32> to vector<400x64xf32>
    %add3A_36 = arith.addf %dot_general3A_31, %add3A_35 : vector<400x64xf32>
    %ge3A_37 = arith.constant 0.000000e+00 : f32
    %ge3A_38 = vector.broadcast %ge3A_37 : f32 to vector<400x64xf32>
    %ge3A_39 = arith.cmpf oge, %add3A_36, %ge3A_38 : vector<400x64xf32>
    %get3A_40 = arith.constant 0 : index
    %get3A_41 = arith.constant 0 : index
    %get3A_42 = memref.load %arg8[%get3A_40, %get3A_41] : memref<1x1xf32, #tpu.memory_space<smem>>
    %mul3A_43 = vector.broadcast %get3A_42 : f32 to vector<400x64xf32>
    %mul3A_44 = arith.mulf %mul3A_43, %add3A_36 : vector<400x64xf32>
    %select_n3A_45 = arith.select %ge3A_39, %add3A_36, %mul3A_44 : vector<400x64xi1>, vector<400x64xf32>
    %get3A_46 = arith.constant 0 : index
    %get3A_47 = arith.constant 0 : index
    %get3A_48 = vector.load %arg9[%get3A_46, %get3A_47] : memref<64x64xf32, #tpu.memory_space<vmem>>, vector<64x64xf32>
    %dot_general3A_49 = arith.constant dense<0.000000e+00> : vector<400x64xf32>
    %dot_general3A_50 = tpu.matmul %select_n3A_45, %get3A_48, %dot_general3A_49 {dimension_numbers = #tpu.dot_dimension_numbers<[1], [0], [0], [1], [0, 0, 1, 1], [], []>, transpose_lhs_hint = false} : vector<400x64xf32>, vector<64x64xf32>, vector<400x64xf32> -> vector<400x64xf32>
    %get3A_51 = arith.constant 0 : index
    %get3A_52 = arith.constant 0 : index
    %get3A_53 = vector.load %arg10[%get3A_51, %get3A_52] : memref<1x64xf32, #tpu.memory_space<vmem>>, vector<1x64xf32>
    %add3A_54 = vector.broadcast %get3A_53 : vector<1x64xf32> to vector<400x64xf32>
    %add3A_55 = arith.addf %dot_general3A_50, %add3A_54 : vector<400x64xf32>
    %swap3A = arith.constant 0 : index
    %swap3A_56 = arith.constant 0 : index
    %swap3A_57 = vector.load %arg11[%swap3A, %swap3A_56] : memref<400x64xf32, #tpu.memory_space<vmem>>, vector<400x64xf32>
    tpu.vector_store %arg11[%swap3A, %swap3A_56], %add3A_55 {strides = array<i32>} : memref<400x64xf32, #tpu.memory_space<vmem>>, vector<400x64xf32>,
    return
  }
  func.func @transform_0(%arg0: i32) -> (i32, i32) {
    %c0_i32 = arith.constant 0 : i32
    %c0_i32_0 = arith.constant 0 : i32
    return %arg0, %c0_i32 : i32, i32
  }
  func.func @transform_1(%arg0: i32) -> (i32, i32, i32) {
    %c0_i32 = arith.constant 0 : i32
    %c0_i32_0 = arith.constant 0 : i32
    %c0_i32_1 = arith.constant 0 : i32
    return %c0_i32, %arg0, %c0_i32_0 : i32, i32, i32
  }
  func.func @transform_2(%arg0: i32) -> (i32, i32) {
    %c0_i32 = arith.constant 0 : i32
    %c0_i32_0 = arith.constant 0 : i32
    %c0_i32_1 = arith.constant 0 : i32
    return %c0_i32, %c0_i32_0 : i32, i32
  }
  func.func @transform_3(%arg0: i32) -> (i32, i32) {
    %c0_i32 = arith.constant 0 : i32
    %c0_i32_0 = arith.constant 0 : i32
    %c0_i32_1 = arith.constant 0 : i32
    return %c0_i32, %c0_i32_0 : i32, i32
  }
  func.func @transform_4(%arg0: i32) -> (i32, i32) {
    %c0_i32 = arith.constant 0 : i32
    %c0_i32_0 = arith.constant 0 : i32
    %c0_i32_1 = arith.constant 0 : i32
    return %c0_i32, %c0_i32_0 : i32, i32
  }
  func.func @transform_5(%arg0: i32) -> (i32, i32) {
    %c0_i32 = arith.constant 0 : i32
    %c0_i32_0 = arith.constant 0 : i32
    %c0_i32_1 = arith.constant 0 : i32
    return %c0_i32, %c0_i32_0 : i32, i32
  }
  func.func @transform_6(%arg0: i32) -> (i32, i32) {
    %c0_i32 = arith.constant 0 : i32
    %c0_i32_0 = arith.constant 0 : i32
    %c0_i32_1 = arith.constant 0 : i32
    return %c0_i32, %c0_i32_0 : i32, i32
  }
  func.func @transform_7(%arg0: i32) -> (i32, i32) {
    %c0_i32 = arith.constant 0 : i32
    %c0_i32_0 = arith.constant 0 : i32
    %c0_i32_1 = arith.constant 0 : i32
    return %c0_i32, %c0_i32_0 : i32, i32
  }
  func.func @transform_8(%arg0: i32) -> (i32, i32) {
    %c0_i32 = arith.constant 0 : i32
    %c0_i32_0 = arith.constant 0 : i32
    %c0_i32_1 = arith.constant 0 : i32
    return %c0_i32, %c0_i32_0 : i32, i32
  }
  func.func @transform_9(%arg0: i32) -> (i32, i32) {
    %c0_i32 = arith.constant 0 : i32
    %c0_i32_0 = arith.constant 0 : i32
    %c0_i32_1 = arith.constant 0 : i32
    return %c0_i32, %c0_i32_0 : i32, i32
  }
  func.func @transform_10(%arg0: i32) -> (i32, i32) {
    %c0_i32 = arith.constant 0 : i32
    %c0_i32_0 = arith.constant 0 : i32
    return %arg0, %c0_i32 : i32, i32
  }
}

</mosaic_0001>

<sc_bundles>
// kernel: kernel.10.cloned.1.call-start
scs
__scs_entry_jumppad:
0x0: {  	(pc) =	sbr.rel $0x88, $3  }
0x1: {  	(tag) =	ssettag $0x0;
	lr =	simm.s32 $0x1  }
0x2: {  	[smem:$0x3F92] =	sst lr;
	_ =	strace $0xD0000000  }
0x3: {  	_ = 	snop  }
0x4: {  	_ = 	snop  }
0x5: {  	_ = 	snop  }
0x6: {  	_ = 	snop  }
0x7: {  	_ = 	snop  }
__scs_overlays_trampoline_lowered:
0x8: {  	[smem:$0x3FA1] =	sst s0  }
0x9: {  	[smem:$0x3FA2] =	sst s1  }
0xa: {  	[smem:$0x3FA3] =	sst s2  }
0xb: {  	[smem:$0x3FA4] =	sst s3  }
0xc: {  	[smem:$0x3FA5] =	sst s4  }
0xd: {  	[smem:$0x3FA6] =	sst s5  }
0xe: {  	[smem:$0x3FA7] =	sst s6  }
0xf: {  	[smem:$0x3FA8] =	sst s7  }
0x10: {  	[smem:$0x3FA9] =	sst s8  }
0x11: {  	[smem:$0x3FAA] =	sst s9;
	s0 =	simm.s32 @!p0 $0x0  }
0x12: {  	s1 =	sld [smem:$0x3F90];
	s0 =	simm.s32 @p0 $0x1  }
0x13: {  	[smem:$0x3FAB] =	sst s0;
	s0 =	simm.s32 @!p1 $0x0  }
0x14: {  	s2 =	sld [smem:$0x3F8F];
	s0 =	simm.s32 @p1 $0x1  }
0x15: {  	[smem:$0x3FAC] =	sst s0;
	s0 =	simm.s32 @!p2 $0x0  }
0x16: {  	s3 =	sld [smem:$0x3FDB];
	s0 =	simm.s32 @p2 $0x1  }
0x17: {  	s4 =	simm.s32 $0x1BF5;
	[smem:$0x3FAE] =	sst s0  }
0x18: {  	s0 =	sld [smem:$0x3F91];
	_ =	swait.ge [sflag:s4], $0x0  }
0x19: {  	s7 =	sld [smem:$0x3F92]  }
0x1a: {  	s8 =	sadd.s32 $0xFFFFE003, lr  }
0x1b: {  	s9 =	sadd.s32 $0xFFFFFEF7, lr;
	s5 =	simm.s32 $0xFFFFFFFF;
	p2 =	slt.u32 s8, $0xFFFFF086  }
0x1c: {  	p1 =	slt.u32 s9, $0xF7A;
	s5 =	simm.s32 @!p2 $0x0  }
0x1d: {  	s5 =	simm.s32 @p1 $0x1;
	p0 =	seq.s32 s7, s2  }
0x1e: {  	s7 =	smul.u32 @!p0 $0xF7A, s2;
	p2 =	seq.s32 @!p0 s5, $0x0  }
0x1f: {  	s9 =	smul.u32 $0xF7A, s1;
	s8 =	simm.s32 @!p0 $0x1BF5;
	p2 =	por !p2, p0  }
0x20: {  	[sflag:s8] =	ssyncset.s32 @!p0 $0xFFFFF086;
	s6 =	sadd.s32 @!p0 s3, s7;
	s7 =	simm.s32 @!p0 $0x108  }
0x21: {  	s3 =	sadd.s32 s3, s9;
	s6 =	sadd.s32 @!p0 $0x88, s6;
	s7 =	simm.s32 @p2 $0x1082  }
0x22: {  	[simem:s7], [sflag:s8] =	dma.local @!p0 [hbm:s6], $0xF7A  }
0x23: {  	s9 =	sor.u32 $0xD0000000, s2;
	s6 =	simm.s32 $0x108;
	_ =	swait.ge @!p0 [sflag:s8], $0x0  }
0x24: {  	s3 =	sadd.s32 $0x88, s3;
	s6 =	simm.s32 @!p1 $0x1082;
	[sflag:s4] =	ssyncset.s32 $0xFFFFF086  }
0x25: {  	[simem:s6], [sflag:s4] =	dma.local [hbm:s3], $0xF7A  }
0x26: {  	[smem:$0x3F92] =	sst s1;
	(tag) =	ssettag s2;
	_ =	strace s9  }
0x27: {  	s1 =	sld [smem:$0x3FA2]  }
0x28: {  	s2 =	sld [smem:$0x3FA3]  }
0x29: {  	s4 =	sld [smem:$0x3FA5]  }
0x2a: {  	p0 =	seq.s32 s5, $0x0;
	s5 =	sld [smem:$0x3FA6]  }
0x2b: {  	s6 =	sld [smem:$0x3FA7]  }
0x2c: {  	s7 =	sld [smem:$0x3FA8]  }
0x2d: {  	s3 =	simm.s32 $0x108;
	s8 =	sld [smem:$0x3FA9]  }
0x2e: {  	s3 =	simm.s32 @!p0 $0x1082;
	s9 =	sld [smem:$0x3FAA]  }
0x2f: {  	lr =	sadd.s32 s0, s3;
	s0 =	sld [smem:$0x3FA1]  }
0x30: {  	s3 =	sld [smem:$0x3FA4]  }
0x31: {  	[smem:$0x3FAD] =	sst s10  }
0x32: {  	s10 =	sld [smem:$0x3FAB];
	_ =	sdelay $0x3  }
0x33: {  	p0 =	seq.s32 s10, $0x1;
	s10 =	sld [smem:$0x3FAD];
	_ =	sdelay $0x3  }
0x34: {  	[smem:$0x3FAD] =	sst s10  }
0x35: {  	s10 =	sld [smem:$0x3FAC];
	_ =	sdelay $0x3  }
0x36: {  	p1 =	seq.s32 s10, $0x1;
	s10 =	sld [smem:$0x3FAD];
	_ =	sdelay $0x3  }
0x37: {  	[smem:$0x3FAD] =	sst s10  }
0x38: {  	s10 =	sld [smem:$0x3FAE]  }
0x39: {  	_ = 	snop;
	(pc) =	sbr.ind lr, $3  }
0x3a: {  	_ = 	snop  }
0x3b: {  	_ = 	snop  }
0x3c: {  	p2 =	seq.s32 s10, $0x1;
	s10 =	sld [smem:$0x3FAD]  }
0x3d: {  	_ =	shalt  }
0x3e: {  	_ =	shalt  }
0x3f: {  	_ =	shalt  }
0x40: {  	_ =	shalt  }
0x41: {  	_ =	shalt  }
0x42: {  	_ =	shalt  }
0x43: {  	_ =	shalt  }
0x44: {  	_ =	shalt  }
0x45: {  	_ =	shalt  }
0x46: {  	_ =	shalt  }
0x47: {  	_ =	shalt  }
0x48: {  	_ =	shalt  }
0x49: {  	_ =	shalt  }
0x4a: {  	_ =	shalt  }
0x4b: {  	_ =	shalt  }
0x4c: {  	_ =	shalt  }
0x4d: {  	_ =	shalt  }
0x4e: {  	_ =	shalt  }
0x4f: {  	_ =	shalt  }
0x50: {  	_ =	shalt  }
0x51: {  	_ =	shalt  }
0x52: {  	_ =	shalt  }
0x53: {  	_ =	shalt  }
0x54: {  	_ =	shalt  }
0x55: {  	_ =	shalt  }
0x56: {  	_ =	shalt  }
0x57: {  	_ =	shalt  }
0x58: {  	_ =	shalt  }
0x59: {  	_ =	shalt  }
0x5a: {  	_ =	shalt  }
0x5b: {  	_ =	shalt  }
0x5c: {  	_ =	shalt  }
0x5d: {  	_ =	shalt  }
0x5e: {  	_ =	shalt  }
0x5f: {  	_ =	shalt  }
0x60: {  	_ =	shalt  }
0x61: {  	_ =	shalt  }
0x62: {  	_ =	shalt  }
0x63: {  	_ =	shalt  }
0x64: {  	_ =	shalt  }
0x65: {  	_ =	shalt  }
0x66: {  	_ =	shalt  }
0x67: {  	_ =	shalt  }
0x68: {  	_ =	shalt  }
0x69: {  	_ =	shalt  }
0x6a: {  	_ =	shalt  }
0x6b: {  	_ =	shalt  }
0x6c: {  	_ =	shalt  }
0x6d: {  	_ =	shalt  }
0x6e: {  	_ =	shalt  }
0x6f: {  	_ =	shalt  }
0x70: {  	_ =	shalt  }
0x71: {  	_ =	shalt  }
0x72: {  	_ =	shalt  }
0x73: {  	_ =	shalt  }
0x74: {  	_ =	shalt  }
0x75: {  	_ =	shalt  }
0x76: {  	_ =	shalt  }
0x77: {  	_ =	shalt  }
0x78: {  	_ =	shalt  }
0x79: {  	_ =	shalt  }
0x7a: {  	_ =	shalt  }
0x7b: {  	_ =	shalt  }
0x7c: {  	_ =	shalt  }
0x7d: {  	_ =	shalt  }
0x7e: {  	_ =	shalt  }
0x7f: {  	_ =	shalt  }
0x80: {  	_ =	shalt  }
0x81: {  	_ =	shalt  }
0x82: {  	_ =	shalt  }
0x83: {  	_ =	shalt  }
0x84: {  	_ =	shalt  }
0x85: {  	_ =	shalt  }
0x86: {  	_ =	shalt  }
0x87: {  	_ =	shalt  }
.Lfunc_end0:
.L_simem_size_0:
called_computation.2_lowered:
.L_overlay_start_0:
0x88: {  	s2 =	sld [smem:$0x3FD9]  }
0x89: {  	s3 =	sld [smem:$0x3FFE];
	_ =	sdelay $0x1  }
0x8a: {  	s1 =	srdreg.scid  }
0x8b: {  	s0 =	sand.u32 $0x1, s1  }
0x8c: {  	s14 =	sshll.u32 s0, $0xA;
	s2 =	sadd.s32 s3, s2  }
0x8d: {  	s2 =	sadd.s32 s2, s14  }
0x8e: {  	[smem:$0x3FB9] =	sst s2  }
0x8f: {  	_ = 	snop  }
0x90: {  	s2 =	sld [smem:$0x3FD0];
	_ =	sdelay $0x2  }
0x91: {  	s15 =	simm.s32 $0xA;
	s4 =	simm.s32 $0x10  }
0x92: {  	[smem:s4], [sflag:s15] =	dma.local [hbm:s2], $0x1  }
0x93: {  	_ =	swait.eq [sflag:s15], $0x1  }
0x94: {  	[sflag:s15] =	ssyncset.done $0x0  }
0x95: {  	s16 =	sld [smem:$0x10];
	[sflag:s15] =	ssyncadd.s32 $0xFFFFFFFF  }
0x96: {  	s17 =	sld [smem:$0x11];
	(tm) =	ssettm $0x1  }
0x97: {  	s18 =	sld [smem:$0x3FFB];
	_ =	sdelay $0x3  }
0x98: {  	_ =	strace s18  }
0x99: {  	s4 =	sld [smem:$0x3FFC];
	_ =	sdelay $0x3  }
0x9a: {  	_ =	strace s4  }
0x9b: {  	s4 =	sld [smem:$0x3FFD];
	_ =	sdelay $0x3  }
0x9c: {  	_ =	strace s4  }
0x9d: {  	_ =	strace $0x8FFFFFFF  }
0x9e: {  	s19 =	sld [smem:$0x3FDB];
	_ =	sdelay $0x1  }
0x9f: {  	s5 =	simm.s32 $_scs_section_size  }
0xa0: {  	s6 =	simm.s32 $_size__tile_overlayer_lowered;
	s7 =	simm.s32 $_tile_overlayer_lowered  }
0xa1: {  	s22 =	simm.s32 $0x1BFF;
	s21 =	sshll.u32 s7, $0x1;
	s4 =	sadd.s32 s5, s19  }
0xa2: {  	s8 =	simm.s32 $0x0;
	s20 =	sshll.u32 s6, $0x1;
	s6 =	sadd.s32 s21, s4  }
0xa3: {  	[timem:s8], [sflag:s22] =	dma.local [hbm:s6], s20  }
0xa4: {  	_ =	swait.ge [sflag:s22], s20  }
0xa5: {  	s5 =	ssub.s32 $0x0, s20;
	[sflag:s22] =	ssyncset.done $0x0  }
0xa6: {  	[sflag:s22] =	ssyncadd.s32 s5;
	_ =	sdelay $0x1  }
0xa7: {  	s23 =	simm.s32 $0x1B8B  }
0xa8: {  	_ =	swait.ge [sflag:s23], $0x1  }
0xa9: {  	[sflag:s23] =	ssyncset.done $0x0  }
0xaa: {  	s25 =	simm.s32 $0x1B8E;
	s24 =	sld [smem:$0x3FFE];
	[sflag:s23] =	ssyncadd.s32 $0xFFFFFFFF  }
0xab: {  	s26 =	simm.s32 $execute0_lowered;
	[smem:$0x3FD2] =	sst s25  }
0xac: {  	s6 =	sshll.u32 s26, $0x1;
	_ =	strace $0x80000049;
	[dreg:$0x1] =	wrdreg $0xFFFFFFFF  }
0xad: {  	s28 =	simm.s32 $_size_execute0_lowered;
	s4 =	sadd.s32 s4, s6;
	[dreg:$0x0] =	wrdreg $0x0  }
0xae: {  	s6 =	sshll.u32 s28, $0x1;
	[dreg:$0x2] =	wrdreg s4  }
0xaf: {  	[dreg:$0x3] =	wrdreg s6  }
0xb0: {  	[dreg:$0x4] =	wrdreg $0xC0  }
0xb1: {  	_ =	task [dreg:s8], $0x5FFFF  }
0xb2: {  	[dreg:$0x1] =	wrdreg $0xFFFFFFFF  }
0xb3: {  	[dreg:$0x0] =	wrdreg $0x60  }
0xb4: {  	[dreg:$0x2] =	wrdreg s16  }
0xb5: {  	[dreg:$0x3] =	wrdreg s24  }
0xb6: {  	[dreg:$0x4] =	wrdreg s17  }
0xb7: {  	[dreg:$0x5] =	wrdreg $0x9  }
0xb8: {  	_ =	task.clear_ibuf [dreg:s8], $0x6FFFF;
	_ =	strace $0x90000049  }
0xb9: {  	s29 =	simm.s32 $0x9;
	_ =	strace $0x8000004B  }
0xba: {  	_ =	swait.ge [sflag:s29], $0x1  }
0xbb: {  	[sflag:s29] =	ssyncadd.s32 $0xFFFFFFFF  }
0xbc: {  	_ =	strace $0x9000004B  }
0xbd: {  	_ =	sfence  }
0xbe: {  	s30 =	sld [smem:$0x0];
	_ =	sdelay $0x2  }
0xbf: {  	s31 =	sshll.u32 s1, $0xD;
	s1 =	sshrl.u32 s1, $0x2  }
0xc0: {  	s3 =	sand.u32 $0x4000, s31;
	s1 =	sadd.s32 s1, s30  }
0xc1: {  	s0 =	sor.u32 s3, s0;
	s1 =	sshll.u32 s1, $0x11  }
0xc2: {  	s0 =	sor.u32 s1, s0  }
0xc3: {  	s0 =	sadd.s32 $0x8F2B, s0  }
0xc4: {  	[sflag:s0] =	ssyncadd.remote.s32 $0x1  }
0xc5: {  	_ =	sfence.sel $0xFFFF  }
0xc6: {  	[dreg:$0x0] =	wrdreg $0xFFFFFFFF;
	(pc) =	sbr.abs _section_cstart, $3  }
0xc7: {  	[dreg:$0x1] =	wrdreg $0xFFFFFFFF  }
0xc8: {  	_ =	task.clear_ibuf [dreg:s8], $0x2FFFF;
	_ =	strace $0x9FFFFFFF  }
0xc9: {  	(tm) =	ssettm $0x7FFFFFFF  }
tec
execute0_lowered:
.L_overlay_start_1:
0x0: {  	(tag) =	ssettag $0x1  }
0x1: {  	s1 =	rddreg [dreg:$0x0]  }
0x2: {  	s0 =	rddreg [dreg:$0x1]  }
0x3: {  	s3 =	rddreg [dreg:$0x2]  }
0x4: {  	s2 =	srdreg.scid;
	s15 =	stileid.u32  }
0x5: {  	s4 =	simm.s32 $0x0;
	s28 =	simm.s32 $0x4;
	s29 =	simm.s32 $0x0  }
0x6: {  	s2 =	sand.u32 $0x1, s2;
	s5 =	sshll.u32 s15, $0x1;
	s15 =	smul.u32 $0xFFFF3C00, s15  }
0x7: {  	s10 =	sor.u32 s2, s5;
	s9 =	ssub.s32 $0x2, s2;
	s2 =	smul.u32 $0xFFFF9E00, s2  }
0x8: {  	[smem:$0x7FF] =	sst s4;
	s6 =	sadd.s32 $0x1EBC00, s0;
	s5 =	smul.u32 $0x6200, s10  }
0x9: {  	s7 =	sadd.s32 $0x1BA00, s0;
	s8 =	sadd.s32 $0x3200, s0;
	s22 =	smul.u32 $0x18800, s10  }
0xa: {  	_ =	strace $0x8000004A;
	s20 =	sshrl.u32 s9, $0x1;
	s13 =	smul.u32 $0xC4000, s10  }
0xb: {  	s0 =	ssub.s32 s9, s20;
	s2 =	sadd.s32 s15, s2;
	s20 =	smul.u32 $0x188000, s10  }
0xc: {  	s11 =	ssub.s32 $0xC3500, s5;
	s12 =	sshrl.u32 s5, $0x3;
	s24 =	sshrl.u32 s13, $0x3  }
0xd: {  	s25 =	sor.u32 $0x80, s5;
	s2 =	sadd.s32 $0xC3500, s2;
	s14 =	sadd.s32 s7, s12  }
0xe: {  	s21 =	smin.u32 s11, $0x6200;
	s23 =	sadd.s32 s8, s12;
	[dreg:$0x4] =	wrdreg s14  }
0xf: {  	s11 =	sadd.s32 s6, s22;
	s26 =	sshrl.u32 s25, $0x3;
	[dreg:$0x5] =	wrdreg s23  }
0x10: {  	s13 =	sshll.u32 s25, $0x2;
	[dreg:$0x6] =	wrdreg s11;
	s30 =	sadd.s32 s7, s26  }
0x11: {  	s31 =	sor.u32 $0x20, s12;
	s14 =	sadd.s32 s8, s26;
	[dreg:$0x8] =	wrdreg s30  }
0x12: {  	s2 =	smin.u32 s2, $0x6200;
	s13 =	sadd.s32 s6, s13;
	[dreg:$0x9] =	wrdreg s14  }
0x13: {  	s11 =	sadd.s32 s6, s24;
	s12 =	sadd.s32 s7, s31;
	[dreg:$0xa] =	wrdreg s13  }
0x14: {  	s22 =	smax.u32 s0, $0x1;
	s16 =	sadd.s32 $0x30D400, s11;
	[dreg:$0xc] =	wrdreg s12  }
0x15: {  	s25 =	simm.s32 $0x80;
	s11 =	sadd.s32 $0x30D600, s11;
	[dreg:$0x7] =	wrdreg s16  }
0x16: {  	s9 =	sshrl.u32 s21, $0x7;
	[dreg:$0xb] =	wrdreg s11;
	s11 =	sadd.s32 s8, s31  }
0x17: {  	s21 =	sshrl.u32 s2, $0x7;
	s24 =	simm.s32 $0x1;
	[dreg:$0xd] =	wrdreg s11  }
.LBB2_1:
0x18: {  	s0 =	rddreg [dreg:$0x4]  }
0x19: {  	[tilespmem:s4], [sflag:$0x1] =	stream.linear.gather [hbm4b:s0+s4], $0x80, $0x38;
	[tilespmem:$0x18400] =	vst v63  }
0x1a: {  	s18 =	rddreg [dreg:$0x5];
	s2 =	simm.s32 $0x200  }
0x1b: {  	[tilespmem:s2], [sflag:$0x1] =	stream.linear.gather [hbm4b:s18+s4], $0x80, $0x38;
	[tilespmem:$0x18400] =	vst v63  }
0x1c: {  	_ =	swait.ge [sflag:s24], $0x80  }
0x1d: {  	[sflag:s24] =	ssyncset.done $0x0  }
0x1e: {  	[sflag:s24] =	ssyncadd.s32 $0xFFFFFF80  }
0x1f: {  	_ =	swait.ge [sflag:s24], $0x80  }
0x20: {  	[sflag:s24] =	ssyncset.done $0x0  }
0x21: {  	s30 =	simm.s32 $0x400;
	[sflag:s24] =	ssyncadd.s32 $0xFFFFFF80  }
0x22: {  	[tilespmem:s30], [sflag:$0x2] =	stream.indirect.gather [hbm4b:s1+s25], $0x40, s4, s25, $0xb8;
	[tilespmem:$0x18400] =	vst v63  }
0x23: {  	s31 =	simm.s32 $0x6400  }
0x24: {  	[tilespmem:s31], [sflag:$0x2] =	stream.indirect.gather [hbm4b:s1+s25], $0x40, s2, s25, $0xb8;
	[tilespmem:$0x18400] =	vst v63  }
0x25: {  	s0 =	simm.s32 $0xC400;
	s19 =	rddreg [dreg:$0x6]  }
0x26: {  	[tilespmem:s0], [sflag:$0x2] =	stream.linear.gather [hbm4b:s19+s4], $0x1000, $0x38;
	[tilespmem:$0x18400] =	vst v63  }
0x27: {  	s10 =	rddreg [dreg:$0x7];
	s2 =	simm.s32 $0xF400  }
0x28: {  	[tilespmem:s2], [sflag:$0x2] =	stream.linear.gather [hbm4b:s10+s4], $0x1000, $0x38;
	[tilespmem:$0x18400] =	vst v63  }
0x29: {  	s23 =	rddreg [dreg:$0x8]  }
0x2a: {  	[tilespmem:s25], [sflag:$0x1] =	stream.linear.gather [hbm4b:s23+s4], $0x80, $0x38;
	[tilespmem:$0x18400] =	vst v63  }
0x2b: {  	s11 =	simm.s32 $0x280;
	s26 =	rddreg [dreg:$0x9]  }
0x2c: {  	[tilespmem:s11], [sflag:$0x1] =	stream.linear.gather [hbm4b:s26+s4], $0x80, $0x38;
	[tilespmem:$0x18400] =	vst v63  }
0x2d: {  	_ =	swait.ge [sflag:s24], $0x80  }
0x2e: {  	[sflag:s24] =	ssyncset.done $0x0  }
0x2f: {  	[sflag:s24] =	ssyncadd.s32 $0xFFFFFF80  }
0x30: {  	_ =	swait.ge [sflag:s24], $0x80  }
0x31: {  	[sflag:s24] =	ssyncset.done $0x0  }
0x32: {  	s12 =	simm.s32 $0x2400;
	[sflag:s24] =	ssyncadd.s32 $0xFFFFFF80  }
0x33: {  	[tilespmem:s12], [sflag:$0x3] =	stream.indirect.gather [hbm4b:s1+s25], $0x40, s25, s25, $0xb8;
	[tilespmem:$0x18400] =	vst v63  }
0x34: {  	s13 =	simm.s32 $0x8400  }
0x35: {  	[tilespmem:s13], [sflag:$0x3] =	stream.indirect.gather [hbm4b:s1+s25], $0x40, s11, s25, $0xb8;
	[tilespmem:$0x18400] =	vst v63  }
0x36: {  	s15 =	simm.s32 $0xD400;
	s14 =	rddreg [dreg:$0xa]  }
0x37: {  	[tilespmem:s15], [sflag:$0x3] =	stream.linear.gather [hbm4b:s14+s4], $0x1000, $0x38;
	[tilespmem:$0x18400] =	vst v63  }
0x38: {  	s17 =	simm.s32 $0x10400;
	s16 =	rddreg [dreg:$0xb]  }
0x39: {  	[tilespmem:s17], [sflag:$0x3] =	stream.linear.gather [hbm4b:s16+s4], $0x1000, $0x38;
	[tilespmem:$0x18400] =	vst v63  }
0x3a: {  	s19 =	simm.s32 $0x100;
	s18 =	rddreg [dreg:$0xc]  }
0x3b: {  	[tilespmem:s19], [sflag:$0x1] =	stream.linear.gather [hbm4b:s18+s4], $0x80, $0x38;
	[tilespmem:$0x18400] =	vst v63  }
0x3c: {  	s10 =	simm.s32 $0x0;
	s26 =	simm.s32 $0x300;
	s23 =	rddreg [dreg:$0xd]  }
0x3d: {  	[tilespmem:s26], [sflag:$0x1] =	stream.linear.gather [hbm4b:s23+s4], $0x80, $0x38;
	[tilespmem:$0x18400] =	vst v63  }
.LBB2_2:
0x3e: {  	s12 =	sand.u32 $0x1, s10  }
0x3f: {  	s11 =	simm.s32 $0x2;
	p0 =	seq.s32 s12, $0x0  }
0x40: {  	s11 =	simm.s32 @!p0 $0x3  }
0x41: {  	_ =	swait.ge [sflag:s11], $0x2000  }
0x42: {  	[sflag:s11] =	ssyncset.done $0x0  }
0x43: {  	[sflag:s11] =	ssyncadd.s32 $0xFFFFE000  }
0x44: {  	s13 =	smulhi.u32 $0xAAAAAAAB, s10;
	_ =	swait.ge [sflag:s11], $0x2000  }
0x45: {  	[sflag:s11] =	ssyncset.done $0x0  }
0x46: {  	s13 =	sshrl.u32 s13, $0x1;
	[sflag:s11] =	ssyncadd.s32 $0xFFFFE000  }
0x47: {  	s14 =	smul.u32 $0xFFFF4000, s13;
	_ =	swait.ge [sflag:s11], $0x1000  }
0x48: {  	[sflag:s11] =	ssyncset.done $0x0  }
0x49: {  	s15 =	smul.u32 $0xFFFE8000, s13;
	s19 =	sshra.s32 s14, $0x2;
	[sflag:s11] =	ssyncadd.s32 $0xFFFFF000  }
0x4a: {  	s14 =	sadd.s32 s19, s0;
	_ =	swait.ge [sflag:s11], $0x1000  }
0x4b: {  	s15 =	sshra.s32 s15, $0x2;
	v0 =	vmov s14;
	[sflag:s11] =	ssyncset.done $0x0  }
0x4c: {  	s14 =	sadd.s32 s15, s30;
	[sflag:s11] =	ssyncadd.s32 $0xFFFFF000  }
0x4d: {  	s15 =	sadd.s32 s15, s31;
	v1 =	vld [tilespmem:s14+$0x0]  }
0x4e: {  	v2 =	vld [tilespmem:s15+$0x0]  }
0x4f: {  	s23 =	simm.s32 $0x0  }
0x50: {  	v3 =	vld.idx.msk [tilespmem:v0+s23+$0x0 ss:$0x1], $0xffff;
	_ =	sdelay $0x1  }
0x51: {  	s13 =	smul.u32 $0x3, s13  }
0x52: {  	v1 =	vadd.f32 v2, v1  }
0x53: {  	s13 =	ssub.s32 s10, s13  }
0x54: {  	s16 =	simm.s32 $0x0;
	s13 =	sshll.u32 s13, $0xD;
	v1 =	vadd.f32 v1, v3  }
0x55: {  	s18 =	sand.u32 $0x1F80, s16;
	s17 =	sadd.s32 $0x12400, s13  }
0x56: {  	s26 =	sand.u32 $0x40, s16;
	s18 =	sadd.s32 s18, s17;
	v1 =	vmul.f32 $3.333333430e-01, v1  }
0x57: {  	s18 =	sadd.s32 s26, s18  }
0x58: {  	[tilespmem:s18+$0x0] =	vst v1  }
0x59: {  	v1 =	vld [tilespmem:s14+$0x10]  }
0x5a: {  	v2 =	vld [tilespmem:s15+$0x10];
	_ =	sdelay $0x1  }
0x5b: {  	v3 =	vld.idx.msk [tilespmem:v0+s23+$0x10 ss:$0x1], $0xffff;
	_ =	sdelay $0x2  }
0x5c: {  	v1 =	vadd.f32 v2, v1;
	_ =	sdelay $0x1  }
0x5d: {  	v1 =	vadd.f32 v1, v3;
	_ =	sdelay $0x1  }
0x5e: {  	s19 =	sadd.s32 s19, s2;
	v2 =	vmul.f32 $3.333333430e-01, v1  }
0x5f: {  	v1 =	vmov s19  }
0x60: {  	[tilespmem:s18+$0x10] =	vst v2  }
0x61: {  	v2 =	vld [tilespmem:s14+$0x20]  }
0x62: {  	v3 =	vld [tilespmem:s15+$0x20];
	_ =	sdelay $0x1  }
0x63: {  	v4 =	vld.idx.msk [tilespmem:v1+s23+$0x0 ss:$0x1], $0xffff;
	_ =	sdelay $0x2  }
0x64: {  	v2 =	vadd.f32 v3, v2;
	_ =	sdelay $0x1  }
0x65: {  	v2 =	vadd.f32 v2, v4;
	_ =	sdelay $0x1  }
0x66: {  	v2 =	vmul.f32 $3.333333430e-01, v2;
	_ =	sdelay $0x1  }
0x67: {  	[tilespmem:s18+$0x20] =	vst v2  }
0x68: {  	v3 =	vld [tilespmem:s14+$0x30]  }
0x69: {  	v4 =	vld [tilespmem:s15+$0x30];
	_ =	sdelay $0x1  }
0x6a: {  	v2 =	vld.idx.msk [tilespmem:v1+s23+$0x10 ss:$0x1], $0xffff;
	_ =	sdelay $0x2  }
0x6b: {  	s19 =	simm.s32 $0x80;
	v3 =	vadd.f32 v4, v3  }
.LBB2_3:
0x6c: {  	s15 =	sadd.s32 $0x40, s15;
	s14 =	sadd.s32 $0x40, s14;
	s16 =	sadd.s32 $0x40, s16  }
0x6d: {  	p0 =	sne.s32 s19, $0x3F80;
	s23 =	smov.u32 s19;
	s19 =	sadd.s32 $0x80, s19;
	v2 =	vadd.f32 v3, v2  }
0x6e: {  	_ = 	snop  }
0x6f: {  	v2 =	vmul.f32 $3.333333430e-01, v2;
	_ =	sdelay $0x1  }
0x70: {  	s23 =	sshra.s32 s23, $0x2;
	[tilespmem:s18+$0x30] =	vst v2  }
0x71: {  	v2 =	vld [tilespmem:s14+$0x0]  }
0x72: {  	v3 =	vld [tilespmem:s15+$0x0]  }
0x73: {  	v4 =	vld.idx.msk [tilespmem:v0+s23+$0x0 ss:$0x1], $0xffff;
	_ =	sdelay $0x3  }
0x74: {  	v2 =	vadd.f32 v3, v2;
	_ =	sdelay $0x1  }
0x75: {  	v2 =	vadd.f32 v2, v4  }
0x76: {  	s18 =	sand.u32 $0x1F80, s16  }
0x77: {  	s26 =	sand.u32 $0x40, s16;
	s18 =	sadd.s32 s18, s17;
	v2 =	vmul.f32 $3.333333430e-01, v2  }
0x78: {  	s18 =	sadd.s32 s26, s18  }
0x79: {  	[tilespmem:s18+$0x0] =	vst v2  }
0x7a: {  	v2 =	vld [tilespmem:s14+$0x10]  }
0x7b: {  	v3 =	vld [tilespmem:s15+$0x10]  }
0x7c: {  	v4 =	vld.idx.msk [tilespmem:v0+s23+$0x10 ss:$0x1], $0xffff;
	_ =	sdelay $0x3  }
0x7d: {  	v2 =	vadd.f32 v3, v2;
	_ =	sdelay $0x1  }
0x7e: {  	v2 =	vadd.f32 v2, v4;
	_ =	sdelay $0x1  }
0x7f: {  	v2 =	vmul.f32 $3.333333430e-01, v2;
	_ =	sdelay $0x1  }
0x80: {  	[tilespmem:s18+$0x10] =	vst v2  }
0x81: {  	v2 =	vld [tilespmem:s14+$0x20]  }
0x82: {  	v3 =	vld [tilespmem:s15+$0x20]  }
0x83: {  	v4 =	vld.idx.msk [tilespmem:v1+s23+$0x0 ss:$0x1], $0xffff;
	_ =	sdelay $0x3  }
0x84: {  	v2 =	vadd.f32 v3, v2;
	_ =	sdelay $0x1  }
0x85: {  	v2 =	vadd.f32 v2, v4;
	_ =	sdelay $0x1  }
0x86: {  	v2 =	vmul.f32 $3.333333430e-01, v2;
	_ =	sdelay $0x1  }
0x87: {  	[tilespmem:s18+$0x20] =	vst v2  }
0x88: {  	v3 =	vld [tilespmem:s14+$0x30]  }
0x89: {  	v4 =	vld [tilespmem:s15+$0x30]  }
.Ltmp0:
0x8a: {  	v2 =	vld.idx.msk [tilespmem:v1+s23+$0x10 ss:$0x1], $0xffff;
	(pc) =	sbr.rel @p0 .LBB2_3-.Ltmp0, $2  }
0x8b: {  	_ =	sdelay $0x2  }
0x8c: {  	v3 =	vadd.f32 v4, v3  }
0x8d: {  	_ = 	snop  }
0x8e: {  	v0 =	vadd.f32 v3, v2;
	_ =	sdelay $0x1  }
0x8f: {  	v0 =	vmul.f32 $3.333333430e-01, v0  }
0x90: {  	p0 =	seq.s32 s10, $0x0  }
0x91: {  	s15 =	sshll.u32 s10, $0xD;
	s14 =	simm.s32 @!p0 $0x4;
	[tilespmem:s18+$0x30] =	vst v0  }
0x92: {  	s15 =	sadd.s32 s20, s15;
	_ =	swait.ge @!p0 [sflag:s14], $0x2000  }
0x93: {  	s13 =	sand.u32 $0x3FFFE000, s13;
	s15 =	sshrl.u32 s15, $0x3;
	[sflag:s14] =	ssyncset.done @!p0 $0x0  }
0x94: {  	s13 =	sadd.s32 $0x12400, s13;
	s26 =	sadd.s32 s3, s15;
	[sflag:s14] =	ssyncadd.s32 @!p0 $0xFFFFE000  }
0x95: {  	[hbm4b:s26+s4] =	stream.linear.scatter [tilespmem:s13], [sflag:$0x4], $0x2000, $0x38;
	[tilespmem:$0x18400] =	vst v63  }
0x96: {  	s13 =	sadd.s32 $0x2, s10  }
0x97: {  	p0 =	sge.u32 s13, s9  }
0x98: {  	s14 =	smulhi.u32 @!p0 $0xAAAAAAAB, s13  }
0x99: {  	s15 =	simm.s32 @!p0 $0x1;
	s16 =	sshll.u32 @!p0 s13, $0x7;
	p1 =	seq.s32 @!p0 s12, $0x0  }
0x9a: {  	s18 =	simm.s32 @!p0 $0x1FFFFC00;
	s19 =	simm.s32 @!p0 $0x80;
	_ =	swait.ge @!p0 [sflag:s15], $0x80  }
0x9b: {  	s12 =	sadd.s32 @!p0 s5, s16;
	s14 =	sshrl.u32 @!p0 s14, $0x1;
	[sflag:s15] =	ssyncset.done @!p0 $0x0  }
0x9c: {  	s16 =	sand.u32 @!p0 $0x180, s16;
	s14 =	smul.u32 @!p0 $0x3, s14;
	[sflag:s15] =	ssyncadd.s32 @!p0 $0xFFFFFF80  }
0x9d: {  	p1 =	por !p1, p0;
	s12 =	sshll.u32 @!p0 s12, $0x2;
	_ =	swait.ge @!p0 [sflag:s15], $0x80  }
0x9e: {  	s18 =	simm.s32 @p1 $0x1FFFFE00;
	s13 =	ssub.s32 @!p0 s13, s14;
	[sflag:s15] =	ssyncset.done @!p0 $0x0  }
0x9f: {  	s14 =	sor.u32 @!p0 $0x200, s16;
	s17 =	sshll.u32 @!p0 s13, $0xD;
	[sflag:s15] =	ssyncadd.s32 @!p0 $0xFFFFFF80  }
0xa0: {  	s13 =	sshll.u32 @!p0 s13, $0xC;
	s15 =	sor.u32 @!p0 $0x400, s17;
	s17 =	sadd.s32 @!p0 $0x6400, s17  }
0xa1: {  	[tilespmem:s15], [sflag:s11] =	stream.indirect.gather @!p0 [hbm4b:s1+s19], $0x40, s16, s19, $0xb8;
	[tilespmem:$0x18400] =	vst v63  }
0xa2: {  	s15 =	sand.u32 @!p0 $0x1FFFFFFC, s12;
	s12 =	sand.u32 @!p0 s18, s12;
	s16 =	simm.s32 @!p0 $0x0  }
0xa3: {  	[tilespmem:s17], [sflag:s11] =	stream.indirect.gather @!p0 [hbm4b:s1+s19], $0x40, s14, s19, $0xb8;
	[tilespmem:$0x18400] =	vst v63  }
0xa4: {  	s15 =	sadd.s32 @!p0 s6, s15;
	s12 =	sadd.s32 @!p0 s6, s12;
	s14 =	sor.u32 @!p0 $0xC400, s13  }
0xa5: {  	[tilespmem:s14], [sflag:s11] =	stream.linear.gather @!p0 [hbm4b:s12+s16], $0x1000, $0x38;
	[tilespmem:$0x18400] =	vst v63  }
0xa6: {  	s12 =	sadd.s32 @!p0 $0xF400, s13;
	s13 =	sadd.s32 @!p0 $0x30D400, s15  }
0xa7: {  	[tilespmem:s12], [sflag:s11] =	stream.linear.gather @!p0 [hbm4b:s13+s16], $0x1000, $0x38;
	[tilespmem:$0x18400] =	vst v63  }
0xa8: {  	s11 =	sadd.s32 $0x3, s10  }
0xa9: {  	p0 =	sge.u32 s11, s9  }
0xaa: {  	s11 =	sshll.u32 @!p0 s11, $0x7  }
0xab: {  	s12 =	sadd.s32 @!p0 s5, s11  }
0xac: {  	s12 =	sshrl.u32 @!p0 s12, $0x3  }
0xad: {  	s14 =	simm.s32 @!p0 $0x0;
	s11 =	sand.u32 @!p0 $0x180, s11;
	s13 =	sadd.s32 @!p0 s7, s12  }
0xae: {  	[tilespmem:s11], [sflag:$0x1] =	stream.linear.gather @!p0 [hbm4b:s13+s14], $0x80, $0x38;
	[tilespmem:$0x18400] =	vst v63  }
0xaf: {  	s10 =	sadd.s32 $0x1, s10;
	s12 =	sadd.s32 @!p0 s8, s12;
	s11 =	sor.u32 @!p0 $0x200, s11  }
0xb0: {  	[tilespmem:s11], [sflag:$0x1] =	stream.linear.gather @!p0 [hbm4b:s12+s14], $0x80, $0x38;
	[tilespmem:$0x18400] =	vst v63  }
0xb1: {  	p0 =	sne.s32 s10, s21  }
.Ltmp1:
0xb2: {  	_ = 	snop;
	(pc) =	sbr.rel @p0 .LBB2_2-.Ltmp1, $3  }
0xb3: {  	_ =	sdelay $0x1  }
0xb4: {  	s31 =	sadd.s32 $0x2000, s31  }
0xb5: {  	s30 =	sadd.s32 $0x2000, s30;
	s2 =	sadd.s32 $0x1000, s2;
	s0 =	sadd.s32 $0x1000, s0  }
0xb6: {  	s29 =	sadd.s32 $0x1, s29  }
0xb7: {  	p0 =	sne.s32 s29, s22  }
.Ltmp2:
0xb8: {  	_ = 	snop;
	(pc) =	sbr.rel @p0 .LBB2_1-.Ltmp2, $4  }
0xb9: {  	_ = 	snop  }
0xba: {  	_ =	swait.ge [sflag:s28], $0x2000  }
0xbb: {  	[sflag:s28] =	ssyncset.done $0x0  }
0xbc: {  	[sflag:s28] =	ssyncadd.s32 $0xFFFFE000  }
0xbd: {  	_ =	sfence.sel $0x180000  }
0xbe: {  	[bflag:$0x0] =	sbarrier.arrive $0xFFFF  }
0xbf: {  	_ =	strace $0x9000004A  }
0xc0: {  	s0 =	stileid.u32;
	[bflag:$0x2] =	sbarrier.arrive $0xFFFF  }
0xc1: {  	p0 =	sne.s32 s0, $0x0;
	s0 =	rddreg [dreg:$0x3]  }
0xc2: {  	s0 =	sadd.s32 @!p0 $0x100000, s0  }
0xc3: {  	[sflag:s0] =	ssyncadd.tile.s32 @!p0 $0x1;
	_ =	shalt  }
.Lfunc_end2:
_tile_overlayer_lowered:
.L_overlay_start_2:
0xc4: {  	(tag) =	ssettag $0x2  }
0xc5: {  	s0 =	rddreg [dreg:$0x0];
	s2 =	stileid.u32  }
0xc6: {  	s1 =	rddreg [dreg:$0x1];
	p0 =	sne.s32 s2, $0x0  }
0xc7: {  	s3 =	rddreg [dreg:$0x2];
	[bflag:$0x3] =	sbarrier.arrive $0xFFFF;
	s2 =	simm.s32 @!p0 $0x1C05  }
0xc8: {  	[timem:s3], [sflag:s2] =	dma.local @!p0 [hbm:s0], s1  }
0xc9: {  	s0 =	simm.s32 @!p0 $0x5  }
0xca: {  	_ =	swait.ge @!p0 [sflag:s0], s1  }
0xcb: {  	s1 =	ssub.s32 @!p0 $0x0, s1;
	[sflag:s0] =	ssyncset.done @!p0 $0x0  }
0xcc: {  	[sflag:s0] =	ssyncadd.s32 @!p0 s1  }
0xcd: {  	[bflag:$0x3] =	sbarrier.arrive $0xFFFF  }
0xce: {  	_ =	shalt  }

// kernel: kernel.7.cloned.1.call-start
scs
__scs_entry_jumppad:
0x0: {  	(pc) =	sbr.rel $0x88, $3  }
0x1: {  	(tag) =	ssettag $0x0;
	lr =	simm.s32 $0x1  }
0x2: {  	[smem:$0x3F92] =	sst lr;
	_ =	strace $0xD0000000  }
0x3: {  	_ = 	snop  }
0x4: {  	_ = 	snop  }
0x5: {  	_ = 	snop  }
0x6: {  	_ = 	snop  }
0x7: {  	_ = 	snop  }
__scs_overlays_trampoline_lowered:
0x8: {  	[smem:$0x3FA1] =	sst s0  }
0x9: {  	[smem:$0x3FA2] =	sst s1  }
0xa: {  	[smem:$0x3FA3] =	sst s2  }
0xb: {  	[smem:$0x3FA4] =	sst s3  }
0xc: {  	[smem:$0x3FA5] =	sst s4  }
0xd: {  	[smem:$0x3FA6] =	sst s5  }
0xe: {  	[smem:$0x3FA7] =	sst s6  }
0xf: {  	[smem:$0x3FA8] =	sst s7  }
0x10: {  	[smem:$0x3FA9] =	sst s8  }
0x11: {  	[smem:$0x3FAA] =	sst s9;
	s0 =	simm.s32 @!p0 $0x0  }
0x12: {  	s1 =	sld [smem:$0x3F90];
	s0 =	simm.s32 @p0 $0x1  }
0x13: {  	[smem:$0x3FAB] =	sst s0;
	s0 =	simm.s32 @!p1 $0x0  }
0x14: {  	s2 =	sld [smem:$0x3F8F];
	s0 =	simm.s32 @p1 $0x1  }
0x15: {  	[smem:$0x3FAC] =	sst s0;
	s0 =	simm.s32 @!p2 $0x0  }
0x16: {  	s3 =	sld [smem:$0x3FDB];
	s0 =	simm.s32 @p2 $0x1  }
0x17: {  	s4 =	simm.s32 $0x1BF5;
	[smem:$0x3FAE] =	sst s0  }
0x18: {  	s0 =	sld [smem:$0x3F91];
	_ =	swait.ge [sflag:s4], $0x0  }
0x19: {  	s7 =	sld [smem:$0x3F92]  }
0x1a: {  	s8 =	sadd.s32 $0xFFFFE003, lr  }
0x1b: {  	s9 =	sadd.s32 $0xFFFFFEF7, lr;
	s5 =	simm.s32 $0xFFFFFFFF;
	p2 =	slt.u32 s8, $0xFFFFF086  }
0x1c: {  	p1 =	slt.u32 s9, $0xF7A;
	s5 =	simm.s32 @!p2 $0x0  }
0x1d: {  	s5 =	simm.s32 @p1 $0x1;
	p0 =	seq.s32 s7, s2  }
0x1e: {  	s7 =	smul.u32 @!p0 $0xF7A, s2;
	p2 =	seq.s32 @!p0 s5, $0x0  }
0x1f: {  	s9 =	smul.u32 $0xF7A, s1;
	s8 =	simm.s32 @!p0 $0x1BF5;
	p2 =	por !p2, p0  }
0x20: {  	[sflag:s8] =	ssyncset.s32 @!p0 $0xFFFFF086;
	s6 =	sadd.s32 @!p0 s3, s7;
	s7 =	simm.s32 @!p0 $0x108  }
0x21: {  	s3 =	sadd.s32 s3, s9;
	s6 =	sadd.s32 @!p0 $0x88, s6;
	s7 =	simm.s32 @p2 $0x1082  }
0x22: {  	[simem:s7], [sflag:s8] =	dma.local @!p0 [hbm:s6], $0xF7A  }
0x23: {  	s9 =	sor.u32 $0xD0000000, s2;
	s6 =	simm.s32 $0x108;
	_ =	swait.ge @!p0 [sflag:s8], $0x0  }
0x24: {  	s3 =	sadd.s32 $0x88, s3;
	s6 =	simm.s32 @!p1 $0x1082;
	[sflag:s4] =	ssyncset.s32 $0xFFFFF086  }
0x25: {  	[simem:s6], [sflag:s4] =	dma.local [hbm:s3], $0xF7A  }
0x26: {  	[smem:$0x3F92] =	sst s1;
	(tag) =	ssettag s2;
	_ =	strace s9  }
0x27: {  	s1 =	sld [smem:$0x3FA2]  }
0x28: {  	s2 =	sld [smem:$0x3FA3]  }
0x29: {  	s4 =	sld [smem:$0x3FA5]  }
0x2a: {  	p0 =	seq.s32 s5, $0x0;
	s5 =	sld [smem:$0x3FA6]  }
0x2b: {  	s6 =	sld [smem:$0x3FA7]  }
0x2c: {  	s7 =	sld [smem:$0x3FA8]  }
0x2d: {  	s3 =	simm.s32 $0x108;
	s8 =	sld [smem:$0x3FA9]  }
0x2e: {  	s3 =	simm.s32 @!p0 $0x1082;
	s9 =	sld [smem:$0x3FAA]  }
0x2f: {  	lr =	sadd.s32 s0, s3;
	s0 =	sld [smem:$0x3FA1]  }
0x30: {  	s3 =	sld [smem:$0x3FA4]  }
0x31: {  	[smem:$0x3FAD] =	sst s10  }
0x32: {  	s10 =	sld [smem:$0x3FAB];
	_ =	sdelay $0x3  }
0x33: {  	p0 =	seq.s32 s10, $0x1;
	s10 =	sld [smem:$0x3FAD];
	_ =	sdelay $0x3  }
0x34: {  	[smem:$0x3FAD] =	sst s10  }
0x35: {  	s10 =	sld [smem:$0x3FAC];
	_ =	sdelay $0x3  }
0x36: {  	p1 =	seq.s32 s10, $0x1;
	s10 =	sld [smem:$0x3FAD];
	_ =	sdelay $0x3  }
0x37: {  	[smem:$0x3FAD] =	sst s10  }
0x38: {  	s10 =	sld [smem:$0x3FAE]  }
0x39: {  	_ = 	snop;
	(pc) =	sbr.ind lr, $3  }
0x3a: {  	_ = 	snop  }
0x3b: {  	_ = 	snop  }
0x3c: {  	p2 =	seq.s32 s10, $0x1;
	s10 =	sld [smem:$0x3FAD]  }
0x3d: {  	_ =	shalt  }
0x3e: {  	_ =	shalt  }
0x3f: {  	_ =	shalt  }
0x40: {  	_ =	shalt  }
0x41: {  	_ =	shalt  }
0x42: {  	_ =	shalt  }
0x43: {  	_ =	shalt  }
0x44: {  	_ =	shalt  }
0x45: {  	_ =	shalt  }
0x46: {  	_ =	shalt  }
0x47: {  	_ =	shalt  }
0x48: {  	_ =	shalt  }
0x49: {  	_ =	shalt  }
0x4a: {  	_ =	shalt  }
0x4b: {  	_ =	shalt  }
0x4c: {  	_ =	shalt  }
0x4d: {  	_ =	shalt  }
0x4e: {  	_ =	shalt  }
0x4f: {  	_ =	shalt  }
0x50: {  	_ =	shalt  }
0x51: {  	_ =	shalt  }
0x52: {  	_ =	shalt  }
0x53: {  	_ =	shalt  }
0x54: {  	_ =	shalt  }
0x55: {  	_ =	shalt  }
0x56: {  	_ =	shalt  }
0x57: {  	_ =	shalt  }
0x58: {  	_ =	shalt  }
0x59: {  	_ =	shalt  }
0x5a: {  	_ =	shalt  }
0x5b: {  	_ =	shalt  }
0x5c: {  	_ =	shalt  }
0x5d: {  	_ =	shalt  }
0x5e: {  	_ =	shalt  }
0x5f: {  	_ =	shalt  }
0x60: {  	_ =	shalt  }
0x61: {  	_ =	shalt  }
0x62: {  	_ =	shalt  }
0x63: {  	_ =	shalt  }
0x64: {  	_ =	shalt  }
0x65: {  	_ =	shalt  }
0x66: {  	_ =	shalt  }
0x67: {  	_ =	shalt  }
0x68: {  	_ =	shalt  }
0x69: {  	_ =	shalt  }
0x6a: {  	_ =	shalt  }
0x6b: {  	_ =	shalt  }
0x6c: {  	_ =	shalt  }
0x6d: {  	_ =	shalt  }
0x6e: {  	_ =	shalt  }
0x6f: {  	_ =	shalt  }
0x70: {  	_ =	shalt  }
0x71: {  	_ =	shalt  }
0x72: {  	_ =	shalt  }
0x73: {  	_ =	shalt  }
0x74: {  	_ =	shalt  }
0x75: {  	_ =	shalt  }
0x76: {  	_ =	shalt  }
0x77: {  	_ =	shalt  }
0x78: {  	_ =	shalt  }
0x79: {  	_ =	shalt  }
0x7a: {  	_ =	shalt  }
0x7b: {  	_ =	shalt  }
0x7c: {  	_ =	shalt  }
0x7d: {  	_ =	shalt  }
0x7e: {  	_ =	shalt  }
0x7f: {  	_ =	shalt  }
0x80: {  	_ =	shalt  }
0x81: {  	_ =	shalt  }
0x82: {  	_ =	shalt  }
0x83: {  	_ =	shalt  }
0x84: {  	_ =	shalt  }
0x85: {  	_ =	shalt  }
0x86: {  	_ =	shalt  }
0x87: {  	_ =	shalt  }
.Lfunc_end0:
.L_simem_size_0:
called_computation.1_lowered:
.L_overlay_start_0:
0x88: {  	s2 =	sld [smem:$0x3FD9]  }
0x89: {  	s3 =	sld [smem:$0x3FFE];
	_ =	sdelay $0x1  }
0x8a: {  	s1 =	srdreg.scid  }
0x8b: {  	s0 =	sand.u32 $0x1, s1  }
0x8c: {  	s14 =	sshll.u32 s0, $0xA;
	s2 =	sadd.s32 s3, s2  }
0x8d: {  	s2 =	sadd.s32 s2, s14  }
0x8e: {  	[smem:$0x3FB9] =	sst s2  }
0x8f: {  	_ = 	snop  }
0x90: {  	s2 =	sld [smem:$0x3FD0];
	_ =	sdelay $0x2  }
0x91: {  	s15 =	simm.s32 $0xA;
	s4 =	simm.s32 $0x10  }
0x92: {  	[smem:s4], [sflag:s15] =	dma.local [hbm:s2], $0x1  }
0x93: {  	_ =	swait.eq [sflag:s15], $0x1  }
0x94: {  	[sflag:s15] =	ssyncset.done $0x0  }
0x95: {  	s16 =	sld [smem:$0x10];
	[sflag:s15] =	ssyncadd.s32 $0xFFFFFFFF  }
0x96: {  	s17 =	sld [smem:$0x11];
	(tm) =	ssettm $0x1  }
0x97: {  	s18 =	sld [smem:$0x3FFB];
	_ =	sdelay $0x3  }
0x98: {  	_ =	strace s18  }
0x99: {  	s4 =	sld [smem:$0x3FFC];
	_ =	sdelay $0x3  }
0x9a: {  	_ =	strace s4  }
0x9b: {  	s4 =	sld [smem:$0x3FFD];
	_ =	sdelay $0x3  }
0x9c: {  	_ =	strace s4  }
0x9d: {  	_ =	strace $0x8FFFFFFF  }
0x9e: {  	s19 =	sld [smem:$0x3FDB];
	_ =	sdelay $0x1  }
0x9f: {  	s5 =	simm.s32 $_scs_section_size  }
0xa0: {  	s6 =	simm.s32 $_size__tile_overlayer_lowered;
	s7 =	simm.s32 $_tile_overlayer_lowered  }
0xa1: {  	s22 =	simm.s32 $0x1BFF;
	s21 =	sshll.u32 s7, $0x1;
	s4 =	sadd.s32 s5, s19  }
0xa2: {  	s8 =	simm.s32 $0x0;
	s20 =	sshll.u32 s6, $0x1;
	s6 =	sadd.s32 s21, s4  }
0xa3: {  	[timem:s8], [sflag:s22] =	dma.local [hbm:s6], s20  }
0xa4: {  	_ =	swait.ge [sflag:s22], s20  }
0xa5: {  	s5 =	ssub.s32 $0x0, s20;
	[sflag:s22] =	ssyncset.done $0x0  }
0xa6: {  	[sflag:s22] =	ssyncadd.s32 s5;
	_ =	sdelay $0x1  }
0xa7: {  	s23 =	simm.s32 $0x1B8B  }
0xa8: {  	_ =	swait.ge [sflag:s23], $0x1  }
0xa9: {  	[sflag:s23] =	ssyncset.done $0x0  }
0xaa: {  	s25 =	simm.s32 $0x1B8E;
	s24 =	sld [smem:$0x3FFE];
	[sflag:s23] =	ssyncadd.s32 $0xFFFFFFFF  }
0xab: {  	s26 =	simm.s32 $execute0_lowered;
	[smem:$0x3FD2] =	sst s25  }
0xac: {  	s6 =	sshll.u32 s26, $0x1;
	_ =	strace $0x80000046;
	[dreg:$0x1] =	wrdreg $0xFFFFFFFF  }
0xad: {  	s28 =	simm.s32 $_size_execute0_lowered;
	s4 =	sadd.s32 s4, s6;
	[dreg:$0x0] =	wrdreg $0x0  }
0xae: {  	s6 =	sshll.u32 s28, $0x1;
	[dreg:$0x2] =	wrdreg s4  }
0xaf: {  	[dreg:$0x3] =	wrdreg s6  }
0xb0: {  	[dreg:$0x4] =	wrdreg $0xC0  }
0xb1: {  	_ =	task [dreg:s8], $0x5FFFF  }
0xb2: {  	[dreg:$0x1] =	wrdreg $0xFFFFFFFF  }
0xb3: {  	[dreg:$0x0] =	wrdreg $0x60  }
0xb4: {  	[dreg:$0x2] =	wrdreg s24  }
0xb5: {  	[dreg:$0x3] =	wrdreg s17  }
0xb6: {  	[dreg:$0x4] =	wrdreg s16  }
0xb7: {  	[dreg:$0x5] =	wrdreg $0x74000  }
0xb8: {  	[dreg:$0x6] =	wrdreg $0x9  }
0xb9: {  	_ =	task.clear_ibuf [dreg:s8], $0x7FFFF;
	_ =	strace $0x90000046  }
0xba: {  	s29 =	simm.s32 $0x9;
	_ =	strace $0x80000048  }
0xbb: {  	_ =	swait.ge [sflag:s29], $0x1  }
0xbc: {  	[sflag:s29] =	ssyncadd.s32 $0xFFFFFFFF  }
0xbd: {  	_ =	strace $0x90000048  }
0xbe: {  	_ =	sfence  }
0xbf: {  	s30 =	sld [smem:$0x0];
	_ =	sdelay $0x2  }
0xc0: {  	s31 =	sshll.u32 s1, $0xD;
	s1 =	sshrl.u32 s1, $0x2  }
0xc1: {  	s3 =	sand.u32 $0x4000, s31;
	s1 =	sadd.s32 s1, s30  }
0xc2: {  	s0 =	sor.u32 s3, s0;
	s1 =	sshll.u32 s1, $0x11  }
0xc3: {  	s0 =	sor.u32 s1, s0  }
0xc4: {  	s0 =	sadd.s32 $0x8F2B, s0  }
0xc5: {  	[sflag:s0] =	ssyncadd.remote.s32 $0x1  }
0xc6: {  	_ =	sfence.sel $0xFFFF  }
0xc7: {  	[dreg:$0x0] =	wrdreg $0xFFFFFFFF;
	(pc) =	sbr.abs _section_cstart, $3  }
0xc8: {  	[dreg:$0x1] =	wrdreg $0xFFFFFFFF  }
0xc9: {  	_ =	task.clear_ibuf [dreg:s8], $0x2FFFF;
	_ =	strace $0x9FFFFFFF  }
0xca: {  	(tm) =	ssettm $0x7FFFFFFF  }
0xcb: {  	_ =	shalt  }
tec
execute0_lowered:
.L_overlay_start_1:
0x0: {  	(tag) =	ssettag $0x1  }
0x1: {  	s0 =	rddreg [dreg:$0x0]  }
0x2: {  	s2 =	rddreg [dreg:$0x1]  }
0x3: {  	s3 =	rddreg [dreg:$0x2]  }
0x4: {  	s4 =	rddreg [dreg:$0x3]  }
0x5: {  	s18 =	stileid.u32;
	s5 =	simm.s32 $0x0;
	s10 =	srdreg.scid  }
0x6: {  	s28 =	simm.s32 $0x5;
	s30 =	simm.s32 $0x80;
	s1 =	smul.u32 $0xC350, s18  }
0x7: {  	s31 =	simm.s32 $0x2;
	[smem:$0x7FF] =	sst s5;
	s6 =	sadd.s32 $0x1BA00, s0  }
0x8: {  	s8 =	sadd.s32 $0x1EBC00, s0;
	s16 =	sand.u32 $0x1, s10;
	s7 =	sadd.s32 $0xC350, s1  }
0x9: {  	s10 =	simm.s32 $0x1;
	s1 =	sshrl.u32 s1, $0x7;
	s9 =	sshrl.u32 s7, $0x7  }
0xa: {  	_ =	strace $0x80000047;
	s12 =	ssub.s32 $0x2, s16;
	s11 =	ssub.s32 s9, s1  }
0xb: {  	s15 =	sshrl.u32 s12, $0x1;
	p0 =	sne.s32 s9, s1;
	s29 =	sshra.s32 s11, $0x1F  }
0xc: {  	s9 =	simm.s32 $0x1;
	s13 =	sshll.u32 s11, $0x3;
	s14 =	sshrl.u32 s29, $0x19  }
0xd: {  	s7 =	sadd.s32 $0x3200, s0;
	s9 =	simm.s32 @!p0 $0x0;
	s14 =	sadd.s32 s14, s13  }
0xe: {  	s17 =	sshrl.u32 s11, $0x1B;
	s9 =	sor.u32 s9, s29;
	s14 =	sand.u32 $0xFFFFFF80, s14  }
0xf: {  	p6 =	sne.s32 s9, $0x1;
	s13 =	ssub.s32 s13, s14;
	s14 =	sand.u32 $0xF, s17  }
0x10: {  	s17 =	ssub.s32 s12, s15;
	p1 =	sne.s32 s13, $0x0;
	s15 =	sadd.s32 s14, s11  }
0x11: {  	s11 =	simm.s32 $0x1;
	s20 =	sshrl.u32 s13, $0x3;
	p0 =	por !p6, !p1  }
0x12: {  	s9 =	sshll.u32 s15, $0x10;
	s12 =	sand.u32 $0xF, s20;
	s15 =	simm.s32 $0x1BAE00  }
0x13: {  	p0 =	por !p0, !p0;
	s19 =	sshra.s32 s9, $0x14;
	s9 =	smul.u32 $0xC380, s18  }
0x14: {  	s18 =	sshll.u32 s1, $0x3;
	p1 =	seq.s32 s12, $0x0;
	s11 =	simm.s32 @!p0 $0x0  }
0x15: {  	p0 =	seq.s32 s16, $0x1;
	s11 =	ssub.s32 s19, s11;
	s19 =	sshll.u32 s1, $0xA  }
0x16: {  	s21 =	ssub.s32 $0xC3500, s9;
	s15 =	simm.s32 @!p0 $0xF7800;
	s1 =	sshll.u32 s1, $0x5  }
0x17: {  	s22 =	sshrl.u32 s19, $0x2;
	s23 =	smin.u32 s21, $0xC380;
	s20 =	sshll.u32 s11, $0xE  }
0x18: {  	s21 =	smul.u32 $0xC3500, s16;
	s15 =	sadd.s32 s15, s0;
	s26 =	sshll.u32 s11, $0x7  }
0x19: {  	p0 =	slt.s32 s11, $0x1;
	s14 =	sshrl.u32 s23, $0x7;
	s23 =	smul.u32 $0x30D40, s16  }
0x1a: {  	s13 =	sadd.s32 s22, s4;
	s22 =	sshrl.u32 s9, $0x3;
	s16 =	smul.u32 $0xC350, s16  }
0x1b: {  	s19 =	sadd.s32 s19, s20;
	s24 =	sadd.s32 s6, s22;
	s0 =	sadd.s32 s9, s21  }
0x1c: {  	s29 =	sadd.s32 s7, s22;
	[dreg:$0x5] =	wrdreg s24;
	s25 =	sadd.s32 s23, s3  }
0x1d: {  	[dreg:$0x7] =	wrdreg s29;
	s20 =	sadd.s32 s26, s16;
	s21 =	sshll.u32 s0, $0x2  }
0x1e: {  	s23 =	sadd.s32 $0x10, s22;
	s22 =	sshll.u32 s0, $0x5;
	s26 =	smax.u32 s17, $0x1  }
0x1f: {  	s1 =	sadd.s32 s1, s25;
	s16 =	sadd.s32 s2, s21;
	[dreg:$0xb] =	wrdreg s26  }
.Ltmp0:
0x20: {  	s24 =	sadd.s32 s6, s23;
	[dreg:$0x6] =	wrdreg s1;
	(pc) =	sbr.rel .LBB2_1-.Ltmp0, $4  }
0x21: {  	s25 =	sshra.s32 s19, $0x2;
	s26 =	simm.s32 $0x6400;
	[dreg:$0x8] =	wrdreg s16  }
0x22: {  	s1 =	sadd.s32 s18, s20;
	[dreg:$0x9] =	wrdreg s24;
	s16 =	sadd.s32 s7, s23  }
0x23: {  	s24 =	sadd.s32 s25, s4;
	[dreg:$0xa] =	wrdreg s16;
	s29 =	sshll.u32 s1, $0x2  }
0x24: {  	v0 =	vimm.f32 $0.0e+00;
	s1 =	simm.s32 $0x4;
	s16 =	simm.s32 $0x0;
	[dreg:$0xc] =	wrdreg s29  }
.LBB2_16:
0x25: {  	_ =	swait.ge [sflag:s28], $0x20  }
0x26: {  	[sflag:s28] =	ssyncset.done $0x0  }
0x27: {  	[sflag:s28] =	ssyncadd.s32 $0xFFFFFFE0  }
.LBB2_17:
0x28: {  	s16 =	sadd.s32 $0x1, s16;
	s0 =	rddreg [dreg:$0xb]  }
0x29: {  	p2 =	sne.s32 s16, s0  }
.Ltmp1:
0x2a: {  	_ = 	snop;
	(pc) =	sbr.rel @!p2 .LBB2_18-.Ltmp1, $1  }
0x2b: {  	_ =	sdelay $0x3  }
.LBB2_1:
0x2c: {  	s17 =	simm.s32 $0x80;
	s18 =	simm.s32 $0x0  }
.LBB2_2:
0x2d: {  	p2 =	seq.s32 s17, $0x3F80;
	[tilespmem:s18+$0x6400] =	vst v0;
	s19 =	smov.u32 s17;
	s17 =	sadd.s32 $0x80, s17  }
.Ltmp2:
0x2e: {  	[tilespmem:s18+$0x6410] =	vst v0;
	(pc) =	sbr.rel @!p2 .LBB2_2-.Ltmp2, $2  }
0x2f: {  	_ =	sdelay $0x2  }
0x30: {  	s18 =	sshra.s32 s19, $0x2  }
.Ltmp3:
0x31: {  	(pc) =	sbr.rel @p0 .LBB2_4-.Ltmp3, $3  }
0x32: {  	_ =	sdelay $0x1  }
0x33: {  	[tilespmem:s18+$0x6400] =	vst v0  }
0x34: {  	[tilespmem:s18+$0x6410] =	vst v0  }
0x35: {  	p2 =	seq.s32 s11, $0x1  }
.Ltmp4:
0x36: {  	_ = 	snop;
	(pc) =	sbr.rel @p2 .LBB2_21-.Ltmp4, $4  }
0x37: {  	_ = 	snop  }
0x38: {  	[spmem:s13] =	stream.linear.scatter [tilespmem:s26], [sflag:$0x5], $0x1000, $0x38;
	[tilespmem:$0x1FAA0] =	vst v63  }
0x39: {  	_ =	swait.ge [sflag:s28], $0x1000  }
0x3a: {  	s17 =	sadd.s32 $0xFFFFFFFF, s11;
	s18 =	smov.u32 s13;
	[sflag:s28] =	ssyncset.done $0x0  }
.LBB2_20:
0x3b: {  	p2 =	seq.s32 s17, $0x1;
	[sflag:s28] =	ssyncadd.s32 $0xFFFFF000;
	s18 =	sadd.s32 $0x1000, s18  }
.Ltmp5:
0x3c: {  	s17 =	sadd.s32 $0xFFFFFFFF, s17;
	(pc) =	sbr.rel @!p2 .LBB2_20-.Ltmp5, $4  }
0x3d: {  	_ = 	snop  }
0x3e: {  	[spmem:s18] =	stream.linear.scatter [tilespmem:s26], [sflag:$0x5], $0x1000, $0x38;
	[tilespmem:$0x1FAA0] =	vst v63  }
0x3f: {  	_ =	swait.ge [sflag:s28], $0x1000  }
0x40: {  	[sflag:s28] =	ssyncset.done $0x0  }
.LBB2_21:
0x41: {  	[sflag:s28] =	ssyncadd.s32 $0xFFFFF000  }
.LBB2_4:
.Ltmp6:
0x42: {  	(pc) =	sbr.rel @p1 .LBB2_8-.Ltmp6, $1  }
0x43: {  	_ =	sdelay $0x3  }
0x44: {  	p2 =	sne.s32 s12, $0x1  }
.Ltmp7:
0x45: {  	_ = 	snop;
	(pc) =	sbr.rel @!p2 .LBB2_7-.Ltmp7, $4  }
0x46: {  	_ = 	snop  }
0x47: {  	[spmem:s24] =	stream.linear.scatter [tilespmem:s26], [sflag:$0x5], $0x100, $0x38;
	[tilespmem:$0x1FAA0] =	vst v63  }
0x48: {  	_ =	swait.ge [sflag:s28], $0x100  }
0x49: {  	s17 =	sadd.s32 $0xFFFFFFFF, s12;
	s18 =	smov.u32 s24;
	[sflag:s28] =	ssyncset.done $0x0  }
.LBB2_6:
0x4a: {  	p2 =	sne.s32 s17, $0x1;
	[sflag:s28] =	ssyncadd.s32 $0xFFFFFF00;
	s18 =	sadd.s32 $0x100, s18  }
.Ltmp8:
0x4b: {  	s17 =	sadd.s32 $0xFFFFFFFF, s17;
	(pc) =	sbr.rel @p2 .LBB2_6-.Ltmp8, $4  }
0x4c: {  	_ = 	snop  }
0x4d: {  	[spmem:s18] =	stream.linear.scatter [tilespmem:s26], [sflag:$0x5], $0x100, $0x38;
	[tilespmem:$0x1FAA0] =	vst v63  }
0x4e: {  	_ =	swait.ge [sflag:s28], $0x100  }
0x4f: {  	[sflag:s28] =	ssyncset.done $0x0  }
.LBB2_7:
0x50: {  	[sflag:s28] =	ssyncadd.s32 $0xFFFFFF00  }
.LBB2_8:
0x51: {  	[bflag:$0x0] =	sbarrier.arrive $0xFFFF  }
0x52: {  	s18 =	simm.s32 $0x0;
	s0 =	rddreg [dreg:$0x5]  }
0x53: {  	[tilespmem:s18], [sflag:$0x1] =	stream.linear.gather [hbm4b:s0+s18], $0x80, $0x38;
	[tilespmem:$0x1FAA0] =	vst v63  }
0x54: {  	s17 =	simm.s32 $0x200;
	s25 =	rddreg [dreg:$0x7]  }
0x55: {  	[tilespmem:s17], [sflag:$0x1] =	stream.linear.gather [hbm4b:s25+s18], $0x80, $0x38;
	[tilespmem:$0x1FAA0] =	vst v63  }
0x56: {  	_ =	swait.ge [sflag:s10], $0x80  }
0x57: {  	[sflag:s10] =	ssyncset.done $0x0  }
0x58: {  	[sflag:s10] =	ssyncadd.s32 $0xFFFFFF80  }
0x59: {  	_ =	swait.ge [sflag:s10], $0x80  }
0x5a: {  	[sflag:s10] =	ssyncset.done $0x0  }
0x5b: {  	s29 =	simm.s32 $0x400;
	[sflag:s10] =	ssyncadd.s32 $0xFFFFFF80  }
0x5c: {  	[tilespmem:s29], [sflag:$0x2] =	stream.indirect.gather [hbm4b:s15+s30], $0x20, s18, s30, $0xb8;
	[tilespmem:$0x1FAA0] =	vst v63  }
0x5d: {  	s19 =	simm.s32 $0x2400  }
0x5e: {  	[tilespmem:s19], [sflag:$0x2] =	stream.indirect.gather [hbm4b:s15+s30], $0x20, s17, s30, $0xb8;
	[tilespmem:$0x1FAA0] =	vst v63  }
0x5f: {  	s21 =	simm.s32 $0x4400;
	s20 =	rddreg [dreg:$0x8]  }
0x60: {  	[tilespmem:s21], [sflag:$0x2] =	stream.linear.gather [hbm4b:s20+s18], $0x1000, $0x38;
	[tilespmem:$0x1FAA0] =	vst v63  }
0x61: {  	s23 =	rddreg [dreg:$0x9]  }
0x62: {  	[tilespmem:s30], [sflag:$0x1] =	stream.linear.gather [hbm4b:s23+s18], $0x80, $0x38;
	[tilespmem:$0x1FAA0] =	vst v63  }
0x63: {  	p2 =	por $0x0, $0x0;
	s25 =	rddreg [dreg:$0xa];
	s29 =	simm.s32 $0x280  }
0x64: {  	[tilespmem:s29], [sflag:$0x1] =	stream.linear.gather [hbm4b:s25+s18], $0x80, $0x38;
	[tilespmem:$0x1FAA0] =	vst v63  }
.LBB2_9:
0x65: {  	_ =	swait.ge [sflag:s31], $0x1000  }
0x66: {  	[sflag:s31] =	ssyncset.done $0x0  }
0x67: {  	[sflag:s31] =	ssyncadd.s32 $0xFFFFF000  }
0x68: {  	_ =	swait.ge [sflag:s31], $0x1000  }
0x69: {  	[sflag:s31] =	ssyncset.done $0x0  }
0x6a: {  	[sflag:s31] =	ssyncadd.s32 $0xFFFFF000  }
0x6b: {  	_ =	swait.ge [sflag:s31], $0x1000  }
0x6c: {  	p4 =	seq.s32 s18, $0x0;
	[sflag:s31] =	ssyncset.done $0x0  }
0x6d: {  	s17 =	simm.s32 @!p4 $0x3;
	[sflag:s31] =	ssyncadd.s32 $0xFFFFF000  }
0x6e: {  	_ =	swait.ge @!p4 [sflag:s17], $0x1000  }
0x6f: {  	[sflag:s17] =	ssyncset.done @!p4 $0x0  }
0x70: {  	[sflag:s17] =	ssyncadd.s32 @!p4 $0xFFFFF000;
	s17 =	simm.s32 @!p4 $0x4  }
0x71: {  	s19 =	sadd.s32 $0x1, s18;
	_ =	swait.ge @!p4 [sflag:s17], $0x1000  }
0x72: {  	p3 =	sge.u32 s19, s14;
	[sflag:s17] =	ssyncset.done @!p4 $0x0  }
0x73: {  	[sflag:s17] =	ssyncadd.s32 @!p4 $0xFFFFF000;
	s17 =	simm.s32 @!p3 $0x1  }
0x74: {  	_ =	swait.ge @!p3 [sflag:s17], $0x80  }
0x75: {  	[sflag:s17] =	ssyncset.done @!p3 $0x0  }
0x76: {  	[sflag:s17] =	ssyncadd.s32 @!p3 $0xFFFFFF80  }
0x77: {  	s20 =	sshll.u32 @!p3 s19, $0x7;
	s21 =	sshll.u32 @!p3 s19, $0xC;
	_ =	swait.ge @!p3 [sflag:s17], $0x80  }
0x78: {  	s29 =	simm.s32 @!p3 $0x80;
	s23 =	sand.u32 @!p3 $0x1000, s21;
	[sflag:s17] =	ssyncset.done @!p3 $0x0  }
0x79: {  	s20 =	sand.u32 @!p3 $0x180, s20;
	[sflag:s17] =	ssyncadd.s32 @!p3 $0xFFFFFF80;
	s17 =	sor.u32 @!p3 $0x400, s23  }
0x7a: {  	[tilespmem:s17], [sflag:$0x2] =	stream.indirect.gather @!p3 [hbm4b:s15+s29], $0x20, s20, s29, $0xb8;
	[tilespmem:$0x1FAA0] =	vst v63  }
0x7b: {  	s17 =	sor.u32 @!p3 $0x200, s20;
	s20 =	sor.u32 @!p3 $0x2400, s23  }
0x7c: {  	[tilespmem:s20], [sflag:$0x2] =	stream.indirect.gather @!p3 [hbm4b:s15+s29], $0x20, s17, s29, $0xb8;
	[tilespmem:$0x1FAA0] =	vst v63  }
0x7d: {  	s17 =	sadd.s32 @!p3 s22, s21  }
0x7e: {  	s17 =	sshrl.u32 @!p3 s17, $0x3  }
0x7f: {  	s20 =	sor.u32 @!p3 $0x4400, s23;
	s21 =	simm.s32 @!p3 $0x0;
	s17 =	sadd.s32 @!p3 s2, s17  }
0x80: {  	[tilespmem:s20], [sflag:$0x2] =	stream.linear.gather @!p3 [hbm4b:s17+s21], $0x1000, $0x38;
	[tilespmem:$0x1FAA0] =	vst v63  }
0x81: {  	s17 =	sadd.s32 $0x2, s18  }
0x82: {  	p3 =	sge.u32 s17, s14  }
0x83: {  	s20 =	simm.s32 $0x1;
	s17 =	sshll.u32 @!p3 s17, $0x7  }
0x84: {  	s20 =	simm.s32 @!p2 $0x0;
	s21 =	sadd.s32 @!p3 s9, s17  }
0x85: {  	s20 =	sshll.u32 s20, $0xC;
	s0 =	simm.s32 @!p3 $0x0;
	s21 =	sshrl.u32 @!p3 s21, $0x3  }
0x86: {  	s23 =	sor.u32 $0x400, s20;
	s17 =	sand.u32 @!p3 $0x180, s17;
	s25 =	sadd.s32 @!p3 s6, s21  }
0x87: {  	[tilespmem:s17], [sflag:$0x1] =	stream.linear.gather @!p3 [hbm4b:s25+s0], $0x80, $0x38;
	[tilespmem:$0x1FAA0] =	vst v63  }
0x88: {  	s29 =	sor.u32 $0x2400, s20;
	s21 =	sadd.s32 @!p3 s7, s21;
	s17 =	sor.u32 @!p3 $0x200, s17  }
0x89: {  	v2 =	vmov s23;
	[tilespmem:s17], [sflag:$0x1] =	stream.linear.gather @!p3 [hbm4b:s21+s0], $0x80, $0x38;
	[tilespmem:$0x1FAA0] =	vst v63  }
0x8a: {  	v1 =	vmov s29;
	s0 =	sor.u32 $0x4400, s20  }
0x8b: {  	v3 =	vmov s0;
	_ =	sdelay $0x1  }
0x8c: {  	s23 =	sshll.u32 s18, $0xC;
	s21 =	simm.s32 $0x0  }
0x8d: {  	s25 =	sand.u32 $0x1000, s23;
	v4 =	vld.idx.msk [tilespmem:v2+s21+$0x0 ss:$0x1], $0xffff  }
0x8e: {  	s29 =	sor.u32 $0x4400, s25;
	s20 =	sor.u32 $0x2400, s25;
	s17 =	simm.s32 $0x80;
	v5 =	vld.idx.msk [tilespmem:v1+s21+$0x0 ss:$0x1], $0xffff  }
.LBB2_10:
0x8f: {  	p3 =	sne.s32 s17, $0x3F80;
	v6 =	vld.idx.msk [tilespmem:v3+s21+$0x0 ss:$0x1], $0xffff;
	_ =	sdelay $0x4  }
0x90: {  	v5 =	vadd.f32 v5, v4;
	_ =	sdelay $0x1  }
0x91: {  	v5 =	vadd.f32 v6, v5;
	_ =	sdelay $0x1  }
0x92: {  	v5 =	vmul.f32 $3.333333430e-01, v5;
	_ =	sdelay $0x1  }
0x93: {  	v4 =	vadd.f32 v5, v4;
	[tilespmem:v3+s21+$0x0 ss:$0x1] =	vst.idx.msk $0xffff, v5;
	_ =	sdelay $0x1  }
0x94: {  	v4 =	vmax.f32 v4, $0.0e+00  }
0x95: {  	[tilespmem:v1+s21+$0x0 ss:$0x1] =	vst.idx.msk $0xffff, v4  }
0x96: {  	v4 =	vld.idx.msk [tilespmem:v2+s21+$0x10 ss:$0x1], $0xffff  }
0x97: {  	v5 =	vld.idx.msk [tilespmem:v1+s21+$0x10 ss:$0x1], $0xffff;
	_ =	sdelay $0x1  }
0x98: {  	v6 =	vld.idx.msk [tilespmem:v3+s21+$0x10 ss:$0x1], $0xffff;
	_ =	sdelay $0x3  }
0x99: {  	v5 =	vadd.f32 v5, v4;
	_ =	sdelay $0x1  }
0x9a: {  	v5 =	vadd.f32 v6, v5;
	_ =	sdelay $0x1  }
0x9b: {  	v5 =	vmul.f32 $3.333333430e-01, v5;
	_ =	sdelay $0x1  }
0x9c: {  	v4 =	vadd.f32 v5, v4;
	[tilespmem:v3+s21+$0x10 ss:$0x1] =	vst.idx.msk $0xffff, v5  }
.Ltmp9:
0x9d: {  	(pc) =	sbr.rel @p3 .LBB2_10-.Ltmp9, $4  }
0x9e: {  	v4 =	vmax.f32 v4, $0.0e+00  }
0x9f: {  	[tilespmem:v1+s21+$0x10 ss:$0x1] =	vst.idx.msk $0xffff, v4;
	s21 =	sshra.s32 s17, $0x2  }
0xa0: {  	v4 =	vld.idx.msk [tilespmem:v2+s21+$0x0 ss:$0x1], $0xffff  }
0xa1: {  	s17 =	sadd.s32 $0x80, s17;
	v5 =	vld.idx.msk [tilespmem:v1+s21+$0x0 ss:$0x1], $0xffff  }
0xa2: {  	_ =	sdelay $0x3  }
0xa3: {  	v6 =	vld.idx.msk [tilespmem:v3+s21+$0x0 ss:$0x1], $0xffff;
	_ =	sdelay $0x2  }
0xa4: {  	v5 =	vadd.f32 v5, v4;
	_ =	sdelay $0x1  }
0xa5: {  	v5 =	vadd.f32 v6, v5;
	_ =	sdelay $0x1  }
0xa6: {  	v5 =	vmul.f32 $3.333333430e-01, v5;
	_ =	sdelay $0x1  }
0xa7: {  	v63 =	vadd.f32 v5, v4;
	_ =	sdelay $0x1  }
0xa8: {  	[tilespmem:v3+s21+$0x0 ss:$0x1] =	vst.idx.msk $0xffff, v5;
	v4 =	vmax.f32 v63, $0.0e+00  }
0xa9: {  	[tilespmem:v1+s21+$0x0 ss:$0x1] =	vst.idx.msk $0xffff, v4  }
0xaa: {  	v2 =	vld.idx.msk [tilespmem:v2+s21+$0x10 ss:$0x1], $0xffff  }
0xab: {  	v4 =	vld.idx.msk [tilespmem:v1+s21+$0x10 ss:$0x1], $0xffff;
	_ =	sdelay $0x1  }
0xac: {  	v5 =	vld.idx.msk [tilespmem:v3+s21+$0x10 ss:$0x1], $0xffff;
	_ =	sdelay $0x2  }
0xad: {  	v4 =	vadd.f32 v4, v2;
	_ =	sdelay $0x1  }
0xae: {  	v4 =	vadd.f32 v5, v4;
	_ =	sdelay $0x1  }
0xaf: {  	v4 =	vmul.f32 $3.333333430e-01, v4;
	_ =	sdelay $0x1  }
0xb0: {  	v2 =	vadd.f32 v4, v2  }
0xb1: {  	s0 =	sadd.s32 s22, s23  }
0xb2: {  	s0 =	sshrl.u32 s0, $0x3;
	[tilespmem:v3+s21+$0x10 ss:$0x1] =	vst.idx.msk $0xffff, v4;
	v2 =	vmax.f32 v2, $0.0e+00  }
0xb3: {  	p3 =	sne.s32 s19, s14;
	s0 =	sadd.s32 s8, s0;
	[tilespmem:v1+s21+$0x10 ss:$0x1] =	vst.idx.msk $0xffff, v2  }
0xb4: {  	[hbm4b:s0+s5] =	stream.linear.scatter [tilespmem:s29], [sflag:$0x3], $0x1000, $0x38;
	[tilespmem:$0x1FAA0] =	vst v63  }
.Ltmp10:
0xb5: {  	_ = 	snop;
	(pc) =	sbr.rel @p3 .LBB2_9-.Ltmp10, $4  }
0xb6: {  	s29 =	sshll.u32 s18, $0x7  }
0xb7: {  	s0 =	sand.u32 $0x180, s29  }
0xb8: {  	p2 =	por !p2, !p2;
	s18 =	smov.u32 s19;
	s0 =	sor.u32 $0x200, s0  }
0xb9: {  	[spmem:s4] =	stream.indirect.scatter.add.f32 [tilespmem:s20], [sflag:$0x4], $0x20, s0, s30, $0xb8;
	[tilespmem:$0x1FAA0] =	vst v63  }
0xba: {  	s0 =	simm.s32 $0x3  }
0xbb: {  	_ =	swait.ge [sflag:s0], $0x1000  }
0xbc: {  	[sflag:s0] =	ssyncset.done $0x0  }
0xbd: {  	[sflag:s0] =	ssyncadd.s32 $0xFFFFF000  }
.Ltmp11:
0xbe: {  	_ =	swait.ge [sflag:s1], $0x1000;
	(pc) =	sbr.rel @p0 .LBB2_13-.Ltmp11, $3  }
0xbf: {  	[sflag:s1] =	ssyncset.done $0x0  }
0xc0: {  	[sflag:s1] =	ssyncadd.s32 $0xFFFFF000  }
0xc1: {  	[bflag:$0x0] =	sbarrier.arrive $0xFFFF;
	_ =	sdelay $0x1  }
0xc2: {  	p2 =	seq.s32 s11, $0x1  }
.Ltmp12:
0xc3: {  	s0 =	stileid.u32;
	(pc) =	sbr.rel @p2 .LBB2_24-.Ltmp12, $4  }
0xc4: {  	s0 =	sshll.u32 s0, $0x6  }
0xc5: {  	s29 =	sshrl.u32 s13, $0x3;
	s20 =	rddreg [dreg:$0x6];
	s17 =	sor.u32 $0x1C05, s0  }
0xc6: {  	[hbm:s20], [sflag:s17] =	dma.local [spmem:s29], $0x200  }
0xc7: {  	s18 =	sadd.s32 $0xFFFFFFFF, s11;
	s19 =	sadd.s32 $0x1000, s13;
	_ =	swait.ge [sflag:s28], $0x200  }
.LBB2_23:
0xc8: {  	[sflag:s28] =	ssyncset.done $0x0;
	s20 =	sadd.s32 $0x200, s20;
	p2 =	seq.s32 s18, $0x1  }
.Ltmp13:
0xc9: {  	s0 =	sshrl.u32 s19, $0x3;
	[sflag:s28] =	ssyncadd.s32 $0xFFFFFE00;
	(pc) =	sbr.rel @!p2 .LBB2_23-.Ltmp13, $3  }
0xca: {  	[hbm:s20], [sflag:s17] =	dma.local [spmem:s0], $0x200  }
0xcb: {  	s18 =	sadd.s32 $0xFFFFFFFF, s18;
	_ =	sdelay $0x1  }
0xcc: {  	s19 =	sadd.s32 $0x1000, s19;
	_ =	swait.ge [sflag:s28], $0x200  }
.LBB2_24:
0xcd: {  	[sflag:s28] =	ssyncset.done $0x0  }
0xce: {  	[sflag:s28] =	ssyncadd.s32 $0xFFFFFE00  }
.LBB2_13:
.Ltmp14:
0xcf: {  	(pc) =	sbr.rel @p1 .LBB2_17-.Ltmp14, $1  }
0xd0: {  	_ =	sdelay $0x3  }
0xd1: {  	s0 =	stileid.u32;
	p2 =	sne.s32 s12, $0x1  }
.Ltmp15:
0xd2: {  	s20 =	rddreg [dreg:$0xc];
	(pc) =	sbr.rel @!p2 .LBB2_16-.Ltmp15, $4  }
0xd3: {  	s0 =	sshll.u32 s0, $0x6;
	s17 =	sand.u32 $0x1FFFFFE0, s20  }
0xd4: {  	s18 =	sshrl.u32 s24, $0x3;
	s19 =	sadd.s32 s3, s17;
	s17 =	sor.u32 $0x1C05, s0  }
0xd5: {  	[hbm:s19], [sflag:s17] =	dma.local [spmem:s18], $0x20  }
0xd6: {  	s18 =	sadd.s32 $0xFFFFFFFF, s12;
	s19 =	sadd.s32 $0x100, s24  }
.LBB2_15:
0xd7: {  	_ =	swait.ge [sflag:s28], $0x20  }
0xd8: {  	s20 =	sadd.s32 $0x20, s20;
	s21 =	sshrl.u32 s19, $0x3;
	p2 =	sne.s32 s18, $0x1  }
.Ltmp16:
0xd9: {  	s0 =	sand.u32 $0x1FFFFFE0, s20;
	[sflag:s28] =	ssyncset.done $0x0;
	(pc) =	sbr.rel @p2 .LBB2_15-.Ltmp16, $4  }
0xda: {  	s0 =	sadd.s32 s3, s0;
	[sflag:s28] =	ssyncadd.s32 $0xFFFFFFE0  }
0xdb: {  	[hbm:s0], [sflag:s17] =	dma.local [spmem:s21], $0x20  }
0xdc: {  	s18 =	sadd.s32 $0xFFFFFFFF, s18  }
0xdd: {  	s19 =	sadd.s32 $0x100, s19  }
.Ltmp17:
0xde: {  	_ = 	snop;
	(pc) =	sbr.rel .LBB2_16-.Ltmp17, $1  }
0xdf: {  	_ =	sdelay $0x3  }
.LBB2_18:
0xe0: {  	_ =	sfence.sel $0x180000  }
0xe1: {  	[bflag:$0x0] =	sbarrier.arrive $0xFFFF  }
0xe2: {  	_ =	strace $0x90000047  }
0xe3: {  	s0 =	stileid.u32;
	[bflag:$0x2] =	sbarrier.arrive $0xFFFF  }
0xe4: {  	p0 =	sne.s32 s0, $0x0;
	s0 =	rddreg [dreg:$0x4]  }
0xe5: {  	s0 =	sadd.s32 @!p0 $0x100000, s0  }
0xe6: {  	[sflag:s0] =	ssyncadd.tile.s32 @!p0 $0x1;
	_ =	shalt  }
.Lfunc_end2:
_tile_overlayer_lowered:
.L_overlay_start_2:
0xe7: {  	(tag) =	ssettag $0x2  }
0xe8: {  	s0 =	rddreg [dreg:$0x0];
	s2 =	stileid.u32  }
0xe9: {  	s1 =	rddreg [dreg:$0x1];
	p0 =	sne.s32 s2, $0x0  }
0xea: {  	s3 =	rddreg [dreg:$0x2];
	[bflag:$0x3] =	sbarrier.arrive $0xFFFF;
	s2 =	simm.s32 @!p0 $0x1C05  }
0xeb: {  	[timem:s3], [sflag:s2] =	dma.local @!p0 [hbm:s0], s1  }
0xec: {  	s0 =	simm.s32 @!p0 $0x5  }
0xed: {  	_ =	swait.ge @!p0 [sflag:s0], s1  }
0xee: {  	s1 =	ssub.s32 @!p0 $0x0, s1;
	[sflag:s0] =	ssyncset.done @!p0 $0x0  }
0xef: {  	[sflag:s0] =	ssyncadd.s32 @!p0 s1  }
0xf0: {  	[bflag:$0x3] =	sbarrier.arrive $0xFFFF  }
0xf1: {  	_ =	shalt  }

// kernel: sparse-core-data-format-call.cloned.1.call-start
scs
called_computation_lowered:
.L_overlay_start_0:
0x0: {  	s2 =	sld [smem:$0x3FD9]  }
0x1: {  	s3 =	sld [smem:$0x3FFE];
	_ =	sdelay $0x1  }
0x2: {  	s1 =	srdreg.scid  }
0x3: {  	s0 =	sand.u32 $0x1, s1  }
0x4: {  	s15 =	sshll.u32 s0, $0xA;
	s2 =	sadd.s32 s3, s2  }
0x5: {  	s2 =	sadd.s32 s2, s15  }
0x6: {  	[smem:$0x3FB9] =	sst s2  }
0x7: {  	_ = 	snop  }
0x8: {  	s2 =	sld [smem:$0x3FD0];
	_ =	sdelay $0x2  }
0x9: {  	s16 =	simm.s32 $0xA;
	s4 =	simm.s32 $0x10  }
0xa: {  	[smem:s4], [sflag:s16] =	dma.local [hbm:s2], $0x1  }
0xb: {  	_ =	swait.eq [sflag:s16], $0x1  }
0xc: {  	[sflag:s16] =	ssyncset.done $0x0  }
0xd: {  	[sflag:s16] =	ssyncadd.s32 $0xFFFFFFFF  }
0xe: {  	s17 =	sld [smem:$0x11];
	(tm) =	ssettm $0x1  }
0xf: {  	s18 =	sld [smem:$0x3FFB];
	_ =	sdelay $0x3  }
0x10: {  	_ =	strace s18  }
0x11: {  	s3 =	sld [smem:$0x3FFC];
	_ =	sdelay $0x3  }
0x12: {  	_ =	strace s3  }
0x13: {  	s3 =	sld [smem:$0x3FFD];
	_ =	sdelay $0x3  }
0x14: {  	_ =	strace s3  }
0x15: {  	_ =	strace $0x8FFFFFFF  }
0x16: {  	s19 =	sld [smem:$0x3FDB];
	_ =	sdelay $0x1  }
0x17: {  	s20 =	simm.s32 $_scs_section_size  }
0x18: {  	s5 =	simm.s32 $_size__tile_overlayer_lowered;
	s6 =	simm.s32 $_tile_overlayer_lowered  }
0x19: {  	s23 =	simm.s32 $0x1BFF;
	s22 =	sshll.u32 s6, $0x1;
	s3 =	sadd.s32 s20, s19  }
0x1a: {  	s7 =	simm.s32 $0x0;
	s21 =	sshll.u32 s5, $0x1;
	s5 =	sadd.s32 s22, s3  }
0x1b: {  	[timem:s7], [sflag:s23] =	dma.local [hbm:s5], s21  }
0x1c: {  	_ =	swait.ge [sflag:s23], s21  }
0x1d: {  	s4 =	ssub.s32 $0x0, s21;
	[sflag:s23] =	ssyncset.done $0x0  }
0x1e: {  	[sflag:s23] =	ssyncadd.s32 s4;
	_ =	sdelay $0x1  }
0x1f: {  	s24 =	simm.s32 $0x1B8B  }
0x20: {  	_ =	swait.ge [sflag:s24], $0x1  }
0x21: {  	[sflag:s24] =	ssyncset.done $0x0  }
0x22: {  	s26 =	simm.s32 $0x1B8E;
	s25 =	sld [smem:$0x3FFE];
	[sflag:s24] =	ssyncadd.s32 $0xFFFFFFFF  }
0x23: {  	s27 =	simm.s32 $execute0_lowered;
	[smem:$0x3FD2] =	sst s26  }
0x24: {  	s5 =	sshll.u32 s27, $0x1;
	_ =	strace $0x8000004C;
	[dreg:$0x1] =	wrdreg $0xFFFFFFFF  }
0x25: {  	s28 =	simm.s32 $_size_execute0_lowered;
	s3 =	sadd.s32 s3, s5;
	[dreg:$0x0] =	wrdreg $0x0  }
0x26: {  	s5 =	sshll.u32 s28, $0x1;
	[dreg:$0x2] =	wrdreg s3  }
0x27: {  	[dreg:$0x3] =	wrdreg s5  }
0x28: {  	[dreg:$0x4] =	wrdreg $0xC0  }
0x29: {  	_ =	task [dreg:s7], $0x5FFFF  }
0x2a: {  	[dreg:$0x1] =	wrdreg $0xFFFFFFFF  }
0x2b: {  	[dreg:$0x0] =	wrdreg $0x60  }
0x2c: {  	[dreg:$0x2] =	wrdreg s25  }
0x2d: {  	[dreg:$0x3] =	wrdreg s17  }
0x2e: {  	[dreg:$0x4] =	wrdreg $0x9  }
0x2f: {  	_ =	task.clear_ibuf [dreg:s7], $0x5FFFF;
	_ =	strace $0x9000004C  }
0x30: {  	s29 =	simm.s32 $0x9;
	_ =	strace $0x8000004E  }
0x31: {  	_ =	swait.ge [sflag:s29], $0x1  }
0x32: {  	[sflag:s29] =	ssyncadd.s32 $0xFFFFFFFF  }
0x33: {  	_ =	strace $0x9000004E  }
0x34: {  	_ =	sfence  }
0x35: {  	s30 =	sld [smem:$0x0];
	_ =	sdelay $0x2  }
0x36: {  	s31 =	sshll.u32 s1, $0xD;
	s1 =	sshrl.u32 s1, $0x2  }
0x37: {  	s3 =	sand.u32 $0x4000, s31;
	s1 =	sadd.s32 s1, s30  }
0x38: {  	s0 =	sor.u32 s3, s0;
	s1 =	sshll.u32 s1, $0x11  }
0x39: {  	s0 =	sor.u32 s1, s0  }
0x3a: {  	s0 =	sadd.s32 $0x8F2B, s0  }
0x3b: {  	[sflag:s0] =	ssyncadd.remote.s32 $0x1  }
0x3c: {  	_ =	sfence.sel $0xFFFF  }
0x3d: {  	[dreg:$0x0] =	wrdreg $0xFFFFFFFF;
	(pc) =	sbr.abs _section_cstart, $3  }
0x3e: {  	[dreg:$0x1] =	wrdreg $0xFFFFFFFF  }
0x3f: {  	_ =	task.clear_ibuf [dreg:s7], $0x2FFFF;
	_ =	strace $0x9FFFFFFF  }
0x40: {  	(tm) =	ssettm $0x7FFFFFFF  }
0x41: {  	_ =	shalt  }
tec
execute0_lowered:
.L_overlay_start_1:
0x0: {  	(tag) =	ssettag $0x1  }
0x1: {  	s0 =	srdreg.scid  }
0x2: {  	s1 =	sshll.u32 s0, $0x4  }
0x3: {  	s4 =	rddreg [dreg:$0x0];
	s0 =	stileid.u32;
	s1 =	sand.u32 $0x10, s1  }
0x4: {  	s2 =	rddreg [dreg:$0x1];
	s7 =	simm.s32 $0x1;
	s1 =	sor.u32 s0, s1  }
0x5: {  	s8 =	simm.s32 $0x2;
	s11 =	simm.s32 $0x0;
	s3 =	sshll.u32 s1, $0x7  }
0x6: {  	s10 =	simm.s32 $0x0;
	s4 =	sadd.s32 $0x1BAE00, s4;
	s6 =	ssub.s32 $0xC3500, s3  }
.Ltmp0:
0x7: {  	s1 =	rddreg [dreg:$0x2];
	s5 =	sand.u32 $0xF80, s6;
	(pc) =	sbr.rel .LBB1_1-.Ltmp0, $4  }
0x8: {  	_ =	strace $0x8000004D;
	s9 =	smov.u32 s3;
	p0 =	sne.s32 s5, $0x0  }
0x9: {  	s6 =	sshrl.u32 s6, $0xC;
	s5 =	simm.s32 $0x1;
	s7 =	simm.s32 @!p0 $0x0  }
0xa: {  	[sflag:s5] =	ssyncpa.u1 $0x0;
	p0 =	por $0x0, $0x0;
	s6 =	sadd.s32 s7, s6  }
0xb: {  	[sflag:s8] =	ssyncpa.u1 $0x0;
	s8 =	simm.s32 $0x61A800;
	s7 =	sadd.s32 $0x1, s6  }
.LBB1_4:
0xc: {  	s14 =	sshll.u32 s11, $0x3  }
0xd: {  	s14 =	sand.u32 $0xFFFFFC00, s14  }
0xe: {  	s15 =	sshrl.u32 s14, $0x8  }
0xf: {  	s15 =	smulhi.u32 $0x14F8B59, s15;
	_ =	sdelay $0x1  }
0x10: {  	s15 =	sshrl.u32 s15, $0x4  }
0x11: {  	s28 =	sand.u32 $0x7F, s11;
	s16 =	smul.u32 $0xC3500, s15  }
0x12: {  	s11 =	sor.u32 s28, s14  }
0x13: {  	s29 =	sand.u32 $0x3F, s15;
	s11 =	ssub.s32 s11, s16  }
0x14: {  	[tilespmem:s13+$0x810 ss:$0x81] =	vst.msk $0xffff, v2;
	s14 =	smul.u32 $0x186A0, s29;
	s30 =	sshrl.u32 s11, $0x3;
	s11 =	sand.u32 $0x7, s11  }
0x15: {  	[tilespmem:s13+$0x1020 ss:$0x81] =	vst.msk $0xffff, v0;
	s15 =	sadd.s32 s2, s30;
	s11 =	sshll.u32 s11, $0x12  }
0x16: {  	[tilespmem:s13+$0x0 ss:$0x81] =	vst.msk $0xffff, v1;
	s31 =	sadd.s32 s14, s15;
	s11 =	sor.u32 $0x400, s11  }
0x17: {  	[hbm4b:s31+s11] =	stream.strided.scatter [tilespmem:s12], [sflag:$0x2], $0x2000, s8, s11, $0x20;
	[tilespmem:$0x8080] =	vst v63  }
.LBB1_5:
0x18: {  	s13 =	sadd.s32 $0x1000, s9  }
0x19: {  	p2 =	sgt.s32 s13, $0xC34FF  }
0x1a: {  	s13 =	smov.u32 @p2 s3;
	p2 =	sne.s32 s10, s7  }
.Ltmp1:
0x1b: {  	p1 =	slt.u32 s10, $0x2;
	(pc) =	sbr.rel @!p2 .LBB1_6-.Ltmp1, $4  }
0x1c: {  	s12 =	simm.s32 @!p1 $0x2  }
0x1d: {  	s14 =	sadd.s32 $0x1, s10;
	_ =	swait.ge @!p1 [sflag:s12], $0x2000  }
0x1e: {  	s11 =	smov.u32 s9;
	p0 =	por !p0, !p0;
	[sflag:s12] =	ssyncset.done @!p1 $0x0  }
0x1f: {  	s10 =	smov.u32 s14;
	s9 =	smov.u32 s13;
	[sflag:s12] =	ssyncadd.s32 @!p1 $0xFFFFE000  }
.LBB1_1:
0x20: {  	p1 =	sge.u32 s10, s6  }
0x21: {  	s12 =	sand.u32 @!p1 $0x1FFFFFF, s9  }
0x22: {  	s13 =	smulhi.u32 @!p1 $0x14F8B59, s12;
	_ =	sdelay $0x1  }
0x23: {  	s13 =	sshrl.u32 @!p1 s13, $0xC  }
0x24: {  	s13 =	smul.u32 @!p1 $0xC3500, s13;
	_ =	sdelay $0x1  }
0x25: {  	s31 =	sadd.s32 $0xFFFFFFFF, s10;
	s14 =	sxor.u32 @!p1 $0xFFFFFFFF, s10;
	s12 =	ssub.s32 @!p1 s12, s13  }
0x26: {  	s15 =	simm.s32 @!p1 $0x80;
	s14 =	sshll.u32 @!p1 s14, $0xD;
	s12 =	sshll.u32 @!p1 s12, $0x4  }
0x27: {  	s13 =	sand.u32 @!p1 $0x2000, s14;
	s14 =	simm.s32 @!p1 $0x40;
	s12 =	sadd.s32 @!p1 s4, s12  }
0x28: {  	[tilespmem:s13], [sflag:$0x1] =	stream.strided.gather @!p1 [hbm4b:s12+s14], $0x2000, s15, s14, $0x38;
	[tilespmem:$0x8080] =	vst v63  }
0x29: {  	p1 =	sge.u32 s31, s6  }
.Ltmp2:
0x2a: {  	_ = 	snop;
	(pc) =	sbr.rel @p1 .LBB1_5-.Ltmp2, $1  }
0x2b: {  	_ =	sdelay $0x3  }
0x2c: {  	s12 =	simm.s32 $0x1  }
0x2d: {  	_ =	swait.ge [sflag:s5], $0x2000;
	s12 =	simm.s32 @!p0 $0x0  }
0x2e: {  	[sflag:s5] =	ssyncset.done $0x0;
	s13 =	sshll.u32 s12, $0xD  }
0x2f: {  	[sflag:s5] =	ssyncadd.s32 $0xFFFFE000;
	s16 =	sor.u32 $0x20, s13  }
0x30: {  	s12 =	smul.u32 $0x8100, s12;
	v3 =	vld [tilespmem:s16+$0x10]  }
0x31: {  	s30 =	sand.u32 $0x1, s10;
	v2 =	vld [tilespmem:s16+$0xFFFFFFF0]  }
0x32: {  	s13 =	smul.u32 $0x8100, s30;
	s12 =	sshrl.u32 s12, $0x2;
	v0 =	vld [tilespmem:s16+$0x0]  }
0x33: {  	v1 =	vld [tilespmem:s16+$0xFFFFFFE0];
	s14 =	sor.u32 $0x4000, s12  }
0x34: {  	s31 =	sshrl.u32 s13, $0x2;
	s13 =	sadd.s32 $0x0, s14  }
0x35: {  	s15 =	simm.s32 $0x4;
	s16 =	sadd.s32 $0x40, s16;
	s12 =	sor.u32 $0x4000, s31;
	[tilespmem:s13+$0x1830 ss:$0x81] =	vst.msk $0xffff, v3  }
.LBB1_3:
0x36: {  	v3 =	vld [tilespmem:s16+$0x10];
	p1 =	sne.s32 s15, $0x1FC;
	[tilespmem:s13+$0x810 ss:$0x81] =	vst.msk $0xffff, v2;
	s17 =	smov.u32 s15;
	s15 =	sadd.s32 $0x4, s15  }
.Ltmp3:
0x37: {  	v2 =	vld [tilespmem:s16+$0xFFFFFFF0];
	[tilespmem:s13+$0x1020 ss:$0x81] =	vst.msk $0xffff, v0;
	(pc) =	sbr.rel @p1 .LBB1_3-.Ltmp3, $4  }
0x38: {  	v0 =	vld [tilespmem:s16+$0x0];
	[tilespmem:s13+$0x0 ss:$0x81] =	vst.msk $0xffff, v1  }
0x39: {  	s13 =	sshra.s32 s17, $0x2;
	v1 =	vld [tilespmem:s16+$0xFFFFFFE0]  }
0x3a: {  	s13 =	sadd.s32 s13, s14  }
0x3b: {  	s16 =	sadd.s32 $0x40, s16;
	[tilespmem:s13+$0x1830 ss:$0x81] =	vst.msk $0xffff, v3  }
.Ltmp4:
0x3c: {  	_ = 	snop;
	(pc) =	sbr.rel .LBB1_4-.Ltmp4, $1  }
0x3d: {  	_ =	sdelay $0x3  }
.LBB1_6:
0x3e: {  	_ =	sfence.sel $0x180000  }
0x3f: {  	s2 =	simm.s32 $0x1;
	[bflag:$0x0] =	sbarrier.arrive $0xFFFF  }
0x40: {  	s31 =	simm.s32 $0x2;
	[sflag:s2] =	ssyncpa.u1 $0x1  }
0x41: {  	[sflag:s31] =	ssyncpa.u1 $0x1  }
0x42: {  	p0 =	sne.s32 s0, $0x0;
	_ =	strace $0x9000004D  }
0x43: {  	s0 =	sadd.s32 @!p0 $0x100000, s1;
	[bflag:$0x2] =	sbarrier.arrive $0xFFFF  }
0x44: {  	[sflag:s0] =	ssyncadd.tile.s32 @!p0 $0x1;
	_ =	shalt  }
.Lfunc_end1:
_tile_overlayer_lowered:
.L_overlay_start_2:
0x45: {  	(tag) =	ssettag $0x2  }
0x46: {  	s0 =	rddreg [dreg:$0x0];
	s2 =	stileid.u32  }
0x47: {  	s1 =	rddreg [dreg:$0x1];
	p0 =	sne.s32 s2, $0x0  }
0x48: {  	s3 =	rddreg [dreg:$0x2];
	[bflag:$0x3] =	sbarrier.arrive $0xFFFF;
	s2 =	simm.s32 @!p0 $0x1C01  }
0x49: {  	[timem:s3], [sflag:s2] =	dma.local @!p0 [hbm:s0], s1  }
0x4a: {  	s0 =	simm.s32 @!p0 $0x1  }
0x4b: {  	_ =	swait.ge @!p0 [sflag:s0], s1  }
0x4c: {  	s1 =	ssub.s32 @!p0 $0x0, s1;
	[sflag:s0] =	ssyncset.done @!p0 $0x0  }
0x4d: {  	[sflag:s0] =	ssyncadd.s32 @!p0 s1  }
0x4e: {  	[bflag:$0x3] =	sbarrier.arrive $0xFFFF  }
0x4f: {  	_ =	shalt  }

</sc_bundles>
